<compile_context>
chip_gen: v7x
topology: tpu7x:2x2x1
jax: 0.10.2.dev20260603
libtpu: 0.0.44.dev20260713+nightly
codegen_flags: <defaults>
</compile_context>

<pallas_src>
import functools

import jax
import jax.numpy as jnp
from jax import lax
from jax.experimental import pallas as pl
from jax.experimental.pallas import tpu as pltpu
from jax.experimental.pallas import tpu_sc as plsc

D = 32
G = 128
NW = 32
SG = 16
PD = 2


def _newton_rsqrt(v):
    i = plsc.bitcast(v, jnp.int32)
    i = jnp.int32(0x5F3759DF) - (i >> 1)
    y = plsc.bitcast(i, jnp.float32)
    for _ in range(3):
        y = y * (1.5 - 0.5 * v * y * y)
    return y


def _sc_fused(ids3, pids3, acid_table, pos_table, gb, K):
    N = NW * K * G
    P = pos_table.shape[0]
    mesh = plsc.VectorSubcoreMesh(core_axis_name="c", subcore_axis_name="s")

    @functools.partial(
        pl.kernel,
        out_type=jax.ShapeDtypeStruct((N, D), jnp.float32),
        mesh=mesh,
        compiler_params=pltpu.CompilerParams(
            use_tc_tiling_on_sc=False, needs_layout_passes=False),
        scratch_types=[
            pltpu.VMEM((K, G), jnp.int32),
            pltpu.VMEM((K, G), jnp.int32),
            pltpu.VMEM((P, D), jnp.float32),
            pltpu.VMEM((2, D), jnp.float32),
            pltpu.VMEM((PD, G, D), jnp.float32),
            pltpu.VMEM((PD, G, D), jnp.float32),
            pltpu.VMEM((2, 16), jnp.float32),
            [pltpu.SemaphoreType.DMA] * PD,
            [pltpu.SemaphoreType.DMA] * PD,
        ],
    )
    def k(ids_hbm, pids_hbm, acid_hbm, pos_hbm, gb_hbm, out_hbm,
          idx_v, pidx_v, posv, gb_v, arows, orows, stats, gsem, wsem):
        wid = lax.axis_index("s") * 2 + lax.axis_index("c")
        pltpu.sync_copy(ids_hbm.at[wid], idx_v)
        pltpu.sync_copy(pids_hbm.at[wid], pidx_v)
        pltpu.sync_copy(pos_hbm, posv)
        pltpu.sync_copy(gb_hbm, gb_v)
        base = wid * (K * G)
        gam_h = (gb_v[0, pl.ds(0, 16)], gb_v[0, pl.ds(16, 16)])
        bet_h = (gb_v[1, pl.ds(0, 16)], gb_v[1, pl.ds(16, 16)])

        for b in range(PD):
            pltpu.async_copy(acid_hbm.at[idx_v.at[b]], arows.at[b], gsem[b])

        def compute_group(j, b):
            ab = arows.at[b]
            ob = orows.at[b]
            pidr = pidx_v.at[j]
            g0, g1 = gam_h
            b0, b1 = bet_h

            iota16 = lax.iota(jnp.int32, 16)

            @plsc.parallel_loop(0, G // SG, 1, unroll=4)
            def sg_body(sg):
                rowbase = sg * SG
                pid_vec = pidr[pl.ds(rowbase, SG)]
                for h in range(2):
                    xs = []
                    acc_s = jnp.zeros((16,), jnp.float32)
                    acc_q = jnp.zeros((16,), jnp.float32)
                    for i in range(8):
                        ii = 8 * h + i
                        r = rowbase + ii
                        pid = pid_vec[ii]
                        x0 = ab[r, pl.ds(0, 16)] + posv[pid, pl.ds(0, 16)]
                        x1 = ab[r, pl.ds(16, 16)] + posv[pid, pl.ds(16, 16)]
                        xs.append((r, x0, x1))
                        cs = plsc.cumsum(x0 + x1)
                        cq = plsc.cumsum(x0 * x0 + x1 * x1)
                        sb = jnp.full((16,), cs[15], jnp.float32)
                        qb = jnp.full((16,), cq[15], jnp.float32)
                        lane = iota16 == ii
                        acc_s = jnp.where(lane, sb, acc_s)
                        acc_q = jnp.where(lane, qb, acc_q)
                    mean16 = acc_s * (1.0 / D)
                    rstd = _newton_rsqrt(
                        acc_q * (1.0 / D) - mean16 * mean16 + 1e-5)
                    for i in range(8):
                        ii = 8 * h + i
                        r, x0, x1 = xs[i]
                        m = jnp.full((16,), mean16[ii], jnp.float32)
                        rs = jnp.full((16,), rstd[ii], jnp.float32)
                        ob[r, pl.ds(0, 16)] = (x0 - m) * rs * g0 + b0
                        ob[r, pl.ds(16, 16)] = (x1 - m) * rs * g1 + b1

        def body(jj, carry):
            for b in range(PD):
                j = jj * PD + b

                pltpu.make_async_copy(
                    acid_hbm.at[idx_v.at[j]], arows.at[b], gsem[b]).wait()

                @pl.when(jj > 0)
                def _():
                    pltpu.make_async_copy(
                        orows.at[b], out_hbm.at[pl.ds(base + j * G, G)],
                        wsem[b]).wait()

                compute_group(j, b)
                pltpu.async_copy(
                    orows.at[b], out_hbm.at[pl.ds(base + j * G, G)], wsem[b])

                @pl.when(j + PD < K)
                def _():
                    pltpu.async_copy(
                        acid_hbm.at[idx_v.at[j + PD]], arows.at[b], gsem[b])
            return carry

        lax.fori_loop(0, K // PD, body, 0)

        for b in range(PD):
            j = K - PD + b
            pltpu.make_async_copy(
                orows.at[b], out_hbm.at[pl.ds(base + j * G, G)], wsem[b]).wait()

    return k(ids3, pids3, acid_table, pos_table, gb)


def kernel(input_ids, position_ids, acid_table, pos_table, gamma, beta):
    B, S = input_ids.shape
    N = B * S
    K = N // (NW * G)
    ids3 = input_ids.reshape(NW, K, G)
    pids3 = position_ids.reshape(NW, K, G)
    gb = jnp.stack([gamma, beta])
    out = _sc_fused(ids3, pids3, acid_table, pos_table, gb, K)
    return out.reshape(B, S, D)

# --- scband reference (transcript-rebuilt; emitter-appended) ---
"""Pipeline reference for scband-embedding-layer-74552042324719 (READ-ONLY COPY).

The authoritative reference and input builder live on the scoring server;
editing this copy changes nothing except your own understanding.
"""

import jax, jax.numpy as jnp
import numpy as np

VOCAB = 1000000
MAX_LEN = 200
DIM = 32
BATCH = 4096
SEQ = 200

def setup_inputs(seed: int = 0) -> dict:
    key = jax.random.key(seed)
    k1, k2, k3, k4, k5, k6 = jax.random.split(key, 6)
    input_ids = jax.random.randint(k1, (BATCH, SEQ), 0, VOCAB, dtype=jnp.int64 if jax.config.jax_enable_x64 else jnp.int32).astype(jnp.int32)
    position_ids = jax.random.randint(k2, (BATCH, SEQ), 0, MAX_LEN + 1, dtype=jnp.int32)
    acid_table = jax.random.normal(k3, (VOCAB, DIM), dtype=jnp.float32)
    acid_table = acid_table.at[0].set(0.0)  # padding_idx=0 initialized to zeros
    pos_table = jax.random.normal(k4, (MAX_LEN + 1, DIM), dtype=jnp.float32)
    pos_table = pos_table.at[0].set(0.0)  # padding_idx=0
    gamma = jnp.ones((DIM,), dtype=jnp.float32)
    beta = jnp.zeros((DIM,), dtype=jnp.float32)
    return {"input_ids": input_ids, "position_ids": position_ids,
            "acid_table": acid_table, "pos_table": pos_table,
            "gamma": gamma, "beta": beta}

def layer_norm(x, gamma, beta, eps=1e-5):
    mean = jnp.mean(x, axis=-1, keepdims=True)
    var = jnp.var(x, axis=-1, keepdims=True)
    xhat = (x - mean) / jnp.sqrt(var + eps)
    return xhat * gamma + beta

def reference(input_ids, position_ids, acid_table, pos_table, gamma, beta):
    acid_embedding = jnp.take(acid_table, input_ids, axis=0)
    pos_embedding = jnp.take(pos_table, position_ids, axis=0)
    embeddings = acid_embedding + pos_embedding
    embeddings = layer_norm(embeddings, gamma, beta)
    return embeddings

if __name__ == "__main__":
    import jax
    _d = setup_inputs()
    print(jax.jit(kernel)(*tuple(_d.values())))

</pallas_src>

<mosaic_0001>
#map = affine_map<(d0, d1) -> (0, 0, 0)>
#map1 = affine_map<(d0, d1) -> (0, 0)>
module attributes {stable_mosaic.version = 14 : i64} {
  func.func @k(%arg0: i32, %arg1: i32, %arg2: memref<32x200x128xi32, #tpu.memory_space<hbm>>, %arg3: memref<32x200x128xi32, #tpu.memory_space<hbm>>, %arg4: memref<1000000x32xf32, #tpu.memory_space<hbm>>, %arg5: memref<201x32xf32, #tpu.memory_space<hbm>>, %arg6: memref<2x32xf32, #tpu.memory_space<hbm>>, %arg7: memref<819200x32xf32, #tpu.memory_space<hbm>>, %arg8: memref<200x128xi32, #tpu.memory_space<vmem>>, %arg9: memref<200x128xi32, #tpu.memory_space<vmem>>, %arg10: memref<201x32xf32, #tpu.memory_space<vmem>>, %arg11: memref<2x32xf32, #tpu.memory_space<vmem>>, %arg12: memref<2x128x32xf32, #tpu.memory_space<vmem>>, %arg13: memref<2x128x32xf32, #tpu.memory_space<vmem>>, %arg14: memref<2x16xf32, #tpu.memory_space<vmem>>, %arg15: memref<!tpu.dma_semaphore, #tpu.memory_space<semaphore_mem>>, %arg16: memref<!tpu.dma_semaphore, #tpu.memory_space<semaphore_mem>>, %arg17: memref<!tpu.dma_semaphore, #tpu.memory_space<semaphore_mem>>, %arg18: memref<!tpu.dma_semaphore, #tpu.memory_space<semaphore_mem>>) attributes {dimension_semantics = [#tpu.dimension_semantics<core_parallel>, #tpu.dimension_semantics<subcore_parallel>], iteration_bounds = array<i64: 2, 16>, scalar_prefetch = 0 : i64, scratch_operands = 11 : i64, tpu.core_type = #tpu.core_type<sc_vector_subcore>, window_params = [{transform_indices = #map}, {transform_indices = #map}, {transform_indices = #map1}, {transform_indices = #map1}, {transform_indices = #map1}, {transform_indices = #map1}]} {
    %mul3A = arith.constant 2 : i32
    %mul3A_0 = arith.muli %arg1, %mul3A : i32
    %add3A = arith.addi %mul3A_0, %arg0 : i32
    "tpu.region"() ({
      %run_scoped3A = tpu.sem_alloc : memref<!tpu.dma_semaphore, #tpu.memory_space<semaphore_mem>>
      %dma_start3A_75 = arith.constant 0 : i32
      %dma_start3A_76 = arith.constant 0 : i32
      %dma_start3A_77 = tpu.memref_slice %arg2[%add3A, %dma_start3A_75, %dma_start3A_76] : memref<32x200x128xi32, #tpu.memory_space<hbm>> -> memref<1x200x128xi32, #tpu.memory_space<hbm>>
      %dma_start3A_78 = tpu.memref_squeeze %dma_start3A_77 : memref<1x200x128xi32, #tpu.memory_space<hbm>> -> memref<200x128xi32, #tpu.memory_space<hbm>>
      %dma_start3A_79 = arith.constant 0 : i32
      %dma_start3A_80 = arith.constant 0 : i32
      %dma_start3A_81 = tpu.memref_slice %arg2[%add3A, %dma_start3A_79, %dma_start3A_80] : memref<32x200x128xi32, #tpu.memory_space<hbm>> -> memref<1x200x128xi32, #tpu.memory_space<hbm>>
      %dma_start3A_82 = tpu.memref_squeeze %dma_start3A_81 : memref<1x200x128xi32, #tpu.memory_space<hbm>> -> memref<200x128xi32, #tpu.memory_space<hbm>>
      tpu.enqueue_dma source(%dma_start3A_82 : memref<200x128xi32, #tpu.memory_space<hbm>>) target(%arg8 : memref<200x128xi32, #tpu.memory_space<vmem>>) target_semaphore(%run_scoped3A : memref<!tpu.dma_semaphore, #tpu.memory_space<semaphore_mem>>)
      %dma_wait3A_83 = arith.constant 0 : i32
      %dma_wait3A_84 = arith.constant 0 : i32
      %dma_wait3A_85 = tpu.memref_slice %arg2[%add3A, %dma_wait3A_83, %dma_wait3A_84] : memref<32x200x128xi32, #tpu.memory_space<hbm>> -> memref<1x200x128xi32, #tpu.memory_space<hbm>>
      %dma_wait3A_86 = tpu.memref_squeeze %dma_wait3A_85 : memref<1x200x128xi32, #tpu.memory_space<hbm>> -> memref<200x128xi32, #tpu.memory_space<hbm>>
      %dma_wait3A_87 = arith.constant 0 : i32
      %dma_wait3A_88 = arith.constant 0 : i32
      %dma_wait3A_89 = tpu.memref_slice %arg2[%add3A, %dma_wait3A_87, %dma_wait3A_88] : memref<32x200x128xi32, #tpu.memory_space<hbm>> -> memref<1x200x128xi32, #tpu.memory_space<hbm>>
      %dma_wait3A_90 = tpu.memref_squeeze %dma_wait3A_89 : memref<1x200x128xi32, #tpu.memory_space<hbm>> -> memref<200x128xi32, #tpu.memory_space<hbm>>
      tpu.wait_dma2 semaphore(%run_scoped3A : memref<!tpu.dma_semaphore, #tpu.memory_space<semaphore_mem>>) src(%dma_wait3A_90 : memref<200x128xi32, #tpu.memory_space<hbm>>) dst(%arg8 : memref<200x128xi32, #tpu.memory_space<vmem>>)
      tpu.yield
    }) : () -> ()
    "tpu.region"() ({
      %run_scoped3A = tpu.sem_alloc : memref<!tpu.dma_semaphore, #tpu.memory_space<semaphore_mem>>
      %dma_start3A_75 = arith.constant 0 : i32
      %dma_start3A_76 = arith.constant 0 : i32
      %dma_start3A_77 = tpu.memref_slice %arg3[%add3A, %dma_start3A_75, %dma_start3A_76] : memref<32x200x128xi32, #tpu.memory_space<hbm>> -> memref<1x200x128xi32, #tpu.memory_space<hbm>>
      %dma_start3A_78 = tpu.memref_squeeze %dma_start3A_77 : memref<1x200x128xi32, #tpu.memory_space<hbm>> -> memref<200x128xi32, #tpu.memory_space<hbm>>
      %dma_start3A_79 = arith.constant 0 : i32
      %dma_start3A_80 = arith.constant 0 : i32
      %dma_start3A_81 = tpu.memref_slice %arg3[%add3A, %dma_start3A_79, %dma_start3A_80] : memref<32x200x128xi32, #tpu.memory_space<hbm>> -> memref<1x200x128xi32, #tpu.memory_space<hbm>>
      %dma_start3A_82 = tpu.memref_squeeze %dma_start3A_81 : memref<1x200x128xi32, #tpu.memory_space<hbm>> -> memref<200x128xi32, #tpu.memory_space<hbm>>
      tpu.enqueue_dma source(%dma_start3A_82 : memref<200x128xi32, #tpu.memory_space<hbm>>) target(%arg9 : memref<200x128xi32, #tpu.memory_space<vmem>>) target_semaphore(%run_scoped3A : memref<!tpu.dma_semaphore, #tpu.memory_space<semaphore_mem>>)
      %dma_wait3A_83 = arith.constant 0 : i32
      %dma_wait3A_84 = arith.constant 0 : i32
      %dma_wait3A_85 = tpu.memref_slice %arg3[%add3A, %dma_wait3A_83, %dma_wait3A_84] : memref<32x200x128xi32, #tpu.memory_space<hbm>> -> memref<1x200x128xi32, #tpu.memory_space<hbm>>
      %dma_wait3A_86 = tpu.memref_squeeze %dma_wait3A_85 : memref<1x200x128xi32, #tpu.memory_space<hbm>> -> memref<200x128xi32, #tpu.memory_space<hbm>>
      %dma_wait3A_87 = arith.constant 0 : i32
      %dma_wait3A_88 = arith.constant 0 : i32
      %dma_wait3A_89 = tpu.memref_slice %arg3[%add3A, %dma_wait3A_87, %dma_wait3A_88] : memref<32x200x128xi32, #tpu.memory_space<hbm>> -> memref<1x200x128xi32, #tpu.memory_space<hbm>>
      %dma_wait3A_90 = tpu.memref_squeeze %dma_wait3A_89 : memref<1x200x128xi32, #tpu.memory_space<hbm>> -> memref<200x128xi32, #tpu.memory_space<hbm>>
      tpu.wait_dma2 semaphore(%run_scoped3A : memref<!tpu.dma_semaphore, #tpu.memory_space<semaphore_mem>>) src(%dma_wait3A_90 : memref<200x128xi32, #tpu.memory_space<hbm>>) dst(%arg9 : memref<200x128xi32, #tpu.memory_space<vmem>>)
      tpu.yield
    }) : () -> ()
    "tpu.region"() ({
      %run_scoped3A = tpu.sem_alloc : memref<!tpu.dma_semaphore, #tpu.memory_space<semaphore_mem>>
      tpu.enqueue_dma source(%arg5 : memref<201x32xf32, #tpu.memory_space<hbm>>) target(%arg10 : memref<201x32xf32, #tpu.memory_space<vmem>>) target_semaphore(%run_scoped3A : memref<!tpu.dma_semaphore, #tpu.memory_space<semaphore_mem>>)
      tpu.wait_dma2 semaphore(%run_scoped3A : memref<!tpu.dma_semaphore, #tpu.memory_space<semaphore_mem>>) src(%arg5 : memref<201x32xf32, #tpu.memory_space<hbm>>) dst(%arg10 : memref<201x32xf32, #tpu.memory_space<vmem>>)
      tpu.yield
    }) : () -> ()
    "tpu.region"() ({
      %run_scoped3A = tpu.sem_alloc : memref<!tpu.dma_semaphore, #tpu.memory_space<semaphore_mem>>
      tpu.enqueue_dma source(%arg6 : memref<2x32xf32, #tpu.memory_space<hbm>>) target(%arg11 : memref<2x32xf32, #tpu.memory_space<vmem>>) target_semaphore(%run_scoped3A : memref<!tpu.dma_semaphore, #tpu.memory_space<semaphore_mem>>)
      tpu.wait_dma2 semaphore(%run_scoped3A : memref<!tpu.dma_semaphore, #tpu.memory_space<semaphore_mem>>) src(%arg6 : memref<2x32xf32, #tpu.memory_space<hbm>>) dst(%arg11 : memref<2x32xf32, #tpu.memory_space<vmem>>)
      tpu.yield
    }) : () -> ()
    %mul3A_1 = arith.constant 25600 : i32
    %mul3A_2 = arith.muli %add3A, %mul3A_1 : i32
    %get3A = arith.constant 0 : i32
    %get3A_3 = arith.index_cast %get3A : i32 to index
    %get3A_4 = arith.constant 0 : index
    %get3A_5 = tpu.vector_load %arg11[%get3A_3, %get3A_4] {strides = array<i32>} : memref<2x32xf32, #tpu.memory_space<vmem>>, vector<16xf32>,
    %get3A_6 = arith.constant 0 : i32
    %get3A_7 = arith.index_cast %get3A_6 : i32 to index
    %get3A_8 = arith.constant 16 : index
    %get3A_9 = tpu.vector_load %arg11[%get3A_7, %get3A_8] {strides = array<i32>} : memref<2x32xf32, #tpu.memory_space<vmem>>, vector<16xf32>,
    %get3A_10 = arith.constant 1 : i32
    %get3A_11 = arith.index_cast %get3A_10 : i32 to index
    %get3A_12 = arith.constant 0 : index
    %get3A_13 = tpu.vector_load %arg11[%get3A_11, %get3A_12] {strides = array<i32>} : memref<2x32xf32, #tpu.memory_space<vmem>>, vector<16xf32>,
    %get3A_14 = arith.constant 1 : i32
    %get3A_15 = arith.index_cast %get3A_14 : i32 to index
    %get3A_16 = arith.constant 16 : index
    %get3A_17 = tpu.vector_load %arg11[%get3A_15, %get3A_16] {strides = array<i32>} : memref<2x32xf32, #tpu.memory_space<vmem>>, vector<16xf32>,
    %dma_start3A = arith.constant 0 : i32
    %dma_start3A_18 = arith.constant 0 : i32
    %dma_start3A_19 = arith.constant 0 : i32
    %dma_start3A_20 = arith.constant 0 : i32
    %dma_start3A_21 = tpu.memref_slice %arg12[%dma_start3A_18, %dma_start3A_19, %dma_start3A_20] : memref<2x128x32xf32, #tpu.memory_space<vmem>> -> memref<1x128x32xf32, #tpu.memory_space<vmem>>
    %dma_start3A_22 = tpu.memref_squeeze %dma_start3A_21 : memref<1x128x32xf32, #tpu.memory_space<vmem>> -> memref<128x32xf32, #tpu.memory_space<vmem>>
    %dma_start3A_23 = arith.constant 0 : i32
    %dma_start3A_24 = tpu.memref_slice %arg8[%dma_start3A, %dma_start3A_23] : memref<200x128xi32, #tpu.memory_space<vmem>> -> memref<1x128xi32, #tpu.memory_space<vmem>>
    %dma_start3A_25 = tpu.memref_squeeze %dma_start3A_24 : memref<1x128xi32, #tpu.memory_space<vmem>> -> memref<128xi32, #tpu.memory_space<vmem>>
    %dma_start3A_26 = arith.constant 0 : i32
    %dma_start3A_27 = arith.constant 0 : i32
    %dma_start3A_28 = tpu.memref_slice %arg4[%dma_start3A_26, %dma_start3A_27] : memref<1000000x32xf32, #tpu.memory_space<hbm>> -> memref<1000000x32xf32, #tpu.memory_space<hbm>>
    tpu.enqueue_indirect_dma source(%dma_start3A_28 : memref<1000000x32xf32, #tpu.memory_space<hbm>>) target(%dma_start3A_22 : memref<128x32xf32, #tpu.memory_space<vmem>>) offsets(%dma_start3A_25 : memref<128xi32, #tpu.memory_space<vmem>>) semaphore(%arg15 : memref<!tpu.dma_semaphore, #tpu.memory_space<semaphore_mem>>)
    %dma_start3A_29 = arith.constant 1 : i32
    %dma_start3A_30 = arith.constant 1 : i32
    %dma_start3A_31 = arith.constant 0 : i32
    %dma_start3A_32 = arith.constant 0 : i32
    %dma_start3A_33 = tpu.memref_slice %arg12[%dma_start3A_30, %dma_start3A_31, %dma_start3A_32] : memref<2x128x32xf32, #tpu.memory_space<vmem>> -> memref<1x128x32xf32, #tpu.memory_space<vmem>>
    %dma_start3A_34 = tpu.memref_squeeze %dma_start3A_33 : memref<1x128x32xf32, #tpu.memory_space<vmem>> -> memref<128x32xf32, #tpu.memory_space<vmem>>
    %dma_start3A_35 = arith.constant 0 : i32
    %dma_start3A_36 = tpu.memref_slice %arg8[%dma_start3A_29, %dma_start3A_35] : memref<200x128xi32, #tpu.memory_space<vmem>> -> memref<1x128xi32, #tpu.memory_space<vmem>>
    %dma_start3A_37 = tpu.memref_squeeze %dma_start3A_36 : memref<1x128xi32, #tpu.memory_space<vmem>> -> memref<128xi32, #tpu.memory_space<vmem>>
    %dma_start3A_38 = arith.constant 0 : i32
    %dma_start3A_39 = arith.constant 0 : i32
    %dma_start3A_40 = tpu.memref_slice %arg4[%dma_start3A_38, %dma_start3A_39] : memref<1000000x32xf32, #tpu.memory_space<hbm>> -> memref<1000000x32xf32, #tpu.memory_space<hbm>>
    tpu.enqueue_indirect_dma source(%dma_start3A_40 : memref<1000000x32xf32, #tpu.memory_space<hbm>>) target(%dma_start3A_34 : memref<128x32xf32, #tpu.memory_space<vmem>>) offsets(%dma_start3A_37 : memref<128xi32, #tpu.memory_space<vmem>>) semaphore(%arg16 : memref<!tpu.dma_semaphore, #tpu.memory_space<semaphore_mem>>)
    %scan3A = arith.constant 0 : i32
    %scan3A_41 = arith.constant 0 : i32
    %scan3A_42 = arith.constant 100 : i32
    %scan3A_43 = arith.addi %scan3A_41, %scan3A_42 : i32
    %scan3A_44 = arith.constant 1 : i32
    scf.for %scan3A_75 = %scan3A_41 to %scan3A_43 step %scan3A_44  : i32 {
      %mul3A_76 = arith.constant 2 : i32
      %mul3A_77 = arith.muli %scan3A_75, %mul3A_76 : i32
      %add3A_78 = arith.constant 0 : i32
      %add3A_79 = arith.addi %mul3A_77, %add3A_78 : i32
      %dma_wait3A_80 = arith.constant 0 : i32
      %dma_wait3A_81 = arith.constant 0 : i32
      %dma_wait3A_82 = arith.constant 0 : i32
      %dma_wait3A_83 = tpu.memref_slice %arg12[%dma_wait3A_80, %dma_wait3A_81, %dma_wait3A_82] : memref<2x128x32xf32, #tpu.memory_space<vmem>> -> memref<1x128x32xf32, #tpu.memory_space<vmem>>
      %dma_wait3A_84 = tpu.memref_squeeze %dma_wait3A_83 : memref<1x128x32xf32, #tpu.memory_space<vmem>> -> memref<128x32xf32, #tpu.memory_space<vmem>>
      %dma_wait3A_85 = arith.constant 0 : i32
      %dma_wait3A_86 = tpu.memref_slice %arg8[%add3A_79, %dma_wait3A_85] : memref<200x128xi32, #tpu.memory_space<vmem>> -> memref<1x128xi32, #tpu.memory_space<vmem>>
      %dma_wait3A_87 = tpu.memref_squeeze %dma_wait3A_86 : memref<1x128xi32, #tpu.memory_space<vmem>> -> memref<128xi32, #tpu.memory_space<vmem>>
      %dma_wait3A_88 = arith.constant 0 : i32
      %dma_wait3A_89 = arith.constant 0 : i32
      %dma_wait3A_90 = tpu.memref_slice %arg4[%dma_wait3A_88, %dma_wait3A_89] : memref<1000000x32xf32, #tpu.memory_space<hbm>> -> memref<1000000x32xf32, #tpu.memory_space<hbm>>
      tpu.wait_indirect_dma semaphore(%arg15 : memref<!tpu.dma_semaphore, #tpu.memory_space<semaphore_mem>>) src(%dma_wait3A_90 : memref<1000000x32xf32, #tpu.memory_space<hbm>>) dst(%dma_wait3A_84 : memref<128x32xf32, #tpu.memory_space<vmem>>)
      %gt3A = arith.constant 0 : i32
      %gt3A_91 = arith.cmpi sgt, %scan3A_75, %gt3A : i32
      %convert_element_type3A = arith.extui %gt3A_91 : i1 to i32
      %cond3A = arith.constant 0 : i32
      %cond3A_92 = arith.cmpi ne, %convert_element_type3A, %cond3A : i32
      scf.if %cond3A_92 {
        %mul3A_168 = arith.constant 128 : i32
        %mul3A_169 = arith.muli %add3A_79, %mul3A_168 : i32
        %add3A_170 = arith.addi %mul3A_2, %mul3A_169 : i32
        %dma_wait3A_171 = arith.constant 0 : i32
        %dma_wait3A_172 = arith.constant 0 : i32
        %dma_wait3A_173 = arith.constant 0 : i32
        %dma_wait3A_174 = tpu.memref_slice %arg13[%dma_wait3A_171, %dma_wait3A_172, %dma_wait3A_173] : memref<2x128x32xf32, #tpu.memory_space<vmem>> -> memref<1x128x32xf32, #tpu.memory_space<vmem>>
        %dma_wait3A_175 = tpu.memref_squeeze %dma_wait3A_174 : memref<1x128x32xf32, #tpu.memory_space<vmem>> -> memref<128x32xf32, #tpu.memory_space<vmem>>
        %dma_wait3A_176 = arith.constant 0 : i32
        %dma_wait3A_177 = tpu.memref_slice %arg7[%add3A_170, %dma_wait3A_176] : memref<819200x32xf32, #tpu.memory_space<hbm>> -> memref<128x32xf32, #tpu.memory_space<hbm>>
        %dma_wait3A_178 = arith.constant 0 : i32
        %dma_wait3A_179 = tpu.memref_slice %arg7[%add3A_170, %dma_wait3A_178] : memref<819200x32xf32, #tpu.memory_space<hbm>> -> memref<128x32xf32, #tpu.memory_space<hbm>>
        %dma_wait3A_180 = arith.constant 0 : i32
        %dma_wait3A_181 = arith.constant 0 : i32
        %dma_wait3A_182 = tpu.memref_slice %arg13[%dma_wait3A_171, %dma_wait3A_180, %dma_wait3A_181] : memref<2x128x32xf32, #tpu.memory_space<vmem>> -> memref<1x128x32xf32, #tpu.memory_space<vmem>>
        %dma_wait3A_183 = tpu.memref_squeeze %dma_wait3A_182 : memref<1x128x32xf32, #tpu.memory_space<vmem>> -> memref<128x32xf32, #tpu.memory_space<vmem>>
        tpu.wait_dma2 semaphore(%arg17 : memref<!tpu.dma_semaphore, #tpu.memory_space<semaphore_mem>>) src(%dma_wait3A_183 : memref<128x32xf32, #tpu.memory_space<vmem>>) dst(%dma_wait3A_179 : memref<128x32xf32, #tpu.memory_space<hbm>>)
      } else {
      }
      %iota3A = tpu.iota {dimensions = array<i32: 0>} : vector<16xi32>
      %parallel_loop3A = arith.constant 0 : i32
      %parallel_loop3A_93 = arith.constant 8 : i32
      %parallel_loop3A_94 = arith.constant 1 : i32
      %parallel_loop3A_95 = arith.constant 0 : i32
      %parallel_loop3A_96 = arith.constant 0 : i32
      scf.for %parallel_loop3A_168 = %parallel_loop3A to %parallel_loop3A_93 step %parallel_loop3A_94  : i32 {
        %parallel_loop3A_169 = arith.constant 16 : i32
        %parallel_loop3A_170 = arith.muli %parallel_loop3A_168, %parallel_loop3A_169 : i32
        %parallel_loop3A_171 = arith.constant 0 : i32
        %parallel_loop3A_172 = tpu.memref_slice %arg9[%add3A_79, %parallel_loop3A_171] : memref<200x128xi32, #tpu.memory_space<vmem>> -> memref<1x128xi32, #tpu.memory_space<vmem>>
        %parallel_loop3A_173 = tpu.memref_squeeze %parallel_loop3A_172 : memref<1x128xi32, #tpu.memory_space<vmem>> -> memref<128xi32, #tpu.memory_space<vmem>>
        %parallel_loop3A_174 = arith.index_cast %parallel_loop3A_170 : i32 to index
        %parallel_loop3A_175 = tpu.vector_load %parallel_loop3A_173[%parallel_loop3A_174] {strides = array<i32>} : memref<128xi32, #tpu.memory_space<vmem>>, vector<16xi32>,
        %parallel_loop3A_176 = arith.constant 0.000000e+00 : f32
        %parallel_loop3A_177 = vector.broadcast %parallel_loop3A_176 : f32 to vector<16xf32>
        %parallel_loop3A_178 = arith.constant 0.000000e+00 : f32
        %parallel_loop3A_179 = vector.broadcast %parallel_loop3A_178 : f32 to vector<16xf32>
        %parallel_loop3A_180 = arith.constant 0 : i32
        %parallel_loop3A_181 = arith.addi %parallel_loop3A_170, %parallel_loop3A_180 : i32
        %parallel_loop3A_182 = vector.extract_strided_slice %parallel_loop3A_175 {offsets = [0], sizes = [1], strides = [1]} : vector<16xi32> to vector<1xi32>
        %parallel_loop3A_183 = vector.extract %parallel_loop3A_182[0] : i32 from vector<1xi32>
        %parallel_loop3A_184 = arith.constant 0 : i32
        %parallel_loop3A_185 = arith.constant 0 : i32
        %parallel_loop3A_186 = tpu.memref_slice %arg12[%parallel_loop3A_95, %parallel_loop3A_184, %parallel_loop3A_185] : memref<2x128x32xf32, #tpu.memory_space<vmem>> -> memref<1x128x32xf32, #tpu.memory_space<vmem>>
        %parallel_loop3A_187 = tpu.memref_squeeze %parallel_loop3A_186 : memref<1x128x32xf32, #tpu.memory_space<vmem>> -> memref<128x32xf32, #tpu.memory_space<vmem>>
        %parallel_loop3A_188 = arith.index_cast %parallel_loop3A_181 : i32 to index
        %parallel_loop3A_189 = arith.constant 0 : index
        %parallel_loop3A_190 = tpu.vector_load %parallel_loop3A_187[%parallel_loop3A_188, %parallel_loop3A_189] {strides = array<i32>} : memref<128x32xf32, #tpu.memory_space<vmem>>, vector<16xf32>,
        %parallel_loop3A_191 = arith.index_cast %parallel_loop3A_183 : i32 to index
        %parallel_loop3A_192 = arith.constant 0 : index
        %parallel_loop3A_193 = tpu.vector_load %arg10[%parallel_loop3A_191, %parallel_loop3A_192] {strides = array<i32>} : memref<201x32xf32, #tpu.memory_space<vmem>>, vector<16xf32>,
        %parallel_loop3A_194 = arith.addf %parallel_loop3A_190, %parallel_loop3A_193 : vector<16xf32>
        %parallel_loop3A_195 = arith.constant 0 : i32
        %parallel_loop3A_196 = arith.constant 0 : i32
        %parallel_loop3A_197 = tpu.memref_slice %arg12[%parallel_loop3A_95, %parallel_loop3A_195, %parallel_loop3A_196] : memref<2x128x32xf32, #tpu.memory_space<vmem>> -> memref<1x128x32xf32, #tpu.memory_space<vmem>>
        %parallel_loop3A_198 = tpu.memref_squeeze %parallel_loop3A_197 : memref<1x128x32xf32, #tpu.memory_space<vmem>> -> memref<128x32xf32, #tpu.memory_space<vmem>>
        %parallel_loop3A_199 = arith.index_cast %parallel_loop3A_181 : i32 to index
        %parallel_loop3A_200 = arith.constant 16 : index
        %parallel_loop3A_201 = tpu.vector_load %parallel_loop3A_198[%parallel_loop3A_199, %parallel_loop3A_200] {strides = array<i32>} : memref<128x32xf32, #tpu.memory_space<vmem>>, vector<16xf32>,
        %parallel_loop3A_202 = arith.index_cast %parallel_loop3A_183 : i32 to index
        %parallel_loop3A_203 = arith.constant 16 : index
        %parallel_loop3A_204 = tpu.vector_load %arg10[%parallel_loop3A_202, %parallel_loop3A_203] {strides = array<i32>} : memref<201x32xf32, #tpu.memory_space<vmem>>, vector<16xf32>,
        %parallel_loop3A_205 = arith.addf %parallel_loop3A_201, %parallel_loop3A_204 : vector<16xf32>
        %parallel_loop3A_206 = arith.addf %parallel_loop3A_194, %parallel_loop3A_205 : vector<16xf32>
        %parallel_loop3A_207 = arith.constant true
        %parallel_loop3A_208 = vector.broadcast %parallel_loop3A_207 : i1 to vector<16xi1>
        %parallel_loop3A_209 = tpu.scan <sum>, %parallel_loop3A_206 masked %parallel_loop3A_208 : vector<16xf32>, vector<16xi1> -> vector<16xf32>
        %parallel_loop3A_210 = arith.mulf %parallel_loop3A_194, %parallel_loop3A_194 : vector<16xf32>
        %parallel_loop3A_211 = arith.mulf %parallel_loop3A_205, %parallel_loop3A_205 : vector<16xf32>
        %parallel_loop3A_212 = arith.addf %parallel_loop3A_210, %parallel_loop3A_211 : vector<16xf32>
        %parallel_loop3A_213 = arith.constant true
        %parallel_loop3A_214 = vector.broadcast %parallel_loop3A_213 : i1 to vector<16xi1>
        %parallel_loop3A_215 = tpu.scan <sum>, %parallel_loop3A_212 masked %parallel_loop3A_214 : vector<16xf32>, vector<16xi1> -> vector<16xf32>
        %parallel_loop3A_216 = vector.extract_strided_slice %parallel_loop3A_209 {offsets = [15], sizes = [1], strides = [1]} : vector<16xf32> to vector<1xf32>
        %parallel_loop3A_217 = vector.extract %parallel_loop3A_216[0] : f32 from vector<1xf32>
        %parallel_loop3A_218 = vector.broadcast %parallel_loop3A_217 : f32 to vector<16xf32>
        %parallel_loop3A_219 = vector.extract_strided_slice %parallel_loop3A_215 {offsets = [15], sizes = [1], strides = [1]} : vector<16xf32> to vector<1xf32>
        %parallel_loop3A_220 = vector.extract %parallel_loop3A_219[0] : f32 from vector<1xf32>
        %parallel_loop3A_221 = vector.broadcast %parallel_loop3A_220 : f32 to vector<16xf32>
        %parallel_loop3A_222 = arith.constant 0 : i32
        %parallel_loop3A_223 = vector.broadcast %parallel_loop3A_222 : i32 to vector<16xi32>
        %parallel_loop3A_224 = arith.cmpi eq, %iota3A, %parallel_loop3A_223 : vector<16xi32>
        %parallel_loop3A_225 = arith.select %parallel_loop3A_224, %parallel_loop3A_218, %parallel_loop3A_177 : vector<16xi1>, vector<16xf32>
        %parallel_loop3A_226 = arith.select %parallel_loop3A_224, %parallel_loop3A_221, %parallel_loop3A_179 : vector<16xi1>, vector<16xf32>
        %parallel_loop3A_227 = arith.constant 1 : i32
        %parallel_loop3A_228 = arith.addi %parallel_loop3A_170, %parallel_loop3A_227 : i32
        %parallel_loop3A_229 = vector.extract_strided_slice %parallel_loop3A_175 {offsets = [1], sizes = [1], strides = [1]} : vector<16xi32> to vector<1xi32>
        %parallel_loop3A_230 = vector.extract %parallel_loop3A_229[0] : i32 from vector<1xi32>
        %parallel_loop3A_231 = arith.constant 0 : i32
        %parallel_loop3A_232 = arith.constant 0 : i32
        %parallel_loop3A_233 = tpu.memref_slice %arg12[%parallel_loop3A_95, %parallel_loop3A_231, %parallel_loop3A_232] : memref<2x128x32xf32, #tpu.memory_space<vmem>> -> memref<1x128x32xf32, #tpu.memory_space<vmem>>
        %parallel_loop3A_234 = tpu.memref_squeeze %parallel_loop3A_233 : memref<1x128x32xf32, #tpu.memory_space<vmem>> -> memref<128x32xf32, #tpu.memory_space<vmem>>
        %parallel_loop3A_235 = arith.index_cast %parallel_loop3A_228 : i32 to index
        %parallel_loop3A_236 = arith.constant 0 : index
        %parallel_loop3A_237 = tpu.vector_load %parallel_loop3A_234[%parallel_loop3A_235, %parallel_loop3A_236] {strides = array<i32>} : memref<128x32xf32, #tpu.memory_space<vmem>>, vector<16xf32>,
        %parallel_loop3A_238 = arith.index_cast %parallel_loop3A_230 : i32 to index
        %parallel_loop3A_239 = arith.constant 0 : index
        %parallel_loop3A_240 = tpu.vector_load %arg10[%parallel_loop3A_238, %parallel_loop3A_239] {strides = array<i32>} : memref<201x32xf32, #tpu.memory_space<vmem>>, vector<16xf32>,
        %parallel_loop3A_241 = arith.addf %parallel_loop3A_237, %parallel_loop3A_240 : vector<16xf32>
        %parallel_loop3A_242 = arith.constant 0 : i32
        %parallel_loop3A_243 = arith.constant 0 : i32
        %parallel_loop3A_244 = tpu.memref_slice %arg12[%parallel_loop3A_95, %parallel_loop3A_242, %parallel_loop3A_243] : memref<2x128x32xf32, #tpu.memory_space<vmem>> -> memref<1x128x32xf32, #tpu.memory_space<vmem>>
        %parallel_loop3A_245 = tpu.memref_squeeze %parallel_loop3A_244 : memref<1x128x32xf32, #tpu.memory_space<vmem>> -> memref<128x32xf32, #tpu.memory_space<vmem>>
        %parallel_loop3A_246 = arith.index_cast %parallel_loop3A_228 : i32 to index
        %parallel_loop3A_247 = arith.constant 16 : index
        %parallel_loop3A_248 = tpu.vector_load %parallel_loop3A_245[%parallel_loop3A_246, %parallel_loop3A_247] {strides = array<i32>} : memref<128x32xf32, #tpu.memory_space<vmem>>, vector<16xf32>,
        %parallel_loop3A_249 = arith.index_cast %parallel_loop3A_230 : i32 to index
        %parallel_loop3A_250 = arith.constant 16 : index
        %parallel_loop3A_251 = tpu.vector_load %arg10[%parallel_loop3A_249, %parallel_loop3A_250] {strides = array<i32>} : memref<201x32xf32, #tpu.memory_space<vmem>>, vector<16xf32>,
        %parallel_loop3A_252 = arith.addf %parallel_loop3A_248, %parallel_loop3A_251 : vector<16xf32>
        %parallel_loop3A_253 = arith.addf %parallel_loop3A_241, %parallel_loop3A_252 : vector<16xf32>
        %parallel_loop3A_254 = arith.constant true
        %parallel_loop3A_255 = vector.broadcast %parallel_loop3A_254 : i1 to vector<16xi1>
        %parallel_loop3A_256 = tpu.scan <sum>, %parallel_loop3A_253 masked %parallel_loop3A_255 : vector<16xf32>, vector<16xi1> -> vector<16xf32>
        %parallel_loop3A_257 = arith.mulf %parallel_loop3A_241, %parallel_loop3A_241 : vector<16xf32>
        %parallel_loop3A_258 = arith.mulf %parallel_loop3A_252, %parallel_loop3A_252 : vector<16xf32>
        %parallel_loop3A_259 = arith.addf %parallel_loop3A_257, %parallel_loop3A_258 : vector<16xf32>
        %parallel_loop3A_260 = arith.constant true
        %parallel_loop3A_261 = vector.broadcast %parallel_loop3A_260 : i1 to vector<16xi1>
        %parallel_loop3A_262 = tpu.scan <sum>, %parallel_loop3A_259 masked %parallel_loop3A_261 : vector<16xf32>, vector<16xi1> -> vector<16xf32>
        %parallel_loop3A_263 = vector.extract_strided_slice %parallel_loop3A_256 {offsets = [15], sizes = [1], strides = [1]} : vector<16xf32> to vector<1xf32>
        %parallel_loop3A_264 = vector.extract %parallel_loop3A_263[0] : f32 from vector<1xf32>
        %parallel_loop3A_265 = vector.broadcast %parallel_loop3A_264 : f32 to vector<16xf32>
        %parallel_loop3A_266 = vector.extract_strided_slice %parallel_loop3A_262 {offsets = [15], sizes = [1], strides = [1]} : vector<16xf32> to vector<1xf32>
        %parallel_loop3A_267 = vector.extract %parallel_loop3A_266[0] : f32 from vector<1xf32>
        %parallel_loop3A_268 = vector.broadcast %parallel_loop3A_267 : f32 to vector<16xf32>
        %parallel_loop3A_269 = arith.constant 1 : i32
        %parallel_loop3A_270 = vector.broadcast %parallel_loop3A_269 : i32 to vector<16xi32>
        %parallel_loop3A_271 = arith.cmpi eq, %iota3A, %parallel_loop3A_270 : vector<16xi32>
        %parallel_loop3A_272 = arith.select %parallel_loop3A_271, %parallel_loop3A_265, %parallel_loop3A_225 : vector<16xi1>, vector<16xf32>
        %parallel_loop3A_273 = arith.select %parallel_loop3A_271, %parallel_loop3A_268, %parallel_loop3A_226 : vector<16xi1>, vector<16xf32>
        %parallel_loop3A_274 = arith.constant 2 : i32
        %parallel_loop3A_275 = arith.addi %parallel_loop3A_170, %parallel_loop3A_274 : i32
        %parallel_loop3A_276 = vector.extract_strided_slice %parallel_loop3A_175 {offsets = [2], sizes = [1], strides = [1]} : vector<16xi32> to vector<1xi32>
        %parallel_loop3A_277 = vector.extract %parallel_loop3A_276[0] : i32 from vector<1xi32>
        %parallel_loop3A_278 = arith.constant 0 : i32
        %parallel_loop3A_279 = arith.constant 0 : i32
        %parallel_loop3A_280 = tpu.memref_slice %arg12[%parallel_loop3A_95, %parallel_loop3A_278, %parallel_loop3A_279] : memref<2x128x32xf32, #tpu.memory_space<vmem>> -> memref<1x128x32xf32, #tpu.memory_space<vmem>>
        %parallel_loop3A_281 = tpu.memref_squeeze %parallel_loop3A_280 : memref<1x128x32xf32, #tpu.memory_space<vmem>> -> memref<128x32xf32, #tpu.memory_space<vmem>>
        %parallel_loop3A_282 = arith.index_cast %parallel_loop3A_275 : i32 to index
        %parallel_loop3A_283 = arith.constant 0 : index
        %parallel_loop3A_284 = tpu.vector_load %parallel_loop3A_281[%parallel_loop3A_282, %parallel_loop3A_283] {strides = array<i32>} : memref<128x32xf32, #tpu.memory_space<vmem>>, vector<16xf32>,
        %parallel_loop3A_285 = arith.index_cast %parallel_loop3A_277 : i32 to index
        %parallel_loop3A_286 = arith.constant 0 : index
        %parallel_loop3A_287 = tpu.vector_load %arg10[%parallel_loop3A_285, %parallel_loop3A_286] {strides = array<i32>} : memref<201x32xf32, #tpu.memory_space<vmem>>, vector<16xf32>,
        %parallel_loop3A_288 = arith.addf %parallel_loop3A_284, %parallel_loop3A_287 : vector<16xf32>
        %parallel_loop3A_289 = arith.constant 0 : i32
        %parallel_loop3A_290 = arith.constant 0 : i32
        %parallel_loop3A_291 = tpu.memref_slice %arg12[%parallel_loop3A_95, %parallel_loop3A_289, %parallel_loop3A_290] : memref<2x128x32xf32, #tpu.memory_space<vmem>> -> memref<1x128x32xf32, #tpu.memory_space<vmem>>
        %parallel_loop3A_292 = tpu.memref_squeeze %parallel_loop3A_291 : memref<1x128x32xf32, #tpu.memory_space<vmem>> -> memref<128x32xf32, #tpu.memory_space<vmem>>
        %parallel_loop3A_293 = arith.index_cast %parallel_loop3A_275 : i32 to index
        %parallel_loop3A_294 = arith.constant 16 : index
        %parallel_loop3A_295 = tpu.vector_load %parallel_loop3A_292[%parallel_loop3A_293, %parallel_loop3A_294] {strides = array<i32>} : memref<128x32xf32, #tpu.memory_space<vmem>>, vector<16xf32>,
        %parallel_loop3A_296 = arith.index_cast %parallel_loop3A_277 : i32 to index
        %parallel_loop3A_297 = arith.constant 16 : index
        %parallel_loop3A_298 = tpu.vector_load %arg10[%parallel_loop3A_296, %parallel_loop3A_297] {strides = array<i32>} : memref<201x32xf32, #tpu.memory_space<vmem>>, vector<16xf32>,
        %parallel_loop3A_299 = arith.addf %parallel_loop3A_295, %parallel_loop3A_298 : vector<16xf32>
        %parallel_loop3A_300 = arith.addf %parallel_loop3A_288, %parallel_loop3A_299 : vector<16xf32>
        %parallel_loop3A_301 = arith.constant true
        %parallel_loop3A_302 = vector.broadcast %parallel_loop3A_301 : i1 to vector<16xi1>
        %parallel_loop3A_303 = tpu.scan <sum>, %parallel_loop3A_300 masked %parallel_loop3A_302 : vector<16xf32>, vector<16xi1> -> vector<16xf32>
        %parallel_loop3A_304 = arith.mulf %parallel_loop3A_288, %parallel_loop3A_288 : vector<16xf32>
        %parallel_loop3A_305 = arith.mulf %parallel_loop3A_299, %parallel_loop3A_299 : vector<16xf32>
        %parallel_loop3A_306 = arith.addf %parallel_loop3A_304, %parallel_loop3A_305 : vector<16xf32>
        %parallel_loop3A_307 = arith.constant true
        %parallel_loop3A_308 = vector.broadcast %parallel_loop3A_307 : i1 to vector<16xi1>
        %parallel_loop3A_309 = tpu.scan <sum>, %parallel_loop3A_306 masked %parallel_loop3A_308 : vector<16xf32>, vector<16xi1> -> vector<16xf32>
        %parallel_loop3A_310 = vector.extract_strided_slice %parallel_loop3A_303 {offsets = [15], sizes = [1], strides = [1]} : vector<16xf32> to vector<1xf32>
        %parallel_loop3A_311 = vector.extract %parallel_loop3A_310[0] : f32 from vector<1xf32>
        %parallel_loop3A_312 = vector.broadcast %parallel_loop3A_311 : f32 to vector<16xf32>
        %parallel_loop3A_313 = vector.extract_strided_slice %parallel_loop3A_309 {offsets = [15], sizes = [1], strides = [1]} : vector<16xf32> to vector<1xf32>
        %parallel_loop3A_314 = vector.extract %parallel_loop3A_313[0] : f32 from vector<1xf32>
        %parallel_loop3A_315 = vector.broadcast %parallel_loop3A_314 : f32 to vector<16xf32>
        %parallel_loop3A_316 = arith.constant 2 : i32
        %parallel_loop3A_317 = vector.broadcast %parallel_loop3A_316 : i32 to vector<16xi32>
        %parallel_loop3A_318 = arith.cmpi eq, %iota3A, %parallel_loop3A_317 : vector<16xi32>
        %parallel_loop3A_319 = arith.select %parallel_loop3A_318, %parallel_loop3A_312, %parallel_loop3A_272 : vector<16xi1>, vector<16xf32>
        %parallel_loop3A_320 = arith.select %parallel_loop3A_318, %parallel_loop3A_315, %parallel_loop3A_273 : vector<16xi1>, vector<16xf32>
        %parallel_loop3A_321 = arith.constant 3 : i32
        %parallel_loop3A_322 = arith.addi %parallel_loop3A_170, %parallel_loop3A_321 : i32
        %parallel_loop3A_323 = vector.extract_strided_slice %parallel_loop3A_175 {offsets = [3], sizes = [1], strides = [1]} : vector<16xi32> to vector<1xi32>
        %parallel_loop3A_324 = vector.extract %parallel_loop3A_323[0] : i32 from vector<1xi32>
        %parallel_loop3A_325 = arith.constant 0 : i32
        %parallel_loop3A_326 = arith.constant 0 : i32
        %parallel_loop3A_327 = tpu.memref_slice %arg12[%parallel_loop3A_95, %parallel_loop3A_325, %parallel_loop3A_326] : memref<2x128x32xf32, #tpu.memory_space<vmem>> -> memref<1x128x32xf32, #tpu.memory_space<vmem>>
        %parallel_loop3A_328 = tpu.memref_squeeze %parallel_loop3A_327 : memref<1x128x32xf32, #tpu.memory_space<vmem>> -> memref<128x32xf32, #tpu.memory_space<vmem>>
        %parallel_loop3A_329 = arith.index_cast %parallel_loop3A_322 : i32 to index
        %parallel_loop3A_330 = arith.constant 0 : index
        %parallel_loop3A_331 = tpu.vector_load %parallel_loop3A_328[%parallel_loop3A_329, %parallel_loop3A_330] {strides = array<i32>} : memref<128x32xf32, #tpu.memory_space<vmem>>, vector<16xf32>,
        %parallel_loop3A_332 = arith.index_cast %parallel_loop3A_324 : i32 to index
        %parallel_loop3A_333 = arith.constant 0 : index
        %parallel_loop3A_334 = tpu.vector_load %arg10[%parallel_loop3A_332, %parallel_loop3A_333] {strides = array<i32>} : memref<201x32xf32, #tpu.memory_space<vmem>>, vector<16xf32>,
        %parallel_loop3A_335 = arith.addf %parallel_loop3A_331, %parallel_loop3A_334 : vector<16xf32>
        %parallel_loop3A_336 = arith.constant 0 : i32
        %parallel_loop3A_337 = arith.constant 0 : i32
        %parallel_loop3A_338 = tpu.memref_slice %arg12[%parallel_loop3A_95, %parallel_loop3A_336, %parallel_loop3A_337] : memref<2x128x32xf32, #tpu.memory_space<vmem>> -> memref<1x128x32xf32, #tpu.memory_space<vmem>>
        %parallel_loop3A_339 = tpu.memref_squeeze %parallel_loop3A_338 : memref<1x128x32xf32, #tpu.memory_space<vmem>> -> memref<128x32xf32, #tpu.memory_space<vmem>>
        %parallel_loop3A_340 = arith.index_cast %parallel_loop3A_322 : i32 to index
        %parallel_loop3A_341 = arith.constant 16 : index
        %parallel_loop3A_342 = tpu.vector_load %parallel_loop3A_339[%parallel_loop3A_340, %parallel_loop3A_341] {strides = array<i32>} : memref<128x32xf32, #tpu.memory_space<vmem>>, vector<16xf32>,
        %parallel_loop3A_343 = arith.index_cast %parallel_loop3A_324 : i32 to index
        %parallel_loop3A_344 = arith.constant 16 : index
        %parallel_loop3A_345 = tpu.vector_load %arg10[%parallel_loop3A_343, %parallel_loop3A_344] {strides = array<i32>} : memref<201x32xf32, #tpu.memory_space<vmem>>, vector<16xf32>,
        %parallel_loop3A_346 = arith.addf %parallel_loop3A_342, %parallel_loop3A_345 : vector<16xf32>
        %parallel_loop3A_347 = arith.addf %parallel_loop3A_335, %parallel_loop3A_346 : vector<16xf32>
        %parallel_loop3A_348 = arith.constant true
        %parallel_loop3A_349 = vector.broadcast %parallel_loop3A_348 : i1 to vector<16xi1>
        %parallel_loop3A_350 = tpu.scan <sum>, %parallel_loop3A_347 masked %parallel_loop3A_349 : vector<16xf32>, vector<16xi1> -> vector<16xf32>
        %parallel_loop3A_351 = arith.mulf %parallel_loop3A_335, %parallel_loop3A_335 : vector<16xf32>
        %parallel_loop3A_352 = arith.mulf %parallel_loop3A_346, %parallel_loop3A_346 : vector<16xf32>
        %parallel_loop3A_353 = arith.addf %parallel_loop3A_351, %parallel_loop3A_352 : vector<16xf32>
        %parallel_loop3A_354 = arith.constant true
        %parallel_loop3A_355 = vector.broadcast %parallel_loop3A_354 : i1 to vector<16xi1>
        %parallel_loop3A_356 = tpu.scan <sum>, %parallel_loop3A_353 masked %parallel_loop3A_355 : vector<16xf32>, vector<16xi1> -> vector<16xf32>
        %parallel_loop3A_357 = vector.extract_strided_slice %parallel_loop3A_350 {offsets = [15], sizes = [1], strides = [1]} : vector<16xf32> to vector<1xf32>
        %parallel_loop3A_358 = vector.extract %parallel_loop3A_357[0] : f32 from vector<1xf32>
        %parallel_loop3A_359 = vector.broadcast %parallel_loop3A_358 : f32 to vector<16xf32>
        %parallel_loop3A_360 = vector.extract_strided_slice %parallel_loop3A_356 {offsets = [15], sizes = [1], strides = [1]} : vector<16xf32> to vector<1xf32>
        %parallel_loop3A_361 = vector.extract %parallel_loop3A_360[0] : f32 from vector<1xf32>
        %parallel_loop3A_362 = vector.broadcast %parallel_loop3A_361 : f32 to vector<16xf32>
        %parallel_loop3A_363 = arith.constant 3 : i32
        %parallel_loop3A_364 = vector.broadcast %parallel_loop3A_363 : i32 to vector<16xi32>
        %parallel_loop3A_365 = arith.cmpi eq, %iota3A, %parallel_loop3A_364 : vector<16xi32>
        %parallel_loop3A_366 = arith.select %parallel_loop3A_365, %parallel_loop3A_359, %parallel_loop3A_319 : vector<16xi1>, vector<16xf32>
        %parallel_loop3A_367 = arith.select %parallel_loop3A_365, %parallel_loop3A_362, %parallel_loop3A_320 : vector<16xi1>, vector<16xf32>
        %parallel_loop3A_368 = arith.constant 4 : i32
        %parallel_loop3A_369 = arith.addi %parallel_loop3A_170, %parallel_loop3A_368 : i32
        %parallel_loop3A_370 = vector.extract_strided_slice %parallel_loop3A_175 {offsets = [4], sizes = [1], strides = [1]} : vector<16xi32> to vector<1xi32>
        %parallel_loop3A_371 = vector.extract %parallel_loop3A_370[0] : i32 from vector<1xi32>
        %parallel_loop3A_372 = arith.constant 0 : i32
        %parallel_loop3A_373 = arith.constant 0 : i32
        %parallel_loop3A_374 = tpu.memref_slice %arg12[%parallel_loop3A_95, %parallel_loop3A_372, %parallel_loop3A_373] : memref<2x128x32xf32, #tpu.memory_space<vmem>> -> memref<1x128x32xf32, #tpu.memory_space<vmem>>
        %parallel_loop3A_375 = tpu.memref_squeeze %parallel_loop3A_374 : memref<1x128x32xf32, #tpu.memory_space<vmem>> -> memref<128x32xf32, #tpu.memory_space<vmem>>
        %parallel_loop3A_376 = arith.index_cast %parallel_loop3A_369 : i32 to index
        %parallel_loop3A_377 = arith.constant 0 : index
        %parallel_loop3A_378 = tpu.vector_load %parallel_loop3A_375[%parallel_loop3A_376, %parallel_loop3A_377] {strides = array<i32>} : memref<128x32xf32, #tpu.memory_space<vmem>>, vector<16xf32>,
        %parallel_loop3A_379 = arith.index_cast %parallel_loop3A_371 : i32 to index
        %parallel_loop3A_380 = arith.constant 0 : index
        %parallel_loop3A_381 = tpu.vector_load %arg10[%parallel_loop3A_379, %parallel_loop3A_380] {strides = array<i32>} : memref<201x32xf32, #tpu.memory_space<vmem>>, vector<16xf32>,
        %parallel_loop3A_382 = arith.addf %parallel_loop3A_378, %parallel_loop3A_381 : vector<16xf32>
        %parallel_loop3A_383 = arith.constant 0 : i32
        %parallel_loop3A_384 = arith.constant 0 : i32
        %parallel_loop3A_385 = tpu.memref_slice %arg12[%parallel_loop3A_95, %parallel_loop3A_383, %parallel_loop3A_384] : memref<2x128x32xf32, #tpu.memory_space<vmem>> -> memref<1x128x32xf32, #tpu.memory_space<vmem>>
        %parallel_loop3A_386 = tpu.memref_squeeze %parallel_loop3A_385 : memref<1x128x32xf32, #tpu.memory_space<vmem>> -> memref<128x32xf32, #tpu.memory_space<vmem>>
        %parallel_loop3A_387 = arith.index_cast %parallel_loop3A_369 : i32 to index
        %parallel_loop3A_388 = arith.constant 16 : index
        %parallel_loop3A_389 = tpu.vector_load %parallel_loop3A_386[%parallel_loop3A_387, %parallel_loop3A_388] {strides = array<i32>} : memref<128x32xf32, #tpu.memory_space<vmem>>, vector<16xf32>,
        %parallel_loop3A_390 = arith.index_cast %parallel_loop3A_371 : i32 to index
        %parallel_loop3A_391 = arith.constant 16 : index
        %parallel_loop3A_392 = tpu.vector_load %arg10[%parallel_loop3A_390, %parallel_loop3A_391] {strides = array<i32>} : memref<201x32xf32, #tpu.memory_space<vmem>>, vector<16xf32>,
        %parallel_loop3A_393 = arith.addf %parallel_loop3A_389, %parallel_loop3A_392 : vector<16xf32>
        %parallel_loop3A_394 = arith.addf %parallel_loop3A_382, %parallel_loop3A_393 : vector<16xf32>
        %parallel_loop3A_395 = arith.constant true
        %parallel_loop3A_396 = vector.broadcast %parallel_loop3A_395 : i1 to vector<16xi1>
        %parallel_loop3A_397 = tpu.scan <sum>, %parallel_loop3A_394 masked %parallel_loop3A_396 : vector<16xf32>, vector<16xi1> -> vector<16xf32>
        %parallel_loop3A_398 = arith.mulf %parallel_loop3A_382, %parallel_loop3A_382 : vector<16xf32>
        %parallel_loop3A_399 = arith.mulf %parallel_loop3A_393, %parallel_loop3A_393 : vector<16xf32>
        %parallel_loop3A_400 = arith.addf %parallel_loop3A_398, %parallel_loop3A_399 : vector<16xf32>
        %parallel_loop3A_401 = arith.constant true
        %parallel_loop3A_402 = vector.broadcast %parallel_loop3A_401 : i1 to vector<16xi1>
        %parallel_loop3A_403 = tpu.scan <sum>, %parallel_loop3A_400 masked %parallel_loop3A_402 : vector<16xf32>, vector<16xi1> -> vector<16xf32>
        %parallel_loop3A_404 = vector.extract_strided_slice %parallel_loop3A_397 {offsets = [15], sizes = [1], strides = [1]} : vector<16xf32> to vector<1xf32>
        %parallel_loop3A_405 = vector.extract %parallel_loop3A_404[0] : f32 from vector<1xf32>
        %parallel_loop3A_406 = vector.broadcast %parallel_loop3A_405 : f32 to vector<16xf32>
        %parallel_loop3A_407 = vector.extract_strided_slice %parallel_loop3A_403 {offsets = [15], sizes = [1], strides = [1]} : vector<16xf32> to vector<1xf32>
        %parallel_loop3A_408 = vector.extract %parallel_loop3A_407[0] : f32 from vector<1xf32>
        %parallel_loop3A_409 = vector.broadcast %parallel_loop3A_408 : f32 to vector<16xf32>
        %parallel_loop3A_410 = arith.constant 4 : i32
        %parallel_loop3A_411 = vector.broadcast %parallel_loop3A_410 : i32 to vector<16xi32>
        %parallel_loop3A_412 = arith.cmpi eq, %iota3A, %parallel_loop3A_411 : vector<16xi32>
        %parallel_loop3A_413 = arith.select %parallel_loop3A_412, %parallel_loop3A_406, %parallel_loop3A_366 : vector<16xi1>, vector<16xf32>
        %parallel_loop3A_414 = arith.select %parallel_loop3A_412, %parallel_loop3A_409, %parallel_loop3A_367 : vector<16xi1>, vector<16xf32>
        %parallel_loop3A_415 = arith.constant 5 : i32
        %parallel_loop3A_416 = arith.addi %parallel_loop3A_170, %parallel_loop3A_415 : i32
        %parallel_loop3A_417 = vector.extract_strided_slice %parallel_loop3A_175 {offsets = [5], sizes = [1], strides = [1]} : vector<16xi32> to vector<1xi32>
        %parallel_loop3A_418 = vector.extract %parallel_loop3A_417[0] : i32 from vector<1xi32>
        %parallel_loop3A_419 = arith.constant 0 : i32
        %parallel_loop3A_420 = arith.constant 0 : i32
        %parallel_loop3A_421 = tpu.memref_slice %arg12[%parallel_loop3A_95, %parallel_loop3A_419, %parallel_loop3A_420] : memref<2x128x32xf32, #tpu.memory_space<vmem>> -> memref<1x128x32xf32, #tpu.memory_space<vmem>>
        %parallel_loop3A_422 = tpu.memref_squeeze %parallel_loop3A_421 : memref<1x128x32xf32, #tpu.memory_space<vmem>> -> memref<128x32xf32, #tpu.memory_space<vmem>>
        %parallel_loop3A_423 = arith.index_cast %parallel_loop3A_416 : i32 to index
        %parallel_loop3A_424 = arith.constant 0 : index
        %parallel_loop3A_425 = tpu.vector_load %parallel_loop3A_422[%parallel_loop3A_423, %parallel_loop3A_424] {strides = array<i32>} : memref<128x32xf32, #tpu.memory_space<vmem>>, vector<16xf32>,
        %parallel_loop3A_426 = arith.index_cast %parallel_loop3A_418 : i32 to index
        %parallel_loop3A_427 = arith.constant 0 : index
        %parallel_loop3A_428 = tpu.vector_load %arg10[%parallel_loop3A_426, %parallel_loop3A_427] {strides = array<i32>} : memref<201x32xf32, #tpu.memory_space<vmem>>, vector<16xf32>,
        %parallel_loop3A_429 = arith.addf %parallel_loop3A_425, %parallel_loop3A_428 : vector<16xf32>
        %parallel_loop3A_430 = arith.constant 0 : i32
        %parallel_loop3A_431 = arith.constant 0 : i32
        %parallel_loop3A_432 = tpu.memref_slice %arg12[%parallel_loop3A_95, %parallel_loop3A_430, %parallel_loop3A_431] : memref<2x128x32xf32, #tpu.memory_space<vmem>> -> memref<1x128x32xf32, #tpu.memory_space<vmem>>
        %parallel_loop3A_433 = tpu.memref_squeeze %parallel_loop3A_432 : memref<1x128x32xf32, #tpu.memory_space<vmem>> -> memref<128x32xf32, #tpu.memory_space<vmem>>
        %parallel_loop3A_434 = arith.index_cast %parallel_loop3A_416 : i32 to index
        %parallel_loop3A_435 = arith.constant 16 : index
        %parallel_loop3A_436 = tpu.vector_load %parallel_loop3A_433[%parallel_loop3A_434, %parallel_loop3A_435] {strides = array<i32>} : memref<128x32xf32, #tpu.memory_space<vmem>>, vector<16xf32>,
        %parallel_loop3A_437 = arith.index_cast %parallel_loop3A_418 : i32 to index
        %parallel_loop3A_438 = arith.constant 16 : index
        %parallel_loop3A_439 = tpu.vector_load %arg10[%parallel_loop3A_437, %parallel_loop3A_438] {strides = array<i32>} : memref<201x32xf32, #tpu.memory_space<vmem>>, vector<16xf32>,
        %parallel_loop3A_440 = arith.addf %parallel_loop3A_436, %parallel_loop3A_439 : vector<16xf32>
        %parallel_loop3A_441 = arith.addf %parallel_loop3A_429, %parallel_loop3A_440 : vector<16xf32>
        %parallel_loop3A_442 = arith.constant true
        %parallel_loop3A_443 = vector.broadcast %parallel_loop3A_442 : i1 to vector<16xi1>
        %parallel_loop3A_444 = tpu.scan <sum>, %parallel_loop3A_441 masked %parallel_loop3A_443 : vector<16xf32>, vector<16xi1> -> vector<16xf32>
        %parallel_loop3A_445 = arith.mulf %parallel_loop3A_429, %parallel_loop3A_429 : vector<16xf32>
        %parallel_loop3A_446 = arith.mulf %parallel_loop3A_440, %parallel_loop3A_440 : vector<16xf32>
        %parallel_loop3A_447 = arith.addf %parallel_loop3A_445, %parallel_loop3A_446 : vector<16xf32>
        %parallel_loop3A_448 = arith.constant true
        %parallel_loop3A_449 = vector.broadcast %parallel_loop3A_448 : i1 to vector<16xi1>
        %parallel_loop3A_450 = tpu.scan <sum>, %parallel_loop3A_447 masked %parallel_loop3A_449 : vector<16xf32>, vector<16xi1> -> vector<16xf32>
        %parallel_loop3A_451 = vector.extract_strided_slice %parallel_loop3A_444 {offsets = [15], sizes = [1], strides = [1]} : vector<16xf32> to vector<1xf32>
        %parallel_loop3A_452 = vector.extract %parallel_loop3A_451[0] : f32 from vector<1xf32>
        %parallel_loop3A_453 = vector.broadcast %parallel_loop3A_452 : f32 to vector<16xf32>
        %parallel_loop3A_454 = vector.extract_strided_slice %parallel_loop3A_450 {offsets = [15], sizes = [1], strides = [1]} : vector<16xf32> to vector<1xf32>
        %parallel_loop3A_455 = vector.extract %parallel_loop3A_454[0] : f32 from vector<1xf32>
        %parallel_loop3A_456 = vector.broadcast %parallel_loop3A_455 : f32 to vector<16xf32>
        %parallel_loop3A_457 = arith.constant 5 : i32
        %parallel_loop3A_458 = vector.broadcast %parallel_loop3A_457 : i32 to vector<16xi32>
        %parallel_loop3A_459 = arith.cmpi eq, %iota3A, %parallel_loop3A_458 : vector<16xi32>
        %parallel_loop3A_460 = arith.select %parallel_loop3A_459, %parallel_loop3A_453, %parallel_loop3A_413 : vector<16xi1>, vector<16xf32>
        %parallel_loop3A_461 = arith.select %parallel_loop3A_459, %parallel_loop3A_456, %parallel_loop3A_414 : vector<16xi1>, vector<16xf32>
        %parallel_loop3A_462 = arith.constant 6 : i32
        %parallel_loop3A_463 = arith.addi %parallel_loop3A_170, %parallel_loop3A_462 : i32
        %parallel_loop3A_464 = vector.extract_strided_slice %parallel_loop3A_175 {offsets = [6], sizes = [1], strides = [1]} : vector<16xi32> to vector<1xi32>
        %parallel_loop3A_465 = vector.extract %parallel_loop3A_464[0] : i32 from vector<1xi32>
        %parallel_loop3A_466 = arith.constant 0 : i32
        %parallel_loop3A_467 = arith.constant 0 : i32
        %parallel_loop3A_468 = tpu.memref_slice %arg12[%parallel_loop3A_95, %parallel_loop3A_466, %parallel_loop3A_467] : memref<2x128x32xf32, #tpu.memory_space<vmem>> -> memref<1x128x32xf32, #tpu.memory_space<vmem>>
        %parallel_loop3A_469 = tpu.memref_squeeze %parallel_loop3A_468 : memref<1x128x32xf32, #tpu.memory_space<vmem>> -> memref<128x32xf32, #tpu.memory_space<vmem>>
        %parallel_loop3A_470 = arith.index_cast %parallel_loop3A_463 : i32 to index
        %parallel_loop3A_471 = arith.constant 0 : index
        %parallel_loop3A_472 = tpu.vector_load %parallel_loop3A_469[%parallel_loop3A_470, %parallel_loop3A_471] {strides = array<i32>} : memref<128x32xf32, #tpu.memory_space<vmem>>, vector<16xf32>,
        %parallel_loop3A_473 = arith.index_cast %parallel_loop3A_465 : i32 to index
        %parallel_loop3A_474 = arith.constant 0 : index
        %parallel_loop3A_475 = tpu.vector_load %arg10[%parallel_loop3A_473, %parallel_loop3A_474] {strides = array<i32>} : memref<201x32xf32, #tpu.memory_space<vmem>>, vector<16xf32>,
        %parallel_loop3A_476 = arith.addf %parallel_loop3A_472, %parallel_loop3A_475 : vector<16xf32>
        %parallel_loop3A_477 = arith.constant 0 : i32
        %parallel_loop3A_478 = arith.constant 0 : i32
        %parallel_loop3A_479 = tpu.memref_slice %arg12[%parallel_loop3A_95, %parallel_loop3A_477, %parallel_loop3A_478] : memref<2x128x32xf32, #tpu.memory_space<vmem>> -> memref<1x128x32xf32, #tpu.memory_space<vmem>>
        %parallel_loop3A_480 = tpu.memref_squeeze %parallel_loop3A_479 : memref<1x128x32xf32, #tpu.memory_space<vmem>> -> memref<128x32xf32, #tpu.memory_space<vmem>>
        %parallel_loop3A_481 = arith.index_cast %parallel_loop3A_463 : i32 to index
        %parallel_loop3A_482 = arith.constant 16 : index
        %parallel_loop3A_483 = tpu.vector_load %parallel_loop3A_480[%parallel_loop3A_481, %parallel_loop3A_482] {strides = array<i32>} : memref<128x32xf32, #tpu.memory_space<vmem>>, vector<16xf32>,
        %parallel_loop3A_484 = arith.index_cast %parallel_loop3A_465 : i32 to index
        %parallel_loop3A_485 = arith.constant 16 : index
        %parallel_loop3A_486 = tpu.vector_load %arg10[%parallel_loop3A_484, %parallel_loop3A_485] {strides = array<i32>} : memref<201x32xf32, #tpu.memory_space<vmem>>, vector<16xf32>,
        %parallel_loop3A_487 = arith.addf %parallel_loop3A_483, %parallel_loop3A_486 : vector<16xf32>
        %parallel_loop3A_488 = arith.addf %parallel_loop3A_476, %parallel_loop3A_487 : vector<16xf32>
        %parallel_loop3A_489 = arith.constant true
        %parallel_loop3A_490 = vector.broadcast %parallel_loop3A_489 : i1 to vector<16xi1>
        %parallel_loop3A_491 = tpu.scan <sum>, %parallel_loop3A_488 masked %parallel_loop3A_490 : vector<16xf32>, vector<16xi1> -> vector<16xf32>
        %parallel_loop3A_492 = arith.mulf %parallel_loop3A_476, %parallel_loop3A_476 : vector<16xf32>
        %parallel_loop3A_493 = arith.mulf %parallel_loop3A_487, %parallel_loop3A_487 : vector<16xf32>
        %parallel_loop3A_494 = arith.addf %parallel_loop3A_492, %parallel_loop3A_493 : vector<16xf32>
        %parallel_loop3A_495 = arith.constant true
        %parallel_loop3A_496 = vector.broadcast %parallel_loop3A_495 : i1 to vector<16xi1>
        %parallel_loop3A_497 = tpu.scan <sum>, %parallel_loop3A_494 masked %parallel_loop3A_496 : vector<16xf32>, vector<16xi1> -> vector<16xf32>
        %parallel_loop3A_498 = vector.extract_strided_slice %parallel_loop3A_491 {offsets = [15], sizes = [1], strides = [1]} : vector<16xf32> to vector<1xf32>
        %parallel_loop3A_499 = vector.extract %parallel_loop3A_498[0] : f32 from vector<1xf32>
        %parallel_loop3A_500 = vector.broadcast %parallel_loop3A_499 : f32 to vector<16xf32>
        %parallel_loop3A_501 = vector.extract_strided_slice %parallel_loop3A_497 {offsets = [15], sizes = [1], strides = [1]} : vector<16xf32> to vector<1xf32>
        %parallel_loop3A_502 = vector.extract %parallel_loop3A_501[0] : f32 from vector<1xf32>
        %parallel_loop3A_503 = vector.broadcast %parallel_loop3A_502 : f32 to vector<16xf32>
        %parallel_loop3A_504 = arith.constant 6 : i32
        %parallel_loop3A_505 = vector.broadcast %parallel_loop3A_504 : i32 to vector<16xi32>
        %parallel_loop3A_506 = arith.cmpi eq, %iota3A, %parallel_loop3A_505 : vector<16xi32>
        %parallel_loop3A_507 = arith.select %parallel_loop3A_506, %parallel_loop3A_500, %parallel_loop3A_460 : vector<16xi1>, vector<16xf32>
        %parallel_loop3A_508 = arith.select %parallel_loop3A_506, %parallel_loop3A_503, %parallel_loop3A_461 : vector<16xi1>, vector<16xf32>
        %parallel_loop3A_509 = arith.constant 7 : i32
        %parallel_loop3A_510 = arith.addi %parallel_loop3A_170, %parallel_loop3A_509 : i32
        %parallel_loop3A_511 = vector.extract_strided_slice %parallel_loop3A_175 {offsets = [7], sizes = [1], strides = [1]} : vector<16xi32> to vector<1xi32>
        %parallel_loop3A_512 = vector.extract %parallel_loop3A_511[0] : i32 from vector<1xi32>
        %parallel_loop3A_513 = arith.constant 0 : i32
        %parallel_loop3A_514 = arith.constant 0 : i32
        %parallel_loop3A_515 = tpu.memref_slice %arg12[%parallel_loop3A_95, %parallel_loop3A_513, %parallel_loop3A_514] : memref<2x128x32xf32, #tpu.memory_space<vmem>> -> memref<1x128x32xf32, #tpu.memory_space<vmem>>
        %parallel_loop3A_516 = tpu.memref_squeeze %parallel_loop3A_515 : memref<1x128x32xf32, #tpu.memory_space<vmem>> -> memref<128x32xf32, #tpu.memory_space<vmem>>
        %parallel_loop3A_517 = arith.index_cast %parallel_loop3A_510 : i32 to index
        %parallel_loop3A_518 = arith.constant 0 : index
        %parallel_loop3A_519 = tpu.vector_load %parallel_loop3A_516[%parallel_loop3A_517, %parallel_loop3A_518] {strides = array<i32>} : memref<128x32xf32, #tpu.memory_space<vmem>>, vector<16xf32>,
        %parallel_loop3A_520 = arith.index_cast %parallel_loop3A_512 : i32 to index
        %parallel_loop3A_521 = arith.constant 0 : index
        %parallel_loop3A_522 = tpu.vector_load %arg10[%parallel_loop3A_520, %parallel_loop3A_521] {strides = array<i32>} : memref<201x32xf32, #tpu.memory_space<vmem>>, vector<16xf32>,
        %parallel_loop3A_523 = arith.addf %parallel_loop3A_519, %parallel_loop3A_522 : vector<16xf32>
        %parallel_loop3A_524 = arith.constant 0 : i32
        %parallel_loop3A_525 = arith.constant 0 : i32
        %parallel_loop3A_526 = tpu.memref_slice %arg12[%parallel_loop3A_95, %parallel_loop3A_524, %parallel_loop3A_525] : memref<2x128x32xf32, #tpu.memory_space<vmem>> -> memref<1x128x32xf32, #tpu.memory_space<vmem>>
        %parallel_loop3A_527 = tpu.memref_squeeze %parallel_loop3A_526 : memref<1x128x32xf32, #tpu.memory_space<vmem>> -> memref<128x32xf32, #tpu.memory_space<vmem>>
        %parallel_loop3A_528 = arith.index_cast %parallel_loop3A_510 : i32 to index
        %parallel_loop3A_529 = arith.constant 16 : index
        %parallel_loop3A_530 = tpu.vector_load %parallel_loop3A_527[%parallel_loop3A_528, %parallel_loop3A_529] {strides = array<i32>} : memref<128x32xf32, #tpu.memory_space<vmem>>, vector<16xf32>,
        %parallel_loop3A_531 = arith.index_cast %parallel_loop3A_512 : i32 to index
        %parallel_loop3A_532 = arith.constant 16 : index
        %parallel_loop3A_533 = tpu.vector_load %arg10[%parallel_loop3A_531, %parallel_loop3A_532] {strides = array<i32>} : memref<201x32xf32, #tpu.memory_space<vmem>>, vector<16xf32>,
        %parallel_loop3A_534 = arith.addf %parallel_loop3A_530, %parallel_loop3A_533 : vector<16xf32>
        %parallel_loop3A_535 = arith.addf %parallel_loop3A_523, %parallel_loop3A_534 : vector<16xf32>
        %parallel_loop3A_536 = arith.constant true
        %parallel_loop3A_537 = vector.broadcast %parallel_loop3A_536 : i1 to vector<16xi1>
        %parallel_loop3A_538 = tpu.scan <sum>, %parallel_loop3A_535 masked %parallel_loop3A_537 : vector<16xf32>, vector<16xi1> -> vector<16xf32>
        %parallel_loop3A_539 = arith.mulf %parallel_loop3A_523, %parallel_loop3A_523 : vector<16xf32>
        %parallel_loop3A_540 = arith.mulf %parallel_loop3A_534, %parallel_loop3A_534 : vector<16xf32>
        %parallel_loop3A_541 = arith.addf %parallel_loop3A_539, %parallel_loop3A_540 : vector<16xf32>
        %parallel_loop3A_542 = arith.constant true
        %parallel_loop3A_543 = vector.broadcast %parallel_loop3A_542 : i1 to vector<16xi1>
        %parallel_loop3A_544 = tpu.scan <sum>, %parallel_loop3A_541 masked %parallel_loop3A_543 : vector<16xf32>, vector<16xi1> -> vector<16xf32>
        %parallel_loop3A_545 = vector.extract_strided_slice %parallel_loop3A_538 {offsets = [15], sizes = [1], strides = [1]} : vector<16xf32> to vector<1xf32>
        %parallel_loop3A_546 = vector.extract %parallel_loop3A_545[0] : f32 from vector<1xf32>
        %parallel_loop3A_547 = vector.broadcast %parallel_loop3A_546 : f32 to vector<16xf32>
        %parallel_loop3A_548 = vector.extract_strided_slice %parallel_loop3A_544 {offsets = [15], sizes = [1], strides = [1]} : vector<16xf32> to vector<1xf32>
        %parallel_loop3A_549 = vector.extract %parallel_loop3A_548[0] : f32 from vector<1xf32>
        %parallel_loop3A_550 = vector.broadcast %parallel_loop3A_549 : f32 to vector<16xf32>
        %parallel_loop3A_551 = arith.constant 7 : i32
        %parallel_loop3A_552 = vector.broadcast %parallel_loop3A_551 : i32 to vector<16xi32>
        %parallel_loop3A_553 = arith.cmpi eq, %iota3A, %parallel_loop3A_552 : vector<16xi32>
        %parallel_loop3A_554 = arith.select %parallel_loop3A_553, %parallel_loop3A_547, %parallel_loop3A_507 : vector<16xi1>, vector<16xf32>
        %parallel_loop3A_555 = arith.select %parallel_loop3A_553, %parallel_loop3A_550, %parallel_loop3A_508 : vector<16xi1>, vector<16xf32>
        %parallel_loop3A_556 = arith.constant 3.125000e-02 : f32
        %parallel_loop3A_557 = vector.broadcast %parallel_loop3A_556 : f32 to vector<16xf32>
        %parallel_loop3A_558 = arith.mulf %parallel_loop3A_554, %parallel_loop3A_557 : vector<16xf32>
        %parallel_loop3A_559 = arith.constant 3.125000e-02 : f32
        %parallel_loop3A_560 = vector.broadcast %parallel_loop3A_559 : f32 to vector<16xf32>
        %parallel_loop3A_561 = arith.mulf %parallel_loop3A_555, %parallel_loop3A_560 : vector<16xf32>
        %parallel_loop3A_562 = arith.mulf %parallel_loop3A_558, %parallel_loop3A_558 : vector<16xf32>
        %parallel_loop3A_563 = arith.subf %parallel_loop3A_561, %parallel_loop3A_562 : vector<16xf32>
        %parallel_loop3A_564 = arith.constant 9.99999974E-6 : f32
        %parallel_loop3A_565 = vector.broadcast %parallel_loop3A_564 : f32 to vector<16xf32>
        %parallel_loop3A_566 = arith.addf %parallel_loop3A_563, %parallel_loop3A_565 : vector<16xf32>
        %parallel_loop3A_567 = vector.bitcast %parallel_loop3A_566 : vector<16xf32> to vector<16xi32>
        %parallel_loop3A_568 = arith.constant 1 : i32
        %parallel_loop3A_569 = vector.broadcast %parallel_loop3A_568 : i32 to vector<16xi32>
        %parallel_loop3A_570 = arith.shrsi %parallel_loop3A_567, %parallel_loop3A_569 : vector<16xi32>
        %parallel_loop3A_571 = arith.constant 1597463007 : i32
        %parallel_loop3A_572 = vector.broadcast %parallel_loop3A_571 : i32 to vector<16xi32>
        %parallel_loop3A_573 = arith.subi %parallel_loop3A_572, %parallel_loop3A_570 : vector<16xi32>
        %parallel_loop3A_574 = vector.bitcast %parallel_loop3A_573 : vector<16xi32> to vector<16xf32>
        %parallel_loop3A_575 = arith.constant 5.000000e-01 : f32
        %parallel_loop3A_576 = vector.broadcast %parallel_loop3A_575 : f32 to vector<16xf32>
        %parallel_loop3A_577 = arith.mulf %parallel_loop3A_576, %parallel_loop3A_566 : vector<16xf32>
        %parallel_loop3A_578 = arith.mulf %parallel_loop3A_577, %parallel_loop3A_574 : vector<16xf32>
        %parallel_loop3A_579 = arith.mulf %parallel_loop3A_578, %parallel_loop3A_574 : vector<16xf32>
        %parallel_loop3A_580 = arith.constant 1.500000e+00 : f32
        %parallel_loop3A_581 = vector.broadcast %parallel_loop3A_580 : f32 to vector<16xf32>
        %parallel_loop3A_582 = arith.subf %parallel_loop3A_581, %parallel_loop3A_579 : vector<16xf32>
        %parallel_loop3A_583 = arith.mulf %parallel_loop3A_574, %parallel_loop3A_582 : vector<16xf32>
        %parallel_loop3A_584 = arith.constant 5.000000e-01 : f32
        %parallel_loop3A_585 = vector.broadcast %parallel_loop3A_584 : f32 to vector<16xf32>
        %parallel_loop3A_586 = arith.mulf %parallel_loop3A_585, %parallel_loop3A_566 : vector<16xf32>
        %parallel_loop3A_587 = arith.mulf %parallel_loop3A_586, %parallel_loop3A_583 : vector<16xf32>
        %parallel_loop3A_588 = arith.mulf %parallel_loop3A_587, %parallel_loop3A_583 : vector<16xf32>
        %parallel_loop3A_589 = arith.constant 1.500000e+00 : f32
        %parallel_loop3A_590 = vector.broadcast %parallel_loop3A_589 : f32 to vector<16xf32>
        %parallel_loop3A_591 = arith.subf %parallel_loop3A_590, %parallel_loop3A_588 : vector<16xf32>
        %parallel_loop3A_592 = arith.mulf %parallel_loop3A_583, %parallel_loop3A_591 : vector<16xf32>
        %parallel_loop3A_593 = arith.constant 5.000000e-01 : f32
        %parallel_loop3A_594 = vector.broadcast %parallel_loop3A_593 : f32 to vector<16xf32>
        %parallel_loop3A_595 = arith.mulf %parallel_loop3A_594, %parallel_loop3A_566 : vector<16xf32>
        %parallel_loop3A_596 = arith.mulf %parallel_loop3A_595, %parallel_loop3A_592 : vector<16xf32>
        %parallel_loop3A_597 = arith.mulf %parallel_loop3A_596, %parallel_loop3A_592 : vector<16xf32>
        %parallel_loop3A_598 = arith.constant 1.500000e+00 : f32
        %parallel_loop3A_599 = vector.broadcast %parallel_loop3A_598 : f32 to vector<16xf32>
        %parallel_loop3A_600 = arith.subf %parallel_loop3A_599, %parallel_loop3A_597 : vector<16xf32>
        %parallel_loop3A_601 = arith.mulf %parallel_loop3A_592, %parallel_loop3A_600 : vector<16xf32>
        %parallel_loop3A_602 = vector.extract_strided_slice %parallel_loop3A_558 {offsets = [0], sizes = [1], strides = [1]} : vector<16xf32> to vector<1xf32>
        %parallel_loop3A_603 = vector.extract %parallel_loop3A_602[0] : f32 from vector<1xf32>
        %parallel_loop3A_604 = vector.broadcast %parallel_loop3A_603 : f32 to vector<16xf32>
        %parallel_loop3A_605 = vector.extract_strided_slice %parallel_loop3A_601 {offsets = [0], sizes = [1], strides = [1]} : vector<16xf32> to vector<1xf32>
        %parallel_loop3A_606 = vector.extract %parallel_loop3A_605[0] : f32 from vector<1xf32>
        %parallel_loop3A_607 = vector.broadcast %parallel_loop3A_606 : f32 to vector<16xf32>
        %parallel_loop3A_608 = arith.subf %parallel_loop3A_194, %parallel_loop3A_604 : vector<16xf32>
        %parallel_loop3A_609 = arith.mulf %parallel_loop3A_608, %parallel_loop3A_607 : vector<16xf32>
        %parallel_loop3A_610 = arith.mulf %parallel_loop3A_609, %get3A_5 : vector<16xf32>
        %parallel_loop3A_611 = arith.addf %parallel_loop3A_610, %get3A_13 : vector<16xf32>
        %parallel_loop3A_612 = arith.constant 0 : i32
        %parallel_loop3A_613 = arith.constant 0 : i32
        %parallel_loop3A_614 = tpu.memref_slice %arg13[%parallel_loop3A_96, %parallel_loop3A_612, %parallel_loop3A_613] : memref<2x128x32xf32, #tpu.memory_space<vmem>> -> memref<1x128x32xf32, #tpu.memory_space<vmem>>
        %parallel_loop3A_615 = tpu.memref_squeeze %parallel_loop3A_614 : memref<1x128x32xf32, #tpu.memory_space<vmem>> -> memref<128x32xf32, #tpu.memory_space<vmem>>
        %parallel_loop3A_616 = arith.index_cast %parallel_loop3A_181 : i32 to index
        %parallel_loop3A_617 = arith.constant 0 : index
        %parallel_loop3A_618 = tpu.vector_load %parallel_loop3A_615[%parallel_loop3A_616, %parallel_loop3A_617] {strides = array<i32>} : memref<128x32xf32, #tpu.memory_space<vmem>>, vector<16xf32>,
        tpu.vector_store %parallel_loop3A_615[%parallel_loop3A_616, %parallel_loop3A_617], %parallel_loop3A_611 {strides = array<i32>} : memref<128x32xf32, #tpu.memory_space<vmem>>, vector<16xf32>,
        %parallel_loop3A_619 = arith.subf %parallel_loop3A_205, %parallel_loop3A_604 : vector<16xf32>
        %parallel_loop3A_620 = arith.mulf %parallel_loop3A_619, %parallel_loop3A_607 : vector<16xf32>
        %parallel_loop3A_621 = arith.mulf %parallel_loop3A_620, %get3A_9 : vector<16xf32>
        %parallel_loop3A_622 = arith.addf %parallel_loop3A_621, %get3A_17 : vector<16xf32>
        %parallel_loop3A_623 = arith.constant 0 : i32
        %parallel_loop3A_624 = arith.constant 0 : i32
        %parallel_loop3A_625 = tpu.memref_slice %arg13[%parallel_loop3A_96, %parallel_loop3A_623, %parallel_loop3A_624] : memref<2x128x32xf32, #tpu.memory_space<vmem>> -> memref<1x128x32xf32, #tpu.memory_space<vmem>>
        %parallel_loop3A_626 = tpu.memref_squeeze %parallel_loop3A_625 : memref<1x128x32xf32, #tpu.memory_space<vmem>> -> memref<128x32xf32, #tpu.memory_space<vmem>>
        %parallel_loop3A_627 = arith.index_cast %parallel_loop3A_181 : i32 to index
        %parallel_loop3A_628 = arith.constant 16 : index
        %parallel_loop3A_629 = tpu.vector_load %parallel_loop3A_626[%parallel_loop3A_627, %parallel_loop3A_628] {strides = array<i32>} : memref<128x32xf32, #tpu.memory_space<vmem>>, vector<16xf32>,
        tpu.vector_store %parallel_loop3A_626[%parallel_loop3A_627, %parallel_loop3A_628], %parallel_loop3A_622 {strides = array<i32>} : memref<128x32xf32, #tpu.memory_space<vmem>>, vector<16xf32>,
        %parallel_loop3A_630 = vector.extract_strided_slice %parallel_loop3A_558 {offsets = [1], sizes = [1], strides = [1]} : vector<16xf32> to vector<1xf32>
        %parallel_loop3A_631 = vector.extract %parallel_loop3A_630[0] : f32 from vector<1xf32>
        %parallel_loop3A_632 = vector.broadcast %parallel_loop3A_631 : f32 to vector<16xf32>
        %parallel_loop3A_633 = vector.extract_strided_slice %parallel_loop3A_601 {offsets = [1], sizes = [1], strides = [1]} : vector<16xf32> to vector<1xf32>
        %parallel_loop3A_634 = vector.extract %parallel_loop3A_633[0] : f32 from vector<1xf32>
        %parallel_loop3A_635 = vector.broadcast %parallel_loop3A_634 : f32 to vector<16xf32>
        %parallel_loop3A_636 = arith.subf %parallel_loop3A_241, %parallel_loop3A_632 : vector<16xf32>
        %parallel_loop3A_637 = arith.mulf %parallel_loop3A_636, %parallel_loop3A_635 : vector<16xf32>
        %parallel_loop3A_638 = arith.mulf %parallel_loop3A_637, %get3A_5 : vector<16xf32>
        %parallel_loop3A_639 = arith.addf %parallel_loop3A_638, %get3A_13 : vector<16xf32>
        %parallel_loop3A_640 = arith.constant 0 : i32
        %parallel_loop3A_641 = arith.constant 0 : i32
        %parallel_loop3A_642 = tpu.memref_slice %arg13[%parallel_loop3A_96, %parallel_loop3A_640, %parallel_loop3A_641] : memref<2x128x32xf32, #tpu.memory_space<vmem>> -> memref<1x128x32xf32, #tpu.memory_space<vmem>>
        %parallel_loop3A_643 = tpu.memref_squeeze %parallel_loop3A_642 : memref<1x128x32xf32, #tpu.memory_space<vmem>> -> memref<128x32xf32, #tpu.memory_space<vmem>>
        %parallel_loop3A_644 = arith.index_cast %parallel_loop3A_228 : i32 to index
        %parallel_loop3A_645 = arith.constant 0 : index
        %parallel_loop3A_646 = tpu.vector_load %parallel_loop3A_643[%parallel_loop3A_644, %parallel_loop3A_645] {strides = array<i32>} : memref<128x32xf32, #tpu.memory_space<vmem>>, vector<16xf32>,
        tpu.vector_store %parallel_loop3A_643[%parallel_loop3A_644, %parallel_loop3A_645], %parallel_loop3A_639 {strides = array<i32>} : memref<128x32xf32, #tpu.memory_space<vmem>>, vector<16xf32>,
        %parallel_loop3A_647 = arith.subf %parallel_loop3A_252, %parallel_loop3A_632 : vector<16xf32>
        %parallel_loop3A_648 = arith.mulf %parallel_loop3A_647, %parallel_loop3A_635 : vector<16xf32>
        %parallel_loop3A_649 = arith.mulf %parallel_loop3A_648, %get3A_9 : vector<16xf32>
        %parallel_loop3A_650 = arith.addf %parallel_loop3A_649, %get3A_17 : vector<16xf32>
        %parallel_loop3A_651 = arith.constant 0 : i32
        %parallel_loop3A_652 = arith.constant 0 : i32
        %parallel_loop3A_653 = tpu.memref_slice %arg13[%parallel_loop3A_96, %parallel_loop3A_651, %parallel_loop3A_652] : memref<2x128x32xf32, #tpu.memory_space<vmem>> -> memref<1x128x32xf32, #tpu.memory_space<vmem>>
        %parallel_loop3A_654 = tpu.memref_squeeze %parallel_loop3A_653 : memref<1x128x32xf32, #tpu.memory_space<vmem>> -> memref<128x32xf32, #tpu.memory_space<vmem>>
        %parallel_loop3A_655 = arith.index_cast %parallel_loop3A_228 : i32 to index
        %parallel_loop3A_656 = arith.constant 16 : index
        %parallel_loop3A_657 = tpu.vector_load %parallel_loop3A_654[%parallel_loop3A_655, %parallel_loop3A_656] {strides = array<i32>} : memref<128x32xf32, #tpu.memory_space<vmem>>, vector<16xf32>,
        tpu.vector_store %parallel_loop3A_654[%parallel_loop3A_655, %parallel_loop3A_656], %parallel_loop3A_650 {strides = array<i32>} : memref<128x32xf32, #tpu.memory_space<vmem>>, vector<16xf32>,
        %parallel_loop3A_658 = vector.extract_strided_slice %parallel_loop3A_558 {offsets = [2], sizes = [1], strides = [1]} : vector<16xf32> to vector<1xf32>
        %parallel_loop3A_659 = vector.extract %parallel_loop3A_658[0] : f32 from vector<1xf32>
        %parallel_loop3A_660 = vector.broadcast %parallel_loop3A_659 : f32 to vector<16xf32>
        %parallel_loop3A_661 = vector.extract_strided_slice %parallel_loop3A_601 {offsets = [2], sizes = [1], strides = [1]} : vector<16xf32> to vector<1xf32>
        %parallel_loop3A_662 = vector.extract %parallel_loop3A_661[0] : f32 from vector<1xf32>
        %parallel_loop3A_663 = vector.broadcast %parallel_loop3A_662 : f32 to vector<16xf32>
        %parallel_loop3A_664 = arith.subf %parallel_loop3A_288, %parallel_loop3A_660 : vector<16xf32>
        %parallel_loop3A_665 = arith.mulf %parallel_loop3A_664, %parallel_loop3A_663 : vector<16xf32>
        %parallel_loop3A_666 = arith.mulf %parallel_loop3A_665, %get3A_5 : vector<16xf32>
        %parallel_loop3A_667 = arith.addf %parallel_loop3A_666, %get3A_13 : vector<16xf32>
        %parallel_loop3A_668 = arith.constant 0 : i32
        %parallel_loop3A_669 = arith.constant 0 : i32
        %parallel_loop3A_670 = tpu.memref_slice %arg13[%parallel_loop3A_96, %parallel_loop3A_668, %parallel_loop3A_669] : memref<2x128x32xf32, #tpu.memory_space<vmem>> -> memref<1x128x32xf32, #tpu.memory_space<vmem>>
        %parallel_loop3A_671 = tpu.memref_squeeze %parallel_loop3A_670 : memref<1x128x32xf32, #tpu.memory_space<vmem>> -> memref<128x32xf32, #tpu.memory_space<vmem>>
        %parallel_loop3A_672 = arith.index_cast %parallel_loop3A_275 : i32 to index
        %parallel_loop3A_673 = arith.constant 0 : index
        %parallel_loop3A_674 = tpu.vector_load %parallel_loop3A_671[%parallel_loop3A_672, %parallel_loop3A_673] {strides = array<i32>} : memref<128x32xf32, #tpu.memory_space<vmem>>, vector<16xf32>,
        tpu.vector_store %parallel_loop3A_671[%parallel_loop3A_672, %parallel_loop3A_673], %parallel_loop3A_667 {strides = array<i32>} : memref<128x32xf32, #tpu.memory_space<vmem>>, vector<16xf32>,
        %parallel_loop3A_675 = arith.subf %parallel_loop3A_299, %parallel_loop3A_660 : vector<16xf32>
        %parallel_loop3A_676 = arith.mulf %parallel_loop3A_675, %parallel_loop3A_663 : vector<16xf32>
        %parallel_loop3A_677 = arith.mulf %parallel_loop3A_676, %get3A_9 : vector<16xf32>
        %parallel_loop3A_678 = arith.addf %parallel_loop3A_677, %get3A_17 : vector<16xf32>
        %parallel_loop3A_679 = arith.constant 0 : i32
        %parallel_loop3A_680 = arith.constant 0 : i32
        %parallel_loop3A_681 = tpu.memref_slice %arg13[%parallel_loop3A_96, %parallel_loop3A_679, %parallel_loop3A_680] : memref<2x128x32xf32, #tpu.memory_space<vmem>> -> memref<1x128x32xf32, #tpu.memory_space<vmem>>
        %parallel_loop3A_682 = tpu.memref_squeeze %parallel_loop3A_681 : memref<1x128x32xf32, #tpu.memory_space<vmem>> -> memref<128x32xf32, #tpu.memory_space<vmem>>
        %parallel_loop3A_683 = arith.index_cast %parallel_loop3A_275 : i32 to index
        %parallel_loop3A_684 = arith.constant 16 : index
        %parallel_loop3A_685 = tpu.vector_load %parallel_loop3A_682[%parallel_loop3A_683, %parallel_loop3A_684] {strides = array<i32>} : memref<128x32xf32, #tpu.memory_space<vmem>>, vector<16xf32>,
        tpu.vector_store %parallel_loop3A_682[%parallel_loop3A_683, %parallel_loop3A_684], %parallel_loop3A_678 {strides = array<i32>} : memref<128x32xf32, #tpu.memory_space<vmem>>, vector<16xf32>,
        %parallel_loop3A_686 = vector.extract_strided_slice %parallel_loop3A_558 {offsets = [3], sizes = [1], strides = [1]} : vector<16xf32> to vector<1xf32>
        %parallel_loop3A_687 = vector.extract %parallel_loop3A_686[0] : f32 from vector<1xf32>
        %parallel_loop3A_688 = vector.broadcast %parallel_loop3A_687 : f32 to vector<16xf32>
        %parallel_loop3A_689 = vector.extract_strided_slice %parallel_loop3A_601 {offsets = [3], sizes = [1], strides = [1]} : vector<16xf32> to vector<1xf32>
        %parallel_loop3A_690 = vector.extract %parallel_loop3A_689[0] : f32 from vector<1xf32>
        %parallel_loop3A_691 = vector.broadcast %parallel_loop3A_690 : f32 to vector<16xf32>
        %parallel_loop3A_692 = arith.subf %parallel_loop3A_335, %parallel_loop3A_688 : vector<16xf32>
        %parallel_loop3A_693 = arith.mulf %parallel_loop3A_692, %parallel_loop3A_691 : vector<16xf32>
        %parallel_loop3A_694 = arith.mulf %parallel_loop3A_693, %get3A_5 : vector<16xf32>
        %parallel_loop3A_695 = arith.addf %parallel_loop3A_694, %get3A_13 : vector<16xf32>
        %parallel_loop3A_696 = arith.constant 0 : i32
        %parallel_loop3A_697 = arith.constant 0 : i32
        %parallel_loop3A_698 = tpu.memref_slice %arg13[%parallel_loop3A_96, %parallel_loop3A_696, %parallel_loop3A_697] : memref<2x128x32xf32, #tpu.memory_space<vmem>> -> memref<1x128x32xf32, #tpu.memory_space<vmem>>
        %parallel_loop3A_699 = tpu.memref_squeeze %parallel_loop3A_698 : memref<1x128x32xf32, #tpu.memory_space<vmem>> -> memref<128x32xf32, #tpu.memory_space<vmem>>
        %parallel_loop3A_700 = arith.index_cast %parallel_loop3A_322 : i32 to index
        %parallel_loop3A_701 = arith.constant 0 : index
        %parallel_loop3A_702 = tpu.vector_load %parallel_loop3A_699[%parallel_loop3A_700, %parallel_loop3A_701] {strides = array<i32>} : memref<128x32xf32, #tpu.memory_space<vmem>>, vector<16xf32>,
        tpu.vector_store %parallel_loop3A_699[%parallel_loop3A_700, %parallel_loop3A_701], %parallel_loop3A_695 {strides = array<i32>} : memref<128x32xf32, #tpu.memory_space<vmem>>, vector<16xf32>,
        %parallel_loop3A_703 = arith.subf %parallel_loop3A_346, %parallel_loop3A_688 : vector<16xf32>
        %parallel_loop3A_704 = arith.mulf %parallel_loop3A_703, %parallel_loop3A_691 : vector<16xf32>
        %parallel_loop3A_705 = arith.mulf %parallel_loop3A_704, %get3A_9 : vector<16xf32>
        %parallel_loop3A_706 = arith.addf %parallel_loop3A_705, %get3A_17 : vector<16xf32>
        %parallel_loop3A_707 = arith.constant 0 : i32
        %parallel_loop3A_708 = arith.constant 0 : i32
        %parallel_loop3A_709 = tpu.memref_slice %arg13[%parallel_loop3A_96, %parallel_loop3A_707, %parallel_loop3A_708] : memref<2x128x32xf32, #tpu.memory_space<vmem>> -> memref<1x128x32xf32, #tpu.memory_space<vmem>>
        %parallel_loop3A_710 = tpu.memref_squeeze %parallel_loop3A_709 : memref<1x128x32xf32, #tpu.memory_space<vmem>> -> memref<128x32xf32, #tpu.memory_space<vmem>>
        %parallel_loop3A_711 = arith.index_cast %parallel_loop3A_322 : i32 to index
        %parallel_loop3A_712 = arith.constant 16 : index
        %parallel_loop3A_713 = tpu.vector_load %parallel_loop3A_710[%parallel_loop3A_711, %parallel_loop3A_712] {strides = array<i32>} : memref<128x32xf32, #tpu.memory_space<vmem>>, vector<16xf32>,
        tpu.vector_store %parallel_loop3A_710[%parallel_loop3A_711, %parallel_loop3A_712], %parallel_loop3A_706 {strides = array<i32>} : memref<128x32xf32, #tpu.memory_space<vmem>>, vector<16xf32>,
        %parallel_loop3A_714 = vector.extract_strided_slice %parallel_loop3A_558 {offsets = [4], sizes = [1], strides = [1]} : vector<16xf32> to vector<1xf32>
        %parallel_loop3A_715 = vector.extract %parallel_loop3A_714[0] : f32 from vector<1xf32>
        %parallel_loop3A_716 = vector.broadcast %parallel_loop3A_715 : f32 to vector<16xf32>
        %parallel_loop3A_717 = vector.extract_strided_slice %parallel_loop3A_601 {offsets = [4], sizes = [1], strides = [1]} : vector<16xf32> to vector<1xf32>
        %parallel_loop3A_718 = vector.extract %parallel_loop3A_717[0] : f32 from vector<1xf32>
        %parallel_loop3A_719 = vector.broadcast %parallel_loop3A_718 : f32 to vector<16xf32>
        %parallel_loop3A_720 = arith.subf %parallel_loop3A_382, %parallel_loop3A_716 : vector<16xf32>
        %parallel_loop3A_721 = arith.mulf %parallel_loop3A_720, %parallel_loop3A_719 : vector<16xf32>
        %parallel_loop3A_722 = arith.mulf %parallel_loop3A_721, %get3A_5 : vector<16xf32>
        %parallel_loop3A_723 = arith.addf %parallel_loop3A_722, %get3A_13 : vector<16xf32>
        %parallel_loop3A_724 = arith.constant 0 : i32
        %parallel_loop3A_725 = arith.constant 0 : i32
        %parallel_loop3A_726 = tpu.memref_slice %arg13[%parallel_loop3A_96, %parallel_loop3A_724, %parallel_loop3A_725] : memref<2x128x32xf32, #tpu.memory_space<vmem>> -> memref<1x128x32xf32, #tpu.memory_space<vmem>>
        %parallel_loop3A_727 = tpu.memref_squeeze %parallel_loop3A_726 : memref<1x128x32xf32, #tpu.memory_space<vmem>> -> memref<128x32xf32, #tpu.memory_space<vmem>>
        %parallel_loop3A_728 = arith.index_cast %parallel_loop3A_369 : i32 to index
        %parallel_loop3A_729 = arith.constant 0 : index
        %parallel_loop3A_730 = tpu.vector_load %parallel_loop3A_727[%parallel_loop3A_728, %parallel_loop3A_729] {strides = array<i32>} : memref<128x32xf32, #tpu.memory_space<vmem>>, vector<16xf32>,
        tpu.vector_store %parallel_loop3A_727[%parallel_loop3A_728, %parallel_loop3A_729], %parallel_loop3A_723 {strides = array<i32>} : memref<128x32xf32, #tpu.memory_space<vmem>>, vector<16xf32>,
        %parallel_loop3A_731 = arith.subf %parallel_loop3A_393, %parallel_loop3A_716 : vector<16xf32>
        %parallel_loop3A_732 = arith.mulf %parallel_loop3A_731, %parallel_loop3A_719 : vector<16xf32>
        %parallel_loop3A_733 = arith.mulf %parallel_loop3A_732, %get3A_9 : vector<16xf32>
        %parallel_loop3A_734 = arith.addf %parallel_loop3A_733, %get3A_17 : vector<16xf32>
        %parallel_loop3A_735 = arith.constant 0 : i32
        %parallel_loop3A_736 = arith.constant 0 : i32
        %parallel_loop3A_737 = tpu.memref_slice %arg13[%parallel_loop3A_96, %parallel_loop3A_735, %parallel_loop3A_736] : memref<2x128x32xf32, #tpu.memory_space<vmem>> -> memref<1x128x32xf32, #tpu.memory_space<vmem>>
        %parallel_loop3A_738 = tpu.memref_squeeze %parallel_loop3A_737 : memref<1x128x32xf32, #tpu.memory_space<vmem>> -> memref<128x32xf32, #tpu.memory_space<vmem>>
        %parallel_loop3A_739 = arith.index_cast %parallel_loop3A_369 : i32 to index
        %parallel_loop3A_740 = arith.constant 16 : index
        %parallel_loop3A_741 = tpu.vector_load %parallel_loop3A_738[%parallel_loop3A_739, %parallel_loop3A_740] {strides = array<i32>} : memref<128x32xf32, #tpu.memory_space<vmem>>, vector<16xf32>,
        tpu.vector_store %parallel_loop3A_738[%parallel_loop3A_739, %parallel_loop3A_740], %parallel_loop3A_734 {strides = array<i32>} : memref<128x32xf32, #tpu.memory_space<vmem>>, vector<16xf32>,
        %parallel_loop3A_742 = vector.extract_strided_slice %parallel_loop3A_558 {offsets = [5], sizes = [1], strides = [1]} : vector<16xf32> to vector<1xf32>
        %parallel_loop3A_743 = vector.extract %parallel_loop3A_742[0] : f32 from vector<1xf32>
        %parallel_loop3A_744 = vector.broadcast %parallel_loop3A_743 : f32 to vector<16xf32>
        %parallel_loop3A_745 = vector.extract_strided_slice %parallel_loop3A_601 {offsets = [5], sizes = [1], strides = [1]} : vector<16xf32> to vector<1xf32>
        %parallel_loop3A_746 = vector.extract %parallel_loop3A_745[0] : f32 from vector<1xf32>
        %parallel_loop3A_747 = vector.broadcast %parallel_loop3A_746 : f32 to vector<16xf32>
        %parallel_loop3A_748 = arith.subf %parallel_loop3A_429, %parallel_loop3A_744 : vector<16xf32>
        %parallel_loop3A_749 = arith.mulf %parallel_loop3A_748, %parallel_loop3A_747 : vector<16xf32>
        %parallel_loop3A_750 = arith.mulf %parallel_loop3A_749, %get3A_5 : vector<16xf32>
        %parallel_loop3A_751 = arith.addf %parallel_loop3A_750, %get3A_13 : vector<16xf32>
        %parallel_loop3A_752 = arith.constant 0 : i32
        %parallel_loop3A_753 = arith.constant 0 : i32
        %parallel_loop3A_754 = tpu.memref_slice %arg13[%parallel_loop3A_96, %parallel_loop3A_752, %parallel_loop3A_753] : memref<2x128x32xf32, #tpu.memory_space<vmem>> -> memref<1x128x32xf32, #tpu.memory_space<vmem>>
        %parallel_loop3A_755 = tpu.memref_squeeze %parallel_loop3A_754 : memref<1x128x32xf32, #tpu.memory_space<vmem>> -> memref<128x32xf32, #tpu.memory_space<vmem>>
        %parallel_loop3A_756 = arith.index_cast %parallel_loop3A_416 : i32 to index
        %parallel_loop3A_757 = arith.constant 0 : index
        %parallel_loop3A_758 = tpu.vector_load %parallel_loop3A_755[%parallel_loop3A_756, %parallel_loop3A_757] {strides = array<i32>} : memref<128x32xf32, #tpu.memory_space<vmem>>, vector<16xf32>,
        tpu.vector_store %parallel_loop3A_755[%parallel_loop3A_756, %parallel_loop3A_757], %parallel_loop3A_751 {strides = array<i32>} : memref<128x32xf32, #tpu.memory_space<vmem>>, vector<16xf32>,
        %parallel_loop3A_759 = arith.subf %parallel_loop3A_440, %parallel_loop3A_744 : vector<16xf32>
        %parallel_loop3A_760 = arith.mulf %parallel_loop3A_759, %parallel_loop3A_747 : vector<16xf32>
        %parallel_loop3A_761 = arith.mulf %parallel_loop3A_760, %get3A_9 : vector<16xf32>
        %parallel_loop3A_762 = arith.addf %parallel_loop3A_761, %get3A_17 : vector<16xf32>
        %parallel_loop3A_763 = arith.constant 0 : i32
        %parallel_loop3A_764 = arith.constant 0 : i32
        %parallel_loop3A_765 = tpu.memref_slice %arg13[%parallel_loop3A_96, %parallel_loop3A_763, %parallel_loop3A_764] : memref<2x128x32xf32, #tpu.memory_space<vmem>> -> memref<1x128x32xf32, #tpu.memory_space<vmem>>
        %parallel_loop3A_766 = tpu.memref_squeeze %parallel_loop3A_765 : memref<1x128x32xf32, #tpu.memory_space<vmem>> -> memref<128x32xf32, #tpu.memory_space<vmem>>
        %parallel_loop3A_767 = arith.index_cast %parallel_loop3A_416 : i32 to index
        %parallel_loop3A_768 = arith.constant 16 : index
        %parallel_loop3A_769 = tpu.vector_load %parallel_loop3A_766[%parallel_loop3A_767, %parallel_loop3A_768] {strides = array<i32>} : memref<128x32xf32, #tpu.memory_space<vmem>>, vector<16xf32>,
        tpu.vector_store %parallel_loop3A_766[%parallel_loop3A_767, %parallel_loop3A_768], %parallel_loop3A_762 {strides = array<i32>} : memref<128x32xf32, #tpu.memory_space<vmem>>, vector<16xf32>,
        %parallel_loop3A_770 = vector.extract_strided_slice %parallel_loop3A_558 {offsets = [6], sizes = [1], strides = [1]} : vector<16xf32> to vector<1xf32>
        %parallel_loop3A_771 = vector.extract %parallel_loop3A_770[0] : f32 from vector<1xf32>
        %parallel_loop3A_772 = vector.broadcast %parallel_loop3A_771 : f32 to vector<16xf32>
        %parallel_loop3A_773 = vector.extract_strided_slice %parallel_loop3A_601 {offsets = [6], sizes = [1], strides = [1]} : vector<16xf32> to vector<1xf32>
        %parallel_loop3A_774 = vector.extract %parallel_loop3A_773[0] : f32 from vector<1xf32>
        %parallel_loop3A_775 = vector.broadcast %parallel_loop3A_774 : f32 to vector<16xf32>
        %parallel_loop3A_776 = arith.subf %parallel_loop3A_476, %parallel_loop3A_772 : vector<16xf32>
        %parallel_loop3A_777 = arith.mulf %parallel_loop3A_776, %parallel_loop3A_775 : vector<16xf32>
        %parallel_loop3A_778 = arith.mulf %parallel_loop3A_777, %get3A_5 : vector<16xf32>
        %parallel_loop3A_779 = arith.addf %parallel_loop3A_778, %get3A_13 : vector<16xf32>
        %parallel_loop3A_780 = arith.constant 0 : i32
        %parallel_loop3A_781 = arith.constant 0 : i32
        %parallel_loop3A_782 = tpu.memref_slice %arg13[%parallel_loop3A_96, %parallel_loop3A_780, %parallel_loop3A_781] : memref<2x128x32xf32, #tpu.memory_space<vmem>> -> memref<1x128x32xf32, #tpu.memory_space<vmem>>
        %parallel_loop3A_783 = tpu.memref_squeeze %parallel_loop3A_782 : memref<1x128x32xf32, #tpu.memory_space<vmem>> -> memref<128x32xf32, #tpu.memory_space<vmem>>
        %parallel_loop3A_784 = arith.index_cast %parallel_loop3A_463 : i32 to index
        %parallel_loop3A_785 = arith.constant 0 : index
        %parallel_loop3A_786 = tpu.vector_load %parallel_loop3A_783[%parallel_loop3A_784, %parallel_loop3A_785] {strides = array<i32>} : memref<128x32xf32, #tpu.memory_space<vmem>>, vector<16xf32>,
        tpu.vector_store %parallel_loop3A_783[%parallel_loop3A_784, %parallel_loop3A_785], %parallel_loop3A_779 {strides = array<i32>} : memref<128x32xf32, #tpu.memory_space<vmem>>, vector<16xf32>,
        %parallel_loop3A_787 = arith.subf %parallel_loop3A_487, %parallel_loop3A_772 : vector<16xf32>
        %parallel_loop3A_788 = arith.mulf %parallel_loop3A_787, %parallel_loop3A_775 : vector<16xf32>
        %parallel_loop3A_789 = arith.mulf %parallel_loop3A_788, %get3A_9 : vector<16xf32>
        %parallel_loop3A_790 = arith.addf %parallel_loop3A_789, %get3A_17 : vector<16xf32>
        %parallel_loop3A_791 = arith.constant 0 : i32
        %parallel_loop3A_792 = arith.constant 0 : i32
        %parallel_loop3A_793 = tpu.memref_slice %arg13[%parallel_loop3A_96, %parallel_loop3A_791, %parallel_loop3A_792] : memref<2x128x32xf32, #tpu.memory_space<vmem>> -> memref<1x128x32xf32, #tpu.memory_space<vmem>>
        %parallel_loop3A_794 = tpu.memref_squeeze %parallel_loop3A_793 : memref<1x128x32xf32, #tpu.memory_space<vmem>> -> memref<128x32xf32, #tpu.memory_space<vmem>>
        %parallel_loop3A_795 = arith.index_cast %parallel_loop3A_463 : i32 to index
        %parallel_loop3A_796 = arith.constant 16 : index
        %parallel_loop3A_797 = tpu.vector_load %parallel_loop3A_794[%parallel_loop3A_795, %parallel_loop3A_796] {strides = array<i32>} : memref<128x32xf32, #tpu.memory_space<vmem>>, vector<16xf32>,
        tpu.vector_store %parallel_loop3A_794[%parallel_loop3A_795, %parallel_loop3A_796], %parallel_loop3A_790 {strides = array<i32>} : memref<128x32xf32, #tpu.memory_space<vmem>>, vector<16xf32>,
        %parallel_loop3A_798 = vector.extract_strided_slice %parallel_loop3A_558 {offsets = [7], sizes = [1], strides = [1]} : vector<16xf32> to vector<1xf32>
        %parallel_loop3A_799 = vector.extract %parallel_loop3A_798[0] : f32 from vector<1xf32>
        %parallel_loop3A_800 = vector.broadcast %parallel_loop3A_799 : f32 to vector<16xf32>
        %parallel_loop3A_801 = vector.extract_strided_slice %parallel_loop3A_601 {offsets = [7], sizes = [1], strides = [1]} : vector<16xf32> to vector<1xf32>
        %parallel_loop3A_802 = vector.extract %parallel_loop3A_801[0] : f32 from vector<1xf32>
        %parallel_loop3A_803 = vector.broadcast %parallel_loop3A_802 : f32 to vector<16xf32>
        %parallel_loop3A_804 = arith.subf %parallel_loop3A_523, %parallel_loop3A_800 : vector<16xf32>
        %parallel_loop3A_805 = arith.mulf %parallel_loop3A_804, %parallel_loop3A_803 : vector<16xf32>
        %parallel_loop3A_806 = arith.mulf %parallel_loop3A_805, %get3A_5 : vector<16xf32>
        %parallel_loop3A_807 = arith.addf %parallel_loop3A_806, %get3A_13 : vector<16xf32>
        %parallel_loop3A_808 = arith.constant 0 : i32
        %parallel_loop3A_809 = arith.constant 0 : i32
        %parallel_loop3A_810 = tpu.memref_slice %arg13[%parallel_loop3A_96, %parallel_loop3A_808, %parallel_loop3A_809] : memref<2x128x32xf32, #tpu.memory_space<vmem>> -> memref<1x128x32xf32, #tpu.memory_space<vmem>>
        %parallel_loop3A_811 = tpu.memref_squeeze %parallel_loop3A_810 : memref<1x128x32xf32, #tpu.memory_space<vmem>> -> memref<128x32xf32, #tpu.memory_space<vmem>>
        %parallel_loop3A_812 = arith.index_cast %parallel_loop3A_510 : i32 to index
        %parallel_loop3A_813 = arith.constant 0 : index
        %parallel_loop3A_814 = tpu.vector_load %parallel_loop3A_811[%parallel_loop3A_812, %parallel_loop3A_813] {strides = array<i32>} : memref<128x32xf32, #tpu.memory_space<vmem>>, vector<16xf32>,
        tpu.vector_store %parallel_loop3A_811[%parallel_loop3A_812, %parallel_loop3A_813], %parallel_loop3A_807 {strides = array<i32>} : memref<128x32xf32, #tpu.memory_space<vmem>>, vector<16xf32>,
        %parallel_loop3A_815 = arith.subf %parallel_loop3A_534, %parallel_loop3A_800 : vector<16xf32>
        %parallel_loop3A_816 = arith.mulf %parallel_loop3A_815, %parallel_loop3A_803 : vector<16xf32>
        %parallel_loop3A_817 = arith.mulf %parallel_loop3A_816, %get3A_9 : vector<16xf32>
        %parallel_loop3A_818 = arith.addf %parallel_loop3A_817, %get3A_17 : vector<16xf32>
        %parallel_loop3A_819 = arith.constant 0 : i32
        %parallel_loop3A_820 = arith.constant 0 : i32
        %parallel_loop3A_821 = tpu.memref_slice %arg13[%parallel_loop3A_96, %parallel_loop3A_819, %parallel_loop3A_820] : memref<2x128x32xf32, #tpu.memory_space<vmem>> -> memref<1x128x32xf32, #tpu.memory_space<vmem>>
        %parallel_loop3A_822 = tpu.memref_squeeze %parallel_loop3A_821 : memref<1x128x32xf32, #tpu.memory_space<vmem>> -> memref<128x32xf32, #tpu.memory_space<vmem>>
        %parallel_loop3A_823 = arith.index_cast %parallel_loop3A_510 : i32 to index
        %parallel_loop3A_824 = arith.constant 16 : index
        %parallel_loop3A_825 = tpu.vector_load %parallel_loop3A_822[%parallel_loop3A_823, %parallel_loop3A_824] {strides = array<i32>} : memref<128x32xf32, #tpu.memory_space<vmem>>, vector<16xf32>,
        tpu.vector_store %parallel_loop3A_822[%parallel_loop3A_823, %parallel_loop3A_824], %parallel_loop3A_818 {strides = array<i32>} : memref<128x32xf32, #tpu.memory_space<vmem>>, vector<16xf32>,
        %parallel_loop3A_826 = arith.constant 0.000000e+00 : f32
        %parallel_loop3A_827 = vector.broadcast %parallel_loop3A_826 : f32 to vector<16xf32>
        %parallel_loop3A_828 = arith.constant 0.000000e+00 : f32
        %parallel_loop3A_829 = vector.broadcast %parallel_loop3A_828 : f32 to vector<16xf32>
        %parallel_loop3A_830 = arith.constant 8 : i32
        %parallel_loop3A_831 = arith.addi %parallel_loop3A_170, %parallel_loop3A_830 : i32
        %parallel_loop3A_832 = vector.extract_strided_slice %parallel_loop3A_175 {offsets = [8], sizes = [1], strides = [1]} : vector<16xi32> to vector<1xi32>
        %parallel_loop3A_833 = vector.extract %parallel_loop3A_832[0] : i32 from vector<1xi32>
        %parallel_loop3A_834 = arith.constant 0 : i32
        %parallel_loop3A_835 = arith.constant 0 : i32
        %parallel_loop3A_836 = tpu.memref_slice %arg12[%parallel_loop3A_95, %parallel_loop3A_834, %parallel_loop3A_835] : memref<2x128x32xf32, #tpu.memory_space<vmem>> -> memref<1x128x32xf32, #tpu.memory_space<vmem>>
        %parallel_loop3A_837 = tpu.memref_squeeze %parallel_loop3A_836 : memref<1x128x32xf32, #tpu.memory_space<vmem>> -> memref<128x32xf32, #tpu.memory_space<vmem>>
        %parallel_loop3A_838 = arith.index_cast %parallel_loop3A_831 : i32 to index
        %parallel_loop3A_839 = arith.constant 0 : index
        %parallel_loop3A_840 = tpu.vector_load %parallel_loop3A_837[%parallel_loop3A_838, %parallel_loop3A_839] {strides = array<i32>} : memref<128x32xf32, #tpu.memory_space<vmem>>, vector<16xf32>,
        %parallel_loop3A_841 = arith.index_cast %parallel_loop3A_833 : i32 to index
        %parallel_loop3A_842 = arith.constant 0 : index
        %parallel_loop3A_843 = tpu.vector_load %arg10[%parallel_loop3A_841, %parallel_loop3A_842] {strides = array<i32>} : memref<201x32xf32, #tpu.memory_space<vmem>>, vector<16xf32>,
        %parallel_loop3A_844 = arith.addf %parallel_loop3A_840, %parallel_loop3A_843 : vector<16xf32>
        %parallel_loop3A_845 = arith.constant 0 : i32
        %parallel_loop3A_846 = arith.constant 0 : i32
        %parallel_loop3A_847 = tpu.memref_slice %arg12[%parallel_loop3A_95, %parallel_loop3A_845, %parallel_loop3A_846] : memref<2x128x32xf32, #tpu.memory_space<vmem>> -> memref<1x128x32xf32, #tpu.memory_space<vmem>>
        %parallel_loop3A_848 = tpu.memref_squeeze %parallel_loop3A_847 : memref<1x128x32xf32, #tpu.memory_space<vmem>> -> memref<128x32xf32, #tpu.memory_space<vmem>>
        %parallel_loop3A_849 = arith.index_cast %parallel_loop3A_831 : i32 to index
        %parallel_loop3A_850 = arith.constant 16 : index
        %parallel_loop3A_851 = tpu.vector_load %parallel_loop3A_848[%parallel_loop3A_849, %parallel_loop3A_850] {strides = array<i32>} : memref<128x32xf32, #tpu.memory_space<vmem>>, vector<16xf32>,
        %parallel_loop3A_852 = arith.index_cast %parallel_loop3A_833 : i32 to index
        %parallel_loop3A_853 = arith.constant 16 : index
        %parallel_loop3A_854 = tpu.vector_load %arg10[%parallel_loop3A_852, %parallel_loop3A_853] {strides = array<i32>} : memref<201x32xf32, #tpu.memory_space<vmem>>, vector<16xf32>,
        %parallel_loop3A_855 = arith.addf %parallel_loop3A_851, %parallel_loop3A_854 : vector<16xf32>
        %parallel_loop3A_856 = arith.addf %parallel_loop3A_844, %parallel_loop3A_855 : vector<16xf32>
        %parallel_loop3A_857 = arith.constant true
        %parallel_loop3A_858 = vector.broadcast %parallel_loop3A_857 : i1 to vector<16xi1>
        %parallel_loop3A_859 = tpu.scan <sum>, %parallel_loop3A_856 masked %parallel_loop3A_858 : vector<16xf32>, vector<16xi1> -> vector<16xf32>
        %parallel_loop3A_860 = arith.mulf %parallel_loop3A_844, %parallel_loop3A_844 : vector<16xf32>
        %parallel_loop3A_861 = arith.mulf %parallel_loop3A_855, %parallel_loop3A_855 : vector<16xf32>
        %parallel_loop3A_862 = arith.addf %parallel_loop3A_860, %parallel_loop3A_861 : vector<16xf32>
        %parallel_loop3A_863 = arith.constant true
        %parallel_loop3A_864 = vector.broadcast %parallel_loop3A_863 : i1 to vector<16xi1>
        %parallel_loop3A_865 = tpu.scan <sum>, %parallel_loop3A_862 masked %parallel_loop3A_864 : vector<16xf32>, vector<16xi1> -> vector<16xf32>
        %parallel_loop3A_866 = vector.extract_strided_slice %parallel_loop3A_859 {offsets = [15], sizes = [1], strides = [1]} : vector<16xf32> to vector<1xf32>
        %parallel_loop3A_867 = vector.extract %parallel_loop3A_866[0] : f32 from vector<1xf32>
        %parallel_loop3A_868 = vector.broadcast %parallel_loop3A_867 : f32 to vector<16xf32>
        %parallel_loop3A_869 = vector.extract_strided_slice %parallel_loop3A_865 {offsets = [15], sizes = [1], strides = [1]} : vector<16xf32> to vector<1xf32>
        %parallel_loop3A_870 = vector.extract %parallel_loop3A_869[0] : f32 from vector<1xf32>
        %parallel_loop3A_871 = vector.broadcast %parallel_loop3A_870 : f32 to vector<16xf32>
        %parallel_loop3A_872 = arith.constant 8 : i32
        %parallel_loop3A_873 = vector.broadcast %parallel_loop3A_872 : i32 to vector<16xi32>
        %parallel_loop3A_874 = arith.cmpi eq, %iota3A, %parallel_loop3A_873 : vector<16xi32>
        %parallel_loop3A_875 = arith.select %parallel_loop3A_874, %parallel_loop3A_868, %parallel_loop3A_827 : vector<16xi1>, vector<16xf32>
        %parallel_loop3A_876 = arith.select %parallel_loop3A_874, %parallel_loop3A_871, %parallel_loop3A_829 : vector<16xi1>, vector<16xf32>
        %parallel_loop3A_877 = arith.constant 9 : i32
        %parallel_loop3A_878 = arith.addi %parallel_loop3A_170, %parallel_loop3A_877 : i32
        %parallel_loop3A_879 = vector.extract_strided_slice %parallel_loop3A_175 {offsets = [9], sizes = [1], strides = [1]} : vector<16xi32> to vector<1xi32>
        %parallel_loop3A_880 = vector.extract %parallel_loop3A_879[0] : i32 from vector<1xi32>
        %parallel_loop3A_881 = arith.constant 0 : i32
        %parallel_loop3A_882 = arith.constant 0 : i32
        %parallel_loop3A_883 = tpu.memref_slice %arg12[%parallel_loop3A_95, %parallel_loop3A_881, %parallel_loop3A_882] : memref<2x128x32xf32, #tpu.memory_space<vmem>> -> memref<1x128x32xf32, #tpu.memory_space<vmem>>
        %parallel_loop3A_884 = tpu.memref_squeeze %parallel_loop3A_883 : memref<1x128x32xf32, #tpu.memory_space<vmem>> -> memref<128x32xf32, #tpu.memory_space<vmem>>
        %parallel_loop3A_885 = arith.index_cast %parallel_loop3A_878 : i32 to index
        %parallel_loop3A_886 = arith.constant 0 : index
        %parallel_loop3A_887 = tpu.vector_load %parallel_loop3A_884[%parallel_loop3A_885, %parallel_loop3A_886] {strides = array<i32>} : memref<128x32xf32, #tpu.memory_space<vmem>>, vector<16xf32>,
        %parallel_loop3A_888 = arith.index_cast %parallel_loop3A_880 : i32 to index
        %parallel_loop3A_889 = arith.constant 0 : index
        %parallel_loop3A_890 = tpu.vector_load %arg10[%parallel_loop3A_888, %parallel_loop3A_889] {strides = array<i32>} : memref<201x32xf32, #tpu.memory_space<vmem>>, vector<16xf32>,
        %parallel_loop3A_891 = arith.addf %parallel_loop3A_887, %parallel_loop3A_890 : vector<16xf32>
        %parallel_loop3A_892 = arith.constant 0 : i32
        %parallel_loop3A_893 = arith.constant 0 : i32
        %parallel_loop3A_894 = tpu.memref_slice %arg12[%parallel_loop3A_95, %parallel_loop3A_892, %parallel_loop3A_893] : memref<2x128x32xf32, #tpu.memory_space<vmem>> -> memref<1x128x32xf32, #tpu.memory_space<vmem>>
        %parallel_loop3A_895 = tpu.memref_squeeze %parallel_loop3A_894 : memref<1x128x32xf32, #tpu.memory_space<vmem>> -> memref<128x32xf32, #tpu.memory_space<vmem>>
        %parallel_loop3A_896 = arith.index_cast %parallel_loop3A_878 : i32 to index
        %parallel_loop3A_897 = arith.constant 16 : index
        %parallel_loop3A_898 = tpu.vector_load %parallel_loop3A_895[%parallel_loop3A_896, %parallel_loop3A_897] {strides = array<i32>} : memref<128x32xf32, #tpu.memory_space<vmem>>, vector<16xf32>,
        %parallel_loop3A_899 = arith.index_cast %parallel_loop3A_880 : i32 to index
        %parallel_loop3A_900 = arith.constant 16 : index
        %parallel_loop3A_901 = tpu.vector_load %arg10[%parallel_loop3A_899, %parallel_loop3A_900] {strides = array<i32>} : memref<201x32xf32, #tpu.memory_space<vmem>>, vector<16xf32>,
        %parallel_loop3A_902 = arith.addf %parallel_loop3A_898, %parallel_loop3A_901 : vector<16xf32>
        %parallel_loop3A_903 = arith.addf %parallel_loop3A_891, %parallel_loop3A_902 : vector<16xf32>
        %parallel_loop3A_904 = arith.constant true
        %parallel_loop3A_905 = vector.broadcast %parallel_loop3A_904 : i1 to vector<16xi1>
        %parallel_loop3A_906 = tpu.scan <sum>, %parallel_loop3A_903 masked %parallel_loop3A_905 : vector<16xf32>, vector<16xi1> -> vector<16xf32>
        %parallel_loop3A_907 = arith.mulf %parallel_loop3A_891, %parallel_loop3A_891 : vector<16xf32>
        %parallel_loop3A_908 = arith.mulf %parallel_loop3A_902, %parallel_loop3A_902 : vector<16xf32>
        %parallel_loop3A_909 = arith.addf %parallel_loop3A_907, %parallel_loop3A_908 : vector<16xf32>
        %parallel_loop3A_910 = arith.constant true
        %parallel_loop3A_911 = vector.broadcast %parallel_loop3A_910 : i1 to vector<16xi1>
        %parallel_loop3A_912 = tpu.scan <sum>, %parallel_loop3A_909 masked %parallel_loop3A_911 : vector<16xf32>, vector<16xi1> -> vector<16xf32>
        %parallel_loop3A_913 = vector.extract_strided_slice %parallel_loop3A_906 {offsets = [15], sizes = [1], strides = [1]} : vector<16xf32> to vector<1xf32>
        %parallel_loop3A_914 = vector.extract %parallel_loop3A_913[0] : f32 from vector<1xf32>
        %parallel_loop3A_915 = vector.broadcast %parallel_loop3A_914 : f32 to vector<16xf32>
        %parallel_loop3A_916 = vector.extract_strided_slice %parallel_loop3A_912 {offsets = [15], sizes = [1], strides = [1]} : vector<16xf32> to vector<1xf32>
        %parallel_loop3A_917 = vector.extract %parallel_loop3A_916[0] : f32 from vector<1xf32>
        %parallel_loop3A_918 = vector.broadcast %parallel_loop3A_917 : f32 to vector<16xf32>
        %parallel_loop3A_919 = arith.constant 9 : i32
        %parallel_loop3A_920 = vector.broadcast %parallel_loop3A_919 : i32 to vector<16xi32>
        %parallel_loop3A_921 = arith.cmpi eq, %iota3A, %parallel_loop3A_920 : vector<16xi32>
        %parallel_loop3A_922 = arith.select %parallel_loop3A_921, %parallel_loop3A_915, %parallel_loop3A_875 : vector<16xi1>, vector<16xf32>
        %parallel_loop3A_923 = arith.select %parallel_loop3A_921, %parallel_loop3A_918, %parallel_loop3A_876 : vector<16xi1>, vector<16xf32>
        %parallel_loop3A_924 = arith.constant 10 : i32
        %parallel_loop3A_925 = arith.addi %parallel_loop3A_170, %parallel_loop3A_924 : i32
        %parallel_loop3A_926 = vector.extract_strided_slice %parallel_loop3A_175 {offsets = [10], sizes = [1], strides = [1]} : vector<16xi32> to vector<1xi32>
        %parallel_loop3A_927 = vector.extract %parallel_loop3A_926[0] : i32 from vector<1xi32>
        %parallel_loop3A_928 = arith.constant 0 : i32
        %parallel_loop3A_929 = arith.constant 0 : i32
        %parallel_loop3A_930 = tpu.memref_slice %arg12[%parallel_loop3A_95, %parallel_loop3A_928, %parallel_loop3A_929] : memref<2x128x32xf32, #tpu.memory_space<vmem>> -> memref<1x128x32xf32, #tpu.memory_space<vmem>>
        %parallel_loop3A_931 = tpu.memref_squeeze %parallel_loop3A_930 : memref<1x128x32xf32, #tpu.memory_space<vmem>> -> memref<128x32xf32, #tpu.memory_space<vmem>>
        %parallel_loop3A_932 = arith.index_cast %parallel_loop3A_925 : i32 to index
        %parallel_loop3A_933 = arith.constant 0 : index
        %parallel_loop3A_934 = tpu.vector_load %parallel_loop3A_931[%parallel_loop3A_932, %parallel_loop3A_933] {strides = array<i32>} : memref<128x32xf32, #tpu.memory_space<vmem>>, vector<16xf32>,
        %parallel_loop3A_935 = arith.index_cast %parallel_loop3A_927 : i32 to index
        %parallel_loop3A_936 = arith.constant 0 : index
        %parallel_loop3A_937 = tpu.vector_load %arg10[%parallel_loop3A_935, %parallel_loop3A_936] {strides = array<i32>} : memref<201x32xf32, #tpu.memory_space<vmem>>, vector<16xf32>,
        %parallel_loop3A_938 = arith.addf %parallel_loop3A_934, %parallel_loop3A_937 : vector<16xf32>
        %parallel_loop3A_939 = arith.constant 0 : i32
        %parallel_loop3A_940 = arith.constant 0 : i32
        %parallel_loop3A_941 = tpu.memref_slice %arg12[%parallel_loop3A_95, %parallel_loop3A_939, %parallel_loop3A_940] : memref<2x128x32xf32, #tpu.memory_space<vmem>> -> memref<1x128x32xf32, #tpu.memory_space<vmem>>
        %parallel_loop3A_942 = tpu.memref_squeeze %parallel_loop3A_941 : memref<1x128x32xf32, #tpu.memory_space<vmem>> -> memref<128x32xf32, #tpu.memory_space<vmem>>
        %parallel_loop3A_943 = arith.index_cast %parallel_loop3A_925 : i32 to index
        %parallel_loop3A_944 = arith.constant 16 : index
        %parallel_loop3A_945 = tpu.vector_load %parallel_loop3A_942[%parallel_loop3A_943, %parallel_loop3A_944] {strides = array<i32>} : memref<128x32xf32, #tpu.memory_space<vmem>>, vector<16xf32>,
        %parallel_loop3A_946 = arith.index_cast %parallel_loop3A_927 : i32 to index
        %parallel_loop3A_947 = arith.constant 16 : index
        %parallel_loop3A_948 = tpu.vector_load %arg10[%parallel_loop3A_946, %parallel_loop3A_947] {strides = array<i32>} : memref<201x32xf32, #tpu.memory_space<vmem>>, vector<16xf32>,
        %parallel_loop3A_949 = arith.addf %parallel_loop3A_945, %parallel_loop3A_948 : vector<16xf32>
        %parallel_loop3A_950 = arith.addf %parallel_loop3A_938, %parallel_loop3A_949 : vector<16xf32>
        %parallel_loop3A_951 = arith.constant true
        %parallel_loop3A_952 = vector.broadcast %parallel_loop3A_951 : i1 to vector<16xi1>
        %parallel_loop3A_953 = tpu.scan <sum>, %parallel_loop3A_950 masked %parallel_loop3A_952 : vector<16xf32>, vector<16xi1> -> vector<16xf32>
        %parallel_loop3A_954 = arith.mulf %parallel_loop3A_938, %parallel_loop3A_938 : vector<16xf32>
        %parallel_loop3A_955 = arith.mulf %parallel_loop3A_949, %parallel_loop3A_949 : vector<16xf32>
        %parallel_loop3A_956 = arith.addf %parallel_loop3A_954, %parallel_loop3A_955 : vector<16xf32>
        %parallel_loop3A_957 = arith.constant true
        %parallel_loop3A_958 = vector.broadcast %parallel_loop3A_957 : i1 to vector<16xi1>
        %parallel_loop3A_959 = tpu.scan <sum>, %parallel_loop3A_956 masked %parallel_loop3A_958 : vector<16xf32>, vector<16xi1> -> vector<16xf32>
        %parallel_loop3A_960 = vector.extract_strided_slice %parallel_loop3A_953 {offsets = [15], sizes = [1], strides = [1]} : vector<16xf32> to vector<1xf32>
        %parallel_loop3A_961 = vector.extract %parallel_loop3A_960[0] : f32 from vector<1xf32>
        %parallel_loop3A_962 = vector.broadcast %parallel_loop3A_961 : f32 to vector<16xf32>
        %parallel_loop3A_963 = vector.extract_strided_slice %parallel_loop3A_959 {offsets = [15], sizes = [1], strides = [1]} : vector<16xf32> to vector<1xf32>
        %parallel_loop3A_964 = vector.extract %parallel_loop3A_963[0] : f32 from vector<1xf32>
        %parallel_loop3A_965 = vector.broadcast %parallel_loop3A_964 : f32 to vector<16xf32>
        %parallel_loop3A_966 = arith.constant 10 : i32
        %parallel_loop3A_967 = vector.broadcast %parallel_loop3A_966 : i32 to vector<16xi32>
        %parallel_loop3A_968 = arith.cmpi eq, %iota3A, %parallel_loop3A_967 : vector<16xi32>
        %parallel_loop3A_969 = arith.select %parallel_loop3A_968, %parallel_loop3A_962, %parallel_loop3A_922 : vector<16xi1>, vector<16xf32>
        %parallel_loop3A_970 = arith.select %parallel_loop3A_968, %parallel_loop3A_965, %parallel_loop3A_923 : vector<16xi1>, vector<16xf32>
        %parallel_loop3A_971 = arith.constant 11 : i32
        %parallel_loop3A_972 = arith.addi %parallel_loop3A_170, %parallel_loop3A_971 : i32
        %parallel_loop3A_973 = vector.extract_strided_slice %parallel_loop3A_175 {offsets = [11], sizes = [1], strides = [1]} : vector<16xi32> to vector<1xi32>
        %parallel_loop3A_974 = vector.extract %parallel_loop3A_973[0] : i32 from vector<1xi32>
        %parallel_loop3A_975 = arith.constant 0 : i32
        %parallel_loop3A_976 = arith.constant 0 : i32
        %parallel_loop3A_977 = tpu.memref_slice %arg12[%parallel_loop3A_95, %parallel_loop3A_975, %parallel_loop3A_976] : memref<2x128x32xf32, #tpu.memory_space<vmem>> -> memref<1x128x32xf32, #tpu.memory_space<vmem>>
        %parallel_loop3A_978 = tpu.memref_squeeze %parallel_loop3A_977 : memref<1x128x32xf32, #tpu.memory_space<vmem>> -> memref<128x32xf32, #tpu.memory_space<vmem>>
        %parallel_loop3A_979 = arith.index_cast %parallel_loop3A_972 : i32 to index
        %parallel_loop3A_980 = arith.constant 0 : index
        %parallel_loop3A_981 = tpu.vector_load %parallel_loop3A_978[%parallel_loop3A_979, %parallel_loop3A_980] {strides = array<i32>} : memref<128x32xf32, #tpu.memory_space<vmem>>, vector<16xf32>,
        %parallel_loop3A_982 = arith.index_cast %parallel_loop3A_974 : i32 to index
        %parallel_loop3A_983 = arith.constant 0 : index
        %parallel_loop3A_984 = tpu.vector_load %arg10[%parallel_loop3A_982, %parallel_loop3A_983] {strides = array<i32>} : memref<201x32xf32, #tpu.memory_space<vmem>>, vector<16xf32>,
        %parallel_loop3A_985 = arith.addf %parallel_loop3A_981, %parallel_loop3A_984 : vector<16xf32>
        %parallel_loop3A_986 = arith.constant 0 : i32
        %parallel_loop3A_987 = arith.constant 0 : i32
        %parallel_loop3A_988 = tpu.memref_slice %arg12[%parallel_loop3A_95, %parallel_loop3A_986, %parallel_loop3A_987] : memref<2x128x32xf32, #tpu.memory_space<vmem>> -> memref<1x128x32xf32, #tpu.memory_space<vmem>>
        %parallel_loop3A_989 = tpu.memref_squeeze %parallel_loop3A_988 : memref<1x128x32xf32, #tpu.memory_space<vmem>> -> memref<128x32xf32, #tpu.memory_space<vmem>>
        %parallel_loop3A_990 = arith.index_cast %parallel_loop3A_972 : i32 to index
        %parallel_loop3A_991 = arith.constant 16 : index
        %parallel_loop3A_992 = tpu.vector_load %parallel_loop3A_989[%parallel_loop3A_990, %parallel_loop3A_991] {strides = array<i32>} : memref<128x32xf32, #tpu.memory_space<vmem>>, vector<16xf32>,
        %parallel_loop3A_993 = arith.index_cast %parallel_loop3A_974 : i32 to index
        %parallel_loop3A_994 = arith.constant 16 : index
        %parallel_loop3A_995 = tpu.vector_load %arg10[%parallel_loop3A_993, %parallel_loop3A_994] {strides = array<i32>} : memref<201x32xf32, #tpu.memory_space<vmem>>, vector<16xf32>,
        %parallel_loop3A_996 = arith.addf %parallel_loop3A_992, %parallel_loop3A_995 : vector<16xf32>
        %parallel_loop3A_997 = arith.addf %parallel_loop3A_985, %parallel_loop3A_996 : vector<16xf32>
        %parallel_loop3A_998 = arith.constant true
        %parallel_loop3A_999 = vector.broadcast %parallel_loop3A_998 : i1 to vector<16xi1>
        %parallel_loop3A_1000 = tpu.scan <sum>, %parallel_loop3A_997 masked %parallel_loop3A_999 : vector<16xf32>, vector<16xi1> -> vector<16xf32>
        %parallel_loop3A_1001 = arith.mulf %parallel_loop3A_985, %parallel_loop3A_985 : vector<16xf32>
        %parallel_loop3A_1002 = arith.mulf %parallel_loop3A_996, %parallel_loop3A_996 : vector<16xf32>
        %parallel_loop3A_1003 = arith.addf %parallel_loop3A_1001, %parallel_loop3A_1002 : vector<16xf32>
        %parallel_loop3A_1004 = arith.constant true
        %parallel_loop3A_1005 = vector.broadcast %parallel_loop3A_1004 : i1 to vector<16xi1>
        %parallel_loop3A_1006 = tpu.scan <sum>, %parallel_loop3A_1003 masked %parallel_loop3A_1005 : vector<16xf32>, vector<16xi1> -> vector<16xf32>
        %parallel_loop3A_1007 = vector.extract_strided_slice %parallel_loop3A_1000 {offsets = [15], sizes = [1], strides = [1]} : vector<16xf32> to vector<1xf32>
        %parallel_loop3A_1008 = vector.extract %parallel_loop3A_1007[0] : f32 from vector<1xf32>
        %parallel_loop3A_1009 = vector.broadcast %parallel_loop3A_1008 : f32 to vector<16xf32>
        %parallel_loop3A_1010 = vector.extract_strided_slice %parallel_loop3A_1006 {offsets = [15], sizes = [1], strides = [1]} : vector<16xf32> to vector<1xf32>
        %parallel_loop3A_1011 = vector.extract %parallel_loop3A_1010[0] : f32 from vector<1xf32>
        %parallel_loop3A_1012 = vector.broadcast %parallel_loop3A_1011 : f32 to vector<16xf32>
        %parallel_loop3A_1013 = arith.constant 11 : i32
        %parallel_loop3A_1014 = vector.broadcast %parallel_loop3A_1013 : i32 to vector<16xi32>
        %parallel_loop3A_1015 = arith.cmpi eq, %iota3A, %parallel_loop3A_1014 : vector<16xi32>
        %parallel_loop3A_1016 = arith.select %parallel_loop3A_1015, %parallel_loop3A_1009, %parallel_loop3A_969 : vector<16xi1>, vector<16xf32>
        %parallel_loop3A_1017 = arith.select %parallel_loop3A_1015, %parallel_loop3A_1012, %parallel_loop3A_970 : vector<16xi1>, vector<16xf32>
        %parallel_loop3A_1018 = arith.constant 12 : i32
        %parallel_loop3A_1019 = arith.addi %parallel_loop3A_170, %parallel_loop3A_1018 : i32
        %parallel_loop3A_1020 = vector.extract_strided_slice %parallel_loop3A_175 {offsets = [12], sizes = [1], strides = [1]} : vector<16xi32> to vector<1xi32>
        %parallel_loop3A_1021 = vector.extract %parallel_loop3A_1020[0] : i32 from vector<1xi32>
        %parallel_loop3A_1022 = arith.constant 0 : i32
        %parallel_loop3A_1023 = arith.constant 0 : i32
        %parallel_loop3A_1024 = tpu.memref_slice %arg12[%parallel_loop3A_95, %parallel_loop3A_1022, %parallel_loop3A_1023] : memref<2x128x32xf32, #tpu.memory_space<vmem>> -> memref<1x128x32xf32, #tpu.memory_space<vmem>>
        %parallel_loop3A_1025 = tpu.memref_squeeze %parallel_loop3A_1024 : memref<1x128x32xf32, #tpu.memory_space<vmem>> -> memref<128x32xf32, #tpu.memory_space<vmem>>
        %parallel_loop3A_1026 = arith.index_cast %parallel_loop3A_1019 : i32 to index
        %parallel_loop3A_1027 = arith.constant 0 : index
        %parallel_loop3A_1028 = tpu.vector_load %parallel_loop3A_1025[%parallel_loop3A_1026, %parallel_loop3A_1027] {strides = array<i32>} : memref<128x32xf32, #tpu.memory_space<vmem>>, vector<16xf32>,
        %parallel_loop3A_1029 = arith.index_cast %parallel_loop3A_1021 : i32 to index
        %parallel_loop3A_1030 = arith.constant 0 : index
        %parallel_loop3A_1031 = tpu.vector_load %arg10[%parallel_loop3A_1029, %parallel_loop3A_1030] {strides = array<i32>} : memref<201x32xf32, #tpu.memory_space<vmem>>, vector<16xf32>,
        %parallel_loop3A_1032 = arith.addf %parallel_loop3A_1028, %parallel_loop3A_1031 : vector<16xf32>
        %parallel_loop3A_1033 = arith.constant 0 : i32
        %parallel_loop3A_1034 = arith.constant 0 : i32
        %parallel_loop3A_1035 = tpu.memref_slice %arg12[%parallel_loop3A_95, %parallel_loop3A_1033, %parallel_loop3A_1034] : memref<2x128x32xf32, #tpu.memory_space<vmem>> -> memref<1x128x32xf32, #tpu.memory_space<vmem>>
        %parallel_loop3A_1036 = tpu.memref_squeeze %parallel_loop3A_1035 : memref<1x128x32xf32, #tpu.memory_space<vmem>> -> memref<128x32xf32, #tpu.memory_space<vmem>>
        %parallel_loop3A_1037 = arith.index_cast %parallel_loop3A_1019 : i32 to index
        %parallel_loop3A_1038 = arith.constant 16 : index
        %parallel_loop3A_1039 = tpu.vector_load %parallel_loop3A_1036[%parallel_loop3A_1037, %parallel_loop3A_1038] {strides = array<i32>} : memref<128x32xf32, #tpu.memory_space<vmem>>, vector<16xf32>,
        %parallel_loop3A_1040 = arith.index_cast %parallel_loop3A_1021 : i32 to index
        %parallel_loop3A_1041 = arith.constant 16 : index
        %parallel_loop3A_1042 = tpu.vector_load %arg10[%parallel_loop3A_1040, %parallel_loop3A_1041] {strides = array<i32>} : memref<201x32xf32, #tpu.memory_space<vmem>>, vector<16xf32>,
        %parallel_loop3A_1043 = arith.addf %parallel_loop3A_1039, %parallel_loop3A_1042 : vector<16xf32>
        %parallel_loop3A_1044 = arith.addf %parallel_loop3A_1032, %parallel_loop3A_1043 : vector<16xf32>
        %parallel_loop3A_1045 = arith.constant true
        %parallel_loop3A_1046 = vector.broadcast %parallel_loop3A_1045 : i1 to vector<16xi1>
        %parallel_loop3A_1047 = tpu.scan <sum>, %parallel_loop3A_1044 masked %parallel_loop3A_1046 : vector<16xf32>, vector<16xi1> -> vector<16xf32>
        %parallel_loop3A_1048 = arith.mulf %parallel_loop3A_1032, %parallel_loop3A_1032 : vector<16xf32>
        %parallel_loop3A_1049 = arith.mulf %parallel_loop3A_1043, %parallel_loop3A_1043 : vector<16xf32>
        %parallel_loop3A_1050 = arith.addf %parallel_loop3A_1048, %parallel_loop3A_1049 : vector<16xf32>
        %parallel_loop3A_1051 = arith.constant true
        %parallel_loop3A_1052 = vector.broadcast %parallel_loop3A_1051 : i1 to vector<16xi1>
        %parallel_loop3A_1053 = tpu.scan <sum>, %parallel_loop3A_1050 masked %parallel_loop3A_1052 : vector<16xf32>, vector<16xi1> -> vector<16xf32>
        %parallel_loop3A_1054 = vector.extract_strided_slice %parallel_loop3A_1047 {offsets = [15], sizes = [1], strides = [1]} : vector<16xf32> to vector<1xf32>
        %parallel_loop3A_1055 = vector.extract %parallel_loop3A_1054[0] : f32 from vector<1xf32>
        %parallel_loop3A_1056 = vector.broadcast %parallel_loop3A_1055 : f32 to vector<16xf32>
        %parallel_loop3A_1057 = vector.extract_strided_slice %parallel_loop3A_1053 {offsets = [15], sizes = [1], strides = [1]} : vector<16xf32> to vector<1xf32>
        %parallel_loop3A_1058 = vector.extract %parallel_loop3A_1057[0] : f32 from vector<1xf32>
        %parallel_loop3A_1059 = vector.broadcast %parallel_loop3A_1058 : f32 to vector<16xf32>
        %parallel_loop3A_1060 = arith.constant 12 : i32
        %parallel_loop3A_1061 = vector.broadcast %parallel_loop3A_1060 : i32 to vector<16xi32>
        %parallel_loop3A_1062 = arith.cmpi eq, %iota3A, %parallel_loop3A_1061 : vector<16xi32>
        %parallel_loop3A_1063 = arith.select %parallel_loop3A_1062, %parallel_loop3A_1056, %parallel_loop3A_1016 : vector<16xi1>, vector<16xf32>
        %parallel_loop3A_1064 = arith.select %parallel_loop3A_1062, %parallel_loop3A_1059, %parallel_loop3A_1017 : vector<16xi1>, vector<16xf32>
        %parallel_loop3A_1065 = arith.constant 13 : i32
        %parallel_loop3A_1066 = arith.addi %parallel_loop3A_170, %parallel_loop3A_1065 : i32
        %parallel_loop3A_1067 = vector.extract_strided_slice %parallel_loop3A_175 {offsets = [13], sizes = [1], strides = [1]} : vector<16xi32> to vector<1xi32>
        %parallel_loop3A_1068 = vector.extract %parallel_loop3A_1067[0] : i32 from vector<1xi32>
        %parallel_loop3A_1069 = arith.constant 0 : i32
        %parallel_loop3A_1070 = arith.constant 0 : i32
        %parallel_loop3A_1071 = tpu.memref_slice %arg12[%parallel_loop3A_95, %parallel_loop3A_1069, %parallel_loop3A_1070] : memref<2x128x32xf32, #tpu.memory_space<vmem>> -> memref<1x128x32xf32, #tpu.memory_space<vmem>>
        %parallel_loop3A_1072 = tpu.memref_squeeze %parallel_loop3A_1071 : memref<1x128x32xf32, #tpu.memory_space<vmem>> -> memref<128x32xf32, #tpu.memory_space<vmem>>
        %parallel_loop3A_1073 = arith.index_cast %parallel_loop3A_1066 : i32 to index
        %parallel_loop3A_1074 = arith.constant 0 : index
        %parallel_loop3A_1075 = tpu.vector_load %parallel_loop3A_1072[%parallel_loop3A_1073, %parallel_loop3A_1074] {strides = array<i32>} : memref<128x32xf32, #tpu.memory_space<vmem>>, vector<16xf32>,
        %parallel_loop3A_1076 = arith.index_cast %parallel_loop3A_1068 : i32 to index
        %parallel_loop3A_1077 = arith.constant 0 : index
        %parallel_loop3A_1078 = tpu.vector_load %arg10[%parallel_loop3A_1076, %parallel_loop3A_1077] {strides = array<i32>} : memref<201x32xf32, #tpu.memory_space<vmem>>, vector<16xf32>,
        %parallel_loop3A_1079 = arith.addf %parallel_loop3A_1075, %parallel_loop3A_1078 : vector<16xf32>
        %parallel_loop3A_1080 = arith.constant 0 : i32
        %parallel_loop3A_1081 = arith.constant 0 : i32
        %parallel_loop3A_1082 = tpu.memref_slice %arg12[%parallel_loop3A_95, %parallel_loop3A_1080, %parallel_loop3A_1081] : memref<2x128x32xf32, #tpu.memory_space<vmem>> -> memref<1x128x32xf32, #tpu.memory_space<vmem>>
        %parallel_loop3A_1083 = tpu.memref_squeeze %parallel_loop3A_1082 : memref<1x128x32xf32, #tpu.memory_space<vmem>> -> memref<128x32xf32, #tpu.memory_space<vmem>>
        %parallel_loop3A_1084 = arith.index_cast %parallel_loop3A_1066 : i32 to index
        %parallel_loop3A_1085 = arith.constant 16 : index
        %parallel_loop3A_1086 = tpu.vector_load %parallel_loop3A_1083[%parallel_loop3A_1084, %parallel_loop3A_1085] {strides = array<i32>} : memref<128x32xf32, #tpu.memory_space<vmem>>, vector<16xf32>,
        %parallel_loop3A_1087 = arith.index_cast %parallel_loop3A_1068 : i32 to index
        %parallel_loop3A_1088 = arith.constant 16 : index
        %parallel_loop3A_1089 = tpu.vector_load %arg10[%parallel_loop3A_1087, %parallel_loop3A_1088] {strides = array<i32>} : memref<201x32xf32, #tpu.memory_space<vmem>>, vector<16xf32>,
        %parallel_loop3A_1090 = arith.addf %parallel_loop3A_1086, %parallel_loop3A_1089 : vector<16xf32>
        %parallel_loop3A_1091 = arith.addf %parallel_loop3A_1079, %parallel_loop3A_1090 : vector<16xf32>
        %parallel_loop3A_1092 = arith.constant true
        %parallel_loop3A_1093 = vector.broadcast %parallel_loop3A_1092 : i1 to vector<16xi1>
        %parallel_loop3A_1094 = tpu.scan <sum>, %parallel_loop3A_1091 masked %parallel_loop3A_1093 : vector<16xf32>, vector<16xi1> -> vector<16xf32>
        %parallel_loop3A_1095 = arith.mulf %parallel_loop3A_1079, %parallel_loop3A_1079 : vector<16xf32>
        %parallel_loop3A_1096 = arith.mulf %parallel_loop3A_1090, %parallel_loop3A_1090 : vector<16xf32>
        %parallel_loop3A_1097 = arith.addf %parallel_loop3A_1095, %parallel_loop3A_1096 : vector<16xf32>
        %parallel_loop3A_1098 = arith.constant true
        %parallel_loop3A_1099 = vector.broadcast %parallel_loop3A_1098 : i1 to vector<16xi1>
        %parallel_loop3A_1100 = tpu.scan <sum>, %parallel_loop3A_1097 masked %parallel_loop3A_1099 : vector<16xf32>, vector<16xi1> -> vector<16xf32>
        %parallel_loop3A_1101 = vector.extract_strided_slice %parallel_loop3A_1094 {offsets = [15], sizes = [1], strides = [1]} : vector<16xf32> to vector<1xf32>
        %parallel_loop3A_1102 = vector.extract %parallel_loop3A_1101[0] : f32 from vector<1xf32>
        %parallel_loop3A_1103 = vector.broadcast %parallel_loop3A_1102 : f32 to vector<16xf32>
        %parallel_loop3A_1104 = vector.extract_strided_slice %parallel_loop3A_1100 {offsets = [15], sizes = [1], strides = [1]} : vector<16xf32> to vector<1xf32>
        %parallel_loop3A_1105 = vector.extract %parallel_loop3A_1104[0] : f32 from vector<1xf32>
        %parallel_loop3A_1106 = vector.broadcast %parallel_loop3A_1105 : f32 to vector<16xf32>
        %parallel_loop3A_1107 = arith.constant 13 : i32
        %parallel_loop3A_1108 = vector.broadcast %parallel_loop3A_1107 : i32 to vector<16xi32>
        %parallel_loop3A_1109 = arith.cmpi eq, %iota3A, %parallel_loop3A_1108 : vector<16xi32>
        %parallel_loop3A_1110 = arith.select %parallel_loop3A_1109, %parallel_loop3A_1103, %parallel_loop3A_1063 : vector<16xi1>, vector<16xf32>
        %parallel_loop3A_1111 = arith.select %parallel_loop3A_1109, %parallel_loop3A_1106, %parallel_loop3A_1064 : vector<16xi1>, vector<16xf32>
        %parallel_loop3A_1112 = arith.constant 14 : i32
        %parallel_loop3A_1113 = arith.addi %parallel_loop3A_170, %parallel_loop3A_1112 : i32
        %parallel_loop3A_1114 = vector.extract_strided_slice %parallel_loop3A_175 {offsets = [14], sizes = [1], strides = [1]} : vector<16xi32> to vector<1xi32>
        %parallel_loop3A_1115 = vector.extract %parallel_loop3A_1114[0] : i32 from vector<1xi32>
        %parallel_loop3A_1116 = arith.constant 0 : i32
        %parallel_loop3A_1117 = arith.constant 0 : i32
        %parallel_loop3A_1118 = tpu.memref_slice %arg12[%parallel_loop3A_95, %parallel_loop3A_1116, %parallel_loop3A_1117] : memref<2x128x32xf32, #tpu.memory_space<vmem>> -> memref<1x128x32xf32, #tpu.memory_space<vmem>>
        %parallel_loop3A_1119 = tpu.memref_squeeze %parallel_loop3A_1118 : memref<1x128x32xf32, #tpu.memory_space<vmem>> -> memref<128x32xf32, #tpu.memory_space<vmem>>
        %parallel_loop3A_1120 = arith.index_cast %parallel_loop3A_1113 : i32 to index
        %parallel_loop3A_1121 = arith.constant 0 : index
        %parallel_loop3A_1122 = tpu.vector_load %parallel_loop3A_1119[%parallel_loop3A_1120, %parallel_loop3A_1121] {strides = array<i32>} : memref<128x32xf32, #tpu.memory_space<vmem>>, vector<16xf32>,
        %parallel_loop3A_1123 = arith.index_cast %parallel_loop3A_1115 : i32 to index
        %parallel_loop3A_1124 = arith.constant 0 : index
        %parallel_loop3A_1125 = tpu.vector_load %arg10[%parallel_loop3A_1123, %parallel_loop3A_1124] {strides = array<i32>} : memref<201x32xf32, #tpu.memory_space<vmem>>, vector<16xf32>,
        %parallel_loop3A_1126 = arith.addf %parallel_loop3A_1122, %parallel_loop3A_1125 : vector<16xf32>
        %parallel_loop3A_1127 = arith.constant 0 : i32
        %parallel_loop3A_1128 = arith.constant 0 : i32
        %parallel_loop3A_1129 = tpu.memref_slice %arg12[%parallel_loop3A_95, %parallel_loop3A_1127, %parallel_loop3A_1128] : memref<2x128x32xf32, #tpu.memory_space<vmem>> -> memref<1x128x32xf32, #tpu.memory_space<vmem>>
        %parallel_loop3A_1130 = tpu.memref_squeeze %parallel_loop3A_1129 : memref<1x128x32xf32, #tpu.memory_space<vmem>> -> memref<128x32xf32, #tpu.memory_space<vmem>>
        %parallel_loop3A_1131 = arith.index_cast %parallel_loop3A_1113 : i32 to index
        %parallel_loop3A_1132 = arith.constant 16 : index
        %parallel_loop3A_1133 = tpu.vector_load %parallel_loop3A_1130[%parallel_loop3A_1131, %parallel_loop3A_1132] {strides = array<i32>} : memref<128x32xf32, #tpu.memory_space<vmem>>, vector<16xf32>,
        %parallel_loop3A_1134 = arith.index_cast %parallel_loop3A_1115 : i32 to index
        %parallel_loop3A_1135 = arith.constant 16 : index
        %parallel_loop3A_1136 = tpu.vector_load %arg10[%parallel_loop3A_1134, %parallel_loop3A_1135] {strides = array<i32>} : memref<201x32xf32, #tpu.memory_space<vmem>>, vector<16xf32>,
        %parallel_loop3A_1137 = arith.addf %parallel_loop3A_1133, %parallel_loop3A_1136 : vector<16xf32>
        %parallel_loop3A_1138 = arith.addf %parallel_loop3A_1126, %parallel_loop3A_1137 : vector<16xf32>
        %parallel_loop3A_1139 = arith.constant true
        %parallel_loop3A_1140 = vector.broadcast %parallel_loop3A_1139 : i1 to vector<16xi1>
        %parallel_loop3A_1141 = tpu.scan <sum>, %parallel_loop3A_1138 masked %parallel_loop3A_1140 : vector<16xf32>, vector<16xi1> -> vector<16xf32>
        %parallel_loop3A_1142 = arith.mulf %parallel_loop3A_1126, %parallel_loop3A_1126 : vector<16xf32>
        %parallel_loop3A_1143 = arith.mulf %parallel_loop3A_1137, %parallel_loop3A_1137 : vector<16xf32>
        %parallel_loop3A_1144 = arith.addf %parallel_loop3A_1142, %parallel_loop3A_1143 : vector<16xf32>
        %parallel_loop3A_1145 = arith.constant true
        %parallel_loop3A_1146 = vector.broadcast %parallel_loop3A_1145 : i1 to vector<16xi1>
        %parallel_loop3A_1147 = tpu.scan <sum>, %parallel_loop3A_1144 masked %parallel_loop3A_1146 : vector<16xf32>, vector<16xi1> -> vector<16xf32>
        %parallel_loop3A_1148 = vector.extract_strided_slice %parallel_loop3A_1141 {offsets = [15], sizes = [1], strides = [1]} : vector<16xf32> to vector<1xf32>
        %parallel_loop3A_1149 = vector.extract %parallel_loop3A_1148[0] : f32 from vector<1xf32>
        %parallel_loop3A_1150 = vector.broadcast %parallel_loop3A_1149 : f32 to vector<16xf32>
        %parallel_loop3A_1151 = vector.extract_strided_slice %parallel_loop3A_1147 {offsets = [15], sizes = [1], strides = [1]} : vector<16xf32> to vector<1xf32>
        %parallel_loop3A_1152 = vector.extract %parallel_loop3A_1151[0] : f32 from vector<1xf32>
        %parallel_loop3A_1153 = vector.broadcast %parallel_loop3A_1152 : f32 to vector<16xf32>
        %parallel_loop3A_1154 = arith.constant 14 : i32
        %parallel_loop3A_1155 = vector.broadcast %parallel_loop3A_1154 : i32 to vector<16xi32>
        %parallel_loop3A_1156 = arith.cmpi eq, %iota3A, %parallel_loop3A_1155 : vector<16xi32>
        %parallel_loop3A_1157 = arith.select %parallel_loop3A_1156, %parallel_loop3A_1150, %parallel_loop3A_1110 : vector<16xi1>, vector<16xf32>
        %parallel_loop3A_1158 = arith.select %parallel_loop3A_1156, %parallel_loop3A_1153, %parallel_loop3A_1111 : vector<16xi1>, vector<16xf32>
        %parallel_loop3A_1159 = arith.constant 15 : i32
        %parallel_loop3A_1160 = arith.addi %parallel_loop3A_170, %parallel_loop3A_1159 : i32
        %parallel_loop3A_1161 = vector.extract_strided_slice %parallel_loop3A_175 {offsets = [15], sizes = [1], strides = [1]} : vector<16xi32> to vector<1xi32>
        %parallel_loop3A_1162 = vector.extract %parallel_loop3A_1161[0] : i32 from vector<1xi32>
        %parallel_loop3A_1163 = arith.constant 0 : i32
        %parallel_loop3A_1164 = arith.constant 0 : i32
        %parallel_loop3A_1165 = tpu.memref_slice %arg12[%parallel_loop3A_95, %parallel_loop3A_1163, %parallel_loop3A_1164] : memref<2x128x32xf32, #tpu.memory_space<vmem>> -> memref<1x128x32xf32, #tpu.memory_space<vmem>>
        %parallel_loop3A_1166 = tpu.memref_squeeze %parallel_loop3A_1165 : memref<1x128x32xf32, #tpu.memory_space<vmem>> -> memref<128x32xf32, #tpu.memory_space<vmem>>
        %parallel_loop3A_1167 = arith.index_cast %parallel_loop3A_1160 : i32 to index
        %parallel_loop3A_1168 = arith.constant 0 : index
        %parallel_loop3A_1169 = tpu.vector_load %parallel_loop3A_1166[%parallel_loop3A_1167, %parallel_loop3A_1168] {strides = array<i32>} : memref<128x32xf32, #tpu.memory_space<vmem>>, vector<16xf32>,
        %parallel_loop3A_1170 = arith.index_cast %parallel_loop3A_1162 : i32 to index
        %parallel_loop3A_1171 = arith.constant 0 : index
        %parallel_loop3A_1172 = tpu.vector_load %arg10[%parallel_loop3A_1170, %parallel_loop3A_1171] {strides = array<i32>} : memref<201x32xf32, #tpu.memory_space<vmem>>, vector<16xf32>,
        %parallel_loop3A_1173 = arith.addf %parallel_loop3A_1169, %parallel_loop3A_1172 : vector<16xf32>
        %parallel_loop3A_1174 = arith.constant 0 : i32
        %parallel_loop3A_1175 = arith.constant 0 : i32
        %parallel_loop3A_1176 = tpu.memref_slice %arg12[%parallel_loop3A_95, %parallel_loop3A_1174, %parallel_loop3A_1175] : memref<2x128x32xf32, #tpu.memory_space<vmem>> -> memref<1x128x32xf32, #tpu.memory_space<vmem>>
        %parallel_loop3A_1177 = tpu.memref_squeeze %parallel_loop3A_1176 : memref<1x128x32xf32, #tpu.memory_space<vmem>> -> memref<128x32xf32, #tpu.memory_space<vmem>>
        %parallel_loop3A_1178 = arith.index_cast %parallel_loop3A_1160 : i32 to index
        %parallel_loop3A_1179 = arith.constant 16 : index
        %parallel_loop3A_1180 = tpu.vector_load %parallel_loop3A_1177[%parallel_loop3A_1178, %parallel_loop3A_1179] {strides = array<i32>} : memref<128x32xf32, #tpu.memory_space<vmem>>, vector<16xf32>,
        %parallel_loop3A_1181 = arith.index_cast %parallel_loop3A_1162 : i32 to index
        %parallel_loop3A_1182 = arith.constant 16 : index
        %parallel_loop3A_1183 = tpu.vector_load %arg10[%parallel_loop3A_1181, %parallel_loop3A_1182] {strides = array<i32>} : memref<201x32xf32, #tpu.memory_space<vmem>>, vector<16xf32>,
        %parallel_loop3A_1184 = arith.addf %parallel_loop3A_1180, %parallel_loop3A_1183 : vector<16xf32>
        %parallel_loop3A_1185 = arith.addf %parallel_loop3A_1173, %parallel_loop3A_1184 : vector<16xf32>
        %parallel_loop3A_1186 = arith.constant true
        %parallel_loop3A_1187 = vector.broadcast %parallel_loop3A_1186 : i1 to vector<16xi1>
        %parallel_loop3A_1188 = tpu.scan <sum>, %parallel_loop3A_1185 masked %parallel_loop3A_1187 : vector<16xf32>, vector<16xi1> -> vector<16xf32>
        %parallel_loop3A_1189 = arith.mulf %parallel_loop3A_1173, %parallel_loop3A_1173 : vector<16xf32>
        %parallel_loop3A_1190 = arith.mulf %parallel_loop3A_1184, %parallel_loop3A_1184 : vector<16xf32>
        %parallel_loop3A_1191 = arith.addf %parallel_loop3A_1189, %parallel_loop3A_1190 : vector<16xf32>
        %parallel_loop3A_1192 = arith.constant true
        %parallel_loop3A_1193 = vector.broadcast %parallel_loop3A_1192 : i1 to vector<16xi1>
        %parallel_loop3A_1194 = tpu.scan <sum>, %parallel_loop3A_1191 masked %parallel_loop3A_1193 : vector<16xf32>, vector<16xi1> -> vector<16xf32>
        %parallel_loop3A_1195 = vector.extract_strided_slice %parallel_loop3A_1188 {offsets = [15], sizes = [1], strides = [1]} : vector<16xf32> to vector<1xf32>
        %parallel_loop3A_1196 = vector.extract %parallel_loop3A_1195[0] : f32 from vector<1xf32>
        %parallel_loop3A_1197 = vector.broadcast %parallel_loop3A_1196 : f32 to vector<16xf32>
        %parallel_loop3A_1198 = vector.extract_strided_slice %parallel_loop3A_1194 {offsets = [15], sizes = [1], strides = [1]} : vector<16xf32> to vector<1xf32>
        %parallel_loop3A_1199 = vector.extract %parallel_loop3A_1198[0] : f32 from vector<1xf32>
        %parallel_loop3A_1200 = vector.broadcast %parallel_loop3A_1199 : f32 to vector<16xf32>
        %parallel_loop3A_1201 = arith.constant 15 : i32
        %parallel_loop3A_1202 = vector.broadcast %parallel_loop3A_1201 : i32 to vector<16xi32>
        %parallel_loop3A_1203 = arith.cmpi eq, %iota3A, %parallel_loop3A_1202 : vector<16xi32>
        %parallel_loop3A_1204 = arith.select %parallel_loop3A_1203, %parallel_loop3A_1197, %parallel_loop3A_1157 : vector<16xi1>, vector<16xf32>
        %parallel_loop3A_1205 = arith.select %parallel_loop3A_1203, %parallel_loop3A_1200, %parallel_loop3A_1158 : vector<16xi1>, vector<16xf32>
        %parallel_loop3A_1206 = arith.constant 3.125000e-02 : f32
        %parallel_loop3A_1207 = vector.broadcast %parallel_loop3A_1206 : f32 to vector<16xf32>
        %parallel_loop3A_1208 = arith.mulf %parallel_loop3A_1204, %parallel_loop3A_1207 : vector<16xf32>
        %parallel_loop3A_1209 = arith.constant 3.125000e-02 : f32
        %parallel_loop3A_1210 = vector.broadcast %parallel_loop3A_1209 : f32 to vector<16xf32>
        %parallel_loop3A_1211 = arith.mulf %parallel_loop3A_1205, %parallel_loop3A_1210 : vector<16xf32>
        %parallel_loop3A_1212 = arith.mulf %parallel_loop3A_1208, %parallel_loop3A_1208 : vector<16xf32>
        %parallel_loop3A_1213 = arith.subf %parallel_loop3A_1211, %parallel_loop3A_1212 : vector<16xf32>
        %parallel_loop3A_1214 = arith.constant 9.99999974E-6 : f32
        %parallel_loop3A_1215 = vector.broadcast %parallel_loop3A_1214 : f32 to vector<16xf32>
        %parallel_loop3A_1216 = arith.addf %parallel_loop3A_1213, %parallel_loop3A_1215 : vector<16xf32>
        %parallel_loop3A_1217 = vector.bitcast %parallel_loop3A_1216 : vector<16xf32> to vector<16xi32>
        %parallel_loop3A_1218 = arith.constant 1 : i32
        %parallel_loop3A_1219 = vector.broadcast %parallel_loop3A_1218 : i32 to vector<16xi32>
        %parallel_loop3A_1220 = arith.shrsi %parallel_loop3A_1217, %parallel_loop3A_1219 : vector<16xi32>
        %parallel_loop3A_1221 = arith.constant 1597463007 : i32
        %parallel_loop3A_1222 = vector.broadcast %parallel_loop3A_1221 : i32 to vector<16xi32>
        %parallel_loop3A_1223 = arith.subi %parallel_loop3A_1222, %parallel_loop3A_1220 : vector<16xi32>
        %parallel_loop3A_1224 = vector.bitcast %parallel_loop3A_1223 : vector<16xi32> to vector<16xf32>
        %parallel_loop3A_1225 = arith.constant 5.000000e-01 : f32
        %parallel_loop3A_1226 = vector.broadcast %parallel_loop3A_1225 : f32 to vector<16xf32>
        %parallel_loop3A_1227 = arith.mulf %parallel_loop3A_1226, %parallel_loop3A_1216 : vector<16xf32>
        %parallel_loop3A_1228 = arith.mulf %parallel_loop3A_1227, %parallel_loop3A_1224 : vector<16xf32>
        %parallel_loop3A_1229 = arith.mulf %parallel_loop3A_1228, %parallel_loop3A_1224 : vector<16xf32>
        %parallel_loop3A_1230 = arith.constant 1.500000e+00 : f32
        %parallel_loop3A_1231 = vector.broadcast %parallel_loop3A_1230 : f32 to vector<16xf32>
        %parallel_loop3A_1232 = arith.subf %parallel_loop3A_1231, %parallel_loop3A_1229 : vector<16xf32>
        %parallel_loop3A_1233 = arith.mulf %parallel_loop3A_1224, %parallel_loop3A_1232 : vector<16xf32>
        %parallel_loop3A_1234 = arith.constant 5.000000e-01 : f32
        %parallel_loop3A_1235 = vector.broadcast %parallel_loop3A_1234 : f32 to vector<16xf32>
        %parallel_loop3A_1236 = arith.mulf %parallel_loop3A_1235, %parallel_loop3A_1216 : vector<16xf32>
        %parallel_loop3A_1237 = arith.mulf %parallel_loop3A_1236, %parallel_loop3A_1233 : vector<16xf32>
        %parallel_loop3A_1238 = arith.mulf %parallel_loop3A_1237, %parallel_loop3A_1233 : vector<16xf32>
        %parallel_loop3A_1239 = arith.constant 1.500000e+00 : f32
        %parallel_loop3A_1240 = vector.broadcast %parallel_loop3A_1239 : f32 to vector<16xf32>
        %parallel_loop3A_1241 = arith.subf %parallel_loop3A_1240, %parallel_loop3A_1238 : vector<16xf32>
        %parallel_loop3A_1242 = arith.mulf %parallel_loop3A_1233, %parallel_loop3A_1241 : vector<16xf32>
        %parallel_loop3A_1243 = arith.constant 5.000000e-01 : f32
        %parallel_loop3A_1244 = vector.broadcast %parallel_loop3A_1243 : f32 to vector<16xf32>
        %parallel_loop3A_1245 = arith.mulf %parallel_loop3A_1244, %parallel_loop3A_1216 : vector<16xf32>
        %parallel_loop3A_1246 = arith.mulf %parallel_loop3A_1245, %parallel_loop3A_1242 : vector<16xf32>
        %parallel_loop3A_1247 = arith.mulf %parallel_loop3A_1246, %parallel_loop3A_1242 : vector<16xf32>
        %parallel_loop3A_1248 = arith.constant 1.500000e+00 : f32
        %parallel_loop3A_1249 = vector.broadcast %parallel_loop3A_1248 : f32 to vector<16xf32>
        %parallel_loop3A_1250 = arith.subf %parallel_loop3A_1249, %parallel_loop3A_1247 : vector<16xf32>
        %parallel_loop3A_1251 = arith.mulf %parallel_loop3A_1242, %parallel_loop3A_1250 : vector<16xf32>
        %parallel_loop3A_1252 = vector.extract_strided_slice %parallel_loop3A_1208 {offsets = [8], sizes = [1], strides = [1]} : vector<16xf32> to vector<1xf32>
        %parallel_loop3A_1253 = vector.extract %parallel_loop3A_1252[0] : f32 from vector<1xf32>
        %parallel_loop3A_1254 = vector.broadcast %parallel_loop3A_1253 : f32 to vector<16xf32>
        %parallel_loop3A_1255 = vector.extract_strided_slice %parallel_loop3A_1251 {offsets = [8], sizes = [1], strides = [1]} : vector<16xf32> to vector<1xf32>
        %parallel_loop3A_1256 = vector.extract %parallel_loop3A_1255[0] : f32 from vector<1xf32>
        %parallel_loop3A_1257 = vector.broadcast %parallel_loop3A_1256 : f32 to vector<16xf32>
        %parallel_loop3A_1258 = arith.subf %parallel_loop3A_844, %parallel_loop3A_1254 : vector<16xf32>
        %parallel_loop3A_1259 = arith.mulf %parallel_loop3A_1258, %parallel_loop3A_1257 : vector<16xf32>
        %parallel_loop3A_1260 = arith.mulf %parallel_loop3A_1259, %get3A_5 : vector<16xf32>
        %parallel_loop3A_1261 = arith.addf %parallel_loop3A_1260, %get3A_13 : vector<16xf32>
        %parallel_loop3A_1262 = arith.constant 0 : i32
        %parallel_loop3A_1263 = arith.constant 0 : i32
        %parallel_loop3A_1264 = tpu.memref_slice %arg13[%parallel_loop3A_96, %parallel_loop3A_1262, %parallel_loop3A_1263] : memref<2x128x32xf32, #tpu.memory_space<vmem>> -> memref<1x128x32xf32, #tpu.memory_space<vmem>>
        %parallel_loop3A_1265 = tpu.memref_squeeze %parallel_loop3A_1264 : memref<1x128x32xf32, #tpu.memory_space<vmem>> -> memref<128x32xf32, #tpu.memory_space<vmem>>
        %parallel_loop3A_1266 = arith.index_cast %parallel_loop3A_831 : i32 to index
        %parallel_loop3A_1267 = arith.constant 0 : index
        %parallel_loop3A_1268 = tpu.vector_load %parallel_loop3A_1265[%parallel_loop3A_1266, %parallel_loop3A_1267] {strides = array<i32>} : memref<128x32xf32, #tpu.memory_space<vmem>>, vector<16xf32>,
        tpu.vector_store %parallel_loop3A_1265[%parallel_loop3A_1266, %parallel_loop3A_1267], %parallel_loop3A_1261 {strides = array<i32>} : memref<128x32xf32, #tpu.memory_space<vmem>>, vector<16xf32>,
        %parallel_loop3A_1269 = arith.subf %parallel_loop3A_855, %parallel_loop3A_1254 : vector<16xf32>
        %parallel_loop3A_1270 = arith.mulf %parallel_loop3A_1269, %parallel_loop3A_1257 : vector<16xf32>
        %parallel_loop3A_1271 = arith.mulf %parallel_loop3A_1270, %get3A_9 : vector<16xf32>
        %parallel_loop3A_1272 = arith.addf %parallel_loop3A_1271, %get3A_17 : vector<16xf32>
        %parallel_loop3A_1273 = arith.constant 0 : i32
        %parallel_loop3A_1274 = arith.constant 0 : i32
        %parallel_loop3A_1275 = tpu.memref_slice %arg13[%parallel_loop3A_96, %parallel_loop3A_1273, %parallel_loop3A_1274] : memref<2x128x32xf32, #tpu.memory_space<vmem>> -> memref<1x128x32xf32, #tpu.memory_space<vmem>>
        %parallel_loop3A_1276 = tpu.memref_squeeze %parallel_loop3A_1275 : memref<1x128x32xf32, #tpu.memory_space<vmem>> -> memref<128x32xf32, #tpu.memory_space<vmem>>
        %parallel_loop3A_1277 = arith.index_cast %parallel_loop3A_831 : i32 to index
        %parallel_loop3A_1278 = arith.constant 16 : index
        %parallel_loop3A_1279 = tpu.vector_load %parallel_loop3A_1276[%parallel_loop3A_1277, %parallel_loop3A_1278] {strides = array<i32>} : memref<128x32xf32, #tpu.memory_space<vmem>>, vector<16xf32>,
        tpu.vector_store %parallel_loop3A_1276[%parallel_loop3A_1277, %parallel_loop3A_1278], %parallel_loop3A_1272 {strides = array<i32>} : memref<128x32xf32, #tpu.memory_space<vmem>>, vector<16xf32>,
        %parallel_loop3A_1280 = vector.extract_strided_slice %parallel_loop3A_1208 {offsets = [9], sizes = [1], strides = [1]} : vector<16xf32> to vector<1xf32>
        %parallel_loop3A_1281 = vector.extract %parallel_loop3A_1280[0] : f32 from vector<1xf32>
        %parallel_loop3A_1282 = vector.broadcast %parallel_loop3A_1281 : f32 to vector<16xf32>
        %parallel_loop3A_1283 = vector.extract_strided_slice %parallel_loop3A_1251 {offsets = [9], sizes = [1], strides = [1]} : vector<16xf32> to vector<1xf32>
        %parallel_loop3A_1284 = vector.extract %parallel_loop3A_1283[0] : f32 from vector<1xf32>
        %parallel_loop3A_1285 = vector.broadcast %parallel_loop3A_1284 : f32 to vector<16xf32>
        %parallel_loop3A_1286 = arith.subf %parallel_loop3A_891, %parallel_loop3A_1282 : vector<16xf32>
        %parallel_loop3A_1287 = arith.mulf %parallel_loop3A_1286, %parallel_loop3A_1285 : vector<16xf32>
        %parallel_loop3A_1288 = arith.mulf %parallel_loop3A_1287, %get3A_5 : vector<16xf32>
        %parallel_loop3A_1289 = arith.addf %parallel_loop3A_1288, %get3A_13 : vector<16xf32>
        %parallel_loop3A_1290 = arith.constant 0 : i32
        %parallel_loop3A_1291 = arith.constant 0 : i32
        %parallel_loop3A_1292 = tpu.memref_slice %arg13[%parallel_loop3A_96, %parallel_loop3A_1290, %parallel_loop3A_1291] : memref<2x128x32xf32, #tpu.memory_space<vmem>> -> memref<1x128x32xf32, #tpu.memory_space<vmem>>
        %parallel_loop3A_1293 = tpu.memref_squeeze %parallel_loop3A_1292 : memref<1x128x32xf32, #tpu.memory_space<vmem>> -> memref<128x32xf32, #tpu.memory_space<vmem>>
        %parallel_loop3A_1294 = arith.index_cast %parallel_loop3A_878 : i32 to index
        %parallel_loop3A_1295 = arith.constant 0 : index
        %parallel_loop3A_1296 = tpu.vector_load %parallel_loop3A_1293[%parallel_loop3A_1294, %parallel_loop3A_1295] {strides = array<i32>} : memref<128x32xf32, #tpu.memory_space<vmem>>, vector<16xf32>,
        tpu.vector_store %parallel_loop3A_1293[%parallel_loop3A_1294, %parallel_loop3A_1295], %parallel_loop3A_1289 {strides = array<i32>} : memref<128x32xf32, #tpu.memory_space<vmem>>, vector<16xf32>,
        %parallel_loop3A_1297 = arith.subf %parallel_loop3A_902, %parallel_loop3A_1282 : vector<16xf32>
        %parallel_loop3A_1298 = arith.mulf %parallel_loop3A_1297, %parallel_loop3A_1285 : vector<16xf32>
        %parallel_loop3A_1299 = arith.mulf %parallel_loop3A_1298, %get3A_9 : vector<16xf32>
        %parallel_loop3A_1300 = arith.addf %parallel_loop3A_1299, %get3A_17 : vector<16xf32>
        %parallel_loop3A_1301 = arith.constant 0 : i32
        %parallel_loop3A_1302 = arith.constant 0 : i32
        %parallel_loop3A_1303 = tpu.memref_slice %arg13[%parallel_loop3A_96, %parallel_loop3A_1301, %parallel_loop3A_1302] : memref<2x128x32xf32, #tpu.memory_space<vmem>> -> memref<1x128x32xf32, #tpu.memory_space<vmem>>
        %parallel_loop3A_1304 = tpu.memref_squeeze %parallel_loop3A_1303 : memref<1x128x32xf32, #tpu.memory_space<vmem>> -> memref<128x32xf32, #tpu.memory_space<vmem>>
        %parallel_loop3A_1305 = arith.index_cast %parallel_loop3A_878 : i32 to index
        %parallel_loop3A_1306 = arith.constant 16 : index
        %parallel_loop3A_1307 = tpu.vector_load %parallel_loop3A_1304[%parallel_loop3A_1305, %parallel_loop3A_1306] {strides = array<i32>} : memref<128x32xf32, #tpu.memory_space<vmem>>, vector<16xf32>,
        tpu.vector_store %parallel_loop3A_1304[%parallel_loop3A_1305, %parallel_loop3A_1306], %parallel_loop3A_1300 {strides = array<i32>} : memref<128x32xf32, #tpu.memory_space<vmem>>, vector<16xf32>,
        %parallel_loop3A_1308 = vector.extract_strided_slice %parallel_loop3A_1208 {offsets = [10], sizes = [1], strides = [1]} : vector<16xf32> to vector<1xf32>
        %parallel_loop3A_1309 = vector.extract %parallel_loop3A_1308[0] : f32 from vector<1xf32>
        %parallel_loop3A_1310 = vector.broadcast %parallel_loop3A_1309 : f32 to vector<16xf32>
        %parallel_loop3A_1311 = vector.extract_strided_slice %parallel_loop3A_1251 {offsets = [10], sizes = [1], strides = [1]} : vector<16xf32> to vector<1xf32>
        %parallel_loop3A_1312 = vector.extract %parallel_loop3A_1311[0] : f32 from vector<1xf32>
        %parallel_loop3A_1313 = vector.broadcast %parallel_loop3A_1312 : f32 to vector<16xf32>
        %parallel_loop3A_1314 = arith.subf %parallel_loop3A_938, %parallel_loop3A_1310 : vector<16xf32>
        %parallel_loop3A_1315 = arith.mulf %parallel_loop3A_1314, %parallel_loop3A_1313 : vector<16xf32>
        %parallel_loop3A_1316 = arith.mulf %parallel_loop3A_1315, %get3A_5 : vector<16xf32>
        %parallel_loop3A_1317 = arith.addf %parallel_loop3A_1316, %get3A_13 : vector<16xf32>
        %parallel_loop3A_1318 = arith.constant 0 : i32
        %parallel_loop3A_1319 = arith.constant 0 : i32
        %parallel_loop3A_1320 = tpu.memref_slice %arg13[%parallel_loop3A_96, %parallel_loop3A_1318, %parallel_loop3A_1319] : memref<2x128x32xf32, #tpu.memory_space<vmem>> -> memref<1x128x32xf32, #tpu.memory_space<vmem>>
        %parallel_loop3A_1321 = tpu.memref_squeeze %parallel_loop3A_1320 : memref<1x128x32xf32, #tpu.memory_space<vmem>> -> memref<128x32xf32, #tpu.memory_space<vmem>>
        %parallel_loop3A_1322 = arith.index_cast %parallel_loop3A_925 : i32 to index
        %parallel_loop3A_1323 = arith.constant 0 : index
        %parallel_loop3A_1324 = tpu.vector_load %parallel_loop3A_1321[%parallel_loop3A_1322, %parallel_loop3A_1323] {strides = array<i32>} : memref<128x32xf32, #tpu.memory_space<vmem>>, vector<16xf32>,
        tpu.vector_store %parallel_loop3A_1321[%parallel_loop3A_1322, %parallel_loop3A_1323], %parallel_loop3A_1317 {strides = array<i32>} : memref<128x32xf32, #tpu.memory_space<vmem>>, vector<16xf32>,
        %parallel_loop3A_1325 = arith.subf %parallel_loop3A_949, %parallel_loop3A_1310 : vector<16xf32>
        %parallel_loop3A_1326 = arith.mulf %parallel_loop3A_1325, %parallel_loop3A_1313 : vector<16xf32>
        %parallel_loop3A_1327 = arith.mulf %parallel_loop3A_1326, %get3A_9 : vector<16xf32>
        %parallel_loop3A_1328 = arith.addf %parallel_loop3A_1327, %get3A_17 : vector<16xf32>
        %parallel_loop3A_1329 = arith.constant 0 : i32
        %parallel_loop3A_1330 = arith.constant 0 : i32
        %parallel_loop3A_1331 = tpu.memref_slice %arg13[%parallel_loop3A_96, %parallel_loop3A_1329, %parallel_loop3A_1330] : memref<2x128x32xf32, #tpu.memory_space<vmem>> -> memref<1x128x32xf32, #tpu.memory_space<vmem>>
        %parallel_loop3A_1332 = tpu.memref_squeeze %parallel_loop3A_1331 : memref<1x128x32xf32, #tpu.memory_space<vmem>> -> memref<128x32xf32, #tpu.memory_space<vmem>>
        %parallel_loop3A_1333 = arith.index_cast %parallel_loop3A_925 : i32 to index
        %parallel_loop3A_1334 = arith.constant 16 : index
        %parallel_loop3A_1335 = tpu.vector_load %parallel_loop3A_1332[%parallel_loop3A_1333, %parallel_loop3A_1334] {strides = array<i32>} : memref<128x32xf32, #tpu.memory_space<vmem>>, vector<16xf32>,
        tpu.vector_store %parallel_loop3A_1332[%parallel_loop3A_1333, %parallel_loop3A_1334], %parallel_loop3A_1328 {strides = array<i32>} : memref<128x32xf32, #tpu.memory_space<vmem>>, vector<16xf32>,
        %parallel_loop3A_1336 = vector.extract_strided_slice %parallel_loop3A_1208 {offsets = [11], sizes = [1], strides = [1]} : vector<16xf32> to vector<1xf32>
        %parallel_loop3A_1337 = vector.extract %parallel_loop3A_1336[0] : f32 from vector<1xf32>
        %parallel_loop3A_1338 = vector.broadcast %parallel_loop3A_1337 : f32 to vector<16xf32>
        %parallel_loop3A_1339 = vector.extract_strided_slice %parallel_loop3A_1251 {offsets = [11], sizes = [1], strides = [1]} : vector<16xf32> to vector<1xf32>
        %parallel_loop3A_1340 = vector.extract %parallel_loop3A_1339[0] : f32 from vector<1xf32>
        %parallel_loop3A_1341 = vector.broadcast %parallel_loop3A_1340 : f32 to vector<16xf32>
        %parallel_loop3A_1342 = arith.subf %parallel_loop3A_985, %parallel_loop3A_1338 : vector<16xf32>
        %parallel_loop3A_1343 = arith.mulf %parallel_loop3A_1342, %parallel_loop3A_1341 : vector<16xf32>
        %parallel_loop3A_1344 = arith.mulf %parallel_loop3A_1343, %get3A_5 : vector<16xf32>
        %parallel_loop3A_1345 = arith.addf %parallel_loop3A_1344, %get3A_13 : vector<16xf32>
        %parallel_loop3A_1346 = arith.constant 0 : i32
        %parallel_loop3A_1347 = arith.constant 0 : i32
        %parallel_loop3A_1348 = tpu.memref_slice %arg13[%parallel_loop3A_96, %parallel_loop3A_1346, %parallel_loop3A_1347] : memref<2x128x32xf32, #tpu.memory_space<vmem>> -> memref<1x128x32xf32, #tpu.memory_space<vmem>>
        %parallel_loop3A_1349 = tpu.memref_squeeze %parallel_loop3A_1348 : memref<1x128x32xf32, #tpu.memory_space<vmem>> -> memref<128x32xf32, #tpu.memory_space<vmem>>
        %parallel_loop3A_1350 = arith.index_cast %parallel_loop3A_972 : i32 to index
        %parallel_loop3A_1351 = arith.constant 0 : index
        %parallel_loop3A_1352 = tpu.vector_load %parallel_loop3A_1349[%parallel_loop3A_1350, %parallel_loop3A_1351] {strides = array<i32>} : memref<128x32xf32, #tpu.memory_space<vmem>>, vector<16xf32>,
        tpu.vector_store %parallel_loop3A_1349[%parallel_loop3A_1350, %parallel_loop3A_1351], %parallel_loop3A_1345 {strides = array<i32>} : memref<128x32xf32, #tpu.memory_space<vmem>>, vector<16xf32>,
        %parallel_loop3A_1353 = arith.subf %parallel_loop3A_996, %parallel_loop3A_1338 : vector<16xf32>
        %parallel_loop3A_1354 = arith.mulf %parallel_loop3A_1353, %parallel_loop3A_1341 : vector<16xf32>
        %parallel_loop3A_1355 = arith.mulf %parallel_loop3A_1354, %get3A_9 : vector<16xf32>
        %parallel_loop3A_1356 = arith.addf %parallel_loop3A_1355, %get3A_17 : vector<16xf32>
        %parallel_loop3A_1357 = arith.constant 0 : i32
        %parallel_loop3A_1358 = arith.constant 0 : i32
        %parallel_loop3A_1359 = tpu.memref_slice %arg13[%parallel_loop3A_96, %parallel_loop3A_1357, %parallel_loop3A_1358] : memref<2x128x32xf32, #tpu.memory_space<vmem>> -> memref<1x128x32xf32, #tpu.memory_space<vmem>>
        %parallel_loop3A_1360 = tpu.memref_squeeze %parallel_loop3A_1359 : memref<1x128x32xf32, #tpu.memory_space<vmem>> -> memref<128x32xf32, #tpu.memory_space<vmem>>
        %parallel_loop3A_1361 = arith.index_cast %parallel_loop3A_972 : i32 to index
        %parallel_loop3A_1362 = arith.constant 16 : index
        %parallel_loop3A_1363 = tpu.vector_load %parallel_loop3A_1360[%parallel_loop3A_1361, %parallel_loop3A_1362] {strides = array<i32>} : memref<128x32xf32, #tpu.memory_space<vmem>>, vector<16xf32>,
        tpu.vector_store %parallel_loop3A_1360[%parallel_loop3A_1361, %parallel_loop3A_1362], %parallel_loop3A_1356 {strides = array<i32>} : memref<128x32xf32, #tpu.memory_space<vmem>>, vector<16xf32>,
        %parallel_loop3A_1364 = vector.extract_strided_slice %parallel_loop3A_1208 {offsets = [12], sizes = [1], strides = [1]} : vector<16xf32> to vector<1xf32>
        %parallel_loop3A_1365 = vector.extract %parallel_loop3A_1364[0] : f32 from vector<1xf32>
        %parallel_loop3A_1366 = vector.broadcast %parallel_loop3A_1365 : f32 to vector<16xf32>
        %parallel_loop3A_1367 = vector.extract_strided_slice %parallel_loop3A_1251 {offsets = [12], sizes = [1], strides = [1]} : vector<16xf32> to vector<1xf32>
        %parallel_loop3A_1368 = vector.extract %parallel_loop3A_1367[0] : f32 from vector<1xf32>
        %parallel_loop3A_1369 = vector.broadcast %parallel_loop3A_1368 : f32 to vector<16xf32>
        %parallel_loop3A_1370 = arith.subf %parallel_loop3A_1032, %parallel_loop3A_1366 : vector<16xf32>
        %parallel_loop3A_1371 = arith.mulf %parallel_loop3A_1370, %parallel_loop3A_1369 : vector<16xf32>
        %parallel_loop3A_1372 = arith.mulf %parallel_loop3A_1371, %get3A_5 : vector<16xf32>
        %parallel_loop3A_1373 = arith.addf %parallel_loop3A_1372, %get3A_13 : vector<16xf32>
        %parallel_loop3A_1374 = arith.constant 0 : i32
        %parallel_loop3A_1375 = arith.constant 0 : i32
        %parallel_loop3A_1376 = tpu.memref_slice %arg13[%parallel_loop3A_96, %parallel_loop3A_1374, %parallel_loop3A_1375] : memref<2x128x32xf32, #tpu.memory_space<vmem>> -> memref<1x128x32xf32, #tpu.memory_space<vmem>>
        %parallel_loop3A_1377 = tpu.memref_squeeze %parallel_loop3A_1376 : memref<1x128x32xf32, #tpu.memory_space<vmem>> -> memref<128x32xf32, #tpu.memory_space<vmem>>
        %parallel_loop3A_1378 = arith.index_cast %parallel_loop3A_1019 : i32 to index
        %parallel_loop3A_1379 = arith.constant 0 : index
        %parallel_loop3A_1380 = tpu.vector_load %parallel_loop3A_1377[%parallel_loop3A_1378, %parallel_loop3A_1379] {strides = array<i32>} : memref<128x32xf32, #tpu.memory_space<vmem>>, vector<16xf32>,
        tpu.vector_store %parallel_loop3A_1377[%parallel_loop3A_1378, %parallel_loop3A_1379], %parallel_loop3A_1373 {strides = array<i32>} : memref<128x32xf32, #tpu.memory_space<vmem>>, vector<16xf32>,
        %parallel_loop3A_1381 = arith.subf %parallel_loop3A_1043, %parallel_loop3A_1366 : vector<16xf32>
        %parallel_loop3A_1382 = arith.mulf %parallel_loop3A_1381, %parallel_loop3A_1369 : vector<16xf32>
        %parallel_loop3A_1383 = arith.mulf %parallel_loop3A_1382, %get3A_9 : vector<16xf32>
        %parallel_loop3A_1384 = arith.addf %parallel_loop3A_1383, %get3A_17 : vector<16xf32>
        %parallel_loop3A_1385 = arith.constant 0 : i32
        %parallel_loop3A_1386 = arith.constant 0 : i32
        %parallel_loop3A_1387 = tpu.memref_slice %arg13[%parallel_loop3A_96, %parallel_loop3A_1385, %parallel_loop3A_1386] : memref<2x128x32xf32, #tpu.memory_space<vmem>> -> memref<1x128x32xf32, #tpu.memory_space<vmem>>
        %parallel_loop3A_1388 = tpu.memref_squeeze %parallel_loop3A_1387 : memref<1x128x32xf32, #tpu.memory_space<vmem>> -> memref<128x32xf32, #tpu.memory_space<vmem>>
        %parallel_loop3A_1389 = arith.index_cast %parallel_loop3A_1019 : i32 to index
        %parallel_loop3A_1390 = arith.constant 16 : index
        %parallel_loop3A_1391 = tpu.vector_load %parallel_loop3A_1388[%parallel_loop3A_1389, %parallel_loop3A_1390] {strides = array<i32>} : memref<128x32xf32, #tpu.memory_space<vmem>>, vector<16xf32>,
        tpu.vector_store %parallel_loop3A_1388[%parallel_loop3A_1389, %parallel_loop3A_1390], %parallel_loop3A_1384 {strides = array<i32>} : memref<128x32xf32, #tpu.memory_space<vmem>>, vector<16xf32>,
        %parallel_loop3A_1392 = vector.extract_strided_slice %parallel_loop3A_1208 {offsets = [13], sizes = [1], strides = [1]} : vector<16xf32> to vector<1xf32>
        %parallel_loop3A_1393 = vector.extract %parallel_loop3A_1392[0] : f32 from vector<1xf32>
        %parallel_loop3A_1394 = vector.broadcast %parallel_loop3A_1393 : f32 to vector<16xf32>
        %parallel_loop3A_1395 = vector.extract_strided_slice %parallel_loop3A_1251 {offsets = [13], sizes = [1], strides = [1]} : vector<16xf32> to vector<1xf32>
        %parallel_loop3A_1396 = vector.extract %parallel_loop3A_1395[0] : f32 from vector<1xf32>
        %parallel_loop3A_1397 = vector.broadcast %parallel_loop3A_1396 : f32 to vector<16xf32>
        %parallel_loop3A_1398 = arith.subf %parallel_loop3A_1079, %parallel_loop3A_1394 : vector<16xf32>
        %parallel_loop3A_1399 = arith.mulf %parallel_loop3A_1398, %parallel_loop3A_1397 : vector<16xf32>
        %parallel_loop3A_1400 = arith.mulf %parallel_loop3A_1399, %get3A_5 : vector<16xf32>
        %parallel_loop3A_1401 = arith.addf %parallel_loop3A_1400, %get3A_13 : vector<16xf32>
        %parallel_loop3A_1402 = arith.constant 0 : i32
        %parallel_loop3A_1403 = arith.constant 0 : i32
        %parallel_loop3A_1404 = tpu.memref_slice %arg13[%parallel_loop3A_96, %parallel_loop3A_1402, %parallel_loop3A_1403] : memref<2x128x32xf32, #tpu.memory_space<vmem>> -> memref<1x128x32xf32, #tpu.memory_space<vmem>>
        %parallel_loop3A_1405 = tpu.memref_squeeze %parallel_loop3A_1404 : memref<1x128x32xf32, #tpu.memory_space<vmem>> -> memref<128x32xf32, #tpu.memory_space<vmem>>
        %parallel_loop3A_1406 = arith.index_cast %parallel_loop3A_1066 : i32 to index
        %parallel_loop3A_1407 = arith.constant 0 : index
        %parallel_loop3A_1408 = tpu.vector_load %parallel_loop3A_1405[%parallel_loop3A_1406, %parallel_loop3A_1407] {strides = array<i32>} : memref<128x32xf32, #tpu.memory_space<vmem>>, vector<16xf32>,
        tpu.vector_store %parallel_loop3A_1405[%parallel_loop3A_1406, %parallel_loop3A_1407], %parallel_loop3A_1401 {strides = array<i32>} : memref<128x32xf32, #tpu.memory_space<vmem>>, vector<16xf32>,
        %parallel_loop3A_1409 = arith.subf %parallel_loop3A_1090, %parallel_loop3A_1394 : vector<16xf32>
        %parallel_loop3A_1410 = arith.mulf %parallel_loop3A_1409, %parallel_loop3A_1397 : vector<16xf32>
        %parallel_loop3A_1411 = arith.mulf %parallel_loop3A_1410, %get3A_9 : vector<16xf32>
        %parallel_loop3A_1412 = arith.addf %parallel_loop3A_1411, %get3A_17 : vector<16xf32>
        %parallel_loop3A_1413 = arith.constant 0 : i32
        %parallel_loop3A_1414 = arith.constant 0 : i32
        %parallel_loop3A_1415 = tpu.memref_slice %arg13[%parallel_loop3A_96, %parallel_loop3A_1413, %parallel_loop3A_1414] : memref<2x128x32xf32, #tpu.memory_space<vmem>> -> memref<1x128x32xf32, #tpu.memory_space<vmem>>
        %parallel_loop3A_1416 = tpu.memref_squeeze %parallel_loop3A_1415 : memref<1x128x32xf32, #tpu.memory_space<vmem>> -> memref<128x32xf32, #tpu.memory_space<vmem>>
        %parallel_loop3A_1417 = arith.index_cast %parallel_loop3A_1066 : i32 to index
        %parallel_loop3A_1418 = arith.constant 16 : index
        %parallel_loop3A_1419 = tpu.vector_load %parallel_loop3A_1416[%parallel_loop3A_1417, %parallel_loop3A_1418] {strides = array<i32>} : memref<128x32xf32, #tpu.memory_space<vmem>>, vector<16xf32>,
        tpu.vector_store %parallel_loop3A_1416[%parallel_loop3A_1417, %parallel_loop3A_1418], %parallel_loop3A_1412 {strides = array<i32>} : memref<128x32xf32, #tpu.memory_space<vmem>>, vector<16xf32>,
        %parallel_loop3A_1420 = vector.extract_strided_slice %parallel_loop3A_1208 {offsets = [14], sizes = [1], strides = [1]} : vector<16xf32> to vector<1xf32>
        %parallel_loop3A_1421 = vector.extract %parallel_loop3A_1420[0] : f32 from vector<1xf32>
        %parallel_loop3A_1422 = vector.broadcast %parallel_loop3A_1421 : f32 to vector<16xf32>
        %parallel_loop3A_1423 = vector.extract_strided_slice %parallel_loop3A_1251 {offsets = [14], sizes = [1], strides = [1]} : vector<16xf32> to vector<1xf32>
        %parallel_loop3A_1424 = vector.extract %parallel_loop3A_1423[0] : f32 from vector<1xf32>
        %parallel_loop3A_1425 = vector.broadcast %parallel_loop3A_1424 : f32 to vector<16xf32>
        %parallel_loop3A_1426 = arith.subf %parallel_loop3A_1126, %parallel_loop3A_1422 : vector<16xf32>
        %parallel_loop3A_1427 = arith.mulf %parallel_loop3A_1426, %parallel_loop3A_1425 : vector<16xf32>
        %parallel_loop3A_1428 = arith.mulf %parallel_loop3A_1427, %get3A_5 : vector<16xf32>
        %parallel_loop3A_1429 = arith.addf %parallel_loop3A_1428, %get3A_13 : vector<16xf32>
        %parallel_loop3A_1430 = arith.constant 0 : i32
        %parallel_loop3A_1431 = arith.constant 0 : i32
        %parallel_loop3A_1432 = tpu.memref_slice %arg13[%parallel_loop3A_96, %parallel_loop3A_1430, %parallel_loop3A_1431] : memref<2x128x32xf32, #tpu.memory_space<vmem>> -> memref<1x128x32xf32, #tpu.memory_space<vmem>>
        %parallel_loop3A_1433 = tpu.memref_squeeze %parallel_loop3A_1432 : memref<1x128x32xf32, #tpu.memory_space<vmem>> -> memref<128x32xf32, #tpu.memory_space<vmem>>
        %parallel_loop3A_1434 = arith.index_cast %parallel_loop3A_1113 : i32 to index
        %parallel_loop3A_1435 = arith.constant 0 : index
        %parallel_loop3A_1436 = tpu.vector_load %parallel_loop3A_1433[%parallel_loop3A_1434, %parallel_loop3A_1435] {strides = array<i32>} : memref<128x32xf32, #tpu.memory_space<vmem>>, vector<16xf32>,
        tpu.vector_store %parallel_loop3A_1433[%parallel_loop3A_1434, %parallel_loop3A_1435], %parallel_loop3A_1429 {strides = array<i32>} : memref<128x32xf32, #tpu.memory_space<vmem>>, vector<16xf32>,
        %parallel_loop3A_1437 = arith.subf %parallel_loop3A_1137, %parallel_loop3A_1422 : vector<16xf32>
        %parallel_loop3A_1438 = arith.mulf %parallel_loop3A_1437, %parallel_loop3A_1425 : vector<16xf32>
        %parallel_loop3A_1439 = arith.mulf %parallel_loop3A_1438, %get3A_9 : vector<16xf32>
        %parallel_loop3A_1440 = arith.addf %parallel_loop3A_1439, %get3A_17 : vector<16xf32>
        %parallel_loop3A_1441 = arith.constant 0 : i32
        %parallel_loop3A_1442 = arith.constant 0 : i32
        %parallel_loop3A_1443 = tpu.memref_slice %arg13[%parallel_loop3A_96, %parallel_loop3A_1441, %parallel_loop3A_1442] : memref<2x128x32xf32, #tpu.memory_space<vmem>> -> memref<1x128x32xf32, #tpu.memory_space<vmem>>
        %parallel_loop3A_1444 = tpu.memref_squeeze %parallel_loop3A_1443 : memref<1x128x32xf32, #tpu.memory_space<vmem>> -> memref<128x32xf32, #tpu.memory_space<vmem>>
        %parallel_loop3A_1445 = arith.index_cast %parallel_loop3A_1113 : i32 to index
        %parallel_loop3A_1446 = arith.constant 16 : index
        %parallel_loop3A_1447 = tpu.vector_load %parallel_loop3A_1444[%parallel_loop3A_1445, %parallel_loop3A_1446] {strides = array<i32>} : memref<128x32xf32, #tpu.memory_space<vmem>>, vector<16xf32>,
        tpu.vector_store %parallel_loop3A_1444[%parallel_loop3A_1445, %parallel_loop3A_1446], %parallel_loop3A_1440 {strides = array<i32>} : memref<128x32xf32, #tpu.memory_space<vmem>>, vector<16xf32>,
        %parallel_loop3A_1448 = vector.extract_strided_slice %parallel_loop3A_1208 {offsets = [15], sizes = [1], strides = [1]} : vector<16xf32> to vector<1xf32>
        %parallel_loop3A_1449 = vector.extract %parallel_loop3A_1448[0] : f32 from vector<1xf32>
        %parallel_loop3A_1450 = vector.broadcast %parallel_loop3A_1449 : f32 to vector<16xf32>
        %parallel_loop3A_1451 = vector.extract_strided_slice %parallel_loop3A_1251 {offsets = [15], sizes = [1], strides = [1]} : vector<16xf32> to vector<1xf32>
        %parallel_loop3A_1452 = vector.extract %parallel_loop3A_1451[0] : f32 from vector<1xf32>
        %parallel_loop3A_1453 = vector.broadcast %parallel_loop3A_1452 : f32 to vector<16xf32>
        %parallel_loop3A_1454 = arith.subf %parallel_loop3A_1173, %parallel_loop3A_1450 : vector<16xf32>
        %parallel_loop3A_1455 = arith.mulf %parallel_loop3A_1454, %parallel_loop3A_1453 : vector<16xf32>
        %parallel_loop3A_1456 = arith.mulf %parallel_loop3A_1455, %get3A_5 : vector<16xf32>
        %parallel_loop3A_1457 = arith.addf %parallel_loop3A_1456, %get3A_13 : vector<16xf32>
        %parallel_loop3A_1458 = arith.constant 0 : i32
        %parallel_loop3A_1459 = arith.constant 0 : i32
        %parallel_loop3A_1460 = tpu.memref_slice %arg13[%parallel_loop3A_96, %parallel_loop3A_1458, %parallel_loop3A_1459] : memref<2x128x32xf32, #tpu.memory_space<vmem>> -> memref<1x128x32xf32, #tpu.memory_space<vmem>>
        %parallel_loop3A_1461 = tpu.memref_squeeze %parallel_loop3A_1460 : memref<1x128x32xf32, #tpu.memory_space<vmem>> -> memref<128x32xf32, #tpu.memory_space<vmem>>
        %parallel_loop3A_1462 = arith.index_cast %parallel_loop3A_1160 : i32 to index
        %parallel_loop3A_1463 = arith.constant 0 : index
        %parallel_loop3A_1464 = tpu.vector_load %parallel_loop3A_1461[%parallel_loop3A_1462, %parallel_loop3A_1463] {strides = array<i32>} : memref<128x32xf32, #tpu.memory_space<vmem>>, vector<16xf32>,
        tpu.vector_store %parallel_loop3A_1461[%parallel_loop3A_1462, %parallel_loop3A_1463], %parallel_loop3A_1457 {strides = array<i32>} : memref<128x32xf32, #tpu.memory_space<vmem>>, vector<16xf32>,
        %parallel_loop3A_1465 = arith.subf %parallel_loop3A_1184, %parallel_loop3A_1450 : vector<16xf32>
        %parallel_loop3A_1466 = arith.mulf %parallel_loop3A_1465, %parallel_loop3A_1453 : vector<16xf32>
        %parallel_loop3A_1467 = arith.mulf %parallel_loop3A_1466, %get3A_9 : vector<16xf32>
        %parallel_loop3A_1468 = arith.addf %parallel_loop3A_1467, %get3A_17 : vector<16xf32>
        %parallel_loop3A_1469 = arith.constant 0 : i32
        %parallel_loop3A_1470 = arith.constant 0 : i32
        %parallel_loop3A_1471 = tpu.memref_slice %arg13[%parallel_loop3A_96, %parallel_loop3A_1469, %parallel_loop3A_1470] : memref<2x128x32xf32, #tpu.memory_space<vmem>> -> memref<1x128x32xf32, #tpu.memory_space<vmem>>
        %parallel_loop3A_1472 = tpu.memref_squeeze %parallel_loop3A_1471 : memref<1x128x32xf32, #tpu.memory_space<vmem>> -> memref<128x32xf32, #tpu.memory_space<vmem>>
        %parallel_loop3A_1473 = arith.index_cast %parallel_loop3A_1160 : i32 to index
        %parallel_loop3A_1474 = arith.constant 16 : index
        %parallel_loop3A_1475 = tpu.vector_load %parallel_loop3A_1472[%parallel_loop3A_1473, %parallel_loop3A_1474] {strides = array<i32>} : memref<128x32xf32, #tpu.memory_space<vmem>>, vector<16xf32>,
        tpu.vector_store %parallel_loop3A_1472[%parallel_loop3A_1473, %parallel_loop3A_1474], %parallel_loop3A_1468 {strides = array<i32>} : memref<128x32xf32, #tpu.memory_space<vmem>>, vector<16xf32>,
      } {sc.loop_unroll_factor = 4 : i64, sc.parallel_access}
      %mul3A_97 = arith.constant 128 : i32
      %mul3A_98 = arith.muli %add3A_79, %mul3A_97 : i32
      %add3A_99 = arith.addi %mul3A_2, %mul3A_98 : i32
      %dma_start3A_100 = arith.constant 0 : i32
      %dma_start3A_101 = arith.constant 0 : i32
      %dma_start3A_102 = arith.constant 0 : i32
      %dma_start3A_103 = tpu.memref_slice %arg13[%dma_start3A_100, %dma_start3A_101, %dma_start3A_102] : memref<2x128x32xf32, #tpu.memory_space<vmem>> -> memref<1x128x32xf32, #tpu.memory_space<vmem>>
      %dma_start3A_104 = tpu.memref_squeeze %dma_start3A_103 : memref<1x128x32xf32, #tpu.memory_space<vmem>> -> memref<128x32xf32, #tpu.memory_space<vmem>>
      %dma_start3A_105 = arith.constant 0 : i32
      %dma_start3A_106 = tpu.memref_slice %arg7[%add3A_99, %dma_start3A_105] : memref<819200x32xf32, #tpu.memory_space<hbm>> -> memref<128x32xf32, #tpu.memory_space<hbm>>
      %dma_start3A_107 = arith.constant 0 : i32
      %dma_start3A_108 = tpu.memref_slice %arg7[%add3A_99, %dma_start3A_107] : memref<819200x32xf32, #tpu.memory_space<hbm>> -> memref<128x32xf32, #tpu.memory_space<hbm>>
      %dma_start3A_109 = arith.constant 0 : i32
      %dma_start3A_110 = arith.constant 0 : i32
      %dma_start3A_111 = tpu.memref_slice %arg13[%dma_start3A_100, %dma_start3A_109, %dma_start3A_110] : memref<2x128x32xf32, #tpu.memory_space<vmem>> -> memref<1x128x32xf32, #tpu.memory_space<vmem>>
      %dma_start3A_112 = tpu.memref_squeeze %dma_start3A_111 : memref<1x128x32xf32, #tpu.memory_space<vmem>> -> memref<128x32xf32, #tpu.memory_space<vmem>>
      tpu.enqueue_dma source(%dma_start3A_112 : memref<128x32xf32, #tpu.memory_space<vmem>>) target(%dma_start3A_108 : memref<128x32xf32, #tpu.memory_space<hbm>>) target_semaphore(%arg17 : memref<!tpu.dma_semaphore, #tpu.memory_space<semaphore_mem>>)
      %add3A_113 = arith.constant 2 : i32
      %add3A_114 = arith.addi %add3A_79, %add3A_113 : i32
      %lt3A = arith.constant 200 : i32
      %lt3A_115 = arith.cmpi slt, %add3A_114, %lt3A : i32
      %convert_element_type3A_116 = arith.extui %lt3A_115 : i1 to i32
      %cond3A_117 = arith.constant 0 : i32
      %cond3A_118 = arith.cmpi ne, %convert_element_type3A_116, %cond3A_117 : i32
      scf.if %cond3A_118 {
        %add3A_168 = arith.constant 2 : i32
        %add3A_169 = arith.addi %add3A_79, %add3A_168 : i32
        %dma_start3A_170 = arith.constant 0 : i32
        %dma_start3A_171 = arith.constant 0 : i32
        %dma_start3A_172 = arith.constant 0 : i32
        %dma_start3A_173 = tpu.memref_slice %arg12[%dma_start3A_170, %dma_start3A_171, %dma_start3A_172] : memref<2x128x32xf32, #tpu.memory_space<vmem>> -> memref<1x128x32xf32, #tpu.memory_space<vmem>>
        %dma_start3A_174 = tpu.memref_squeeze %dma_start3A_173 : memref<1x128x32xf32, #tpu.memory_space<vmem>> -> memref<128x32xf32, #tpu.memory_space<vmem>>
        %dma_start3A_175 = arith.constant 0 : i32
        %dma_start3A_176 = tpu.memref_slice %arg8[%add3A_169, %dma_start3A_175] : memref<200x128xi32, #tpu.memory_space<vmem>> -> memref<1x128xi32, #tpu.memory_space<vmem>>
        %dma_start3A_177 = tpu.memref_squeeze %dma_start3A_176 : memref<1x128xi32, #tpu.memory_space<vmem>> -> memref<128xi32, #tpu.memory_space<vmem>>
        %dma_start3A_178 = arith.constant 0 : i32
        %dma_start3A_179 = arith.constant 0 : i32
        %dma_start3A_180 = tpu.memref_slice %arg4[%dma_start3A_178, %dma_start3A_179] : memref<1000000x32xf32, #tpu.memory_space<hbm>> -> memref<1000000x32xf32, #tpu.memory_space<hbm>>
        tpu.enqueue_indirect_dma source(%dma_start3A_180 : memref<1000000x32xf32, #tpu.memory_space<hbm>>) target(%dma_start3A_174 : memref<128x32xf32, #tpu.memory_space<vmem>>) offsets(%dma_start3A_177 : memref<128xi32, #tpu.memory_space<vmem>>) semaphore(%arg15 : memref<!tpu.dma_semaphore, #tpu.memory_space<semaphore_mem>>)
      } else {
      }
      %mul3A_119 = arith.constant 2 : i32
      %mul3A_120 = arith.muli %scan3A_75, %mul3A_119 : i32
      %add3A_121 = arith.constant 1 : i32
      %add3A_122 = arith.addi %mul3A_120, %add3A_121 : i32
      %dma_wait3A_123 = arith.constant 1 : i32
      %dma_wait3A_124 = arith.constant 0 : i32
      %dma_wait3A_125 = arith.constant 0 : i32
      %dma_wait3A_126 = tpu.memref_slice %arg12[%dma_wait3A_123, %dma_wait3A_124, %dma_wait3A_125] : memref<2x128x32xf32, #tpu.memory_space<vmem>> -> memref<1x128x32xf32, #tpu.memory_space<vmem>>
      %dma_wait3A_127 = tpu.memref_squeeze %dma_wait3A_126 : memref<1x128x32xf32, #tpu.memory_space<vmem>> -> memref<128x32xf32, #tpu.memory_space<vmem>>
      %dma_wait3A_128 = arith.constant 0 : i32
      %dma_wait3A_129 = tpu.memref_slice %arg8[%add3A_122, %dma_wait3A_128] : memref<200x128xi32, #tpu.memory_space<vmem>> -> memref<1x128xi32, #tpu.memory_space<vmem>>
      %dma_wait3A_130 = tpu.memref_squeeze %dma_wait3A_129 : memref<1x128xi32, #tpu.memory_space<vmem>> -> memref<128xi32, #tpu.memory_space<vmem>>
      %dma_wait3A_131 = arith.constant 0 : i32
      %dma_wait3A_132 = arith.constant 0 : i32
      %dma_wait3A_133 = tpu.memref_slice %arg4[%dma_wait3A_131, %dma_wait3A_132] : memref<1000000x32xf32, #tpu.memory_space<hbm>> -> memref<1000000x32xf32, #tpu.memory_space<hbm>>
      tpu.wait_indirect_dma semaphore(%arg16 : memref<!tpu.dma_semaphore, #tpu.memory_space<semaphore_mem>>) src(%dma_wait3A_133 : memref<1000000x32xf32, #tpu.memory_space<hbm>>) dst(%dma_wait3A_127 : memref<128x32xf32, #tpu.memory_space<vmem>>)
      %gt3A_134 = arith.constant 0 : i32
      %gt3A_135 = arith.cmpi sgt, %scan3A_75, %gt3A_134 : i32
      %convert_element_type3A_136 = arith.extui %gt3A_135 : i1 to i32
      %cond3A_137 = arith.constant 0 : i32
      %cond3A_138 = arith.cmpi ne, %convert_element_type3A_136, %cond3A_137 : i32
      scf.if %cond3A_138 {
        %mul3A_168 = arith.constant 128 : i32
        %mul3A_169 = arith.muli %add3A_122, %mul3A_168 : i32
        %add3A_170 = arith.addi %mul3A_2, %mul3A_169 : i32
        %dma_wait3A_171 = arith.constant 1 : i32
        %dma_wait3A_172 = arith.constant 0 : i32
        %dma_wait3A_173 = arith.constant 0 : i32
        %dma_wait3A_174 = tpu.memref_slice %arg13[%dma_wait3A_171, %dma_wait3A_172, %dma_wait3A_173] : memref<2x128x32xf32, #tpu.memory_space<vmem>> -> memref<1x128x32xf32, #tpu.memory_space<vmem>>
        %dma_wait3A_175 = tpu.memref_squeeze %dma_wait3A_174 : memref<1x128x32xf32, #tpu.memory_space<vmem>> -> memref<128x32xf32, #tpu.memory_space<vmem>>
        %dma_wait3A_176 = arith.constant 0 : i32
        %dma_wait3A_177 = tpu.memref_slice %arg7[%add3A_170, %dma_wait3A_176] : memref<819200x32xf32, #tpu.memory_space<hbm>> -> memref<128x32xf32, #tpu.memory_space<hbm>>
        %dma_wait3A_178 = arith.constant 0 : i32
        %dma_wait3A_179 = tpu.memref_slice %arg7[%add3A_170, %dma_wait3A_178] : memref<819200x32xf32, #tpu.memory_space<hbm>> -> memref<128x32xf32, #tpu.memory_space<hbm>>
        %dma_wait3A_180 = arith.constant 0 : i32
        %dma_wait3A_181 = arith.constant 0 : i32
        %dma_wait3A_182 = tpu.memref_slice %arg13[%dma_wait3A_171, %dma_wait3A_180, %dma_wait3A_181] : memref<2x128x32xf32, #tpu.memory_space<vmem>> -> memref<1x128x32xf32, #tpu.memory_space<vmem>>
        %dma_wait3A_183 = tpu.memref_squeeze %dma_wait3A_182 : memref<1x128x32xf32, #tpu.memory_space<vmem>> -> memref<128x32xf32, #tpu.memory_space<vmem>>
        tpu.wait_dma2 semaphore(%arg18 : memref<!tpu.dma_semaphore, #tpu.memory_space<semaphore_mem>>) src(%dma_wait3A_183 : memref<128x32xf32, #tpu.memory_space<vmem>>) dst(%dma_wait3A_179 : memref<128x32xf32, #tpu.memory_space<hbm>>)
      } else {
      }
      %iota3A_139 = tpu.iota {dimensions = array<i32: 0>} : vector<16xi32>
      %parallel_loop3A_140 = arith.constant 0 : i32
      %parallel_loop3A_141 = arith.constant 8 : i32
      %parallel_loop3A_142 = arith.constant 1 : i32
      %parallel_loop3A_143 = arith.constant 1 : i32
      %parallel_loop3A_144 = arith.constant 1 : i32
      scf.for %parallel_loop3A_168 = %parallel_loop3A_140 to %parallel_loop3A_141 step %parallel_loop3A_142  : i32 {
        %parallel_loop3A_169 = arith.constant 16 : i32
        %parallel_loop3A_170 = arith.muli %parallel_loop3A_168, %parallel_loop3A_169 : i32
        %parallel_loop3A_171 = arith.constant 0 : i32
        %parallel_loop3A_172 = tpu.memref_slice %arg9[%add3A_122, %parallel_loop3A_171] : memref<200x128xi32, #tpu.memory_space<vmem>> -> memref<1x128xi32, #tpu.memory_space<vmem>>
        %parallel_loop3A_173 = tpu.memref_squeeze %parallel_loop3A_172 : memref<1x128xi32, #tpu.memory_space<vmem>> -> memref<128xi32, #tpu.memory_space<vmem>>
        %parallel_loop3A_174 = arith.index_cast %parallel_loop3A_170 : i32 to index
        %parallel_loop3A_175 = tpu.vector_load %parallel_loop3A_173[%parallel_loop3A_174] {strides = array<i32>} : memref<128xi32, #tpu.memory_space<vmem>>, vector<16xi32>,
        %parallel_loop3A_176 = arith.constant 0.000000e+00 : f32
        %parallel_loop3A_177 = vector.broadcast %parallel_loop3A_176 : f32 to vector<16xf32>
        %parallel_loop3A_178 = arith.constant 0.000000e+00 : f32
        %parallel_loop3A_179 = vector.broadcast %parallel_loop3A_178 : f32 to vector<16xf32>
        %parallel_loop3A_180 = arith.constant 0 : i32
        %parallel_loop3A_181 = arith.addi %parallel_loop3A_170, %parallel_loop3A_180 : i32
        %parallel_loop3A_182 = vector.extract_strided_slice %parallel_loop3A_175 {offsets = [0], sizes = [1], strides = [1]} : vector<16xi32> to vector<1xi32>
        %parallel_loop3A_183 = vector.extract %parallel_loop3A_182[0] : i32 from vector<1xi32>
        %parallel_loop3A_184 = arith.constant 0 : i32
        %parallel_loop3A_185 = arith.constant 0 : i32
        %parallel_loop3A_186 = tpu.memref_slice %arg12[%parallel_loop3A_143, %parallel_loop3A_184, %parallel_loop3A_185] : memref<2x128x32xf32, #tpu.memory_space<vmem>> -> memref<1x128x32xf32, #tpu.memory_space<vmem>>
        %parallel_loop3A_187 = tpu.memref_squeeze %parallel_loop3A_186 : memref<1x128x32xf32, #tpu.memory_space<vmem>> -> memref<128x32xf32, #tpu.memory_space<vmem>>
        %parallel_loop3A_188 = arith.index_cast %parallel_loop3A_181 : i32 to index
        %parallel_loop3A_189 = arith.constant 0 : index
        %parallel_loop3A_190 = tpu.vector_load %parallel_loop3A_187[%parallel_loop3A_188, %parallel_loop3A_189] {strides = array<i32>} : memref<128x32xf32, #tpu.memory_space<vmem>>, vector<16xf32>,
        %parallel_loop3A_191 = arith.index_cast %parallel_loop3A_183 : i32 to index
        %parallel_loop3A_192 = arith.constant 0 : index
        %parallel_loop3A_193 = tpu.vector_load %arg10[%parallel_loop3A_191, %parallel_loop3A_192] {strides = array<i32>} : memref<201x32xf32, #tpu.memory_space<vmem>>, vector<16xf32>,
        %parallel_loop3A_194 = arith.addf %parallel_loop3A_190, %parallel_loop3A_193 : vector<16xf32>
        %parallel_loop3A_195 = arith.constant 0 : i32
        %parallel_loop3A_196 = arith.constant 0 : i32
        %parallel_loop3A_197 = tpu.memref_slice %arg12[%parallel_loop3A_143, %parallel_loop3A_195, %parallel_loop3A_196] : memref<2x128x32xf32, #tpu.memory_space<vmem>> -> memref<1x128x32xf32, #tpu.memory_space<vmem>>
        %parallel_loop3A_198 = tpu.memref_squeeze %parallel_loop3A_197 : memref<1x128x32xf32, #tpu.memory_space<vmem>> -> memref<128x32xf32, #tpu.memory_space<vmem>>
        %parallel_loop3A_199 = arith.index_cast %parallel_loop3A_181 : i32 to index
        %parallel_loop3A_200 = arith.constant 16 : index
        %parallel_loop3A_201 = tpu.vector_load %parallel_loop3A_198[%parallel_loop3A_199, %parallel_loop3A_200] {strides = array<i32>} : memref<128x32xf32, #tpu.memory_space<vmem>>, vector<16xf32>,
        %parallel_loop3A_202 = arith.index_cast %parallel_loop3A_183 : i32 to index
        %parallel_loop3A_203 = arith.constant 16 : index
        %parallel_loop3A_204 = tpu.vector_load %arg10[%parallel_loop3A_202, %parallel_loop3A_203] {strides = array<i32>} : memref<201x32xf32, #tpu.memory_space<vmem>>, vector<16xf32>,
        %parallel_loop3A_205 = arith.addf %parallel_loop3A_201, %parallel_loop3A_204 : vector<16xf32>
        %parallel_loop3A_206 = arith.addf %parallel_loop3A_194, %parallel_loop3A_205 : vector<16xf32>
        %parallel_loop3A_207 = arith.constant true
        %parallel_loop3A_208 = vector.broadcast %parallel_loop3A_207 : i1 to vector<16xi1>
        %parallel_loop3A_209 = tpu.scan <sum>, %parallel_loop3A_206 masked %parallel_loop3A_208 : vector<16xf32>, vector<16xi1> -> vector<16xf32>
        %parallel_loop3A_210 = arith.mulf %parallel_loop3A_194, %parallel_loop3A_194 : vector<16xf32>
        %parallel_loop3A_211 = arith.mulf %parallel_loop3A_205, %parallel_loop3A_205 : vector<16xf32>
        %parallel_loop3A_212 = arith.addf %parallel_loop3A_210, %parallel_loop3A_211 : vector<16xf32>
        %parallel_loop3A_213 = arith.constant true
        %parallel_loop3A_214 = vector.broadcast %parallel_loop3A_213 : i1 to vector<16xi1>
        %parallel_loop3A_215 = tpu.scan <sum>, %parallel_loop3A_212 masked %parallel_loop3A_214 : vector<16xf32>, vector<16xi1> -> vector<16xf32>
        %parallel_loop3A_216 = vector.extract_strided_slice %parallel_loop3A_209 {offsets = [15], sizes = [1], strides = [1]} : vector<16xf32> to vector<1xf32>
        %parallel_loop3A_217 = vector.extract %parallel_loop3A_216[0] : f32 from vector<1xf32>
        %parallel_loop3A_218 = vector.broadcast %parallel_loop3A_217 : f32 to vector<16xf32>
        %parallel_loop3A_219 = vector.extract_strided_slice %parallel_loop3A_215 {offsets = [15], sizes = [1], strides = [1]} : vector<16xf32> to vector<1xf32>
        %parallel_loop3A_220 = vector.extract %parallel_loop3A_219[0] : f32 from vector<1xf32>
        %parallel_loop3A_221 = vector.broadcast %parallel_loop3A_220 : f32 to vector<16xf32>
        %parallel_loop3A_222 = arith.constant 0 : i32
        %parallel_loop3A_223 = vector.broadcast %parallel_loop3A_222 : i32 to vector<16xi32>
        %parallel_loop3A_224 = arith.cmpi eq, %iota3A_139, %parallel_loop3A_223 : vector<16xi32>
        %parallel_loop3A_225 = arith.select %parallel_loop3A_224, %parallel_loop3A_218, %parallel_loop3A_177 : vector<16xi1>, vector<16xf32>
        %parallel_loop3A_226 = arith.select %parallel_loop3A_224, %parallel_loop3A_221, %parallel_loop3A_179 : vector<16xi1>, vector<16xf32>
        %parallel_loop3A_227 = arith.constant 1 : i32
        %parallel_loop3A_228 = arith.addi %parallel_loop3A_170, %parallel_loop3A_227 : i32
        %parallel_loop3A_229 = vector.extract_strided_slice %parallel_loop3A_175 {offsets = [1], sizes = [1], strides = [1]} : vector<16xi32> to vector<1xi32>
        %parallel_loop3A_230 = vector.extract %parallel_loop3A_229[0] : i32 from vector<1xi32>
        %parallel_loop3A_231 = arith.constant 0 : i32
        %parallel_loop3A_232 = arith.constant 0 : i32
        %parallel_loop3A_233 = tpu.memref_slice %arg12[%parallel_loop3A_143, %parallel_loop3A_231, %parallel_loop3A_232] : memref<2x128x32xf32, #tpu.memory_space<vmem>> -> memref<1x128x32xf32, #tpu.memory_space<vmem>>
        %parallel_loop3A_234 = tpu.memref_squeeze %parallel_loop3A_233 : memref<1x128x32xf32, #tpu.memory_space<vmem>> -> memref<128x32xf32, #tpu.memory_space<vmem>>
        %parallel_loop3A_235 = arith.index_cast %parallel_loop3A_228 : i32 to index
        %parallel_loop3A_236 = arith.constant 0 : index
        %parallel_loop3A_237 = tpu.vector_load %parallel_loop3A_234[%parallel_loop3A_235, %parallel_loop3A_236] {strides = array<i32>} : memref<128x32xf32, #tpu.memory_space<vmem>>, vector<16xf32>,
        %parallel_loop3A_238 = arith.index_cast %parallel_loop3A_230 : i32 to index
        %parallel_loop3A_239 = arith.constant 0 : index
        %parallel_loop3A_240 = tpu.vector_load %arg10[%parallel_loop3A_238, %parallel_loop3A_239] {strides = array<i32>} : memref<201x32xf32, #tpu.memory_space<vmem>>, vector<16xf32>,
        %parallel_loop3A_241 = arith.addf %parallel_loop3A_237, %parallel_loop3A_240 : vector<16xf32>
        %parallel_loop3A_242 = arith.constant 0 : i32
        %parallel_loop3A_243 = arith.constant 0 : i32
        %parallel_loop3A_244 = tpu.memref_slice %arg12[%parallel_loop3A_143, %parallel_loop3A_242, %parallel_loop3A_243] : memref<2x128x32xf32, #tpu.memory_space<vmem>> -> memref<1x128x32xf32, #tpu.memory_space<vmem>>
        %parallel_loop3A_245 = tpu.memref_squeeze %parallel_loop3A_244 : memref<1x128x32xf32, #tpu.memory_space<vmem>> -> memref<128x32xf32, #tpu.memory_space<vmem>>
        %parallel_loop3A_246 = arith.index_cast %parallel_loop3A_228 : i32 to index
        %parallel_loop3A_247 = arith.constant 16 : index
        %parallel_loop3A_248 = tpu.vector_load %parallel_loop3A_245[%parallel_loop3A_246, %parallel_loop3A_247] {strides = array<i32>} : memref<128x32xf32, #tpu.memory_space<vmem>>, vector<16xf32>,
        %parallel_loop3A_249 = arith.index_cast %parallel_loop3A_230 : i32 to index
        %parallel_loop3A_250 = arith.constant 16 : index
        %parallel_loop3A_251 = tpu.vector_load %arg10[%parallel_loop3A_249, %parallel_loop3A_250] {strides = array<i32>} : memref<201x32xf32, #tpu.memory_space<vmem>>, vector<16xf32>,
        %parallel_loop3A_252 = arith.addf %parallel_loop3A_248, %parallel_loop3A_251 : vector<16xf32>
        %parallel_loop3A_253 = arith.addf %parallel_loop3A_241, %parallel_loop3A_252 : vector<16xf32>
        %parallel_loop3A_254 = arith.constant true
        %parallel_loop3A_255 = vector.broadcast %parallel_loop3A_254 : i1 to vector<16xi1>
        %parallel_loop3A_256 = tpu.scan <sum>, %parallel_loop3A_253 masked %parallel_loop3A_255 : vector<16xf32>, vector<16xi1> -> vector<16xf32>
        %parallel_loop3A_257 = arith.mulf %parallel_loop3A_241, %parallel_loop3A_241 : vector<16xf32>
        %parallel_loop3A_258 = arith.mulf %parallel_loop3A_252, %parallel_loop3A_252 : vector<16xf32>
        %parallel_loop3A_259 = arith.addf %parallel_loop3A_257, %parallel_loop3A_258 : vector<16xf32>
        %parallel_loop3A_260 = arith.constant true
        %parallel_loop3A_261 = vector.broadcast %parallel_loop3A_260 : i1 to vector<16xi1>
        %parallel_loop3A_262 = tpu.scan <sum>, %parallel_loop3A_259 masked %parallel_loop3A_261 : vector<16xf32>, vector<16xi1> -> vector<16xf32>
        %parallel_loop3A_263 = vector.extract_strided_slice %parallel_loop3A_256 {offsets = [15], sizes = [1], strides = [1]} : vector<16xf32> to vector<1xf32>
        %parallel_loop3A_264 = vector.extract %parallel_loop3A_263[0] : f32 from vector<1xf32>
        %parallel_loop3A_265 = vector.broadcast %parallel_loop3A_264 : f32 to vector<16xf32>
        %parallel_loop3A_266 = vector.extract_strided_slice %parallel_loop3A_262 {offsets = [15], sizes = [1], strides = [1]} : vector<16xf32> to vector<1xf32>
        %parallel_loop3A_267 = vector.extract %parallel_loop3A_266[0] : f32 from vector<1xf32>
        %parallel_loop3A_268 = vector.broadcast %parallel_loop3A_267 : f32 to vector<16xf32>
        %parallel_loop3A_269 = arith.constant 1 : i32
        %parallel_loop3A_270 = vector.broadcast %parallel_loop3A_269 : i32 to vector<16xi32>
        %parallel_loop3A_271 = arith.cmpi eq, %iota3A_139, %parallel_loop3A_270 : vector<16xi32>
        %parallel_loop3A_272 = arith.select %parallel_loop3A_271, %parallel_loop3A_265, %parallel_loop3A_225 : vector<16xi1>, vector<16xf32>
        %parallel_loop3A_273 = arith.select %parallel_loop3A_271, %parallel_loop3A_268, %parallel_loop3A_226 : vector<16xi1>, vector<16xf32>
        %parallel_loop3A_274 = arith.constant 2 : i32
        %parallel_loop3A_275 = arith.addi %parallel_loop3A_170, %parallel_loop3A_274 : i32
        %parallel_loop3A_276 = vector.extract_strided_slice %parallel_loop3A_175 {offsets = [2], sizes = [1], strides = [1]} : vector<16xi32> to vector<1xi32>
        %parallel_loop3A_277 = vector.extract %parallel_loop3A_276[0] : i32 from vector<1xi32>
        %parallel_loop3A_278 = arith.constant 0 : i32
        %parallel_loop3A_279 = arith.constant 0 : i32
        %parallel_loop3A_280 = tpu.memref_slice %arg12[%parallel_loop3A_143, %parallel_loop3A_278, %parallel_loop3A_279] : memref<2x128x32xf32, #tpu.memory_space<vmem>> -> memref<1x128x32xf32, #tpu.memory_space<vmem>>
        %parallel_loop3A_281 = tpu.memref_squeeze %parallel_loop3A_280 : memref<1x128x32xf32, #tpu.memory_space<vmem>> -> memref<128x32xf32, #tpu.memory_space<vmem>>
        %parallel_loop3A_282 = arith.index_cast %parallel_loop3A_275 : i32 to index
        %parallel_loop3A_283 = arith.constant 0 : index
        %parallel_loop3A_284 = tpu.vector_load %parallel_loop3A_281[%parallel_loop3A_282, %parallel_loop3A_283] {strides = array<i32>} : memref<128x32xf32, #tpu.memory_space<vmem>>, vector<16xf32>,
        %parallel_loop3A_285 = arith.index_cast %parallel_loop3A_277 : i32 to index
        %parallel_loop3A_286 = arith.constant 0 : index
        %parallel_loop3A_287 = tpu.vector_load %arg10[%parallel_loop3A_285, %parallel_loop3A_286] {strides = array<i32>} : memref<201x32xf32, #tpu.memory_space<vmem>>, vector<16xf32>,
        %parallel_loop3A_288 = arith.addf %parallel_loop3A_284, %parallel_loop3A_287 : vector<16xf32>
        %parallel_loop3A_289 = arith.constant 0 : i32
        %parallel_loop3A_290 = arith.constant 0 : i32
        %parallel_loop3A_291 = tpu.memref_slice %arg12[%parallel_loop3A_143, %parallel_loop3A_289, %parallel_loop3A_290] : memref<2x128x32xf32, #tpu.memory_space<vmem>> -> memref<1x128x32xf32, #tpu.memory_space<vmem>>
        %parallel_loop3A_292 = tpu.memref_squeeze %parallel_loop3A_291 : memref<1x128x32xf32, #tpu.memory_space<vmem>> -> memref<128x32xf32, #tpu.memory_space<vmem>>
        %parallel_loop3A_293 = arith.index_cast %parallel_loop3A_275 : i32 to index
        %parallel_loop3A_294 = arith.constant 16 : index
        %parallel_loop3A_295 = tpu.vector_load %parallel_loop3A_292[%parallel_loop3A_293, %parallel_loop3A_294] {strides = array<i32>} : memref<128x32xf32, #tpu.memory_space<vmem>>, vector<16xf32>,
        %parallel_loop3A_296 = arith.index_cast %parallel_loop3A_277 : i32 to index
        %parallel_loop3A_297 = arith.constant 16 : index
        %parallel_loop3A_298 = tpu.vector_load %arg10[%parallel_loop3A_296, %parallel_loop3A_297] {strides = array<i32>} : memref<201x32xf32, #tpu.memory_space<vmem>>, vector<16xf32>,
        %parallel_loop3A_299 = arith.addf %parallel_loop3A_295, %parallel_loop3A_298 : vector<16xf32>
        %parallel_loop3A_300 = arith.addf %parallel_loop3A_288, %parallel_loop3A_299 : vector<16xf32>
        %parallel_loop3A_301 = arith.constant true
        %parallel_loop3A_302 = vector.broadcast %parallel_loop3A_301 : i1 to vector<16xi1>
        %parallel_loop3A_303 = tpu.scan <sum>, %parallel_loop3A_300 masked %parallel_loop3A_302 : vector<16xf32>, vector<16xi1> -> vector<16xf32>
        %parallel_loop3A_304 = arith.mulf %parallel_loop3A_288, %parallel_loop3A_288 : vector<16xf32>
        %parallel_loop3A_305 = arith.mulf %parallel_loop3A_299, %parallel_loop3A_299 : vector<16xf32>
        %parallel_loop3A_306 = arith.addf %parallel_loop3A_304, %parallel_loop3A_305 : vector<16xf32>
        %parallel_loop3A_307 = arith.constant true
        %parallel_loop3A_308 = vector.broadcast %parallel_loop3A_307 : i1 to vector<16xi1>
        %parallel_loop3A_309 = tpu.scan <sum>, %parallel_loop3A_306 masked %parallel_loop3A_308 : vector<16xf32>, vector<16xi1> -> vector<16xf32>
        %parallel_loop3A_310 = vector.extract_strided_slice %parallel_loop3A_303 {offsets = [15], sizes = [1], strides = [1]} : vector<16xf32> to vector<1xf32>
        %parallel_loop3A_311 = vector.extract %parallel_loop3A_310[0] : f32 from vector<1xf32>
        %parallel_loop3A_312 = vector.broadcast %parallel_loop3A_311 : f32 to vector<16xf32>
        %parallel_loop3A_313 = vector.extract_strided_slice %parallel_loop3A_309 {offsets = [15], sizes = [1], strides = [1]} : vector<16xf32> to vector<1xf32>
        %parallel_loop3A_314 = vector.extract %parallel_loop3A_313[0] : f32 from vector<1xf32>
        %parallel_loop3A_315 = vector.broadcast %parallel_loop3A_314 : f32 to vector<16xf32>
        %parallel_loop3A_316 = arith.constant 2 : i32
        %parallel_loop3A_317 = vector.broadcast %parallel_loop3A_316 : i32 to vector<16xi32>
        %parallel_loop3A_318 = arith.cmpi eq, %iota3A_139, %parallel_loop3A_317 : vector<16xi32>
        %parallel_loop3A_319 = arith.select %parallel_loop3A_318, %parallel_loop3A_312, %parallel_loop3A_272 : vector<16xi1>, vector<16xf32>
        %parallel_loop3A_320 = arith.select %parallel_loop3A_318, %parallel_loop3A_315, %parallel_loop3A_273 : vector<16xi1>, vector<16xf32>
        %parallel_loop3A_321 = arith.constant 3 : i32
        %parallel_loop3A_322 = arith.addi %parallel_loop3A_170, %parallel_loop3A_321 : i32
        %parallel_loop3A_323 = vector.extract_strided_slice %parallel_loop3A_175 {offsets = [3], sizes = [1], strides = [1]} : vector<16xi32> to vector<1xi32>
        %parallel_loop3A_324 = vector.extract %parallel_loop3A_323[0] : i32 from vector<1xi32>
        %parallel_loop3A_325 = arith.constant 0 : i32
        %parallel_loop3A_326 = arith.constant 0 : i32
        %parallel_loop3A_327 = tpu.memref_slice %arg12[%parallel_loop3A_143, %parallel_loop3A_325, %parallel_loop3A_326] : memref<2x128x32xf32, #tpu.memory_space<vmem>> -> memref<1x128x32xf32, #tpu.memory_space<vmem>>
        %parallel_loop3A_328 = tpu.memref_squeeze %parallel_loop3A_327 : memref<1x128x32xf32, #tpu.memory_space<vmem>> -> memref<128x32xf32, #tpu.memory_space<vmem>>
        %parallel_loop3A_329 = arith.index_cast %parallel_loop3A_322 : i32 to index
        %parallel_loop3A_330 = arith.constant 0 : index
        %parallel_loop3A_331 = tpu.vector_load %parallel_loop3A_328[%parallel_loop3A_329, %parallel_loop3A_330] {strides = array<i32>} : memref<128x32xf32, #tpu.memory_space<vmem>>, vector<16xf32>,
        %parallel_loop3A_332 = arith.index_cast %parallel_loop3A_324 : i32 to index
        %parallel_loop3A_333 = arith.constant 0 : index
        %parallel_loop3A_334 = tpu.vector_load %arg10[%parallel_loop3A_332, %parallel_loop3A_333] {strides = array<i32>} : memref<201x32xf32, #tpu.memory_space<vmem>>, vector<16xf32>,
        %parallel_loop3A_335 = arith.addf %parallel_loop3A_331, %parallel_loop3A_334 : vector<16xf32>
        %parallel_loop3A_336 = arith.constant 0 : i32
        %parallel_loop3A_337 = arith.constant 0 : i32
        %parallel_loop3A_338 = tpu.memref_slice %arg12[%parallel_loop3A_143, %parallel_loop3A_336, %parallel_loop3A_337] : memref<2x128x32xf32, #tpu.memory_space<vmem>> -> memref<1x128x32xf32, #tpu.memory_space<vmem>>
        %parallel_loop3A_339 = tpu.memref_squeeze %parallel_loop3A_338 : memref<1x128x32xf32, #tpu.memory_space<vmem>> -> memref<128x32xf32, #tpu.memory_space<vmem>>
        %parallel_loop3A_340 = arith.index_cast %parallel_loop3A_322 : i32 to index
        %parallel_loop3A_341 = arith.constant 16 : index
        %parallel_loop3A_342 = tpu.vector_load %parallel_loop3A_339[%parallel_loop3A_340, %parallel_loop3A_341] {strides = array<i32>} : memref<128x32xf32, #tpu.memory_space<vmem>>, vector<16xf32>,
        %parallel_loop3A_343 = arith.index_cast %parallel_loop3A_324 : i32 to index
        %parallel_loop3A_344 = arith.constant 16 : index
        %parallel_loop3A_345 = tpu.vector_load %arg10[%parallel_loop3A_343, %parallel_loop3A_344] {strides = array<i32>} : memref<201x32xf32, #tpu.memory_space<vmem>>, vector<16xf32>,
        %parallel_loop3A_346 = arith.addf %parallel_loop3A_342, %parallel_loop3A_345 : vector<16xf32>
        %parallel_loop3A_347 = arith.addf %parallel_loop3A_335, %parallel_loop3A_346 : vector<16xf32>
        %parallel_loop3A_348 = arith.constant true
        %parallel_loop3A_349 = vector.broadcast %parallel_loop3A_348 : i1 to vector<16xi1>
        %parallel_loop3A_350 = tpu.scan <sum>, %parallel_loop3A_347 masked %parallel_loop3A_349 : vector<16xf32>, vector<16xi1> -> vector<16xf32>
        %parallel_loop3A_351 = arith.mulf %parallel_loop3A_335, %parallel_loop3A_335 : vector<16xf32>
        %parallel_loop3A_352 = arith.mulf %parallel_loop3A_346, %parallel_loop3A_346 : vector<16xf32>
        %parallel_loop3A_353 = arith.addf %parallel_loop3A_351, %parallel_loop3A_352 : vector<16xf32>
        %parallel_loop3A_354 = arith.constant true
        %parallel_loop3A_355 = vector.broadcast %parallel_loop3A_354 : i1 to vector<16xi1>
        %parallel_loop3A_356 = tpu.scan <sum>, %parallel_loop3A_353 masked %parallel_loop3A_355 : vector<16xf32>, vector<16xi1> -> vector<16xf32>
        %parallel_loop3A_357 = vector.extract_strided_slice %parallel_loop3A_350 {offsets = [15], sizes = [1], strides = [1]} : vector<16xf32> to vector<1xf32>
        %parallel_loop3A_358 = vector.extract %parallel_loop3A_357[0] : f32 from vector<1xf32>
        %parallel_loop3A_359 = vector.broadcast %parallel_loop3A_358 : f32 to vector<16xf32>
        %parallel_loop3A_360 = vector.extract_strided_slice %parallel_loop3A_356 {offsets = [15], sizes = [1], strides = [1]} : vector<16xf32> to vector<1xf32>
        %parallel_loop3A_361 = vector.extract %parallel_loop3A_360[0] : f32 from vector<1xf32>
        %parallel_loop3A_362 = vector.broadcast %parallel_loop3A_361 : f32 to vector<16xf32>
        %parallel_loop3A_363 = arith.constant 3 : i32
        %parallel_loop3A_364 = vector.broadcast %parallel_loop3A_363 : i32 to vector<16xi32>
        %parallel_loop3A_365 = arith.cmpi eq, %iota3A_139, %parallel_loop3A_364 : vector<16xi32>
        %parallel_loop3A_366 = arith.select %parallel_loop3A_365, %parallel_loop3A_359, %parallel_loop3A_319 : vector<16xi1>, vector<16xf32>
        %parallel_loop3A_367 = arith.select %parallel_loop3A_365, %parallel_loop3A_362, %parallel_loop3A_320 : vector<16xi1>, vector<16xf32>
        %parallel_loop3A_368 = arith.constant 4 : i32
        %parallel_loop3A_369 = arith.addi %parallel_loop3A_170, %parallel_loop3A_368 : i32
        %parallel_loop3A_370 = vector.extract_strided_slice %parallel_loop3A_175 {offsets = [4], sizes = [1], strides = [1]} : vector<16xi32> to vector<1xi32>
        %parallel_loop3A_371 = vector.extract %parallel_loop3A_370[0] : i32 from vector<1xi32>
        %parallel_loop3A_372 = arith.constant 0 : i32
        %parallel_loop3A_373 = arith.constant 0 : i32
        %parallel_loop3A_374 = tpu.memref_slice %arg12[%parallel_loop3A_143, %parallel_loop3A_372, %parallel_loop3A_373] : memref<2x128x32xf32, #tpu.memory_space<vmem>> -> memref<1x128x32xf32, #tpu.memory_space<vmem>>
        %parallel_loop3A_375 = tpu.memref_squeeze %parallel_loop3A_374 : memref<1x128x32xf32, #tpu.memory_space<vmem>> -> memref<128x32xf32, #tpu.memory_space<vmem>>
        %parallel_loop3A_376 = arith.index_cast %parallel_loop3A_369 : i32 to index
        %parallel_loop3A_377 = arith.constant 0 : index
        %parallel_loop3A_378 = tpu.vector_load %parallel_loop3A_375[%parallel_loop3A_376, %parallel_loop3A_377] {strides = array<i32>} : memref<128x32xf32, #tpu.memory_space<vmem>>, vector<16xf32>,
        %parallel_loop3A_379 = arith.index_cast %parallel_loop3A_371 : i32 to index
        %parallel_loop3A_380 = arith.constant 0 : index
        %parallel_loop3A_381 = tpu.vector_load %arg10[%parallel_loop3A_379, %parallel_loop3A_380] {strides = array<i32>} : memref<201x32xf32, #tpu.memory_space<vmem>>, vector<16xf32>,
        %parallel_loop3A_382 = arith.addf %parallel_loop3A_378, %parallel_loop3A_381 : vector<16xf32>
        %parallel_loop3A_383 = arith.constant 0 : i32
        %parallel_loop3A_384 = arith.constant 0 : i32
        %parallel_loop3A_385 = tpu.memref_slice %arg12[%parallel_loop3A_143, %parallel_loop3A_383, %parallel_loop3A_384] : memref<2x128x32xf32, #tpu.memory_space<vmem>> -> memref<1x128x32xf32, #tpu.memory_space<vmem>>
        %parallel_loop3A_386 = tpu.memref_squeeze %parallel_loop3A_385 : memref<1x128x32xf32, #tpu.memory_space<vmem>> -> memref<128x32xf32, #tpu.memory_space<vmem>>
        %parallel_loop3A_387 = arith.index_cast %parallel_loop3A_369 : i32 to index
        %parallel_loop3A_388 = arith.constant 16 : index
        %parallel_loop3A_389 = tpu.vector_load %parallel_loop3A_386[%parallel_loop3A_387, %parallel_loop3A_388] {strides = array<i32>} : memref<128x32xf32, #tpu.memory_space<vmem>>, vector<16xf32>,
        %parallel_loop3A_390 = arith.index_cast %parallel_loop3A_371 : i32 to index
        %parallel_loop3A_391 = arith.constant 16 : index
        %parallel_loop3A_392 = tpu.vector_load %arg10[%parallel_loop3A_390, %parallel_loop3A_391] {strides = array<i32>} : memref<201x32xf32, #tpu.memory_space<vmem>>, vector<16xf32>,
        %parallel_loop3A_393 = arith.addf %parallel_loop3A_389, %parallel_loop3A_392 : vector<16xf32>
        %parallel_loop3A_394 = arith.addf %parallel_loop3A_382, %parallel_loop3A_393 : vector<16xf32>
        %parallel_loop3A_395 = arith.constant true
        %parallel_loop3A_396 = vector.broadcast %parallel_loop3A_395 : i1 to vector<16xi1>
        %parallel_loop3A_397 = tpu.scan <sum>, %parallel_loop3A_394 masked %parallel_loop3A_396 : vector<16xf32>, vector<16xi1> -> vector<16xf32>
        %parallel_loop3A_398 = arith.mulf %parallel_loop3A_382, %parallel_loop3A_382 : vector<16xf32>
        %parallel_loop3A_399 = arith.mulf %parallel_loop3A_393, %parallel_loop3A_393 : vector<16xf32>
        %parallel_loop3A_400 = arith.addf %parallel_loop3A_398, %parallel_loop3A_399 : vector<16xf32>
        %parallel_loop3A_401 = arith.constant true
        %parallel_loop3A_402 = vector.broadcast %parallel_loop3A_401 : i1 to vector<16xi1>
        %parallel_loop3A_403 = tpu.scan <sum>, %parallel_loop3A_400 masked %parallel_loop3A_402 : vector<16xf32>, vector<16xi1> -> vector<16xf32>
        %parallel_loop3A_404 = vector.extract_strided_slice %parallel_loop3A_397 {offsets = [15], sizes = [1], strides = [1]} : vector<16xf32> to vector<1xf32>
        %parallel_loop3A_405 = vector.extract %parallel_loop3A_404[0] : f32 from vector<1xf32>
        %parallel_loop3A_406 = vector.broadcast %parallel_loop3A_405 : f32 to vector<16xf32>
        %parallel_loop3A_407 = vector.extract_strided_slice %parallel_loop3A_403 {offsets = [15], sizes = [1], strides = [1]} : vector<16xf32> to vector<1xf32>
        %parallel_loop3A_408 = vector.extract %parallel_loop3A_407[0] : f32 from vector<1xf32>
        %parallel_loop3A_409 = vector.broadcast %parallel_loop3A_408 : f32 to vector<16xf32>
        %parallel_loop3A_410 = arith.constant 4 : i32
        %parallel_loop3A_411 = vector.broadcast %parallel_loop3A_410 : i32 to vector<16xi32>
        %parallel_loop3A_412 = arith.cmpi eq, %iota3A_139, %parallel_loop3A_411 : vector<16xi32>
        %parallel_loop3A_413 = arith.select %parallel_loop3A_412, %parallel_loop3A_406, %parallel_loop3A_366 : vector<16xi1>, vector<16xf32>
        %parallel_loop3A_414 = arith.select %parallel_loop3A_412, %parallel_loop3A_409, %parallel_loop3A_367 : vector<16xi1>, vector<16xf32>
        %parallel_loop3A_415 = arith.constant 5 : i32
        %parallel_loop3A_416 = arith.addi %parallel_loop3A_170, %parallel_loop3A_415 : i32
        %parallel_loop3A_417 = vector.extract_strided_slice %parallel_loop3A_175 {offsets = [5], sizes = [1], strides = [1]} : vector<16xi32> to vector<1xi32>
        %parallel_loop3A_418 = vector.extract %parallel_loop3A_417[0] : i32 from vector<1xi32>
        %parallel_loop3A_419 = arith.constant 0 : i32
        %parallel_loop3A_420 = arith.constant 0 : i32
        %parallel_loop3A_421 = tpu.memref_slice %arg12[%parallel_loop3A_143, %parallel_loop3A_419, %parallel_loop3A_420] : memref<2x128x32xf32, #tpu.memory_space<vmem>> -> memref<1x128x32xf32, #tpu.memory_space<vmem>>
        %parallel_loop3A_422 = tpu.memref_squeeze %parallel_loop3A_421 : memref<1x128x32xf32, #tpu.memory_space<vmem>> -> memref<128x32xf32, #tpu.memory_space<vmem>>
        %parallel_loop3A_423 = arith.index_cast %parallel_loop3A_416 : i32 to index
        %parallel_loop3A_424 = arith.constant 0 : index
        %parallel_loop3A_425 = tpu.vector_load %parallel_loop3A_422[%parallel_loop3A_423, %parallel_loop3A_424] {strides = array<i32>} : memref<128x32xf32, #tpu.memory_space<vmem>>, vector<16xf32>,
        %parallel_loop3A_426 = arith.index_cast %parallel_loop3A_418 : i32 to index
        %parallel_loop3A_427 = arith.constant 0 : index
        %parallel_loop3A_428 = tpu.vector_load %arg10[%parallel_loop3A_426, %parallel_loop3A_427] {strides = array<i32>} : memref<201x32xf32, #tpu.memory_space<vmem>>, vector<16xf32>,
        %parallel_loop3A_429 = arith.addf %parallel_loop3A_425, %parallel_loop3A_428 : vector<16xf32>
        %parallel_loop3A_430 = arith.constant 0 : i32
        %parallel_loop3A_431 = arith.constant 0 : i32
        %parallel_loop3A_432 = tpu.memref_slice %arg12[%parallel_loop3A_143, %parallel_loop3A_430, %parallel_loop3A_431] : memref<2x128x32xf32, #tpu.memory_space<vmem>> -> memref<1x128x32xf32, #tpu.memory_space<vmem>>
        %parallel_loop3A_433 = tpu.memref_squeeze %parallel_loop3A_432 : memref<1x128x32xf32, #tpu.memory_space<vmem>> -> memref<128x32xf32, #tpu.memory_space<vmem>>
        %parallel_loop3A_434 = arith.index_cast %parallel_loop3A_416 : i32 to index
        %parallel_loop3A_435 = arith.constant 16 : index
        %parallel_loop3A_436 = tpu.vector_load %parallel_loop3A_433[%parallel_loop3A_434, %parallel_loop3A_435] {strides = array<i32>} : memref<128x32xf32, #tpu.memory_space<vmem>>, vector<16xf32>,
        %parallel_loop3A_437 = arith.index_cast %parallel_loop3A_418 : i32 to index
        %parallel_loop3A_438 = arith.constant 16 : index
        %parallel_loop3A_439 = tpu.vector_load %arg10[%parallel_loop3A_437, %parallel_loop3A_438] {strides = array<i32>} : memref<201x32xf32, #tpu.memory_space<vmem>>, vector<16xf32>,
        %parallel_loop3A_440 = arith.addf %parallel_loop3A_436, %parallel_loop3A_439 : vector<16xf32>
        %parallel_loop3A_441 = arith.addf %parallel_loop3A_429, %parallel_loop3A_440 : vector<16xf32>
        %parallel_loop3A_442 = arith.constant true
        %parallel_loop3A_443 = vector.broadcast %parallel_loop3A_442 : i1 to vector<16xi1>
        %parallel_loop3A_444 = tpu.scan <sum>, %parallel_loop3A_441 masked %parallel_loop3A_443 : vector<16xf32>, vector<16xi1> -> vector<16xf32>
        %parallel_loop3A_445 = arith.mulf %parallel_loop3A_429, %parallel_loop3A_429 : vector<16xf32>
        %parallel_loop3A_446 = arith.mulf %parallel_loop3A_440, %parallel_loop3A_440 : vector<16xf32>
        %parallel_loop3A_447 = arith.addf %parallel_loop3A_445, %parallel_loop3A_446 : vector<16xf32>
        %parallel_loop3A_448 = arith.constant true
        %parallel_loop3A_449 = vector.broadcast %parallel_loop3A_448 : i1 to vector<16xi1>
        %parallel_loop3A_450 = tpu.scan <sum>, %parallel_loop3A_447 masked %parallel_loop3A_449 : vector<16xf32>, vector<16xi1> -> vector<16xf32>
        %parallel_loop3A_451 = vector.extract_strided_slice %parallel_loop3A_444 {offsets = [15], sizes = [1], strides = [1]} : vector<16xf32> to vector<1xf32>
        %parallel_loop3A_452 = vector.extract %parallel_loop3A_451[0] : f32 from vector<1xf32>
        %parallel_loop3A_453 = vector.broadcast %parallel_loop3A_452 : f32 to vector<16xf32>
        %parallel_loop3A_454 = vector.extract_strided_slice %parallel_loop3A_450 {offsets = [15], sizes = [1], strides = [1]} : vector<16xf32> to vector<1xf32>
        %parallel_loop3A_455 = vector.extract %parallel_loop3A_454[0] : f32 from vector<1xf32>
        %parallel_loop3A_456 = vector.broadcast %parallel_loop3A_455 : f32 to vector<16xf32>
        %parallel_loop3A_457 = arith.constant 5 : i32
        %parallel_loop3A_458 = vector.broadcast %parallel_loop3A_457 : i32 to vector<16xi32>
        %parallel_loop3A_459 = arith.cmpi eq, %iota3A_139, %parallel_loop3A_458 : vector<16xi32>
        %parallel_loop3A_460 = arith.select %parallel_loop3A_459, %parallel_loop3A_453, %parallel_loop3A_413 : vector<16xi1>, vector<16xf32>
        %parallel_loop3A_461 = arith.select %parallel_loop3A_459, %parallel_loop3A_456, %parallel_loop3A_414 : vector<16xi1>, vector<16xf32>
        %parallel_loop3A_462 = arith.constant 6 : i32
        %parallel_loop3A_463 = arith.addi %parallel_loop3A_170, %parallel_loop3A_462 : i32
        %parallel_loop3A_464 = vector.extract_strided_slice %parallel_loop3A_175 {offsets = [6], sizes = [1], strides = [1]} : vector<16xi32> to vector<1xi32>
        %parallel_loop3A_465 = vector.extract %parallel_loop3A_464[0] : i32 from vector<1xi32>
        %parallel_loop3A_466 = arith.constant 0 : i32
        %parallel_loop3A_467 = arith.constant 0 : i32
        %parallel_loop3A_468 = tpu.memref_slice %arg12[%parallel_loop3A_143, %parallel_loop3A_466, %parallel_loop3A_467] : memref<2x128x32xf32, #tpu.memory_space<vmem>> -> memref<1x128x32xf32, #tpu.memory_space<vmem>>
        %parallel_loop3A_469 = tpu.memref_squeeze %parallel_loop3A_468 : memref<1x128x32xf32, #tpu.memory_space<vmem>> -> memref<128x32xf32, #tpu.memory_space<vmem>>
        %parallel_loop3A_470 = arith.index_cast %parallel_loop3A_463 : i32 to index
        %parallel_loop3A_471 = arith.constant 0 : index
        %parallel_loop3A_472 = tpu.vector_load %parallel_loop3A_469[%parallel_loop3A_470, %parallel_loop3A_471] {strides = array<i32>} : memref<128x32xf32, #tpu.memory_space<vmem>>, vector<16xf32>,
        %parallel_loop3A_473 = arith.index_cast %parallel_loop3A_465 : i32 to index
        %parallel_loop3A_474 = arith.constant 0 : index
        %parallel_loop3A_475 = tpu.vector_load %arg10[%parallel_loop3A_473, %parallel_loop3A_474] {strides = array<i32>} : memref<201x32xf32, #tpu.memory_space<vmem>>, vector<16xf32>,
        %parallel_loop3A_476 = arith.addf %parallel_loop3A_472, %parallel_loop3A_475 : vector<16xf32>
        %parallel_loop3A_477 = arith.constant 0 : i32
        %parallel_loop3A_478 = arith.constant 0 : i32
        %parallel_loop3A_479 = tpu.memref_slice %arg12[%parallel_loop3A_143, %parallel_loop3A_477, %parallel_loop3A_478] : memref<2x128x32xf32, #tpu.memory_space<vmem>> -> memref<1x128x32xf32, #tpu.memory_space<vmem>>
        %parallel_loop3A_480 = tpu.memref_squeeze %parallel_loop3A_479 : memref<1x128x32xf32, #tpu.memory_space<vmem>> -> memref<128x32xf32, #tpu.memory_space<vmem>>
        %parallel_loop3A_481 = arith.index_cast %parallel_loop3A_463 : i32 to index
        %parallel_loop3A_482 = arith.constant 16 : index
        %parallel_loop3A_483 = tpu.vector_load %parallel_loop3A_480[%parallel_loop3A_481, %parallel_loop3A_482] {strides = array<i32>} : memref<128x32xf32, #tpu.memory_space<vmem>>, vector<16xf32>,
        %parallel_loop3A_484 = arith.index_cast %parallel_loop3A_465 : i32 to index
        %parallel_loop3A_485 = arith.constant 16 : index
        %parallel_loop3A_486 = tpu.vector_load %arg10[%parallel_loop3A_484, %parallel_loop3A_485] {strides = array<i32>} : memref<201x32xf32, #tpu.memory_space<vmem>>, vector<16xf32>,
        %parallel_loop3A_487 = arith.addf %parallel_loop3A_483, %parallel_loop3A_486 : vector<16xf32>
        %parallel_loop3A_488 = arith.addf %parallel_loop3A_476, %parallel_loop3A_487 : vector<16xf32>
        %parallel_loop3A_489 = arith.constant true
        %parallel_loop3A_490 = vector.broadcast %parallel_loop3A_489 : i1 to vector<16xi1>
        %parallel_loop3A_491 = tpu.scan <sum>, %parallel_loop3A_488 masked %parallel_loop3A_490 : vector<16xf32>, vector<16xi1> -> vector<16xf32>
        %parallel_loop3A_492 = arith.mulf %parallel_loop3A_476, %parallel_loop3A_476 : vector<16xf32>
        %parallel_loop3A_493 = arith.mulf %parallel_loop3A_487, %parallel_loop3A_487 : vector<16xf32>
        %parallel_loop3A_494 = arith.addf %parallel_loop3A_492, %parallel_loop3A_493 : vector<16xf32>
        %parallel_loop3A_495 = arith.constant true
        %parallel_loop3A_496 = vector.broadcast %parallel_loop3A_495 : i1 to vector<16xi1>
        %parallel_loop3A_497 = tpu.scan <sum>, %parallel_loop3A_494 masked %parallel_loop3A_496 : vector<16xf32>, vector<16xi1> -> vector<16xf32>
        %parallel_loop3A_498 = vector.extract_strided_slice %parallel_loop3A_491 {offsets = [15], sizes = [1], strides = [1]} : vector<16xf32> to vector<1xf32>
        %parallel_loop3A_499 = vector.extract %parallel_loop3A_498[0] : f32 from vector<1xf32>
        %parallel_loop3A_500 = vector.broadcast %parallel_loop3A_499 : f32 to vector<16xf32>
        %parallel_loop3A_501 = vector.extract_strided_slice %parallel_loop3A_497 {offsets = [15], sizes = [1], strides = [1]} : vector<16xf32> to vector<1xf32>
        %parallel_loop3A_502 = vector.extract %parallel_loop3A_501[0] : f32 from vector<1xf32>
        %parallel_loop3A_503 = vector.broadcast %parallel_loop3A_502 : f32 to vector<16xf32>
        %parallel_loop3A_504 = arith.constant 6 : i32
        %parallel_loop3A_505 = vector.broadcast %parallel_loop3A_504 : i32 to vector<16xi32>
        %parallel_loop3A_506 = arith.cmpi eq, %iota3A_139, %parallel_loop3A_505 : vector<16xi32>
        %parallel_loop3A_507 = arith.select %parallel_loop3A_506, %parallel_loop3A_500, %parallel_loop3A_460 : vector<16xi1>, vector<16xf32>
        %parallel_loop3A_508 = arith.select %parallel_loop3A_506, %parallel_loop3A_503, %parallel_loop3A_461 : vector<16xi1>, vector<16xf32>
        %parallel_loop3A_509 = arith.constant 7 : i32
        %parallel_loop3A_510 = arith.addi %parallel_loop3A_170, %parallel_loop3A_509 : i32
        %parallel_loop3A_511 = vector.extract_strided_slice %parallel_loop3A_175 {offsets = [7], sizes = [1], strides = [1]} : vector<16xi32> to vector<1xi32>
        %parallel_loop3A_512 = vector.extract %parallel_loop3A_511[0] : i32 from vector<1xi32>
        %parallel_loop3A_513 = arith.constant 0 : i32
        %parallel_loop3A_514 = arith.constant 0 : i32
        %parallel_loop3A_515 = tpu.memref_slice %arg12[%parallel_loop3A_143, %parallel_loop3A_513, %parallel_loop3A_514] : memref<2x128x32xf32, #tpu.memory_space<vmem>> -> memref<1x128x32xf32, #tpu.memory_space<vmem>>
        %parallel_loop3A_516 = tpu.memref_squeeze %parallel_loop3A_515 : memref<1x128x32xf32, #tpu.memory_space<vmem>> -> memref<128x32xf32, #tpu.memory_space<vmem>>
        %parallel_loop3A_517 = arith.index_cast %parallel_loop3A_510 : i32 to index
        %parallel_loop3A_518 = arith.constant 0 : index
        %parallel_loop3A_519 = tpu.vector_load %parallel_loop3A_516[%parallel_loop3A_517, %parallel_loop3A_518] {strides = array<i32>} : memref<128x32xf32, #tpu.memory_space<vmem>>, vector<16xf32>,
        %parallel_loop3A_520 = arith.index_cast %parallel_loop3A_512 : i32 to index
        %parallel_loop3A_521 = arith.constant 0 : index
        %parallel_loop3A_522 = tpu.vector_load %arg10[%parallel_loop3A_520, %parallel_loop3A_521] {strides = array<i32>} : memref<201x32xf32, #tpu.memory_space<vmem>>, vector<16xf32>,
        %parallel_loop3A_523 = arith.addf %parallel_loop3A_519, %parallel_loop3A_522 : vector<16xf32>
        %parallel_loop3A_524 = arith.constant 0 : i32
        %parallel_loop3A_525 = arith.constant 0 : i32
        %parallel_loop3A_526 = tpu.memref_slice %arg12[%parallel_loop3A_143, %parallel_loop3A_524, %parallel_loop3A_525] : memref<2x128x32xf32, #tpu.memory_space<vmem>> -> memref<1x128x32xf32, #tpu.memory_space<vmem>>
        %parallel_loop3A_527 = tpu.memref_squeeze %parallel_loop3A_526 : memref<1x128x32xf32, #tpu.memory_space<vmem>> -> memref<128x32xf32, #tpu.memory_space<vmem>>
        %parallel_loop3A_528 = arith.index_cast %parallel_loop3A_510 : i32 to index
        %parallel_loop3A_529 = arith.constant 16 : index
        %parallel_loop3A_530 = tpu.vector_load %parallel_loop3A_527[%parallel_loop3A_528, %parallel_loop3A_529] {strides = array<i32>} : memref<128x32xf32, #tpu.memory_space<vmem>>, vector<16xf32>,
        %parallel_loop3A_531 = arith.index_cast %parallel_loop3A_512 : i32 to index
        %parallel_loop3A_532 = arith.constant 16 : index
        %parallel_loop3A_533 = tpu.vector_load %arg10[%parallel_loop3A_531, %parallel_loop3A_532] {strides = array<i32>} : memref<201x32xf32, #tpu.memory_space<vmem>>, vector<16xf32>,
        %parallel_loop3A_534 = arith.addf %parallel_loop3A_530, %parallel_loop3A_533 : vector<16xf32>
        %parallel_loop3A_535 = arith.addf %parallel_loop3A_523, %parallel_loop3A_534 : vector<16xf32>
        %parallel_loop3A_536 = arith.constant true
        %parallel_loop3A_537 = vector.broadcast %parallel_loop3A_536 : i1 to vector<16xi1>
        %parallel_loop3A_538 = tpu.scan <sum>, %parallel_loop3A_535 masked %parallel_loop3A_537 : vector<16xf32>, vector<16xi1> -> vector<16xf32>
        %parallel_loop3A_539 = arith.mulf %parallel_loop3A_523, %parallel_loop3A_523 : vector<16xf32>
        %parallel_loop3A_540 = arith.mulf %parallel_loop3A_534, %parallel_loop3A_534 : vector<16xf32>
        %parallel_loop3A_541 = arith.addf %parallel_loop3A_539, %parallel_loop3A_540 : vector<16xf32>
        %parallel_loop3A_542 = arith.constant true
        %parallel_loop3A_543 = vector.broadcast %parallel_loop3A_542 : i1 to vector<16xi1>
        %parallel_loop3A_544 = tpu.scan <sum>, %parallel_loop3A_541 masked %parallel_loop3A_543 : vector<16xf32>, vector<16xi1> -> vector<16xf32>
        %parallel_loop3A_545 = vector.extract_strided_slice %parallel_loop3A_538 {offsets = [15], sizes = [1], strides = [1]} : vector<16xf32> to vector<1xf32>
        %parallel_loop3A_546 = vector.extract %parallel_loop3A_545[0] : f32 from vector<1xf32>
        %parallel_loop3A_547 = vector.broadcast %parallel_loop3A_546 : f32 to vector<16xf32>
        %parallel_loop3A_548 = vector.extract_strided_slice %parallel_loop3A_544 {offsets = [15], sizes = [1], strides = [1]} : vector<16xf32> to vector<1xf32>
        %parallel_loop3A_549 = vector.extract %parallel_loop3A_548[0] : f32 from vector<1xf32>
        %parallel_loop3A_550 = vector.broadcast %parallel_loop3A_549 : f32 to vector<16xf32>
        %parallel_loop3A_551 = arith.constant 7 : i32
        %parallel_loop3A_552 = vector.broadcast %parallel_loop3A_551 : i32 to vector<16xi32>
        %parallel_loop3A_553 = arith.cmpi eq, %iota3A_139, %parallel_loop3A_552 : vector<16xi32>
        %parallel_loop3A_554 = arith.select %parallel_loop3A_553, %parallel_loop3A_547, %parallel_loop3A_507 : vector<16xi1>, vector<16xf32>
        %parallel_loop3A_555 = arith.select %parallel_loop3A_553, %parallel_loop3A_550, %parallel_loop3A_508 : vector<16xi1>, vector<16xf32>
        %parallel_loop3A_556 = arith.constant 3.125000e-02 : f32
        %parallel_loop3A_557 = vector.broadcast %parallel_loop3A_556 : f32 to vector<16xf32>
        %parallel_loop3A_558 = arith.mulf %parallel_loop3A_554, %parallel_loop3A_557 : vector<16xf32>
        %parallel_loop3A_559 = arith.constant 3.125000e-02 : f32
        %parallel_loop3A_560 = vector.broadcast %parallel_loop3A_559 : f32 to vector<16xf32>
        %parallel_loop3A_561 = arith.mulf %parallel_loop3A_555, %parallel_loop3A_560 : vector<16xf32>
        %parallel_loop3A_562 = arith.mulf %parallel_loop3A_558, %parallel_loop3A_558 : vector<16xf32>
        %parallel_loop3A_563 = arith.subf %parallel_loop3A_561, %parallel_loop3A_562 : vector<16xf32>
        %parallel_loop3A_564 = arith.constant 9.99999974E-6 : f32
        %parallel_loop3A_565 = vector.broadcast %parallel_loop3A_564 : f32 to vector<16xf32>
        %parallel_loop3A_566 = arith.addf %parallel_loop3A_563, %parallel_loop3A_565 : vector<16xf32>
        %parallel_loop3A_567 = vector.bitcast %parallel_loop3A_566 : vector<16xf32> to vector<16xi32>
        %parallel_loop3A_568 = arith.constant 1 : i32
        %parallel_loop3A_569 = vector.broadcast %parallel_loop3A_568 : i32 to vector<16xi32>
        %parallel_loop3A_570 = arith.shrsi %parallel_loop3A_567, %parallel_loop3A_569 : vector<16xi32>
        %parallel_loop3A_571 = arith.constant 1597463007 : i32
        %parallel_loop3A_572 = vector.broadcast %parallel_loop3A_571 : i32 to vector<16xi32>
        %parallel_loop3A_573 = arith.subi %parallel_loop3A_572, %parallel_loop3A_570 : vector<16xi32>
        %parallel_loop3A_574 = vector.bitcast %parallel_loop3A_573 : vector<16xi32> to vector<16xf32>
        %parallel_loop3A_575 = arith.constant 5.000000e-01 : f32
        %parallel_loop3A_576 = vector.broadcast %parallel_loop3A_575 : f32 to vector<16xf32>
        %parallel_loop3A_577 = arith.mulf %parallel_loop3A_576, %parallel_loop3A_566 : vector<16xf32>
        %parallel_loop3A_578 = arith.mulf %parallel_loop3A_577, %parallel_loop3A_574 : vector<16xf32>
        %parallel_loop3A_579 = arith.mulf %parallel_loop3A_578, %parallel_loop3A_574 : vector<16xf32>
        %parallel_loop3A_580 = arith.constant 1.500000e+00 : f32
        %parallel_loop3A_581 = vector.broadcast %parallel_loop3A_580 : f32 to vector<16xf32>
        %parallel_loop3A_582 = arith.subf %parallel_loop3A_581, %parallel_loop3A_579 : vector<16xf32>
        %parallel_loop3A_583 = arith.mulf %parallel_loop3A_574, %parallel_loop3A_582 : vector<16xf32>
        %parallel_loop3A_584 = arith.constant 5.000000e-01 : f32
        %parallel_loop3A_585 = vector.broadcast %parallel_loop3A_584 : f32 to vector<16xf32>
        %parallel_loop3A_586 = arith.mulf %parallel_loop3A_585, %parallel_loop3A_566 : vector<16xf32>
        %parallel_loop3A_587 = arith.mulf %parallel_loop3A_586, %parallel_loop3A_583 : vector<16xf32>
        %parallel_loop3A_588 = arith.mulf %parallel_loop3A_587, %parallel_loop3A_583 : vector<16xf32>
        %parallel_loop3A_589 = arith.constant 1.500000e+00 : f32
        %parallel_loop3A_590 = vector.broadcast %parallel_loop3A_589 : f32 to vector<16xf32>
        %parallel_loop3A_591 = arith.subf %parallel_loop3A_590, %parallel_loop3A_588 : vector<16xf32>
        %parallel_loop3A_592 = arith.mulf %parallel_loop3A_583, %parallel_loop3A_591 : vector<16xf32>
        %parallel_loop3A_593 = arith.constant 5.000000e-01 : f32
        %parallel_loop3A_594 = vector.broadcast %parallel_loop3A_593 : f32 to vector<16xf32>
        %parallel_loop3A_595 = arith.mulf %parallel_loop3A_594, %parallel_loop3A_566 : vector<16xf32>
        %parallel_loop3A_596 = arith.mulf %parallel_loop3A_595, %parallel_loop3A_592 : vector<16xf32>
        %parallel_loop3A_597 = arith.mulf %parallel_loop3A_596, %parallel_loop3A_592 : vector<16xf32>
        %parallel_loop3A_598 = arith.constant 1.500000e+00 : f32
        %parallel_loop3A_599 = vector.broadcast %parallel_loop3A_598 : f32 to vector<16xf32>
        %parallel_loop3A_600 = arith.subf %parallel_loop3A_599, %parallel_loop3A_597 : vector<16xf32>
        %parallel_loop3A_601 = arith.mulf %parallel_loop3A_592, %parallel_loop3A_600 : vector<16xf32>
        %parallel_loop3A_602 = vector.extract_strided_slice %parallel_loop3A_558 {offsets = [0], sizes = [1], strides = [1]} : vector<16xf32> to vector<1xf32>
        %parallel_loop3A_603 = vector.extract %parallel_loop3A_602[0] : f32 from vector<1xf32>
        %parallel_loop3A_604 = vector.broadcast %parallel_loop3A_603 : f32 to vector<16xf32>
        %parallel_loop3A_605 = vector.extract_strided_slice %parallel_loop3A_601 {offsets = [0], sizes = [1], strides = [1]} : vector<16xf32> to vector<1xf32>
        %parallel_loop3A_606 = vector.extract %parallel_loop3A_605[0] : f32 from vector<1xf32>
        %parallel_loop3A_607 = vector.broadcast %parallel_loop3A_606 : f32 to vector<16xf32>
        %parallel_loop3A_608 = arith.subf %parallel_loop3A_194, %parallel_loop3A_604 : vector<16xf32>
        %parallel_loop3A_609 = arith.mulf %parallel_loop3A_608, %parallel_loop3A_607 : vector<16xf32>
        %parallel_loop3A_610 = arith.mulf %parallel_loop3A_609, %get3A_5 : vector<16xf32>
        %parallel_loop3A_611 = arith.addf %parallel_loop3A_610, %get3A_13 : vector<16xf32>
        %parallel_loop3A_612 = arith.constant 0 : i32
        %parallel_loop3A_613 = arith.constant 0 : i32
        %parallel_loop3A_614 = tpu.memref_slice %arg13[%parallel_loop3A_144, %parallel_loop3A_612, %parallel_loop3A_613] : memref<2x128x32xf32, #tpu.memory_space<vmem>> -> memref<1x128x32xf32, #tpu.memory_space<vmem>>
        %parallel_loop3A_615 = tpu.memref_squeeze %parallel_loop3A_614 : memref<1x128x32xf32, #tpu.memory_space<vmem>> -> memref<128x32xf32, #tpu.memory_space<vmem>>
        %parallel_loop3A_616 = arith.index_cast %parallel_loop3A_181 : i32 to index
        %parallel_loop3A_617 = arith.constant 0 : index
        %parallel_loop3A_618 = tpu.vector_load %parallel_loop3A_615[%parallel_loop3A_616, %parallel_loop3A_617] {strides = array<i32>} : memref<128x32xf32, #tpu.memory_space<vmem>>, vector<16xf32>,
        tpu.vector_store %parallel_loop3A_615[%parallel_loop3A_616, %parallel_loop3A_617], %parallel_loop3A_611 {strides = array<i32>} : memref<128x32xf32, #tpu.memory_space<vmem>>, vector<16xf32>,
        %parallel_loop3A_619 = arith.subf %parallel_loop3A_205, %parallel_loop3A_604 : vector<16xf32>
        %parallel_loop3A_620 = arith.mulf %parallel_loop3A_619, %parallel_loop3A_607 : vector<16xf32>
        %parallel_loop3A_621 = arith.mulf %parallel_loop3A_620, %get3A_9 : vector<16xf32>
        %parallel_loop3A_622 = arith.addf %parallel_loop3A_621, %get3A_17 : vector<16xf32>
        %parallel_loop3A_623 = arith.constant 0 : i32
        %parallel_loop3A_624 = arith.constant 0 : i32
        %parallel_loop3A_625 = tpu.memref_slice %arg13[%parallel_loop3A_144, %parallel_loop3A_623, %parallel_loop3A_624] : memref<2x128x32xf32, #tpu.memory_space<vmem>> -> memref<1x128x32xf32, #tpu.memory_space<vmem>>
        %parallel_loop3A_626 = tpu.memref_squeeze %parallel_loop3A_625 : memref<1x128x32xf32, #tpu.memory_space<vmem>> -> memref<128x32xf32, #tpu.memory_space<vmem>>
        %parallel_loop3A_627 = arith.index_cast %parallel_loop3A_181 : i32 to index
        %parallel_loop3A_628 = arith.constant 16 : index
        %parallel_loop3A_629 = tpu.vector_load %parallel_loop3A_626[%parallel_loop3A_627, %parallel_loop3A_628] {strides = array<i32>} : memref<128x32xf32, #tpu.memory_space<vmem>>, vector<16xf32>,
        tpu.vector_store %parallel_loop3A_626[%parallel_loop3A_627, %parallel_loop3A_628], %parallel_loop3A_622 {strides = array<i32>} : memref<128x32xf32, #tpu.memory_space<vmem>>, vector<16xf32>,
        %parallel_loop3A_630 = vector.extract_strided_slice %parallel_loop3A_558 {offsets = [1], sizes = [1], strides = [1]} : vector<16xf32> to vector<1xf32>
        %parallel_loop3A_631 = vector.extract %parallel_loop3A_630[0] : f32 from vector<1xf32>
        %parallel_loop3A_632 = vector.broadcast %parallel_loop3A_631 : f32 to vector<16xf32>
        %parallel_loop3A_633 = vector.extract_strided_slice %parallel_loop3A_601 {offsets = [1], sizes = [1], strides = [1]} : vector<16xf32> to vector<1xf32>
        %parallel_loop3A_634 = vector.extract %parallel_loop3A_633[0] : f32 from vector<1xf32>
        %parallel_loop3A_635 = vector.broadcast %parallel_loop3A_634 : f32 to vector<16xf32>
        %parallel_loop3A_636 = arith.subf %parallel_loop3A_241, %parallel_loop3A_632 : vector<16xf32>
        %parallel_loop3A_637 = arith.mulf %parallel_loop3A_636, %parallel_loop3A_635 : vector<16xf32>
        %parallel_loop3A_638 = arith.mulf %parallel_loop3A_637, %get3A_5 : vector<16xf32>
        %parallel_loop3A_639 = arith.addf %parallel_loop3A_638, %get3A_13 : vector<16xf32>
        %parallel_loop3A_640 = arith.constant 0 : i32
        %parallel_loop3A_641 = arith.constant 0 : i32
        %parallel_loop3A_642 = tpu.memref_slice %arg13[%parallel_loop3A_144, %parallel_loop3A_640, %parallel_loop3A_641] : memref<2x128x32xf32, #tpu.memory_space<vmem>> -> memref<1x128x32xf32, #tpu.memory_space<vmem>>
        %parallel_loop3A_643 = tpu.memref_squeeze %parallel_loop3A_642 : memref<1x128x32xf32, #tpu.memory_space<vmem>> -> memref<128x32xf32, #tpu.memory_space<vmem>>
        %parallel_loop3A_644 = arith.index_cast %parallel_loop3A_228 : i32 to index
        %parallel_loop3A_645 = arith.constant 0 : index
        %parallel_loop3A_646 = tpu.vector_load %parallel_loop3A_643[%parallel_loop3A_644, %parallel_loop3A_645] {strides = array<i32>} : memref<128x32xf32, #tpu.memory_space<vmem>>, vector<16xf32>,
        tpu.vector_store %parallel_loop3A_643[%parallel_loop3A_644, %parallel_loop3A_645], %parallel_loop3A_639 {strides = array<i32>} : memref<128x32xf32, #tpu.memory_space<vmem>>, vector<16xf32>,
        %parallel_loop3A_647 = arith.subf %parallel_loop3A_252, %parallel_loop3A_632 : vector<16xf32>
        %parallel_loop3A_648 = arith.mulf %parallel_loop3A_647, %parallel_loop3A_635 : vector<16xf32>
        %parallel_loop3A_649 = arith.mulf %parallel_loop3A_648, %get3A_9 : vector<16xf32>
        %parallel_loop3A_650 = arith.addf %parallel_loop3A_649, %get3A_17 : vector<16xf32>
        %parallel_loop3A_651 = arith.constant 0 : i32
        %parallel_loop3A_652 = arith.constant 0 : i32
        %parallel_loop3A_653 = tpu.memref_slice %arg13[%parallel_loop3A_144, %parallel_loop3A_651, %parallel_loop3A_652] : memref<2x128x32xf32, #tpu.memory_space<vmem>> -> memref<1x128x32xf32, #tpu.memory_space<vmem>>
        %parallel_loop3A_654 = tpu.memref_squeeze %parallel_loop3A_653 : memref<1x128x32xf32, #tpu.memory_space<vmem>> -> memref<128x32xf32, #tpu.memory_space<vmem>>
        %parallel_loop3A_655 = arith.index_cast %parallel_loop3A_228 : i32 to index
        %parallel_loop3A_656 = arith.constant 16 : index
        %parallel_loop3A_657 = tpu.vector_load %parallel_loop3A_654[%parallel_loop3A_655, %parallel_loop3A_656] {strides = array<i32>} : memref<128x32xf32, #tpu.memory_space<vmem>>, vector<16xf32>,
        tpu.vector_store %parallel_loop3A_654[%parallel_loop3A_655, %parallel_loop3A_656], %parallel_loop3A_650 {strides = array<i32>} : memref<128x32xf32, #tpu.memory_space<vmem>>, vector<16xf32>,
        %parallel_loop3A_658 = vector.extract_strided_slice %parallel_loop3A_558 {offsets = [2], sizes = [1], strides = [1]} : vector<16xf32> to vector<1xf32>
        %parallel_loop3A_659 = vector.extract %parallel_loop3A_658[0] : f32 from vector<1xf32>
        %parallel_loop3A_660 = vector.broadcast %parallel_loop3A_659 : f32 to vector<16xf32>
        %parallel_loop3A_661 = vector.extract_strided_slice %parallel_loop3A_601 {offsets = [2], sizes = [1], strides = [1]} : vector<16xf32> to vector<1xf32>
        %parallel_loop3A_662 = vector.extract %parallel_loop3A_661[0] : f32 from vector<1xf32>
        %parallel_loop3A_663 = vector.broadcast %parallel_loop3A_662 : f32 to vector<16xf32>
        %parallel_loop3A_664 = arith.subf %parallel_loop3A_288, %parallel_loop3A_660 : vector<16xf32>
        %parallel_loop3A_665 = arith.mulf %parallel_loop3A_664, %parallel_loop3A_663 : vector<16xf32>
        %parallel_loop3A_666 = arith.mulf %parallel_loop3A_665, %get3A_5 : vector<16xf32>
        %parallel_loop3A_667 = arith.addf %parallel_loop3A_666, %get3A_13 : vector<16xf32>
        %parallel_loop3A_668 = arith.constant 0 : i32
        %parallel_loop3A_669 = arith.constant 0 : i32
        %parallel_loop3A_670 = tpu.memref_slice %arg13[%parallel_loop3A_144, %parallel_loop3A_668, %parallel_loop3A_669] : memref<2x128x32xf32, #tpu.memory_space<vmem>> -> memref<1x128x32xf32, #tpu.memory_space<vmem>>
        %parallel_loop3A_671 = tpu.memref_squeeze %parallel_loop3A_670 : memref<1x128x32xf32, #tpu.memory_space<vmem>> -> memref<128x32xf32, #tpu.memory_space<vmem>>
        %parallel_loop3A_672 = arith.index_cast %parallel_loop3A_275 : i32 to index
        %parallel_loop3A_673 = arith.constant 0 : index
        %parallel_loop3A_674 = tpu.vector_load %parallel_loop3A_671[%parallel_loop3A_672, %parallel_loop3A_673] {strides = array<i32>} : memref<128x32xf32, #tpu.memory_space<vmem>>, vector<16xf32>,
        tpu.vector_store %parallel_loop3A_671[%parallel_loop3A_672, %parallel_loop3A_673], %parallel_loop3A_667 {strides = array<i32>} : memref<128x32xf32, #tpu.memory_space<vmem>>, vector<16xf32>,
        %parallel_loop3A_675 = arith.subf %parallel_loop3A_299, %parallel_loop3A_660 : vector<16xf32>
        %parallel_loop3A_676 = arith.mulf %parallel_loop3A_675, %parallel_loop3A_663 : vector<16xf32>
        %parallel_loop3A_677 = arith.mulf %parallel_loop3A_676, %get3A_9 : vector<16xf32>
        %parallel_loop3A_678 = arith.addf %parallel_loop3A_677, %get3A_17 : vector<16xf32>
        %parallel_loop3A_679 = arith.constant 0 : i32
        %parallel_loop3A_680 = arith.constant 0 : i32
        %parallel_loop3A_681 = tpu.memref_slice %arg13[%parallel_loop3A_144, %parallel_loop3A_679, %parallel_loop3A_680] : memref<2x128x32xf32, #tpu.memory_space<vmem>> -> memref<1x128x32xf32, #tpu.memory_space<vmem>>
        %parallel_loop3A_682 = tpu.memref_squeeze %parallel_loop3A_681 : memref<1x128x32xf32, #tpu.memory_space<vmem>> -> memref<128x32xf32, #tpu.memory_space<vmem>>
        %parallel_loop3A_683 = arith.index_cast %parallel_loop3A_275 : i32 to index
        %parallel_loop3A_684 = arith.constant 16 : index
        %parallel_loop3A_685 = tpu.vector_load %parallel_loop3A_682[%parallel_loop3A_683, %parallel_loop3A_684] {strides = array<i32>} : memref<128x32xf32, #tpu.memory_space<vmem>>, vector<16xf32>,
        tpu.vector_store %parallel_loop3A_682[%parallel_loop3A_683, %parallel_loop3A_684], %parallel_loop3A_678 {strides = array<i32>} : memref<128x32xf32, #tpu.memory_space<vmem>>, vector<16xf32>,
        %parallel_loop3A_686 = vector.extract_strided_slice %parallel_loop3A_558 {offsets = [3], sizes = [1], strides = [1]} : vector<16xf32> to vector<1xf32>
        %parallel_loop3A_687 = vector.extract %parallel_loop3A_686[0] : f32 from vector<1xf32>
        %parallel_loop3A_688 = vector.broadcast %parallel_loop3A_687 : f32 to vector<16xf32>
        %parallel_loop3A_689 = vector.extract_strided_slice %parallel_loop3A_601 {offsets = [3], sizes = [1], strides = [1]} : vector<16xf32> to vector<1xf32>
        %parallel_loop3A_690 = vector.extract %parallel_loop3A_689[0] : f32 from vector<1xf32>
        %parallel_loop3A_691 = vector.broadcast %parallel_loop3A_690 : f32 to vector<16xf32>
        %parallel_loop3A_692 = arith.subf %parallel_loop3A_335, %parallel_loop3A_688 : vector<16xf32>
        %parallel_loop3A_693 = arith.mulf %parallel_loop3A_692, %parallel_loop3A_691 : vector<16xf32>
        %parallel_loop3A_694 = arith.mulf %parallel_loop3A_693, %get3A_5 : vector<16xf32>
        %parallel_loop3A_695 = arith.addf %parallel_loop3A_694, %get3A_13 : vector<16xf32>
        %parallel_loop3A_696 = arith.constant 0 : i32
        %parallel_loop3A_697 = arith.constant 0 : i32
        %parallel_loop3A_698 = tpu.memref_slice %arg13[%parallel_loop3A_144, %parallel_loop3A_696, %parallel_loop3A_697] : memref<2x128x32xf32, #tpu.memory_space<vmem>> -> memref<1x128x32xf32, #tpu.memory_space<vmem>>
        %parallel_loop3A_699 = tpu.memref_squeeze %parallel_loop3A_698 : memref<1x128x32xf32, #tpu.memory_space<vmem>> -> memref<128x32xf32, #tpu.memory_space<vmem>>
        %parallel_loop3A_700 = arith.index_cast %parallel_loop3A_322 : i32 to index
        %parallel_loop3A_701 = arith.constant 0 : index
        %parallel_loop3A_702 = tpu.vector_load %parallel_loop3A_699[%parallel_loop3A_700, %parallel_loop3A_701] {strides = array<i32>} : memref<128x32xf32, #tpu.memory_space<vmem>>, vector<16xf32>,
        tpu.vector_store %parallel_loop3A_699[%parallel_loop3A_700, %parallel_loop3A_701], %parallel_loop3A_695 {strides = array<i32>} : memref<128x32xf32, #tpu.memory_space<vmem>>, vector<16xf32>,
        %parallel_loop3A_703 = arith.subf %parallel_loop3A_346, %parallel_loop3A_688 : vector<16xf32>
        %parallel_loop3A_704 = arith.mulf %parallel_loop3A_703, %parallel_loop3A_691 : vector<16xf32>
        %parallel_loop3A_705 = arith.mulf %parallel_loop3A_704, %get3A_9 : vector<16xf32>
        %parallel_loop3A_706 = arith.addf %parallel_loop3A_705, %get3A_17 : vector<16xf32>
        %parallel_loop3A_707 = arith.constant 0 : i32
        %parallel_loop3A_708 = arith.constant 0 : i32
        %parallel_loop3A_709 = tpu.memref_slice %arg13[%parallel_loop3A_144, %parallel_loop3A_707, %parallel_loop3A_708] : memref<2x128x32xf32, #tpu.memory_space<vmem>> -> memref<1x128x32xf32, #tpu.memory_space<vmem>>
        %parallel_loop3A_710 = tpu.memref_squeeze %parallel_loop3A_709 : memref<1x128x32xf32, #tpu.memory_space<vmem>> -> memref<128x32xf32, #tpu.memory_space<vmem>>
        %parallel_loop3A_711 = arith.index_cast %parallel_loop3A_322 : i32 to index
        %parallel_loop3A_712 = arith.constant 16 : index
        %parallel_loop3A_713 = tpu.vector_load %parallel_loop3A_710[%parallel_loop3A_711, %parallel_loop3A_712] {strides = array<i32>} : memref<128x32xf32, #tpu.memory_space<vmem>>, vector<16xf32>,
        tpu.vector_store %parallel_loop3A_710[%parallel_loop3A_711, %parallel_loop3A_712], %parallel_loop3A_706 {strides = array<i32>} : memref<128x32xf32, #tpu.memory_space<vmem>>, vector<16xf32>,
        %parallel_loop3A_714 = vector.extract_strided_slice %parallel_loop3A_558 {offsets = [4], sizes = [1], strides = [1]} : vector<16xf32> to vector<1xf32>
        %parallel_loop3A_715 = vector.extract %parallel_loop3A_714[0] : f32 from vector<1xf32>
        %parallel_loop3A_716 = vector.broadcast %parallel_loop3A_715 : f32 to vector<16xf32>
        %parallel_loop3A_717 = vector.extract_strided_slice %parallel_loop3A_601 {offsets = [4], sizes = [1], strides = [1]} : vector<16xf32> to vector<1xf32>
        %parallel_loop3A_718 = vector.extract %parallel_loop3A_717[0] : f32 from vector<1xf32>
        %parallel_loop3A_719 = vector.broadcast %parallel_loop3A_718 : f32 to vector<16xf32>
        %parallel_loop3A_720 = arith.subf %parallel_loop3A_382, %parallel_loop3A_716 : vector<16xf32>
        %parallel_loop3A_721 = arith.mulf %parallel_loop3A_720, %parallel_loop3A_719 : vector<16xf32>
        %parallel_loop3A_722 = arith.mulf %parallel_loop3A_721, %get3A_5 : vector<16xf32>
        %parallel_loop3A_723 = arith.addf %parallel_loop3A_722, %get3A_13 : vector<16xf32>
        %parallel_loop3A_724 = arith.constant 0 : i32
        %parallel_loop3A_725 = arith.constant 0 : i32
        %parallel_loop3A_726 = tpu.memref_slice %arg13[%parallel_loop3A_144, %parallel_loop3A_724, %parallel_loop3A_725] : memref<2x128x32xf32, #tpu.memory_space<vmem>> -> memref<1x128x32xf32, #tpu.memory_space<vmem>>
        %parallel_loop3A_727 = tpu.memref_squeeze %parallel_loop3A_726 : memref<1x128x32xf32, #tpu.memory_space<vmem>> -> memref<128x32xf32, #tpu.memory_space<vmem>>
        %parallel_loop3A_728 = arith.index_cast %parallel_loop3A_369 : i32 to index
        %parallel_loop3A_729 = arith.constant 0 : index
        %parallel_loop3A_730 = tpu.vector_load %parallel_loop3A_727[%parallel_loop3A_728, %parallel_loop3A_729] {strides = array<i32>} : memref<128x32xf32, #tpu.memory_space<vmem>>, vector<16xf32>,
        tpu.vector_store %parallel_loop3A_727[%parallel_loop3A_728, %parallel_loop3A_729], %parallel_loop3A_723 {strides = array<i32>} : memref<128x32xf32, #tpu.memory_space<vmem>>, vector<16xf32>,
        %parallel_loop3A_731 = arith.subf %parallel_loop3A_393, %parallel_loop3A_716 : vector<16xf32>
        %parallel_loop3A_732 = arith.mulf %parallel_loop3A_731, %parallel_loop3A_719 : vector<16xf32>
        %parallel_loop3A_733 = arith.mulf %parallel_loop3A_732, %get3A_9 : vector<16xf32>
        %parallel_loop3A_734 = arith.addf %parallel_loop3A_733, %get3A_17 : vector<16xf32>
        %parallel_loop3A_735 = arith.constant 0 : i32
        %parallel_loop3A_736 = arith.constant 0 : i32
        %parallel_loop3A_737 = tpu.memref_slice %arg13[%parallel_loop3A_144, %parallel_loop3A_735, %parallel_loop3A_736] : memref<2x128x32xf32, #tpu.memory_space<vmem>> -> memref<1x128x32xf32, #tpu.memory_space<vmem>>
        %parallel_loop3A_738 = tpu.memref_squeeze %parallel_loop3A_737 : memref<1x128x32xf32, #tpu.memory_space<vmem>> -> memref<128x32xf32, #tpu.memory_space<vmem>>
        %parallel_loop3A_739 = arith.index_cast %parallel_loop3A_369 : i32 to index
        %parallel_loop3A_740 = arith.constant 16 : index
        %parallel_loop3A_741 = tpu.vector_load %parallel_loop3A_738[%parallel_loop3A_739, %parallel_loop3A_740] {strides = array<i32>} : memref<128x32xf32, #tpu.memory_space<vmem>>, vector<16xf32>,
        tpu.vector_store %parallel_loop3A_738[%parallel_loop3A_739, %parallel_loop3A_740], %parallel_loop3A_734 {strides = array<i32>} : memref<128x32xf32, #tpu.memory_space<vmem>>, vector<16xf32>,
        %parallel_loop3A_742 = vector.extract_strided_slice %parallel_loop3A_558 {offsets = [5], sizes = [1], strides = [1]} : vector<16xf32> to vector<1xf32>
        %parallel_loop3A_743 = vector.extract %parallel_loop3A_742[0] : f32 from vector<1xf32>
        %parallel_loop3A_744 = vector.broadcast %parallel_loop3A_743 : f32 to vector<16xf32>
        %parallel_loop3A_745 = vector.extract_strided_slice %parallel_loop3A_601 {offsets = [5], sizes = [1], strides = [1]} : vector<16xf32> to vector<1xf32>
        %parallel_loop3A_746 = vector.extract %parallel_loop3A_745[0] : f32 from vector<1xf32>
        %parallel_loop3A_747 = vector.broadcast %parallel_loop3A_746 : f32 to vector<16xf32>
        %parallel_loop3A_748 = arith.subf %parallel_loop3A_429, %parallel_loop3A_744 : vector<16xf32>
        %parallel_loop3A_749 = arith.mulf %parallel_loop3A_748, %parallel_loop3A_747 : vector<16xf32>
        %parallel_loop3A_750 = arith.mulf %parallel_loop3A_749, %get3A_5 : vector<16xf32>
        %parallel_loop3A_751 = arith.addf %parallel_loop3A_750, %get3A_13 : vector<16xf32>
        %parallel_loop3A_752 = arith.constant 0 : i32
        %parallel_loop3A_753 = arith.constant 0 : i32
        %parallel_loop3A_754 = tpu.memref_slice %arg13[%parallel_loop3A_144, %parallel_loop3A_752, %parallel_loop3A_753] : memref<2x128x32xf32, #tpu.memory_space<vmem>> -> memref<1x128x32xf32, #tpu.memory_space<vmem>>
        %parallel_loop3A_755 = tpu.memref_squeeze %parallel_loop3A_754 : memref<1x128x32xf32, #tpu.memory_space<vmem>> -> memref<128x32xf32, #tpu.memory_space<vmem>>
        %parallel_loop3A_756 = arith.index_cast %parallel_loop3A_416 : i32 to index
        %parallel_loop3A_757 = arith.constant 0 : index
        %parallel_loop3A_758 = tpu.vector_load %parallel_loop3A_755[%parallel_loop3A_756, %parallel_loop3A_757] {strides = array<i32>} : memref<128x32xf32, #tpu.memory_space<vmem>>, vector<16xf32>,
        tpu.vector_store %parallel_loop3A_755[%parallel_loop3A_756, %parallel_loop3A_757], %parallel_loop3A_751 {strides = array<i32>} : memref<128x32xf32, #tpu.memory_space<vmem>>, vector<16xf32>,
        %parallel_loop3A_759 = arith.subf %parallel_loop3A_440, %parallel_loop3A_744 : vector<16xf32>
        %parallel_loop3A_760 = arith.mulf %parallel_loop3A_759, %parallel_loop3A_747 : vector<16xf32>
        %parallel_loop3A_761 = arith.mulf %parallel_loop3A_760, %get3A_9 : vector<16xf32>
        %parallel_loop3A_762 = arith.addf %parallel_loop3A_761, %get3A_17 : vector<16xf32>
        %parallel_loop3A_763 = arith.constant 0 : i32
        %parallel_loop3A_764 = arith.constant 0 : i32
        %parallel_loop3A_765 = tpu.memref_slice %arg13[%parallel_loop3A_144, %parallel_loop3A_763, %parallel_loop3A_764] : memref<2x128x32xf32, #tpu.memory_space<vmem>> -> memref<1x128x32xf32, #tpu.memory_space<vmem>>
        %parallel_loop3A_766 = tpu.memref_squeeze %parallel_loop3A_765 : memref<1x128x32xf32, #tpu.memory_space<vmem>> -> memref<128x32xf32, #tpu.memory_space<vmem>>
        %parallel_loop3A_767 = arith.index_cast %parallel_loop3A_416 : i32 to index
        %parallel_loop3A_768 = arith.constant 16 : index
        %parallel_loop3A_769 = tpu.vector_load %parallel_loop3A_766[%parallel_loop3A_767, %parallel_loop3A_768] {strides = array<i32>} : memref<128x32xf32, #tpu.memory_space<vmem>>, vector<16xf32>,
        tpu.vector_store %parallel_loop3A_766[%parallel_loop3A_767, %parallel_loop3A_768], %parallel_loop3A_762 {strides = array<i32>} : memref<128x32xf32, #tpu.memory_space<vmem>>, vector<16xf32>,
        %parallel_loop3A_770 = vector.extract_strided_slice %parallel_loop3A_558 {offsets = [6], sizes = [1], strides = [1]} : vector<16xf32> to vector<1xf32>
        %parallel_loop3A_771 = vector.extract %parallel_loop3A_770[0] : f32 from vector<1xf32>
        %parallel_loop3A_772 = vector.broadcast %parallel_loop3A_771 : f32 to vector<16xf32>
        %parallel_loop3A_773 = vector.extract_strided_slice %parallel_loop3A_601 {offsets = [6], sizes = [1], strides = [1]} : vector<16xf32> to vector<1xf32>
        %parallel_loop3A_774 = vector.extract %parallel_loop3A_773[0] : f32 from vector<1xf32>
        %parallel_loop3A_775 = vector.broadcast %parallel_loop3A_774 : f32 to vector<16xf32>
        %parallel_loop3A_776 = arith.subf %parallel_loop3A_476, %parallel_loop3A_772 : vector<16xf32>
        %parallel_loop3A_777 = arith.mulf %parallel_loop3A_776, %parallel_loop3A_775 : vector<16xf32>
        %parallel_loop3A_778 = arith.mulf %parallel_loop3A_777, %get3A_5 : vector<16xf32>
        %parallel_loop3A_779 = arith.addf %parallel_loop3A_778, %get3A_13 : vector<16xf32>
        %parallel_loop3A_780 = arith.constant 0 : i32
        %parallel_loop3A_781 = arith.constant 0 : i32
        %parallel_loop3A_782 = tpu.memref_slice %arg13[%parallel_loop3A_144, %parallel_loop3A_780, %parallel_loop3A_781] : memref<2x128x32xf32, #tpu.memory_space<vmem>> -> memref<1x128x32xf32, #tpu.memory_space<vmem>>
        %parallel_loop3A_783 = tpu.memref_squeeze %parallel_loop3A_782 : memref<1x128x32xf32, #tpu.memory_space<vmem>> -> memref<128x32xf32, #tpu.memory_space<vmem>>
        %parallel_loop3A_784 = arith.index_cast %parallel_loop3A_463 : i32 to index
        %parallel_loop3A_785 = arith.constant 0 : index
        %parallel_loop3A_786 = tpu.vector_load %parallel_loop3A_783[%parallel_loop3A_784, %parallel_loop3A_785] {strides = array<i32>} : memref<128x32xf32, #tpu.memory_space<vmem>>, vector<16xf32>,
        tpu.vector_store %parallel_loop3A_783[%parallel_loop3A_784, %parallel_loop3A_785], %parallel_loop3A_779 {strides = array<i32>} : memref<128x32xf32, #tpu.memory_space<vmem>>, vector<16xf32>,
        %parallel_loop3A_787 = arith.subf %parallel_loop3A_487, %parallel_loop3A_772 : vector<16xf32>
        %parallel_loop3A_788 = arith.mulf %parallel_loop3A_787, %parallel_loop3A_775 : vector<16xf32>
        %parallel_loop3A_789 = arith.mulf %parallel_loop3A_788, %get3A_9 : vector<16xf32>
        %parallel_loop3A_790 = arith.addf %parallel_loop3A_789, %get3A_17 : vector<16xf32>
        %parallel_loop3A_791 = arith.constant 0 : i32
        %parallel_loop3A_792 = arith.constant 0 : i32
        %parallel_loop3A_793 = tpu.memref_slice %arg13[%parallel_loop3A_144, %parallel_loop3A_791, %parallel_loop3A_792] : memref<2x128x32xf32, #tpu.memory_space<vmem>> -> memref<1x128x32xf32, #tpu.memory_space<vmem>>
        %parallel_loop3A_794 = tpu.memref_squeeze %parallel_loop3A_793 : memref<1x128x32xf32, #tpu.memory_space<vmem>> -> memref<128x32xf32, #tpu.memory_space<vmem>>
        %parallel_loop3A_795 = arith.index_cast %parallel_loop3A_463 : i32 to index
        %parallel_loop3A_796 = arith.constant 16 : index
        %parallel_loop3A_797 = tpu.vector_load %parallel_loop3A_794[%parallel_loop3A_795, %parallel_loop3A_796] {strides = array<i32>} : memref<128x32xf32, #tpu.memory_space<vmem>>, vector<16xf32>,
        tpu.vector_store %parallel_loop3A_794[%parallel_loop3A_795, %parallel_loop3A_796], %parallel_loop3A_790 {strides = array<i32>} : memref<128x32xf32, #tpu.memory_space<vmem>>, vector<16xf32>,
        %parallel_loop3A_798 = vector.extract_strided_slice %parallel_loop3A_558 {offsets = [7], sizes = [1], strides = [1]} : vector<16xf32> to vector<1xf32>
        %parallel_loop3A_799 = vector.extract %parallel_loop3A_798[0] : f32 from vector<1xf32>
        %parallel_loop3A_800 = vector.broadcast %parallel_loop3A_799 : f32 to vector<16xf32>
        %parallel_loop3A_801 = vector.extract_strided_slice %parallel_loop3A_601 {offsets = [7], sizes = [1], strides = [1]} : vector<16xf32> to vector<1xf32>
        %parallel_loop3A_802 = vector.extract %parallel_loop3A_801[0] : f32 from vector<1xf32>
        %parallel_loop3A_803 = vector.broadcast %parallel_loop3A_802 : f32 to vector<16xf32>
        %parallel_loop3A_804 = arith.subf %parallel_loop3A_523, %parallel_loop3A_800 : vector<16xf32>
        %parallel_loop3A_805 = arith.mulf %parallel_loop3A_804, %parallel_loop3A_803 : vector<16xf32>
        %parallel_loop3A_806 = arith.mulf %parallel_loop3A_805, %get3A_5 : vector<16xf32>
        %parallel_loop3A_807 = arith.addf %parallel_loop3A_806, %get3A_13 : vector<16xf32>
        %parallel_loop3A_808 = arith.constant 0 : i32
        %parallel_loop3A_809 = arith.constant 0 : i32
        %parallel_loop3A_810 = tpu.memref_slice %arg13[%parallel_loop3A_144, %parallel_loop3A_808, %parallel_loop3A_809] : memref<2x128x32xf32, #tpu.memory_space<vmem>> -> memref<1x128x32xf32, #tpu.memory_space<vmem>>
        %parallel_loop3A_811 = tpu.memref_squeeze %parallel_loop3A_810 : memref<1x128x32xf32, #tpu.memory_space<vmem>> -> memref<128x32xf32, #tpu.memory_space<vmem>>
        %parallel_loop3A_812 = arith.index_cast %parallel_loop3A_510 : i32 to index
        %parallel_loop3A_813 = arith.constant 0 : index
        %parallel_loop3A_814 = tpu.vector_load %parallel_loop3A_811[%parallel_loop3A_812, %parallel_loop3A_813] {strides = array<i32>} : memref<128x32xf32, #tpu.memory_space<vmem>>, vector<16xf32>,
        tpu.vector_store %parallel_loop3A_811[%parallel_loop3A_812, %parallel_loop3A_813], %parallel_loop3A_807 {strides = array<i32>} : memref<128x32xf32, #tpu.memory_space<vmem>>, vector<16xf32>,
        %parallel_loop3A_815 = arith.subf %parallel_loop3A_534, %parallel_loop3A_800 : vector<16xf32>
        %parallel_loop3A_816 = arith.mulf %parallel_loop3A_815, %parallel_loop3A_803 : vector<16xf32>
        %parallel_loop3A_817 = arith.mulf %parallel_loop3A_816, %get3A_9 : vector<16xf32>
        %parallel_loop3A_818 = arith.addf %parallel_loop3A_817, %get3A_17 : vector<16xf32>
        %parallel_loop3A_819 = arith.constant 0 : i32
        %parallel_loop3A_820 = arith.constant 0 : i32
        %parallel_loop3A_821 = tpu.memref_slice %arg13[%parallel_loop3A_144, %parallel_loop3A_819, %parallel_loop3A_820] : memref<2x128x32xf32, #tpu.memory_space<vmem>> -> memref<1x128x32xf32, #tpu.memory_space<vmem>>
        %parallel_loop3A_822 = tpu.memref_squeeze %parallel_loop3A_821 : memref<1x128x32xf32, #tpu.memory_space<vmem>> -> memref<128x32xf32, #tpu.memory_space<vmem>>
        %parallel_loop3A_823 = arith.index_cast %parallel_loop3A_510 : i32 to index
        %parallel_loop3A_824 = arith.constant 16 : index
        %parallel_loop3A_825 = tpu.vector_load %parallel_loop3A_822[%parallel_loop3A_823, %parallel_loop3A_824] {strides = array<i32>} : memref<128x32xf32, #tpu.memory_space<vmem>>, vector<16xf32>,
        tpu.vector_store %parallel_loop3A_822[%parallel_loop3A_823, %parallel_loop3A_824], %parallel_loop3A_818 {strides = array<i32>} : memref<128x32xf32, #tpu.memory_space<vmem>>, vector<16xf32>,
        %parallel_loop3A_826 = arith.constant 0.000000e+00 : f32
        %parallel_loop3A_827 = vector.broadcast %parallel_loop3A_826 : f32 to vector<16xf32>
        %parallel_loop3A_828 = arith.constant 0.000000e+00 : f32
        %parallel_loop3A_829 = vector.broadcast %parallel_loop3A_828 : f32 to vector<16xf32>
        %parallel_loop3A_830 = arith.constant 8 : i32
        %parallel_loop3A_831 = arith.addi %parallel_loop3A_170, %parallel_loop3A_830 : i32
        %parallel_loop3A_832 = vector.extract_strided_slice %parallel_loop3A_175 {offsets = [8], sizes = [1], strides = [1]} : vector<16xi32> to vector<1xi32>
        %parallel_loop3A_833 = vector.extract %parallel_loop3A_832[0] : i32 from vector<1xi32>
        %parallel_loop3A_834 = arith.constant 0 : i32
        %parallel_loop3A_835 = arith.constant 0 : i32
        %parallel_loop3A_836 = tpu.memref_slice %arg12[%parallel_loop3A_143, %parallel_loop3A_834, %parallel_loop3A_835] : memref<2x128x32xf32, #tpu.memory_space<vmem>> -> memref<1x128x32xf32, #tpu.memory_space<vmem>>
        %parallel_loop3A_837 = tpu.memref_squeeze %parallel_loop3A_836 : memref<1x128x32xf32, #tpu.memory_space<vmem>> -> memref<128x32xf32, #tpu.memory_space<vmem>>
        %parallel_loop3A_838 = arith.index_cast %parallel_loop3A_831 : i32 to index
        %parallel_loop3A_839 = arith.constant 0 : index
        %parallel_loop3A_840 = tpu.vector_load %parallel_loop3A_837[%parallel_loop3A_838, %parallel_loop3A_839] {strides = array<i32>} : memref<128x32xf32, #tpu.memory_space<vmem>>, vector<16xf32>,
        %parallel_loop3A_841 = arith.index_cast %parallel_loop3A_833 : i32 to index
        %parallel_loop3A_842 = arith.constant 0 : index
        %parallel_loop3A_843 = tpu.vector_load %arg10[%parallel_loop3A_841, %parallel_loop3A_842] {strides = array<i32>} : memref<201x32xf32, #tpu.memory_space<vmem>>, vector<16xf32>,
        %parallel_loop3A_844 = arith.addf %parallel_loop3A_840, %parallel_loop3A_843 : vector<16xf32>
        %parallel_loop3A_845 = arith.constant 0 : i32
        %parallel_loop3A_846 = arith.constant 0 : i32
        %parallel_loop3A_847 = tpu.memref_slice %arg12[%parallel_loop3A_143, %parallel_loop3A_845, %parallel_loop3A_846] : memref<2x128x32xf32, #tpu.memory_space<vmem>> -> memref<1x128x32xf32, #tpu.memory_space<vmem>>
        %parallel_loop3A_848 = tpu.memref_squeeze %parallel_loop3A_847 : memref<1x128x32xf32, #tpu.memory_space<vmem>> -> memref<128x32xf32, #tpu.memory_space<vmem>>
        %parallel_loop3A_849 = arith.index_cast %parallel_loop3A_831 : i32 to index
        %parallel_loop3A_850 = arith.constant 16 : index
        %parallel_loop3A_851 = tpu.vector_load %parallel_loop3A_848[%parallel_loop3A_849, %parallel_loop3A_850] {strides = array<i32>} : memref<128x32xf32, #tpu.memory_space<vmem>>, vector<16xf32>,
        %parallel_loop3A_852 = arith.index_cast %parallel_loop3A_833 : i32 to index
        %parallel_loop3A_853 = arith.constant 16 : index
        %parallel_loop3A_854 = tpu.vector_load %arg10[%parallel_loop3A_852, %parallel_loop3A_853] {strides = array<i32>} : memref<201x32xf32, #tpu.memory_space<vmem>>, vector<16xf32>,
        %parallel_loop3A_855 = arith.addf %parallel_loop3A_851, %parallel_loop3A_854 : vector<16xf32>
        %parallel_loop3A_856 = arith.addf %parallel_loop3A_844, %parallel_loop3A_855 : vector<16xf32>
        %parallel_loop3A_857 = arith.constant true
        %parallel_loop3A_858 = vector.broadcast %parallel_loop3A_857 : i1 to vector<16xi1>
        %parallel_loop3A_859 = tpu.scan <sum>, %parallel_loop3A_856 masked %parallel_loop3A_858 : vector<16xf32>, vector<16xi1> -> vector<16xf32>
        %parallel_loop3A_860 = arith.mulf %parallel_loop3A_844, %parallel_loop3A_844 : vector<16xf32>
        %parallel_loop3A_861 = arith.mulf %parallel_loop3A_855, %parallel_loop3A_855 : vector<16xf32>
        %parallel_loop3A_862 = arith.addf %parallel_loop3A_860, %parallel_loop3A_861 : vector<16xf32>
        %parallel_loop3A_863 = arith.constant true
        %parallel_loop3A_864 = vector.broadcast %parallel_loop3A_863 : i1 to vector<16xi1>
        %parallel_loop3A_865 = tpu.scan <sum>, %parallel_loop3A_862 masked %parallel_loop3A_864 : vector<16xf32>, vector<16xi1> -> vector<16xf32>
        %parallel_loop3A_866 = vector.extract_strided_slice %parallel_loop3A_859 {offsets = [15], sizes = [1], strides = [1]} : vector<16xf32> to vector<1xf32>
        %parallel_loop3A_867 = vector.extract %parallel_loop3A_866[0] : f32 from vector<1xf32>
        %parallel_loop3A_868 = vector.broadcast %parallel_loop3A_867 : f32 to vector<16xf32>
        %parallel_loop3A_869 = vector.extract_strided_slice %parallel_loop3A_865 {offsets = [15], sizes = [1], strides = [1]} : vector<16xf32> to vector<1xf32>
        %parallel_loop3A_870 = vector.extract %parallel_loop3A_869[0] : f32 from vector<1xf32>
        %parallel_loop3A_871 = vector.broadcast %parallel_loop3A_870 : f32 to vector<16xf32>
        %parallel_loop3A_872 = arith.constant 8 : i32
        %parallel_loop3A_873 = vector.broadcast %parallel_loop3A_872 : i32 to vector<16xi32>
        %parallel_loop3A_874 = arith.cmpi eq, %iota3A_139, %parallel_loop3A_873 : vector<16xi32>
        %parallel_loop3A_875 = arith.select %parallel_loop3A_874, %parallel_loop3A_868, %parallel_loop3A_827 : vector<16xi1>, vector<16xf32>
        %parallel_loop3A_876 = arith.select %parallel_loop3A_874, %parallel_loop3A_871, %parallel_loop3A_829 : vector<16xi1>, vector<16xf32>
        %parallel_loop3A_877 = arith.constant 9 : i32
        %parallel_loop3A_878 = arith.addi %parallel_loop3A_170, %parallel_loop3A_877 : i32
        %parallel_loop3A_879 = vector.extract_strided_slice %parallel_loop3A_175 {offsets = [9], sizes = [1], strides = [1]} : vector<16xi32> to vector<1xi32>
        %parallel_loop3A_880 = vector.extract %parallel_loop3A_879[0] : i32 from vector<1xi32>
        %parallel_loop3A_881 = arith.constant 0 : i32
        %parallel_loop3A_882 = arith.constant 0 : i32
        %parallel_loop3A_883 = tpu.memref_slice %arg12[%parallel_loop3A_143, %parallel_loop3A_881, %parallel_loop3A_882] : memref<2x128x32xf32, #tpu.memory_space<vmem>> -> memref<1x128x32xf32, #tpu.memory_space<vmem>>
        %parallel_loop3A_884 = tpu.memref_squeeze %parallel_loop3A_883 : memref<1x128x32xf32, #tpu.memory_space<vmem>> -> memref<128x32xf32, #tpu.memory_space<vmem>>
        %parallel_loop3A_885 = arith.index_cast %parallel_loop3A_878 : i32 to index
        %parallel_loop3A_886 = arith.constant 0 : index
        %parallel_loop3A_887 = tpu.vector_load %parallel_loop3A_884[%parallel_loop3A_885, %parallel_loop3A_886] {strides = array<i32>} : memref<128x32xf32, #tpu.memory_space<vmem>>, vector<16xf32>,
        %parallel_loop3A_888 = arith.index_cast %parallel_loop3A_880 : i32 to index
        %parallel_loop3A_889 = arith.constant 0 : index
        %parallel_loop3A_890 = tpu.vector_load %arg10[%parallel_loop3A_888, %parallel_loop3A_889] {strides = array<i32>} : memref<201x32xf32, #tpu.memory_space<vmem>>, vector<16xf32>,
        %parallel_loop3A_891 = arith.addf %parallel_loop3A_887, %parallel_loop3A_890 : vector<16xf32>
        %parallel_loop3A_892 = arith.constant 0 : i32
        %parallel_loop3A_893 = arith.constant 0 : i32
        %parallel_loop3A_894 = tpu.memref_slice %arg12[%parallel_loop3A_143, %parallel_loop3A_892, %parallel_loop3A_893] : memref<2x128x32xf32, #tpu.memory_space<vmem>> -> memref<1x128x32xf32, #tpu.memory_space<vmem>>
        %parallel_loop3A_895 = tpu.memref_squeeze %parallel_loop3A_894 : memref<1x128x32xf32, #tpu.memory_space<vmem>> -> memref<128x32xf32, #tpu.memory_space<vmem>>
        %parallel_loop3A_896 = arith.index_cast %parallel_loop3A_878 : i32 to index
        %parallel_loop3A_897 = arith.constant 16 : index
        %parallel_loop3A_898 = tpu.vector_load %parallel_loop3A_895[%parallel_loop3A_896, %parallel_loop3A_897] {strides = array<i32>} : memref<128x32xf32, #tpu.memory_space<vmem>>, vector<16xf32>,
        %parallel_loop3A_899 = arith.index_cast %parallel_loop3A_880 : i32 to index
        %parallel_loop3A_900 = arith.constant 16 : index
        %parallel_loop3A_901 = tpu.vector_load %arg10[%parallel_loop3A_899, %parallel_loop3A_900] {strides = array<i32>} : memref<201x32xf32, #tpu.memory_space<vmem>>, vector<16xf32>,
        %parallel_loop3A_902 = arith.addf %parallel_loop3A_898, %parallel_loop3A_901 : vector<16xf32>
        %parallel_loop3A_903 = arith.addf %parallel_loop3A_891, %parallel_loop3A_902 : vector<16xf32>
        %parallel_loop3A_904 = arith.constant true
        %parallel_loop3A_905 = vector.broadcast %parallel_loop3A_904 : i1 to vector<16xi1>
        %parallel_loop3A_906 = tpu.scan <sum>, %parallel_loop3A_903 masked %parallel_loop3A_905 : vector<16xf32>, vector<16xi1> -> vector<16xf32>
        %parallel_loop3A_907 = arith.mulf %parallel_loop3A_891, %parallel_loop3A_891 : vector<16xf32>
        %parallel_loop3A_908 = arith.mulf %parallel_loop3A_902, %parallel_loop3A_902 : vector<16xf32>
        %parallel_loop3A_909 = arith.addf %parallel_loop3A_907, %parallel_loop3A_908 : vector<16xf32>
        %parallel_loop3A_910 = arith.constant true
        %parallel_loop3A_911 = vector.broadcast %parallel_loop3A_910 : i1 to vector<16xi1>
        %parallel_loop3A_912 = tpu.scan <sum>, %parallel_loop3A_909 masked %parallel_loop3A_911 : vector<16xf32>, vector<16xi1> -> vector<16xf32>
        %parallel_loop3A_913 = vector.extract_strided_slice %parallel_loop3A_906 {offsets = [15], sizes = [1], strides = [1]} : vector<16xf32> to vector<1xf32>
        %parallel_loop3A_914 = vector.extract %parallel_loop3A_913[0] : f32 from vector<1xf32>
        %parallel_loop3A_915 = vector.broadcast %parallel_loop3A_914 : f32 to vector<16xf32>
        %parallel_loop3A_916 = vector.extract_strided_slice %parallel_loop3A_912 {offsets = [15], sizes = [1], strides = [1]} : vector<16xf32> to vector<1xf32>
        %parallel_loop3A_917 = vector.extract %parallel_loop3A_916[0] : f32 from vector<1xf32>
        %parallel_loop3A_918 = vector.broadcast %parallel_loop3A_917 : f32 to vector<16xf32>
        %parallel_loop3A_919 = arith.constant 9 : i32
        %parallel_loop3A_920 = vector.broadcast %parallel_loop3A_919 : i32 to vector<16xi32>
        %parallel_loop3A_921 = arith.cmpi eq, %iota3A_139, %parallel_loop3A_920 : vector<16xi32>
        %parallel_loop3A_922 = arith.select %parallel_loop3A_921, %parallel_loop3A_915, %parallel_loop3A_875 : vector<16xi1>, vector<16xf32>
        %parallel_loop3A_923 = arith.select %parallel_loop3A_921, %parallel_loop3A_918, %parallel_loop3A_876 : vector<16xi1>, vector<16xf32>
        %parallel_loop3A_924 = arith.constant 10 : i32
        %parallel_loop3A_925 = arith.addi %parallel_loop3A_170, %parallel_loop3A_924 : i32
        %parallel_loop3A_926 = vector.extract_strided_slice %parallel_loop3A_175 {offsets = [10], sizes = [1], strides = [1]} : vector<16xi32> to vector<1xi32>
        %parallel_loop3A_927 = vector.extract %parallel_loop3A_926[0] : i32 from vector<1xi32>
        %parallel_loop3A_928 = arith.constant 0 : i32
        %parallel_loop3A_929 = arith.constant 0 : i32
        %parallel_loop3A_930 = tpu.memref_slice %arg12[%parallel_loop3A_143, %parallel_loop3A_928, %parallel_loop3A_929] : memref<2x128x32xf32, #tpu.memory_space<vmem>> -> memref<1x128x32xf32, #tpu.memory_space<vmem>>
        %parallel_loop3A_931 = tpu.memref_squeeze %parallel_loop3A_930 : memref<1x128x32xf32, #tpu.memory_space<vmem>> -> memref<128x32xf32, #tpu.memory_space<vmem>>
        %parallel_loop3A_932 = arith.index_cast %parallel_loop3A_925 : i32 to index
        %parallel_loop3A_933 = arith.constant 0 : index
        %parallel_loop3A_934 = tpu.vector_load %parallel_loop3A_931[%parallel_loop3A_932, %parallel_loop3A_933] {strides = array<i32>} : memref<128x32xf32, #tpu.memory_space<vmem>>, vector<16xf32>,
        %parallel_loop3A_935 = arith.index_cast %parallel_loop3A_927 : i32 to index
        %parallel_loop3A_936 = arith.constant 0 : index
        %parallel_loop3A_937 = tpu.vector_load %arg10[%parallel_loop3A_935, %parallel_loop3A_936] {strides = array<i32>} : memref<201x32xf32, #tpu.memory_space<vmem>>, vector<16xf32>,
        %parallel_loop3A_938 = arith.addf %parallel_loop3A_934, %parallel_loop3A_937 : vector<16xf32>
        %parallel_loop3A_939 = arith.constant 0 : i32
        %parallel_loop3A_940 = arith.constant 0 : i32
        %parallel_loop3A_941 = tpu.memref_slice %arg12[%parallel_loop3A_143, %parallel_loop3A_939, %parallel_loop3A_940] : memref<2x128x32xf32, #tpu.memory_space<vmem>> -> memref<1x128x32xf32, #tpu.memory_space<vmem>>
        %parallel_loop3A_942 = tpu.memref_squeeze %parallel_loop3A_941 : memref<1x128x32xf32, #tpu.memory_space<vmem>> -> memref<128x32xf32, #tpu.memory_space<vmem>>
        %parallel_loop3A_943 = arith.index_cast %parallel_loop3A_925 : i32 to index
        %parallel_loop3A_944 = arith.constant 16 : index
        %parallel_loop3A_945 = tpu.vector_load %parallel_loop3A_942[%parallel_loop3A_943, %parallel_loop3A_944] {strides = array<i32>} : memref<128x32xf32, #tpu.memory_space<vmem>>, vector<16xf32>,
        %parallel_loop3A_946 = arith.index_cast %parallel_loop3A_927 : i32 to index
        %parallel_loop3A_947 = arith.constant 16 : index
        %parallel_loop3A_948 = tpu.vector_load %arg10[%parallel_loop3A_946, %parallel_loop3A_947] {strides = array<i32>} : memref<201x32xf32, #tpu.memory_space<vmem>>, vector<16xf32>,
        %parallel_loop3A_949 = arith.addf %parallel_loop3A_945, %parallel_loop3A_948 : vector<16xf32>
        %parallel_loop3A_950 = arith.addf %parallel_loop3A_938, %parallel_loop3A_949 : vector<16xf32>
        %parallel_loop3A_951 = arith.constant true
        %parallel_loop3A_952 = vector.broadcast %parallel_loop3A_951 : i1 to vector<16xi1>
        %parallel_loop3A_953 = tpu.scan <sum>, %parallel_loop3A_950 masked %parallel_loop3A_952 : vector<16xf32>, vector<16xi1> -> vector<16xf32>
        %parallel_loop3A_954 = arith.mulf %parallel_loop3A_938, %parallel_loop3A_938 : vector<16xf32>
        %parallel_loop3A_955 = arith.mulf %parallel_loop3A_949, %parallel_loop3A_949 : vector<16xf32>
        %parallel_loop3A_956 = arith.addf %parallel_loop3A_954, %parallel_loop3A_955 : vector<16xf32>
        %parallel_loop3A_957 = arith.constant true
        %parallel_loop3A_958 = vector.broadcast %parallel_loop3A_957 : i1 to vector<16xi1>
        %parallel_loop3A_959 = tpu.scan <sum>, %parallel_loop3A_956 masked %parallel_loop3A_958 : vector<16xf32>, vector<16xi1> -> vector<16xf32>
        %parallel_loop3A_960 = vector.extract_strided_slice %parallel_loop3A_953 {offsets = [15], sizes = [1], strides = [1]} : vector<16xf32> to vector<1xf32>
        %parallel_loop3A_961 = vector.extract %parallel_loop3A_960[0] : f32 from vector<1xf32>
        %parallel_loop3A_962 = vector.broadcast %parallel_loop3A_961 : f32 to vector<16xf32>
        %parallel_loop3A_963 = vector.extract_strided_slice %parallel_loop3A_959 {offsets = [15], sizes = [1], strides = [1]} : vector<16xf32> to vector<1xf32>
        %parallel_loop3A_964 = vector.extract %parallel_loop3A_963[0] : f32 from vector<1xf32>
        %parallel_loop3A_965 = vector.broadcast %parallel_loop3A_964 : f32 to vector<16xf32>
        %parallel_loop3A_966 = arith.constant 10 : i32
        %parallel_loop3A_967 = vector.broadcast %parallel_loop3A_966 : i32 to vector<16xi32>
        %parallel_loop3A_968 = arith.cmpi eq, %iota3A_139, %parallel_loop3A_967 : vector<16xi32>
        %parallel_loop3A_969 = arith.select %parallel_loop3A_968, %parallel_loop3A_962, %parallel_loop3A_922 : vector<16xi1>, vector<16xf32>
        %parallel_loop3A_970 = arith.select %parallel_loop3A_968, %parallel_loop3A_965, %parallel_loop3A_923 : vector<16xi1>, vector<16xf32>
        %parallel_loop3A_971 = arith.constant 11 : i32
        %parallel_loop3A_972 = arith.addi %parallel_loop3A_170, %parallel_loop3A_971 : i32
        %parallel_loop3A_973 = vector.extract_strided_slice %parallel_loop3A_175 {offsets = [11], sizes = [1], strides = [1]} : vector<16xi32> to vector<1xi32>
        %parallel_loop3A_974 = vector.extract %parallel_loop3A_973[0] : i32 from vector<1xi32>
        %parallel_loop3A_975 = arith.constant 0 : i32
        %parallel_loop3A_976 = arith.constant 0 : i32
        %parallel_loop3A_977 = tpu.memref_slice %arg12[%parallel_loop3A_143, %parallel_loop3A_975, %parallel_loop3A_976] : memref<2x128x32xf32, #tpu.memory_space<vmem>> -> memref<1x128x32xf32, #tpu.memory_space<vmem>>
        %parallel_loop3A_978 = tpu.memref_squeeze %parallel_loop3A_977 : memref<1x128x32xf32, #tpu.memory_space<vmem>> -> memref<128x32xf32, #tpu.memory_space<vmem>>
        %parallel_loop3A_979 = arith.index_cast %parallel_loop3A_972 : i32 to index
        %parallel_loop3A_980 = arith.constant 0 : index
        %parallel_loop3A_981 = tpu.vector_load %parallel_loop3A_978[%parallel_loop3A_979, %parallel_loop3A_980] {strides = array<i32>} : memref<128x32xf32, #tpu.memory_space<vmem>>, vector<16xf32>,
        %parallel_loop3A_982 = arith.index_cast %parallel_loop3A_974 : i32 to index
        %parallel_loop3A_983 = arith.constant 0 : index
        %parallel_loop3A_984 = tpu.vector_load %arg10[%parallel_loop3A_982, %parallel_loop3A_983] {strides = array<i32>} : memref<201x32xf32, #tpu.memory_space<vmem>>, vector<16xf32>,
        %parallel_loop3A_985 = arith.addf %parallel_loop3A_981, %parallel_loop3A_984 : vector<16xf32>
        %parallel_loop3A_986 = arith.constant 0 : i32
        %parallel_loop3A_987 = arith.constant 0 : i32
        %parallel_loop3A_988 = tpu.memref_slice %arg12[%parallel_loop3A_143, %parallel_loop3A_986, %parallel_loop3A_987] : memref<2x128x32xf32, #tpu.memory_space<vmem>> -> memref<1x128x32xf32, #tpu.memory_space<vmem>>
        %parallel_loop3A_989 = tpu.memref_squeeze %parallel_loop3A_988 : memref<1x128x32xf32, #tpu.memory_space<vmem>> -> memref<128x32xf32, #tpu.memory_space<vmem>>
        %parallel_loop3A_990 = arith.index_cast %parallel_loop3A_972 : i32 to index
        %parallel_loop3A_991 = arith.constant 16 : index
        %parallel_loop3A_992 = tpu.vector_load %parallel_loop3A_989[%parallel_loop3A_990, %parallel_loop3A_991] {strides = array<i32>} : memref<128x32xf32, #tpu.memory_space<vmem>>, vector<16xf32>,
        %parallel_loop3A_993 = arith.index_cast %parallel_loop3A_974 : i32 to index
        %parallel_loop3A_994 = arith.constant 16 : index
        %parallel_loop3A_995 = tpu.vector_load %arg10[%parallel_loop3A_993, %parallel_loop3A_994] {strides = array<i32>} : memref<201x32xf32, #tpu.memory_space<vmem>>, vector<16xf32>,
        %parallel_loop3A_996 = arith.addf %parallel_loop3A_992, %parallel_loop3A_995 : vector<16xf32>
        %parallel_loop3A_997 = arith.addf %parallel_loop3A_985, %parallel_loop3A_996 : vector<16xf32>
        %parallel_loop3A_998 = arith.constant true
        %parallel_loop3A_999 = vector.broadcast %parallel_loop3A_998 : i1 to vector<16xi1>
        %parallel_loop3A_1000 = tpu.scan <sum>, %parallel_loop3A_997 masked %parallel_loop3A_999 : vector<16xf32>, vector<16xi1> -> vector<16xf32>
        %parallel_loop3A_1001 = arith.mulf %parallel_loop3A_985, %parallel_loop3A_985 : vector<16xf32>
        %parallel_loop3A_1002 = arith.mulf %parallel_loop3A_996, %parallel_loop3A_996 : vector<16xf32>
        %parallel_loop3A_1003 = arith.addf %parallel_loop3A_1001, %parallel_loop3A_1002 : vector<16xf32>
        %parallel_loop3A_1004 = arith.constant true
        %parallel_loop3A_1005 = vector.broadcast %parallel_loop3A_1004 : i1 to vector<16xi1>
        %parallel_loop3A_1006 = tpu.scan <sum>, %parallel_loop3A_1003 masked %parallel_loop3A_1005 : vector<16xf32>, vector<16xi1> -> vector<16xf32>
        %parallel_loop3A_1007 = vector.extract_strided_slice %parallel_loop3A_1000 {offsets = [15], sizes = [1], strides = [1]} : vector<16xf32> to vector<1xf32>
        %parallel_loop3A_1008 = vector.extract %parallel_loop3A_1007[0] : f32 from vector<1xf32>
        %parallel_loop3A_1009 = vector.broadcast %parallel_loop3A_1008 : f32 to vector<16xf32>
        %parallel_loop3A_1010 = vector.extract_strided_slice %parallel_loop3A_1006 {offsets = [15], sizes = [1], strides = [1]} : vector<16xf32> to vector<1xf32>
        %parallel_loop3A_1011 = vector.extract %parallel_loop3A_1010[0] : f32 from vector<1xf32>
        %parallel_loop3A_1012 = vector.broadcast %parallel_loop3A_1011 : f32 to vector<16xf32>
        %parallel_loop3A_1013 = arith.constant 11 : i32
        %parallel_loop3A_1014 = vector.broadcast %parallel_loop3A_1013 : i32 to vector<16xi32>
        %parallel_loop3A_1015 = arith.cmpi eq, %iota3A_139, %parallel_loop3A_1014 : vector<16xi32>
        %parallel_loop3A_1016 = arith.select %parallel_loop3A_1015, %parallel_loop3A_1009, %parallel_loop3A_969 : vector<16xi1>, vector<16xf32>
        %parallel_loop3A_1017 = arith.select %parallel_loop3A_1015, %parallel_loop3A_1012, %parallel_loop3A_970 : vector<16xi1>, vector<16xf32>
        %parallel_loop3A_1018 = arith.constant 12 : i32
        %parallel_loop3A_1019 = arith.addi %parallel_loop3A_170, %parallel_loop3A_1018 : i32
        %parallel_loop3A_1020 = vector.extract_strided_slice %parallel_loop3A_175 {offsets = [12], sizes = [1], strides = [1]} : vector<16xi32> to vector<1xi32>
        %parallel_loop3A_1021 = vector.extract %parallel_loop3A_1020[0] : i32 from vector<1xi32>
        %parallel_loop3A_1022 = arith.constant 0 : i32
        %parallel_loop3A_1023 = arith.constant 0 : i32
        %parallel_loop3A_1024 = tpu.memref_slice %arg12[%parallel_loop3A_143, %parallel_loop3A_1022, %parallel_loop3A_1023] : memref<2x128x32xf32, #tpu.memory_space<vmem>> -> memref<1x128x32xf32, #tpu.memory_space<vmem>>
        %parallel_loop3A_1025 = tpu.memref_squeeze %parallel_loop3A_1024 : memref<1x128x32xf32, #tpu.memory_space<vmem>> -> memref<128x32xf32, #tpu.memory_space<vmem>>
        %parallel_loop3A_1026 = arith.index_cast %parallel_loop3A_1019 : i32 to index
        %parallel_loop3A_1027 = arith.constant 0 : index
        %parallel_loop3A_1028 = tpu.vector_load %parallel_loop3A_1025[%parallel_loop3A_1026, %parallel_loop3A_1027] {strides = array<i32>} : memref<128x32xf32, #tpu.memory_space<vmem>>, vector<16xf32>,
        %parallel_loop3A_1029 = arith.index_cast %parallel_loop3A_1021 : i32 to index
        %parallel_loop3A_1030 = arith.constant 0 : index
        %parallel_loop3A_1031 = tpu.vector_load %arg10[%parallel_loop3A_1029, %parallel_loop3A_1030] {strides = array<i32>} : memref<201x32xf32, #tpu.memory_space<vmem>>, vector<16xf32>,
        %parallel_loop3A_1032 = arith.addf %parallel_loop3A_1028, %parallel_loop3A_1031 : vector<16xf32>
        %parallel_loop3A_1033 = arith.constant 0 : i32
        %parallel_loop3A_1034 = arith.constant 0 : i32
        %parallel_loop3A_1035 = tpu.memref_slice %arg12[%parallel_loop3A_143, %parallel_loop3A_1033, %parallel_loop3A_1034] : memref<2x128x32xf32, #tpu.memory_space<vmem>> -> memref<1x128x32xf32, #tpu.memory_space<vmem>>
        %parallel_loop3A_1036 = tpu.memref_squeeze %parallel_loop3A_1035 : memref<1x128x32xf32, #tpu.memory_space<vmem>> -> memref<128x32xf32, #tpu.memory_space<vmem>>
        %parallel_loop3A_1037 = arith.index_cast %parallel_loop3A_1019 : i32 to index
        %parallel_loop3A_1038 = arith.constant 16 : index
        %parallel_loop3A_1039 = tpu.vector_load %parallel_loop3A_1036[%parallel_loop3A_1037, %parallel_loop3A_1038] {strides = array<i32>} : memref<128x32xf32, #tpu.memory_space<vmem>>, vector<16xf32>,
        %parallel_loop3A_1040 = arith.index_cast %parallel_loop3A_1021 : i32 to index
        %parallel_loop3A_1041 = arith.constant 16 : index
        %parallel_loop3A_1042 = tpu.vector_load %arg10[%parallel_loop3A_1040, %parallel_loop3A_1041] {strides = array<i32>} : memref<201x32xf32, #tpu.memory_space<vmem>>, vector<16xf32>,
        %parallel_loop3A_1043 = arith.addf %parallel_loop3A_1039, %parallel_loop3A_1042 : vector<16xf32>
        %parallel_loop3A_1044 = arith.addf %parallel_loop3A_1032, %parallel_loop3A_1043 : vector<16xf32>
        %parallel_loop3A_1045 = arith.constant true
        %parallel_loop3A_1046 = vector.broadcast %parallel_loop3A_1045 : i1 to vector<16xi1>
        %parallel_loop3A_1047 = tpu.scan <sum>, %parallel_loop3A_1044 masked %parallel_loop3A_1046 : vector<16xf32>, vector<16xi1> -> vector<16xf32>
        %parallel_loop3A_1048 = arith.mulf %parallel_loop3A_1032, %parallel_loop3A_1032 : vector<16xf32>
        %parallel_loop3A_1049 = arith.mulf %parallel_loop3A_1043, %parallel_loop3A_1043 : vector<16xf32>
        %parallel_loop3A_1050 = arith.addf %parallel_loop3A_1048, %parallel_loop3A_1049 : vector<16xf32>
        %parallel_loop3A_1051 = arith.constant true
        %parallel_loop3A_1052 = vector.broadcast %parallel_loop3A_1051 : i1 to vector<16xi1>
        %parallel_loop3A_1053 = tpu.scan <sum>, %parallel_loop3A_1050 masked %parallel_loop3A_1052 : vector<16xf32>, vector<16xi1> -> vector<16xf32>
        %parallel_loop3A_1054 = vector.extract_strided_slice %parallel_loop3A_1047 {offsets = [15], sizes = [1], strides = [1]} : vector<16xf32> to vector<1xf32>
        %parallel_loop3A_1055 = vector.extract %parallel_loop3A_1054[0] : f32 from vector<1xf32>
        %parallel_loop3A_1056 = vector.broadcast %parallel_loop3A_1055 : f32 to vector<16xf32>
        %parallel_loop3A_1057 = vector.extract_strided_slice %parallel_loop3A_1053 {offsets = [15], sizes = [1], strides = [1]} : vector<16xf32> to vector<1xf32>
        %parallel_loop3A_1058 = vector.extract %parallel_loop3A_1057[0] : f32 from vector<1xf32>
        %parallel_loop3A_1059 = vector.broadcast %parallel_loop3A_1058 : f32 to vector<16xf32>
        %parallel_loop3A_1060 = arith.constant 12 : i32
        %parallel_loop3A_1061 = vector.broadcast %parallel_loop3A_1060 : i32 to vector<16xi32>
        %parallel_loop3A_1062 = arith.cmpi eq, %iota3A_139, %parallel_loop3A_1061 : vector<16xi32>
        %parallel_loop3A_1063 = arith.select %parallel_loop3A_1062, %parallel_loop3A_1056, %parallel_loop3A_1016 : vector<16xi1>, vector<16xf32>
        %parallel_loop3A_1064 = arith.select %parallel_loop3A_1062, %parallel_loop3A_1059, %parallel_loop3A_1017 : vector<16xi1>, vector<16xf32>
        %parallel_loop3A_1065 = arith.constant 13 : i32
        %parallel_loop3A_1066 = arith.addi %parallel_loop3A_170, %parallel_loop3A_1065 : i32
        %parallel_loop3A_1067 = vector.extract_strided_slice %parallel_loop3A_175 {offsets = [13], sizes = [1], strides = [1]} : vector<16xi32> to vector<1xi32>
        %parallel_loop3A_1068 = vector.extract %parallel_loop3A_1067[0] : i32 from vector<1xi32>
        %parallel_loop3A_1069 = arith.constant 0 : i32
        %parallel_loop3A_1070 = arith.constant 0 : i32
        %parallel_loop3A_1071 = tpu.memref_slice %arg12[%parallel_loop3A_143, %parallel_loop3A_1069, %parallel_loop3A_1070] : memref<2x128x32xf32, #tpu.memory_space<vmem>> -> memref<1x128x32xf32, #tpu.memory_space<vmem>>
        %parallel_loop3A_1072 = tpu.memref_squeeze %parallel_loop3A_1071 : memref<1x128x32xf32, #tpu.memory_space<vmem>> -> memref<128x32xf32, #tpu.memory_space<vmem>>
        %parallel_loop3A_1073 = arith.index_cast %parallel_loop3A_1066 : i32 to index
        %parallel_loop3A_1074 = arith.constant 0 : index
        %parallel_loop3A_1075 = tpu.vector_load %parallel_loop3A_1072[%parallel_loop3A_1073, %parallel_loop3A_1074] {strides = array<i32>} : memref<128x32xf32, #tpu.memory_space<vmem>>, vector<16xf32>,
        %parallel_loop3A_1076 = arith.index_cast %parallel_loop3A_1068 : i32 to index
        %parallel_loop3A_1077 = arith.constant 0 : index
        %parallel_loop3A_1078 = tpu.vector_load %arg10[%parallel_loop3A_1076, %parallel_loop3A_1077] {strides = array<i32>} : memref<201x32xf32, #tpu.memory_space<vmem>>, vector<16xf32>,
        %parallel_loop3A_1079 = arith.addf %parallel_loop3A_1075, %parallel_loop3A_1078 : vector<16xf32>
        %parallel_loop3A_1080 = arith.constant 0 : i32
        %parallel_loop3A_1081 = arith.constant 0 : i32
        %parallel_loop3A_1082 = tpu.memref_slice %arg12[%parallel_loop3A_143, %parallel_loop3A_1080, %parallel_loop3A_1081] : memref<2x128x32xf32, #tpu.memory_space<vmem>> -> memref<1x128x32xf32, #tpu.memory_space<vmem>>
        %parallel_loop3A_1083 = tpu.memref_squeeze %parallel_loop3A_1082 : memref<1x128x32xf32, #tpu.memory_space<vmem>> -> memref<128x32xf32, #tpu.memory_space<vmem>>
        %parallel_loop3A_1084 = arith.index_cast %parallel_loop3A_1066 : i32 to index
        %parallel_loop3A_1085 = arith.constant 16 : index
        %parallel_loop3A_1086 = tpu.vector_load %parallel_loop3A_1083[%parallel_loop3A_1084, %parallel_loop3A_1085] {strides = array<i32>} : memref<128x32xf32, #tpu.memory_space<vmem>>, vector<16xf32>,
        %parallel_loop3A_1087 = arith.index_cast %parallel_loop3A_1068 : i32 to index
        %parallel_loop3A_1088 = arith.constant 16 : index
        %parallel_loop3A_1089 = tpu.vector_load %arg10[%parallel_loop3A_1087, %parallel_loop3A_1088] {strides = array<i32>} : memref<201x32xf32, #tpu.memory_space<vmem>>, vector<16xf32>,
        %parallel_loop3A_1090 = arith.addf %parallel_loop3A_1086, %parallel_loop3A_1089 : vector<16xf32>
        %parallel_loop3A_1091 = arith.addf %parallel_loop3A_1079, %parallel_loop3A_1090 : vector<16xf32>
        %parallel_loop3A_1092 = arith.constant true
        %parallel_loop3A_1093 = vector.broadcast %parallel_loop3A_1092 : i1 to vector<16xi1>
        %parallel_loop3A_1094 = tpu.scan <sum>, %parallel_loop3A_1091 masked %parallel_loop3A_1093 : vector<16xf32>, vector<16xi1> -> vector<16xf32>
        %parallel_loop3A_1095 = arith.mulf %parallel_loop3A_1079, %parallel_loop3A_1079 : vector<16xf32>
        %parallel_loop3A_1096 = arith.mulf %parallel_loop3A_1090, %parallel_loop3A_1090 : vector<16xf32>
        %parallel_loop3A_1097 = arith.addf %parallel_loop3A_1095, %parallel_loop3A_1096 : vector<16xf32>
        %parallel_loop3A_1098 = arith.constant true
        %parallel_loop3A_1099 = vector.broadcast %parallel_loop3A_1098 : i1 to vector<16xi1>
        %parallel_loop3A_1100 = tpu.scan <sum>, %parallel_loop3A_1097 masked %parallel_loop3A_1099 : vector<16xf32>, vector<16xi1> -> vector<16xf32>
        %parallel_loop3A_1101 = vector.extract_strided_slice %parallel_loop3A_1094 {offsets = [15], sizes = [1], strides = [1]} : vector<16xf32> to vector<1xf32>
        %parallel_loop3A_1102 = vector.extract %parallel_loop3A_1101[0] : f32 from vector<1xf32>
        %parallel_loop3A_1103 = vector.broadcast %parallel_loop3A_1102 : f32 to vector<16xf32>
        %parallel_loop3A_1104 = vector.extract_strided_slice %parallel_loop3A_1100 {offsets = [15], sizes = [1], strides = [1]} : vector<16xf32> to vector<1xf32>
        %parallel_loop3A_1105 = vector.extract %parallel_loop3A_1104[0] : f32 from vector<1xf32>
        %parallel_loop3A_1106 = vector.broadcast %parallel_loop3A_1105 : f32 to vector<16xf32>
        %parallel_loop3A_1107 = arith.constant 13 : i32
        %parallel_loop3A_1108 = vector.broadcast %parallel_loop3A_1107 : i32 to vector<16xi32>
        %parallel_loop3A_1109 = arith.cmpi eq, %iota3A_139, %parallel_loop3A_1108 : vector<16xi32>
        %parallel_loop3A_1110 = arith.select %parallel_loop3A_1109, %parallel_loop3A_1103, %parallel_loop3A_1063 : vector<16xi1>, vector<16xf32>
        %parallel_loop3A_1111 = arith.select %parallel_loop3A_1109, %parallel_loop3A_1106, %parallel_loop3A_1064 : vector<16xi1>, vector<16xf32>
        %parallel_loop3A_1112 = arith.constant 14 : i32
        %parallel_loop3A_1113 = arith.addi %parallel_loop3A_170, %parallel_loop3A_1112 : i32
        %parallel_loop3A_1114 = vector.extract_strided_slice %parallel_loop3A_175 {offsets = [14], sizes = [1], strides = [1]} : vector<16xi32> to vector<1xi32>
        %parallel_loop3A_1115 = vector.extract %parallel_loop3A_1114[0] : i32 from vector<1xi32>
        %parallel_loop3A_1116 = arith.constant 0 : i32
        %parallel_loop3A_1117 = arith.constant 0 : i32
        %parallel_loop3A_1118 = tpu.memref_slice %arg12[%parallel_loop3A_143, %parallel_loop3A_1116, %parallel_loop3A_1117] : memref<2x128x32xf32, #tpu.memory_space<vmem>> -> memref<1x128x32xf32, #tpu.memory_space<vmem>>
        %parallel_loop3A_1119 = tpu.memref_squeeze %parallel_loop3A_1118 : memref<1x128x32xf32, #tpu.memory_space<vmem>> -> memref<128x32xf32, #tpu.memory_space<vmem>>
        %parallel_loop3A_1120 = arith.index_cast %parallel_loop3A_1113 : i32 to index
        %parallel_loop3A_1121 = arith.constant 0 : index
        %parallel_loop3A_1122 = tpu.vector_load %parallel_loop3A_1119[%parallel_loop3A_1120, %parallel_loop3A_1121] {strides = array<i32>} : memref<128x32xf32, #tpu.memory_space<vmem>>, vector<16xf32>,
        %parallel_loop3A_1123 = arith.index_cast %parallel_loop3A_1115 : i32 to index
        %parallel_loop3A_1124 = arith.constant 0 : index
        %parallel_loop3A_1125 = tpu.vector_load %arg10[%parallel_loop3A_1123, %parallel_loop3A_1124] {strides = array<i32>} : memref<201x32xf32, #tpu.memory_space<vmem>>, vector<16xf32>,
        %parallel_loop3A_1126 = arith.addf %parallel_loop3A_1122, %parallel_loop3A_1125 : vector<16xf32>
        %parallel_loop3A_1127 = arith.constant 0 : i32
        %parallel_loop3A_1128 = arith.constant 0 : i32
        %parallel_loop3A_1129 = tpu.memref_slice %arg12[%parallel_loop3A_143, %parallel_loop3A_1127, %parallel_loop3A_1128] : memref<2x128x32xf32, #tpu.memory_space<vmem>> -> memref<1x128x32xf32, #tpu.memory_space<vmem>>
        %parallel_loop3A_1130 = tpu.memref_squeeze %parallel_loop3A_1129 : memref<1x128x32xf32, #tpu.memory_space<vmem>> -> memref<128x32xf32, #tpu.memory_space<vmem>>
        %parallel_loop3A_1131 = arith.index_cast %parallel_loop3A_1113 : i32 to index
        %parallel_loop3A_1132 = arith.constant 16 : index
        %parallel_loop3A_1133 = tpu.vector_load %parallel_loop3A_1130[%parallel_loop3A_1131, %parallel_loop3A_1132] {strides = array<i32>} : memref<128x32xf32, #tpu.memory_space<vmem>>, vector<16xf32>,
        %parallel_loop3A_1134 = arith.index_cast %parallel_loop3A_1115 : i32 to index
        %parallel_loop3A_1135 = arith.constant 16 : index
        %parallel_loop3A_1136 = tpu.vector_load %arg10[%parallel_loop3A_1134, %parallel_loop3A_1135] {strides = array<i32>} : memref<201x32xf32, #tpu.memory_space<vmem>>, vector<16xf32>,
        %parallel_loop3A_1137 = arith.addf %parallel_loop3A_1133, %parallel_loop3A_1136 : vector<16xf32>
        %parallel_loop3A_1138 = arith.addf %parallel_loop3A_1126, %parallel_loop3A_1137 : vector<16xf32>
        %parallel_loop3A_1139 = arith.constant true
        %parallel_loop3A_1140 = vector.broadcast %parallel_loop3A_1139 : i1 to vector<16xi1>
        %parallel_loop3A_1141 = tpu.scan <sum>, %parallel_loop3A_1138 masked %parallel_loop3A_1140 : vector<16xf32>, vector<16xi1> -> vector<16xf32>
        %parallel_loop3A_1142 = arith.mulf %parallel_loop3A_1126, %parallel_loop3A_1126 : vector<16xf32>
        %parallel_loop3A_1143 = arith.mulf %parallel_loop3A_1137, %parallel_loop3A_1137 : vector<16xf32>
        %parallel_loop3A_1144 = arith.addf %parallel_loop3A_1142, %parallel_loop3A_1143 : vector<16xf32>
        %parallel_loop3A_1145 = arith.constant true
        %parallel_loop3A_1146 = vector.broadcast %parallel_loop3A_1145 : i1 to vector<16xi1>
        %parallel_loop3A_1147 = tpu.scan <sum>, %parallel_loop3A_1144 masked %parallel_loop3A_1146 : vector<16xf32>, vector<16xi1> -> vector<16xf32>
        %parallel_loop3A_1148 = vector.extract_strided_slice %parallel_loop3A_1141 {offsets = [15], sizes = [1], strides = [1]} : vector<16xf32> to vector<1xf32>
        %parallel_loop3A_1149 = vector.extract %parallel_loop3A_1148[0] : f32 from vector<1xf32>
        %parallel_loop3A_1150 = vector.broadcast %parallel_loop3A_1149 : f32 to vector<16xf32>
        %parallel_loop3A_1151 = vector.extract_strided_slice %parallel_loop3A_1147 {offsets = [15], sizes = [1], strides = [1]} : vector<16xf32> to vector<1xf32>
        %parallel_loop3A_1152 = vector.extract %parallel_loop3A_1151[0] : f32 from vector<1xf32>
        %parallel_loop3A_1153 = vector.broadcast %parallel_loop3A_1152 : f32 to vector<16xf32>
        %parallel_loop3A_1154 = arith.constant 14 : i32
        %parallel_loop3A_1155 = vector.broadcast %parallel_loop3A_1154 : i32 to vector<16xi32>
        %parallel_loop3A_1156 = arith.cmpi eq, %iota3A_139, %parallel_loop3A_1155 : vector<16xi32>
        %parallel_loop3A_1157 = arith.select %parallel_loop3A_1156, %parallel_loop3A_1150, %parallel_loop3A_1110 : vector<16xi1>, vector<16xf32>
        %parallel_loop3A_1158 = arith.select %parallel_loop3A_1156, %parallel_loop3A_1153, %parallel_loop3A_1111 : vector<16xi1>, vector<16xf32>
        %parallel_loop3A_1159 = arith.constant 15 : i32
        %parallel_loop3A_1160 = arith.addi %parallel_loop3A_170, %parallel_loop3A_1159 : i32
        %parallel_loop3A_1161 = vector.extract_strided_slice %parallel_loop3A_175 {offsets = [15], sizes = [1], strides = [1]} : vector<16xi32> to vector<1xi32>
        %parallel_loop3A_1162 = vector.extract %parallel_loop3A_1161[0] : i32 from vector<1xi32>
        %parallel_loop3A_1163 = arith.constant 0 : i32
        %parallel_loop3A_1164 = arith.constant 0 : i32
        %parallel_loop3A_1165 = tpu.memref_slice %arg12[%parallel_loop3A_143, %parallel_loop3A_1163, %parallel_loop3A_1164] : memref<2x128x32xf32, #tpu.memory_space<vmem>> -> memref<1x128x32xf32, #tpu.memory_space<vmem>>
        %parallel_loop3A_1166 = tpu.memref_squeeze %parallel_loop3A_1165 : memref<1x128x32xf32, #tpu.memory_space<vmem>> -> memref<128x32xf32, #tpu.memory_space<vmem>>
        %parallel_loop3A_1167 = arith.index_cast %parallel_loop3A_1160 : i32 to index
        %parallel_loop3A_1168 = arith.constant 0 : index
        %parallel_loop3A_1169 = tpu.vector_load %parallel_loop3A_1166[%parallel_loop3A_1167, %parallel_loop3A_1168] {strides = array<i32>} : memref<128x32xf32, #tpu.memory_space<vmem>>, vector<16xf32>,
        %parallel_loop3A_1170 = arith.index_cast %parallel_loop3A_1162 : i32 to index
        %parallel_loop3A_1171 = arith.constant 0 : index
        %parallel_loop3A_1172 = tpu.vector_load %arg10[%parallel_loop3A_1170, %parallel_loop3A_1171] {strides = array<i32>} : memref<201x32xf32, #tpu.memory_space<vmem>>, vector<16xf32>,
        %parallel_loop3A_1173 = arith.addf %parallel_loop3A_1169, %parallel_loop3A_1172 : vector<16xf32>
        %parallel_loop3A_1174 = arith.constant 0 : i32
        %parallel_loop3A_1175 = arith.constant 0 : i32
        %parallel_loop3A_1176 = tpu.memref_slice %arg12[%parallel_loop3A_143, %parallel_loop3A_1174, %parallel_loop3A_1175] : memref<2x128x32xf32, #tpu.memory_space<vmem>> -> memref<1x128x32xf32, #tpu.memory_space<vmem>>
        %parallel_loop3A_1177 = tpu.memref_squeeze %parallel_loop3A_1176 : memref<1x128x32xf32, #tpu.memory_space<vmem>> -> memref<128x32xf32, #tpu.memory_space<vmem>>
        %parallel_loop3A_1178 = arith.index_cast %parallel_loop3A_1160 : i32 to index
        %parallel_loop3A_1179 = arith.constant 16 : index
        %parallel_loop3A_1180 = tpu.vector_load %parallel_loop3A_1177[%parallel_loop3A_1178, %parallel_loop3A_1179] {strides = array<i32>} : memref<128x32xf32, #tpu.memory_space<vmem>>, vector<16xf32>,
        %parallel_loop3A_1181 = arith.index_cast %parallel_loop3A_1162 : i32 to index
        %parallel_loop3A_1182 = arith.constant 16 : index
        %parallel_loop3A_1183 = tpu.vector_load %arg10[%parallel_loop3A_1181, %parallel_loop3A_1182] {strides = array<i32>} : memref<201x32xf32, #tpu.memory_space<vmem>>, vector<16xf32>,
        %parallel_loop3A_1184 = arith.addf %parallel_loop3A_1180, %parallel_loop3A_1183 : vector<16xf32>
        %parallel_loop3A_1185 = arith.addf %parallel_loop3A_1173, %parallel_loop3A_1184 : vector<16xf32>
        %parallel_loop3A_1186 = arith.constant true
        %parallel_loop3A_1187 = vector.broadcast %parallel_loop3A_1186 : i1 to vector<16xi1>
        %parallel_loop3A_1188 = tpu.scan <sum>, %parallel_loop3A_1185 masked %parallel_loop3A_1187 : vector<16xf32>, vector<16xi1> -> vector<16xf32>
        %parallel_loop3A_1189 = arith.mulf %parallel_loop3A_1173, %parallel_loop3A_1173 : vector<16xf32>
        %parallel_loop3A_1190 = arith.mulf %parallel_loop3A_1184, %parallel_loop3A_1184 : vector<16xf32>
        %parallel_loop3A_1191 = arith.addf %parallel_loop3A_1189, %parallel_loop3A_1190 : vector<16xf32>
        %parallel_loop3A_1192 = arith.constant true
        %parallel_loop3A_1193 = vector.broadcast %parallel_loop3A_1192 : i1 to vector<16xi1>
        %parallel_loop3A_1194 = tpu.scan <sum>, %parallel_loop3A_1191 masked %parallel_loop3A_1193 : vector<16xf32>, vector<16xi1> -> vector<16xf32>
        %parallel_loop3A_1195 = vector.extract_strided_slice %parallel_loop3A_1188 {offsets = [15], sizes = [1], strides = [1]} : vector<16xf32> to vector<1xf32>
        %parallel_loop3A_1196 = vector.extract %parallel_loop3A_1195[0] : f32 from vector<1xf32>
        %parallel_loop3A_1197 = vector.broadcast %parallel_loop3A_1196 : f32 to vector<16xf32>
        %parallel_loop3A_1198 = vector.extract_strided_slice %parallel_loop3A_1194 {offsets = [15], sizes = [1], strides = [1]} : vector<16xf32> to vector<1xf32>
        %parallel_loop3A_1199 = vector.extract %parallel_loop3A_1198[0] : f32 from vector<1xf32>
        %parallel_loop3A_1200 = vector.broadcast %parallel_loop3A_1199 : f32 to vector<16xf32>
        %parallel_loop3A_1201 = arith.constant 15 : i32
        %parallel_loop3A_1202 = vector.broadcast %parallel_loop3A_1201 : i32 to vector<16xi32>
        %parallel_loop3A_1203 = arith.cmpi eq, %iota3A_139, %parallel_loop3A_1202 : vector<16xi32>
        %parallel_loop3A_1204 = arith.select %parallel_loop3A_1203, %parallel_loop3A_1197, %parallel_loop3A_1157 : vector<16xi1>, vector<16xf32>
        %parallel_loop3A_1205 = arith.select %parallel_loop3A_1203, %parallel_loop3A_1200, %parallel_loop3A_1158 : vector<16xi1>, vector<16xf32>
        %parallel_loop3A_1206 = arith.constant 3.125000e-02 : f32
        %parallel_loop3A_1207 = vector.broadcast %parallel_loop3A_1206 : f32 to vector<16xf32>
        %parallel_loop3A_1208 = arith.mulf %parallel_loop3A_1204, %parallel_loop3A_1207 : vector<16xf32>
        %parallel_loop3A_1209 = arith.constant 3.125000e-02 : f32
        %parallel_loop3A_1210 = vector.broadcast %parallel_loop3A_1209 : f32 to vector<16xf32>
        %parallel_loop3A_1211 = arith.mulf %parallel_loop3A_1205, %parallel_loop3A_1210 : vector<16xf32>
        %parallel_loop3A_1212 = arith.mulf %parallel_loop3A_1208, %parallel_loop3A_1208 : vector<16xf32>
        %parallel_loop3A_1213 = arith.subf %parallel_loop3A_1211, %parallel_loop3A_1212 : vector<16xf32>
        %parallel_loop3A_1214 = arith.constant 9.99999974E-6 : f32
        %parallel_loop3A_1215 = vector.broadcast %parallel_loop3A_1214 : f32 to vector<16xf32>
        %parallel_loop3A_1216 = arith.addf %parallel_loop3A_1213, %parallel_loop3A_1215 : vector<16xf32>
        %parallel_loop3A_1217 = vector.bitcast %parallel_loop3A_1216 : vector<16xf32> to vector<16xi32>
        %parallel_loop3A_1218 = arith.constant 1 : i32
        %parallel_loop3A_1219 = vector.broadcast %parallel_loop3A_1218 : i32 to vector<16xi32>
        %parallel_loop3A_1220 = arith.shrsi %parallel_loop3A_1217, %parallel_loop3A_1219 : vector<16xi32>
        %parallel_loop3A_1221 = arith.constant 1597463007 : i32
        %parallel_loop3A_1222 = vector.broadcast %parallel_loop3A_1221 : i32 to vector<16xi32>
        %parallel_loop3A_1223 = arith.subi %parallel_loop3A_1222, %parallel_loop3A_1220 : vector<16xi32>
        %parallel_loop3A_1224 = vector.bitcast %parallel_loop3A_1223 : vector<16xi32> to vector<16xf32>
        %parallel_loop3A_1225 = arith.constant 5.000000e-01 : f32
        %parallel_loop3A_1226 = vector.broadcast %parallel_loop3A_1225 : f32 to vector<16xf32>
        %parallel_loop3A_1227 = arith.mulf %parallel_loop3A_1226, %parallel_loop3A_1216 : vector<16xf32>
        %parallel_loop3A_1228 = arith.mulf %parallel_loop3A_1227, %parallel_loop3A_1224 : vector<16xf32>
        %parallel_loop3A_1229 = arith.mulf %parallel_loop3A_1228, %parallel_loop3A_1224 : vector<16xf32>
        %parallel_loop3A_1230 = arith.constant 1.500000e+00 : f32
        %parallel_loop3A_1231 = vector.broadcast %parallel_loop3A_1230 : f32 to vector<16xf32>
        %parallel_loop3A_1232 = arith.subf %parallel_loop3A_1231, %parallel_loop3A_1229 : vector<16xf32>
        %parallel_loop3A_1233 = arith.mulf %parallel_loop3A_1224, %parallel_loop3A_1232 : vector<16xf32>
        %parallel_loop3A_1234 = arith.constant 5.000000e-01 : f32
        %parallel_loop3A_1235 = vector.broadcast %parallel_loop3A_1234 : f32 to vector<16xf32>
        %parallel_loop3A_1236 = arith.mulf %parallel_loop3A_1235, %parallel_loop3A_1216 : vector<16xf32>
        %parallel_loop3A_1237 = arith.mulf %parallel_loop3A_1236, %parallel_loop3A_1233 : vector<16xf32>
        %parallel_loop3A_1238 = arith.mulf %parallel_loop3A_1237, %parallel_loop3A_1233 : vector<16xf32>
        %parallel_loop3A_1239 = arith.constant 1.500000e+00 : f32
        %parallel_loop3A_1240 = vector.broadcast %parallel_loop3A_1239 : f32 to vector<16xf32>
        %parallel_loop3A_1241 = arith.subf %parallel_loop3A_1240, %parallel_loop3A_1238 : vector<16xf32>
        %parallel_loop3A_1242 = arith.mulf %parallel_loop3A_1233, %parallel_loop3A_1241 : vector<16xf32>
        %parallel_loop3A_1243 = arith.constant 5.000000e-01 : f32
        %parallel_loop3A_1244 = vector.broadcast %parallel_loop3A_1243 : f32 to vector<16xf32>
        %parallel_loop3A_1245 = arith.mulf %parallel_loop3A_1244, %parallel_loop3A_1216 : vector<16xf32>
        %parallel_loop3A_1246 = arith.mulf %parallel_loop3A_1245, %parallel_loop3A_1242 : vector<16xf32>
        %parallel_loop3A_1247 = arith.mulf %parallel_loop3A_1246, %parallel_loop3A_1242 : vector<16xf32>
        %parallel_loop3A_1248 = arith.constant 1.500000e+00 : f32
        %parallel_loop3A_1249 = vector.broadcast %parallel_loop3A_1248 : f32 to vector<16xf32>
        %parallel_loop3A_1250 = arith.subf %parallel_loop3A_1249, %parallel_loop3A_1247 : vector<16xf32>
        %parallel_loop3A_1251 = arith.mulf %parallel_loop3A_1242, %parallel_loop3A_1250 : vector<16xf32>
        %parallel_loop3A_1252 = vector.extract_strided_slice %parallel_loop3A_1208 {offsets = [8], sizes = [1], strides = [1]} : vector<16xf32> to vector<1xf32>
        %parallel_loop3A_1253 = vector.extract %parallel_loop3A_1252[0] : f32 from vector<1xf32>
        %parallel_loop3A_1254 = vector.broadcast %parallel_loop3A_1253 : f32 to vector<16xf32>
        %parallel_loop3A_1255 = vector.extract_strided_slice %parallel_loop3A_1251 {offsets = [8], sizes = [1], strides = [1]} : vector<16xf32> to vector<1xf32>
        %parallel_loop3A_1256 = vector.extract %parallel_loop3A_1255[0] : f32 from vector<1xf32>
        %parallel_loop3A_1257 = vector.broadcast %parallel_loop3A_1256 : f32 to vector<16xf32>
        %parallel_loop3A_1258 = arith.subf %parallel_loop3A_844, %parallel_loop3A_1254 : vector<16xf32>
        %parallel_loop3A_1259 = arith.mulf %parallel_loop3A_1258, %parallel_loop3A_1257 : vector<16xf32>
        %parallel_loop3A_1260 = arith.mulf %parallel_loop3A_1259, %get3A_5 : vector<16xf32>
        %parallel_loop3A_1261 = arith.addf %parallel_loop3A_1260, %get3A_13 : vector<16xf32>
        %parallel_loop3A_1262 = arith.constant 0 : i32
        %parallel_loop3A_1263 = arith.constant 0 : i32
        %parallel_loop3A_1264 = tpu.memref_slice %arg13[%parallel_loop3A_144, %parallel_loop3A_1262, %parallel_loop3A_1263] : memref<2x128x32xf32, #tpu.memory_space<vmem>> -> memref<1x128x32xf32, #tpu.memory_space<vmem>>
        %parallel_loop3A_1265 = tpu.memref_squeeze %parallel_loop3A_1264 : memref<1x128x32xf32, #tpu.memory_space<vmem>> -> memref<128x32xf32, #tpu.memory_space<vmem>>
        %parallel_loop3A_1266 = arith.index_cast %parallel_loop3A_831 : i32 to index
        %parallel_loop3A_1267 = arith.constant 0 : index
        %parallel_loop3A_1268 = tpu.vector_load %parallel_loop3A_1265[%parallel_loop3A_1266, %parallel_loop3A_1267] {strides = array<i32>} : memref<128x32xf32, #tpu.memory_space<vmem>>, vector<16xf32>,
        tpu.vector_store %parallel_loop3A_1265[%parallel_loop3A_1266, %parallel_loop3A_1267], %parallel_loop3A_1261 {strides = array<i32>} : memref<128x32xf32, #tpu.memory_space<vmem>>, vector<16xf32>,
        %parallel_loop3A_1269 = arith.subf %parallel_loop3A_855, %parallel_loop3A_1254 : vector<16xf32>
        %parallel_loop3A_1270 = arith.mulf %parallel_loop3A_1269, %parallel_loop3A_1257 : vector<16xf32>
        %parallel_loop3A_1271 = arith.mulf %parallel_loop3A_1270, %get3A_9 : vector<16xf32>
        %parallel_loop3A_1272 = arith.addf %parallel_loop3A_1271, %get3A_17 : vector<16xf32>
        %parallel_loop3A_1273 = arith.constant 0 : i32
        %parallel_loop3A_1274 = arith.constant 0 : i32
        %parallel_loop3A_1275 = tpu.memref_slice %arg13[%parallel_loop3A_144, %parallel_loop3A_1273, %parallel_loop3A_1274] : memref<2x128x32xf32, #tpu.memory_space<vmem>> -> memref<1x128x32xf32, #tpu.memory_space<vmem>>
        %parallel_loop3A_1276 = tpu.memref_squeeze %parallel_loop3A_1275 : memref<1x128x32xf32, #tpu.memory_space<vmem>> -> memref<128x32xf32, #tpu.memory_space<vmem>>
        %parallel_loop3A_1277 = arith.index_cast %parallel_loop3A_831 : i32 to index
        %parallel_loop3A_1278 = arith.constant 16 : index
        %parallel_loop3A_1279 = tpu.vector_load %parallel_loop3A_1276[%parallel_loop3A_1277, %parallel_loop3A_1278] {strides = array<i32>} : memref<128x32xf32, #tpu.memory_space<vmem>>, vector<16xf32>,
        tpu.vector_store %parallel_loop3A_1276[%parallel_loop3A_1277, %parallel_loop3A_1278], %parallel_loop3A_1272 {strides = array<i32>} : memref<128x32xf32, #tpu.memory_space<vmem>>, vector<16xf32>,
        %parallel_loop3A_1280 = vector.extract_strided_slice %parallel_loop3A_1208 {offsets = [9], sizes = [1], strides = [1]} : vector<16xf32> to vector<1xf32>
        %parallel_loop3A_1281 = vector.extract %parallel_loop3A_1280[0] : f32 from vector<1xf32>
        %parallel_loop3A_1282 = vector.broadcast %parallel_loop3A_1281 : f32 to vector<16xf32>
        %parallel_loop3A_1283 = vector.extract_strided_slice %parallel_loop3A_1251 {offsets = [9], sizes = [1], strides = [1]} : vector<16xf32> to vector<1xf32>
        %parallel_loop3A_1284 = vector.extract %parallel_loop3A_1283[0] : f32 from vector<1xf32>
        %parallel_loop3A_1285 = vector.broadcast %parallel_loop3A_1284 : f32 to vector<16xf32>
        %parallel_loop3A_1286 = arith.subf %parallel_loop3A_891, %parallel_loop3A_1282 : vector<16xf32>
        %parallel_loop3A_1287 = arith.mulf %parallel_loop3A_1286, %parallel_loop3A_1285 : vector<16xf32>
        %parallel_loop3A_1288 = arith.mulf %parallel_loop3A_1287, %get3A_5 : vector<16xf32>
        %parallel_loop3A_1289 = arith.addf %parallel_loop3A_1288, %get3A_13 : vector<16xf32>
        %parallel_loop3A_1290 = arith.constant 0 : i32
        %parallel_loop3A_1291 = arith.constant 0 : i32
        %parallel_loop3A_1292 = tpu.memref_slice %arg13[%parallel_loop3A_144, %parallel_loop3A_1290, %parallel_loop3A_1291] : memref<2x128x32xf32, #tpu.memory_space<vmem>> -> memref<1x128x32xf32, #tpu.memory_space<vmem>>
        %parallel_loop3A_1293 = tpu.memref_squeeze %parallel_loop3A_1292 : memref<1x128x32xf32, #tpu.memory_space<vmem>> -> memref<128x32xf32, #tpu.memory_space<vmem>>
        %parallel_loop3A_1294 = arith.index_cast %parallel_loop3A_878 : i32 to index
        %parallel_loop3A_1295 = arith.constant 0 : index
        %parallel_loop3A_1296 = tpu.vector_load %parallel_loop3A_1293[%parallel_loop3A_1294, %parallel_loop3A_1295] {strides = array<i32>} : memref<128x32xf32, #tpu.memory_space<vmem>>, vector<16xf32>,
        tpu.vector_store %parallel_loop3A_1293[%parallel_loop3A_1294, %parallel_loop3A_1295], %parallel_loop3A_1289 {strides = array<i32>} : memref<128x32xf32, #tpu.memory_space<vmem>>, vector<16xf32>,
        %parallel_loop3A_1297 = arith.subf %parallel_loop3A_902, %parallel_loop3A_1282 : vector<16xf32>
        %parallel_loop3A_1298 = arith.mulf %parallel_loop3A_1297, %parallel_loop3A_1285 : vector<16xf32>
        %parallel_loop3A_1299 = arith.mulf %parallel_loop3A_1298, %get3A_9 : vector<16xf32>
        %parallel_loop3A_1300 = arith.addf %parallel_loop3A_1299, %get3A_17 : vector<16xf32>
        %parallel_loop3A_1301 = arith.constant 0 : i32
        %parallel_loop3A_1302 = arith.constant 0 : i32
        %parallel_loop3A_1303 = tpu.memref_slice %arg13[%parallel_loop3A_144, %parallel_loop3A_1301, %parallel_loop3A_1302] : memref<2x128x32xf32, #tpu.memory_space<vmem>> -> memref<1x128x32xf32, #tpu.memory_space<vmem>>
        %parallel_loop3A_1304 = tpu.memref_squeeze %parallel_loop3A_1303 : memref<1x128x32xf32, #tpu.memory_space<vmem>> -> memref<128x32xf32, #tpu.memory_space<vmem>>
        %parallel_loop3A_1305 = arith.index_cast %parallel_loop3A_878 : i32 to index
        %parallel_loop3A_1306 = arith.constant 16 : index
        %parallel_loop3A_1307 = tpu.vector_load %parallel_loop3A_1304[%parallel_loop3A_1305, %parallel_loop3A_1306] {strides = array<i32>} : memref<128x32xf32, #tpu.memory_space<vmem>>, vector<16xf32>,
        tpu.vector_store %parallel_loop3A_1304[%parallel_loop3A_1305, %parallel_loop3A_1306], %parallel_loop3A_1300 {strides = array<i32>} : memref<128x32xf32, #tpu.memory_space<vmem>>, vector<16xf32>,
        %parallel_loop3A_1308 = vector.extract_strided_slice %parallel_loop3A_1208 {offsets = [10], sizes = [1], strides = [1]} : vector<16xf32> to vector<1xf32>
        %parallel_loop3A_1309 = vector.extract %parallel_loop3A_1308[0] : f32 from vector<1xf32>
        %parallel_loop3A_1310 = vector.broadcast %parallel_loop3A_1309 : f32 to vector<16xf32>
        %parallel_loop3A_1311 = vector.extract_strided_slice %parallel_loop3A_1251 {offsets = [10], sizes = [1], strides = [1]} : vector<16xf32> to vector<1xf32>
        %parallel_loop3A_1312 = vector.extract %parallel_loop3A_1311[0] : f32 from vector<1xf32>
        %parallel_loop3A_1313 = vector.broadcast %parallel_loop3A_1312 : f32 to vector<16xf32>
        %parallel_loop3A_1314 = arith.subf %parallel_loop3A_938, %parallel_loop3A_1310 : vector<16xf32>
        %parallel_loop3A_1315 = arith.mulf %parallel_loop3A_1314, %parallel_loop3A_1313 : vector<16xf32>
        %parallel_loop3A_1316 = arith.mulf %parallel_loop3A_1315, %get3A_5 : vector<16xf32>
        %parallel_loop3A_1317 = arith.addf %parallel_loop3A_1316, %get3A_13 : vector<16xf32>
        %parallel_loop3A_1318 = arith.constant 0 : i32
        %parallel_loop3A_1319 = arith.constant 0 : i32
        %parallel_loop3A_1320 = tpu.memref_slice %arg13[%parallel_loop3A_144, %parallel_loop3A_1318, %parallel_loop3A_1319] : memref<2x128x32xf32, #tpu.memory_space<vmem>> -> memref<1x128x32xf32, #tpu.memory_space<vmem>>
        %parallel_loop3A_1321 = tpu.memref_squeeze %parallel_loop3A_1320 : memref<1x128x32xf32, #tpu.memory_space<vmem>> -> memref<128x32xf32, #tpu.memory_space<vmem>>
        %parallel_loop3A_1322 = arith.index_cast %parallel_loop3A_925 : i32 to index
        %parallel_loop3A_1323 = arith.constant 0 : index
        %parallel_loop3A_1324 = tpu.vector_load %parallel_loop3A_1321[%parallel_loop3A_1322, %parallel_loop3A_1323] {strides = array<i32>} : memref<128x32xf32, #tpu.memory_space<vmem>>, vector<16xf32>,
        tpu.vector_store %parallel_loop3A_1321[%parallel_loop3A_1322, %parallel_loop3A_1323], %parallel_loop3A_1317 {strides = array<i32>} : memref<128x32xf32, #tpu.memory_space<vmem>>, vector<16xf32>,
        %parallel_loop3A_1325 = arith.subf %parallel_loop3A_949, %parallel_loop3A_1310 : vector<16xf32>
        %parallel_loop3A_1326 = arith.mulf %parallel_loop3A_1325, %parallel_loop3A_1313 : vector<16xf32>
        %parallel_loop3A_1327 = arith.mulf %parallel_loop3A_1326, %get3A_9 : vector<16xf32>
        %parallel_loop3A_1328 = arith.addf %parallel_loop3A_1327, %get3A_17 : vector<16xf32>
        %parallel_loop3A_1329 = arith.constant 0 : i32
        %parallel_loop3A_1330 = arith.constant 0 : i32
        %parallel_loop3A_1331 = tpu.memref_slice %arg13[%parallel_loop3A_144, %parallel_loop3A_1329, %parallel_loop3A_1330] : memref<2x128x32xf32, #tpu.memory_space<vmem>> -> memref<1x128x32xf32, #tpu.memory_space<vmem>>
        %parallel_loop3A_1332 = tpu.memref_squeeze %parallel_loop3A_1331 : memref<1x128x32xf32, #tpu.memory_space<vmem>> -> memref<128x32xf32, #tpu.memory_space<vmem>>
        %parallel_loop3A_1333 = arith.index_cast %parallel_loop3A_925 : i32 to index
        %parallel_loop3A_1334 = arith.constant 16 : index
        %parallel_loop3A_1335 = tpu.vector_load %parallel_loop3A_1332[%parallel_loop3A_1333, %parallel_loop3A_1334] {strides = array<i32>} : memref<128x32xf32, #tpu.memory_space<vmem>>, vector<16xf32>,
        tpu.vector_store %parallel_loop3A_1332[%parallel_loop3A_1333, %parallel_loop3A_1334], %parallel_loop3A_1328 {strides = array<i32>} : memref<128x32xf32, #tpu.memory_space<vmem>>, vector<16xf32>,
        %parallel_loop3A_1336 = vector.extract_strided_slice %parallel_loop3A_1208 {offsets = [11], sizes = [1], strides = [1]} : vector<16xf32> to vector<1xf32>
        %parallel_loop3A_1337 = vector.extract %parallel_loop3A_1336[0] : f32 from vector<1xf32>
        %parallel_loop3A_1338 = vector.broadcast %parallel_loop3A_1337 : f32 to vector<16xf32>
        %parallel_loop3A_1339 = vector.extract_strided_slice %parallel_loop3A_1251 {offsets = [11], sizes = [1], strides = [1]} : vector<16xf32> to vector<1xf32>
        %parallel_loop3A_1340 = vector.extract %parallel_loop3A_1339[0] : f32 from vector<1xf32>
        %parallel_loop3A_1341 = vector.broadcast %parallel_loop3A_1340 : f32 to vector<16xf32>
        %parallel_loop3A_1342 = arith.subf %parallel_loop3A_985, %parallel_loop3A_1338 : vector<16xf32>
        %parallel_loop3A_1343 = arith.mulf %parallel_loop3A_1342, %parallel_loop3A_1341 : vector<16xf32>
        %parallel_loop3A_1344 = arith.mulf %parallel_loop3A_1343, %get3A_5 : vector<16xf32>
        %parallel_loop3A_1345 = arith.addf %parallel_loop3A_1344, %get3A_13 : vector<16xf32>
        %parallel_loop3A_1346 = arith.constant 0 : i32
        %parallel_loop3A_1347 = arith.constant 0 : i32
        %parallel_loop3A_1348 = tpu.memref_slice %arg13[%parallel_loop3A_144, %parallel_loop3A_1346, %parallel_loop3A_1347] : memref<2x128x32xf32, #tpu.memory_space<vmem>> -> memref<1x128x32xf32, #tpu.memory_space<vmem>>
        %parallel_loop3A_1349 = tpu.memref_squeeze %parallel_loop3A_1348 : memref<1x128x32xf32, #tpu.memory_space<vmem>> -> memref<128x32xf32, #tpu.memory_space<vmem>>
        %parallel_loop3A_1350 = arith.index_cast %parallel_loop3A_972 : i32 to index
        %parallel_loop3A_1351 = arith.constant 0 : index
        %parallel_loop3A_1352 = tpu.vector_load %parallel_loop3A_1349[%parallel_loop3A_1350, %parallel_loop3A_1351] {strides = array<i32>} : memref<128x32xf32, #tpu.memory_space<vmem>>, vector<16xf32>,
        tpu.vector_store %parallel_loop3A_1349[%parallel_loop3A_1350, %parallel_loop3A_1351], %parallel_loop3A_1345 {strides = array<i32>} : memref<128x32xf32, #tpu.memory_space<vmem>>, vector<16xf32>,
        %parallel_loop3A_1353 = arith.subf %parallel_loop3A_996, %parallel_loop3A_1338 : vector<16xf32>
        %parallel_loop3A_1354 = arith.mulf %parallel_loop3A_1353, %parallel_loop3A_1341 : vector<16xf32>
        %parallel_loop3A_1355 = arith.mulf %parallel_loop3A_1354, %get3A_9 : vector<16xf32>
        %parallel_loop3A_1356 = arith.addf %parallel_loop3A_1355, %get3A_17 : vector<16xf32>
        %parallel_loop3A_1357 = arith.constant 0 : i32
        %parallel_loop3A_1358 = arith.constant 0 : i32
        %parallel_loop3A_1359 = tpu.memref_slice %arg13[%parallel_loop3A_144, %parallel_loop3A_1357, %parallel_loop3A_1358] : memref<2x128x32xf32, #tpu.memory_space<vmem>> -> memref<1x128x32xf32, #tpu.memory_space<vmem>>
        %parallel_loop3A_1360 = tpu.memref_squeeze %parallel_loop3A_1359 : memref<1x128x32xf32, #tpu.memory_space<vmem>> -> memref<128x32xf32, #tpu.memory_space<vmem>>
        %parallel_loop3A_1361 = arith.index_cast %parallel_loop3A_972 : i32 to index
        %parallel_loop3A_1362 = arith.constant 16 : index
        %parallel_loop3A_1363 = tpu.vector_load %parallel_loop3A_1360[%parallel_loop3A_1361, %parallel_loop3A_1362] {strides = array<i32>} : memref<128x32xf32, #tpu.memory_space<vmem>>, vector<16xf32>,
        tpu.vector_store %parallel_loop3A_1360[%parallel_loop3A_1361, %parallel_loop3A_1362], %parallel_loop3A_1356 {strides = array<i32>} : memref<128x32xf32, #tpu.memory_space<vmem>>, vector<16xf32>,
        %parallel_loop3A_1364 = vector.extract_strided_slice %parallel_loop3A_1208 {offsets = [12], sizes = [1], strides = [1]} : vector<16xf32> to vector<1xf32>
        %parallel_loop3A_1365 = vector.extract %parallel_loop3A_1364[0] : f32 from vector<1xf32>
        %parallel_loop3A_1366 = vector.broadcast %parallel_loop3A_1365 : f32 to vector<16xf32>
        %parallel_loop3A_1367 = vector.extract_strided_slice %parallel_loop3A_1251 {offsets = [12], sizes = [1], strides = [1]} : vector<16xf32> to vector<1xf32>
        %parallel_loop3A_1368 = vector.extract %parallel_loop3A_1367[0] : f32 from vector<1xf32>
        %parallel_loop3A_1369 = vector.broadcast %parallel_loop3A_1368 : f32 to vector<16xf32>
        %parallel_loop3A_1370 = arith.subf %parallel_loop3A_1032, %parallel_loop3A_1366 : vector<16xf32>
        %parallel_loop3A_1371 = arith.mulf %parallel_loop3A_1370, %parallel_loop3A_1369 : vector<16xf32>
        %parallel_loop3A_1372 = arith.mulf %parallel_loop3A_1371, %get3A_5 : vector<16xf32>
        %parallel_loop3A_1373 = arith.addf %parallel_loop3A_1372, %get3A_13 : vector<16xf32>
        %parallel_loop3A_1374 = arith.constant 0 : i32
        %parallel_loop3A_1375 = arith.constant 0 : i32
        %parallel_loop3A_1376 = tpu.memref_slice %arg13[%parallel_loop3A_144, %parallel_loop3A_1374, %parallel_loop3A_1375] : memref<2x128x32xf32, #tpu.memory_space<vmem>> -> memref<1x128x32xf32, #tpu.memory_space<vmem>>
        %parallel_loop3A_1377 = tpu.memref_squeeze %parallel_loop3A_1376 : memref<1x128x32xf32, #tpu.memory_space<vmem>> -> memref<128x32xf32, #tpu.memory_space<vmem>>
        %parallel_loop3A_1378 = arith.index_cast %parallel_loop3A_1019 : i32 to index
        %parallel_loop3A_1379 = arith.constant 0 : index
        %parallel_loop3A_1380 = tpu.vector_load %parallel_loop3A_1377[%parallel_loop3A_1378, %parallel_loop3A_1379] {strides = array<i32>} : memref<128x32xf32, #tpu.memory_space<vmem>>, vector<16xf32>,
        tpu.vector_store %parallel_loop3A_1377[%parallel_loop3A_1378, %parallel_loop3A_1379], %parallel_loop3A_1373 {strides = array<i32>} : memref<128x32xf32, #tpu.memory_space<vmem>>, vector<16xf32>,
        %parallel_loop3A_1381 = arith.subf %parallel_loop3A_1043, %parallel_loop3A_1366 : vector<16xf32>
        %parallel_loop3A_1382 = arith.mulf %parallel_loop3A_1381, %parallel_loop3A_1369 : vector<16xf32>
        %parallel_loop3A_1383 = arith.mulf %parallel_loop3A_1382, %get3A_9 : vector<16xf32>
        %parallel_loop3A_1384 = arith.addf %parallel_loop3A_1383, %get3A_17 : vector<16xf32>
        %parallel_loop3A_1385 = arith.constant 0 : i32
        %parallel_loop3A_1386 = arith.constant 0 : i32
        %parallel_loop3A_1387 = tpu.memref_slice %arg13[%parallel_loop3A_144, %parallel_loop3A_1385, %parallel_loop3A_1386] : memref<2x128x32xf32, #tpu.memory_space<vmem>> -> memref<1x128x32xf32, #tpu.memory_space<vmem>>
        %parallel_loop3A_1388 = tpu.memref_squeeze %parallel_loop3A_1387 : memref<1x128x32xf32, #tpu.memory_space<vmem>> -> memref<128x32xf32, #tpu.memory_space<vmem>>
        %parallel_loop3A_1389 = arith.index_cast %parallel_loop3A_1019 : i32 to index
        %parallel_loop3A_1390 = arith.constant 16 : index
        %parallel_loop3A_1391 = tpu.vector_load %parallel_loop3A_1388[%parallel_loop3A_1389, %parallel_loop3A_1390] {strides = array<i32>} : memref<128x32xf32, #tpu.memory_space<vmem>>, vector<16xf32>,
        tpu.vector_store %parallel_loop3A_1388[%parallel_loop3A_1389, %parallel_loop3A_1390], %parallel_loop3A_1384 {strides = array<i32>} : memref<128x32xf32, #tpu.memory_space<vmem>>, vector<16xf32>,
        %parallel_loop3A_1392 = vector.extract_strided_slice %parallel_loop3A_1208 {offsets = [13], sizes = [1], strides = [1]} : vector<16xf32> to vector<1xf32>
        %parallel_loop3A_1393 = vector.extract %parallel_loop3A_1392[0] : f32 from vector<1xf32>
        %parallel_loop3A_1394 = vector.broadcast %parallel_loop3A_1393 : f32 to vector<16xf32>
        %parallel_loop3A_1395 = vector.extract_strided_slice %parallel_loop3A_1251 {offsets = [13], sizes = [1], strides = [1]} : vector<16xf32> to vector<1xf32>
        %parallel_loop3A_1396 = vector.extract %parallel_loop3A_1395[0] : f32 from vector<1xf32>
        %parallel_loop3A_1397 = vector.broadcast %parallel_loop3A_1396 : f32 to vector<16xf32>
        %parallel_loop3A_1398 = arith.subf %parallel_loop3A_1079, %parallel_loop3A_1394 : vector<16xf32>
        %parallel_loop3A_1399 = arith.mulf %parallel_loop3A_1398, %parallel_loop3A_1397 : vector<16xf32>
        %parallel_loop3A_1400 = arith.mulf %parallel_loop3A_1399, %get3A_5 : vector<16xf32>
        %parallel_loop3A_1401 = arith.addf %parallel_loop3A_1400, %get3A_13 : vector<16xf32>
        %parallel_loop3A_1402 = arith.constant 0 : i32
        %parallel_loop3A_1403 = arith.constant 0 : i32
        %parallel_loop3A_1404 = tpu.memref_slice %arg13[%parallel_loop3A_144, %parallel_loop3A_1402, %parallel_loop3A_1403] : memref<2x128x32xf32, #tpu.memory_space<vmem>> -> memref<1x128x32xf32, #tpu.memory_space<vmem>>
        %parallel_loop3A_1405 = tpu.memref_squeeze %parallel_loop3A_1404 : memref<1x128x32xf32, #tpu.memory_space<vmem>> -> memref<128x32xf32, #tpu.memory_space<vmem>>
        %parallel_loop3A_1406 = arith.index_cast %parallel_loop3A_1066 : i32 to index
        %parallel_loop3A_1407 = arith.constant 0 : index
        %parallel_loop3A_1408 = tpu.vector_load %parallel_loop3A_1405[%parallel_loop3A_1406, %parallel_loop3A_1407] {strides = array<i32>} : memref<128x32xf32, #tpu.memory_space<vmem>>, vector<16xf32>,
        tpu.vector_store %parallel_loop3A_1405[%parallel_loop3A_1406, %parallel_loop3A_1407], %parallel_loop3A_1401 {strides = array<i32>} : memref<128x32xf32, #tpu.memory_space<vmem>>, vector<16xf32>,
        %parallel_loop3A_1409 = arith.subf %parallel_loop3A_1090, %parallel_loop3A_1394 : vector<16xf32>
        %parallel_loop3A_1410 = arith.mulf %parallel_loop3A_1409, %parallel_loop3A_1397 : vector<16xf32>
        %parallel_loop3A_1411 = arith.mulf %parallel_loop3A_1410, %get3A_9 : vector<16xf32>
        %parallel_loop3A_1412 = arith.addf %parallel_loop3A_1411, %get3A_17 : vector<16xf32>
        %parallel_loop3A_1413 = arith.constant 0 : i32
        %parallel_loop3A_1414 = arith.constant 0 : i32
        %parallel_loop3A_1415 = tpu.memref_slice %arg13[%parallel_loop3A_144, %parallel_loop3A_1413, %parallel_loop3A_1414] : memref<2x128x32xf32, #tpu.memory_space<vmem>> -> memref<1x128x32xf32, #tpu.memory_space<vmem>>
        %parallel_loop3A_1416 = tpu.memref_squeeze %parallel_loop3A_1415 : memref<1x128x32xf32, #tpu.memory_space<vmem>> -> memref<128x32xf32, #tpu.memory_space<vmem>>
        %parallel_loop3A_1417 = arith.index_cast %parallel_loop3A_1066 : i32 to index
        %parallel_loop3A_1418 = arith.constant 16 : index
        %parallel_loop3A_1419 = tpu.vector_load %parallel_loop3A_1416[%parallel_loop3A_1417, %parallel_loop3A_1418] {strides = array<i32>} : memref<128x32xf32, #tpu.memory_space<vmem>>, vector<16xf32>,
        tpu.vector_store %parallel_loop3A_1416[%parallel_loop3A_1417, %parallel_loop3A_1418], %parallel_loop3A_1412 {strides = array<i32>} : memref<128x32xf32, #tpu.memory_space<vmem>>, vector<16xf32>,
        %parallel_loop3A_1420 = vector.extract_strided_slice %parallel_loop3A_1208 {offsets = [14], sizes = [1], strides = [1]} : vector<16xf32> to vector<1xf32>
        %parallel_loop3A_1421 = vector.extract %parallel_loop3A_1420[0] : f32 from vector<1xf32>
        %parallel_loop3A_1422 = vector.broadcast %parallel_loop3A_1421 : f32 to vector<16xf32>
        %parallel_loop3A_1423 = vector.extract_strided_slice %parallel_loop3A_1251 {offsets = [14], sizes = [1], strides = [1]} : vector<16xf32> to vector<1xf32>
        %parallel_loop3A_1424 = vector.extract %parallel_loop3A_1423[0] : f32 from vector<1xf32>
        %parallel_loop3A_1425 = vector.broadcast %parallel_loop3A_1424 : f32 to vector<16xf32>
        %parallel_loop3A_1426 = arith.subf %parallel_loop3A_1126, %parallel_loop3A_1422 : vector<16xf32>
        %parallel_loop3A_1427 = arith.mulf %parallel_loop3A_1426, %parallel_loop3A_1425 : vector<16xf32>
        %parallel_loop3A_1428 = arith.mulf %parallel_loop3A_1427, %get3A_5 : vector<16xf32>
        %parallel_loop3A_1429 = arith.addf %parallel_loop3A_1428, %get3A_13 : vector<16xf32>
        %parallel_loop3A_1430 = arith.constant 0 : i32
        %parallel_loop3A_1431 = arith.constant 0 : i32
        %parallel_loop3A_1432 = tpu.memref_slice %arg13[%parallel_loop3A_144, %parallel_loop3A_1430, %parallel_loop3A_1431] : memref<2x128x32xf32, #tpu.memory_space<vmem>> -> memref<1x128x32xf32, #tpu.memory_space<vmem>>
        %parallel_loop3A_1433 = tpu.memref_squeeze %parallel_loop3A_1432 : memref<1x128x32xf32, #tpu.memory_space<vmem>> -> memref<128x32xf32, #tpu.memory_space<vmem>>
        %parallel_loop3A_1434 = arith.index_cast %parallel_loop3A_1113 : i32 to index
        %parallel_loop3A_1435 = arith.constant 0 : index
        %parallel_loop3A_1436 = tpu.vector_load %parallel_loop3A_1433[%parallel_loop3A_1434, %parallel_loop3A_1435] {strides = array<i32>} : memref<128x32xf32, #tpu.memory_space<vmem>>, vector<16xf32>,
        tpu.vector_store %parallel_loop3A_1433[%parallel_loop3A_1434, %parallel_loop3A_1435], %parallel_loop3A_1429 {strides = array<i32>} : memref<128x32xf32, #tpu.memory_space<vmem>>, vector<16xf32>,
        %parallel_loop3A_1437 = arith.subf %parallel_loop3A_1137, %parallel_loop3A_1422 : vector<16xf32>
        %parallel_loop3A_1438 = arith.mulf %parallel_loop3A_1437, %parallel_loop3A_1425 : vector<16xf32>
        %parallel_loop3A_1439 = arith.mulf %parallel_loop3A_1438, %get3A_9 : vector<16xf32>
        %parallel_loop3A_1440 = arith.addf %parallel_loop3A_1439, %get3A_17 : vector<16xf32>
        %parallel_loop3A_1441 = arith.constant 0 : i32
        %parallel_loop3A_1442 = arith.constant 0 : i32
        %parallel_loop3A_1443 = tpu.memref_slice %arg13[%parallel_loop3A_144, %parallel_loop3A_1441, %parallel_loop3A_1442] : memref<2x128x32xf32, #tpu.memory_space<vmem>> -> memref<1x128x32xf32, #tpu.memory_space<vmem>>
        %parallel_loop3A_1444 = tpu.memref_squeeze %parallel_loop3A_1443 : memref<1x128x32xf32, #tpu.memory_space<vmem>> -> memref<128x32xf32, #tpu.memory_space<vmem>>
        %parallel_loop3A_1445 = arith.index_cast %parallel_loop3A_1113 : i32 to index
        %parallel_loop3A_1446 = arith.constant 16 : index
        %parallel_loop3A_1447 = tpu.vector_load %parallel_loop3A_1444[%parallel_loop3A_1445, %parallel_loop3A_1446] {strides = array<i32>} : memref<128x32xf32, #tpu.memory_space<vmem>>, vector<16xf32>,
        tpu.vector_store %parallel_loop3A_1444[%parallel_loop3A_1445, %parallel_loop3A_1446], %parallel_loop3A_1440 {strides = array<i32>} : memref<128x32xf32, #tpu.memory_space<vmem>>, vector<16xf32>,
        %parallel_loop3A_1448 = vector.extract_strided_slice %parallel_loop3A_1208 {offsets = [15], sizes = [1], strides = [1]} : vector<16xf32> to vector<1xf32>
        %parallel_loop3A_1449 = vector.extract %parallel_loop3A_1448[0] : f32 from vector<1xf32>
        %parallel_loop3A_1450 = vector.broadcast %parallel_loop3A_1449 : f32 to vector<16xf32>
        %parallel_loop3A_1451 = vector.extract_strided_slice %parallel_loop3A_1251 {offsets = [15], sizes = [1], strides = [1]} : vector<16xf32> to vector<1xf32>
        %parallel_loop3A_1452 = vector.extract %parallel_loop3A_1451[0] : f32 from vector<1xf32>
        %parallel_loop3A_1453 = vector.broadcast %parallel_loop3A_1452 : f32 to vector<16xf32>
        %parallel_loop3A_1454 = arith.subf %parallel_loop3A_1173, %parallel_loop3A_1450 : vector<16xf32>
        %parallel_loop3A_1455 = arith.mulf %parallel_loop3A_1454, %parallel_loop3A_1453 : vector<16xf32>
        %parallel_loop3A_1456 = arith.mulf %parallel_loop3A_1455, %get3A_5 : vector<16xf32>
        %parallel_loop3A_1457 = arith.addf %parallel_loop3A_1456, %get3A_13 : vector<16xf32>
        %parallel_loop3A_1458 = arith.constant 0 : i32
        %parallel_loop3A_1459 = arith.constant 0 : i32
        %parallel_loop3A_1460 = tpu.memref_slice %arg13[%parallel_loop3A_144, %parallel_loop3A_1458, %parallel_loop3A_1459] : memref<2x128x32xf32, #tpu.memory_space<vmem>> -> memref<1x128x32xf32, #tpu.memory_space<vmem>>
        %parallel_loop3A_1461 = tpu.memref_squeeze %parallel_loop3A_1460 : memref<1x128x32xf32, #tpu.memory_space<vmem>> -> memref<128x32xf32, #tpu.memory_space<vmem>>
        %parallel_loop3A_1462 = arith.index_cast %parallel_loop3A_1160 : i32 to index
        %parallel_loop3A_1463 = arith.constant 0 : index
        %parallel_loop3A_1464 = tpu.vector_load %parallel_loop3A_1461[%parallel_loop3A_1462, %parallel_loop3A_1463] {strides = array<i32>} : memref<128x32xf32, #tpu.memory_space<vmem>>, vector<16xf32>,
        tpu.vector_store %parallel_loop3A_1461[%parallel_loop3A_1462, %parallel_loop3A_1463], %parallel_loop3A_1457 {strides = array<i32>} : memref<128x32xf32, #tpu.memory_space<vmem>>, vector<16xf32>,
        %parallel_loop3A_1465 = arith.subf %parallel_loop3A_1184, %parallel_loop3A_1450 : vector<16xf32>
        %parallel_loop3A_1466 = arith.mulf %parallel_loop3A_1465, %parallel_loop3A_1453 : vector<16xf32>
        %parallel_loop3A_1467 = arith.mulf %parallel_loop3A_1466, %get3A_9 : vector<16xf32>
        %parallel_loop3A_1468 = arith.addf %parallel_loop3A_1467, %get3A_17 : vector<16xf32>
        %parallel_loop3A_1469 = arith.constant 0 : i32
        %parallel_loop3A_1470 = arith.constant 0 : i32
        %parallel_loop3A_1471 = tpu.memref_slice %arg13[%parallel_loop3A_144, %parallel_loop3A_1469, %parallel_loop3A_1470] : memref<2x128x32xf32, #tpu.memory_space<vmem>> -> memref<1x128x32xf32, #tpu.memory_space<vmem>>
        %parallel_loop3A_1472 = tpu.memref_squeeze %parallel_loop3A_1471 : memref<1x128x32xf32, #tpu.memory_space<vmem>> -> memref<128x32xf32, #tpu.memory_space<vmem>>
        %parallel_loop3A_1473 = arith.index_cast %parallel_loop3A_1160 : i32 to index
        %parallel_loop3A_1474 = arith.constant 16 : index
        %parallel_loop3A_1475 = tpu.vector_load %parallel_loop3A_1472[%parallel_loop3A_1473, %parallel_loop3A_1474] {strides = array<i32>} : memref<128x32xf32, #tpu.memory_space<vmem>>, vector<16xf32>,
        tpu.vector_store %parallel_loop3A_1472[%parallel_loop3A_1473, %parallel_loop3A_1474], %parallel_loop3A_1468 {strides = array<i32>} : memref<128x32xf32, #tpu.memory_space<vmem>>, vector<16xf32>,
      } {sc.loop_unroll_factor = 4 : i64, sc.parallel_access}
      %mul3A_145 = arith.constant 128 : i32
      %mul3A_146 = arith.muli %add3A_122, %mul3A_145 : i32
      %add3A_147 = arith.addi %mul3A_2, %mul3A_146 : i32
      %dma_start3A_148 = arith.constant 1 : i32
      %dma_start3A_149 = arith.constant 0 : i32
      %dma_start3A_150 = arith.constant 0 : i32
      %dma_start3A_151 = tpu.memref_slice %arg13[%dma_start3A_148, %dma_start3A_149, %dma_start3A_150] : memref<2x128x32xf32, #tpu.memory_space<vmem>> -> memref<1x128x32xf32, #tpu.memory_space<vmem>>
      %dma_start3A_152 = tpu.memref_squeeze %dma_start3A_151 : memref<1x128x32xf32, #tpu.memory_space<vmem>> -> memref<128x32xf32, #tpu.memory_space<vmem>>
      %dma_start3A_153 = arith.constant 0 : i32
      %dma_start3A_154 = tpu.memref_slice %arg7[%add3A_147, %dma_start3A_153] : memref<819200x32xf32, #tpu.memory_space<hbm>> -> memref<128x32xf32, #tpu.memory_space<hbm>>
      %dma_start3A_155 = arith.constant 0 : i32
      %dma_start3A_156 = tpu.memref_slice %arg7[%add3A_147, %dma_start3A_155] : memref<819200x32xf32, #tpu.memory_space<hbm>> -> memref<128x32xf32, #tpu.memory_space<hbm>>
      %dma_start3A_157 = arith.constant 0 : i32
      %dma_start3A_158 = arith.constant 0 : i32
      %dma_start3A_159 = tpu.memref_slice %arg13[%dma_start3A_148, %dma_start3A_157, %dma_start3A_158] : memref<2x128x32xf32, #tpu.memory_space<vmem>> -> memref<1x128x32xf32, #tpu.memory_space<vmem>>
      %dma_start3A_160 = tpu.memref_squeeze %dma_start3A_159 : memref<1x128x32xf32, #tpu.memory_space<vmem>> -> memref<128x32xf32, #tpu.memory_space<vmem>>
      tpu.enqueue_dma source(%dma_start3A_160 : memref<128x32xf32, #tpu.memory_space<vmem>>) target(%dma_start3A_156 : memref<128x32xf32, #tpu.memory_space<hbm>>) target_semaphore(%arg18 : memref<!tpu.dma_semaphore, #tpu.memory_space<semaphore_mem>>)
      %add3A_161 = arith.constant 2 : i32
      %add3A_162 = arith.addi %add3A_122, %add3A_161 : i32
      %lt3A_163 = arith.constant 200 : i32
      %lt3A_164 = arith.cmpi slt, %add3A_162, %lt3A_163 : i32
      %convert_element_type3A_165 = arith.extui %lt3A_164 : i1 to i32
      %cond3A_166 = arith.constant 0 : i32
      %cond3A_167 = arith.cmpi ne, %convert_element_type3A_165, %cond3A_166 : i32
      scf.if %cond3A_167 {
        %add3A_168 = arith.constant 2 : i32
        %add3A_169 = arith.addi %add3A_122, %add3A_168 : i32
        %dma_start3A_170 = arith.constant 1 : i32
        %dma_start3A_171 = arith.constant 0 : i32
        %dma_start3A_172 = arith.constant 0 : i32
        %dma_start3A_173 = tpu.memref_slice %arg12[%dma_start3A_170, %dma_start3A_171, %dma_start3A_172] : memref<2x128x32xf32, #tpu.memory_space<vmem>> -> memref<1x128x32xf32, #tpu.memory_space<vmem>>
        %dma_start3A_174 = tpu.memref_squeeze %dma_start3A_173 : memref<1x128x32xf32, #tpu.memory_space<vmem>> -> memref<128x32xf32, #tpu.memory_space<vmem>>
        %dma_start3A_175 = arith.constant 0 : i32
        %dma_start3A_176 = tpu.memref_slice %arg8[%add3A_169, %dma_start3A_175] : memref<200x128xi32, #tpu.memory_space<vmem>> -> memref<1x128xi32, #tpu.memory_space<vmem>>
        %dma_start3A_177 = tpu.memref_squeeze %dma_start3A_176 : memref<1x128xi32, #tpu.memory_space<vmem>> -> memref<128xi32, #tpu.memory_space<vmem>>
        %dma_start3A_178 = arith.constant 0 : i32
        %dma_start3A_179 = arith.constant 0 : i32
        %dma_start3A_180 = tpu.memref_slice %arg4[%dma_start3A_178, %dma_start3A_179] : memref<1000000x32xf32, #tpu.memory_space<hbm>> -> memref<1000000x32xf32, #tpu.memory_space<hbm>>
        tpu.enqueue_indirect_dma source(%dma_start3A_180 : memref<1000000x32xf32, #tpu.memory_space<hbm>>) target(%dma_start3A_174 : memref<128x32xf32, #tpu.memory_space<vmem>>) offsets(%dma_start3A_177 : memref<128xi32, #tpu.memory_space<vmem>>) semaphore(%arg16 : memref<!tpu.dma_semaphore, #tpu.memory_space<semaphore_mem>>)
      } else {
      }
    }
    %scan3A_45 = arith.constant 100 : i32
    %add3A_46 = arith.constant 25344 : i32
    %add3A_47 = arith.addi %mul3A_2, %add3A_46 : i32
    %dma_wait3A = arith.constant 0 : i32
    %dma_wait3A_48 = arith.constant 0 : i32
    %dma_wait3A_49 = arith.constant 0 : i32
    %dma_wait3A_50 = tpu.memref_slice %arg13[%dma_wait3A, %dma_wait3A_48, %dma_wait3A_49] : memref<2x128x32xf32, #tpu.memory_space<vmem>> -> memref<1x128x32xf32, #tpu.memory_space<vmem>>
    %dma_wait3A_51 = tpu.memref_squeeze %dma_wait3A_50 : memref<1x128x32xf32, #tpu.memory_space<vmem>> -> memref<128x32xf32, #tpu.memory_space<vmem>>
    %dma_wait3A_52 = arith.constant 0 : i32
    %dma_wait3A_53 = tpu.memref_slice %arg7[%add3A_47, %dma_wait3A_52] : memref<819200x32xf32, #tpu.memory_space<hbm>> -> memref<128x32xf32, #tpu.memory_space<hbm>>
    %dma_wait3A_54 = arith.constant 0 : i32
    %dma_wait3A_55 = tpu.memref_slice %arg7[%add3A_47, %dma_wait3A_54] : memref<819200x32xf32, #tpu.memory_space<hbm>> -> memref<128x32xf32, #tpu.memory_space<hbm>>
    %dma_wait3A_56 = arith.constant 0 : i32
    %dma_wait3A_57 = arith.constant 0 : i32
    %dma_wait3A_58 = tpu.memref_slice %arg13[%dma_wait3A, %dma_wait3A_56, %dma_wait3A_57] : memref<2x128x32xf32, #tpu.memory_space<vmem>> -> memref<1x128x32xf32, #tpu.memory_space<vmem>>
    %dma_wait3A_59 = tpu.memref_squeeze %dma_wait3A_58 : memref<1x128x32xf32, #tpu.memory_space<vmem>> -> memref<128x32xf32, #tpu.memory_space<vmem>>
    tpu.wait_dma2 semaphore(%arg17 : memref<!tpu.dma_semaphore, #tpu.memory_space<semaphore_mem>>) src(%dma_wait3A_59 : memref<128x32xf32, #tpu.memory_space<vmem>>) dst(%dma_wait3A_55 : memref<128x32xf32, #tpu.memory_space<hbm>>)
    %add3A_60 = arith.constant 25472 : i32
    %add3A_61 = arith.addi %mul3A_2, %add3A_60 : i32
    %dma_wait3A_62 = arith.constant 1 : i32
    %dma_wait3A_63 = arith.constant 0 : i32
    %dma_wait3A_64 = arith.constant 0 : i32
    %dma_wait3A_65 = tpu.memref_slice %arg13[%dma_wait3A_62, %dma_wait3A_63, %dma_wait3A_64] : memref<2x128x32xf32, #tpu.memory_space<vmem>> -> memref<1x128x32xf32, #tpu.memory_space<vmem>>
    %dma_wait3A_66 = tpu.memref_squeeze %dma_wait3A_65 : memref<1x128x32xf32, #tpu.memory_space<vmem>> -> memref<128x32xf32, #tpu.memory_space<vmem>>
    %dma_wait3A_67 = arith.constant 0 : i32
    %dma_wait3A_68 = tpu.memref_slice %arg7[%add3A_61, %dma_wait3A_67] : memref<819200x32xf32, #tpu.memory_space<hbm>> -> memref<128x32xf32, #tpu.memory_space<hbm>>
    %dma_wait3A_69 = arith.constant 0 : i32
    %dma_wait3A_70 = tpu.memref_slice %arg7[%add3A_61, %dma_wait3A_69] : memref<819200x32xf32, #tpu.memory_space<hbm>> -> memref<128x32xf32, #tpu.memory_space<hbm>>
    %dma_wait3A_71 = arith.constant 0 : i32
    %dma_wait3A_72 = arith.constant 0 : i32
    %dma_wait3A_73 = tpu.memref_slice %arg13[%dma_wait3A_62, %dma_wait3A_71, %dma_wait3A_72] : memref<2x128x32xf32, #tpu.memory_space<vmem>> -> memref<1x128x32xf32, #tpu.memory_space<vmem>>
    %dma_wait3A_74 = tpu.memref_squeeze %dma_wait3A_73 : memref<1x128x32xf32, #tpu.memory_space<vmem>> -> memref<128x32xf32, #tpu.memory_space<vmem>>
    tpu.wait_dma2 semaphore(%arg18 : memref<!tpu.dma_semaphore, #tpu.memory_space<semaphore_mem>>) src(%dma_wait3A_74 : memref<128x32xf32, #tpu.memory_space<vmem>>) dst(%dma_wait3A_70 : memref<128x32xf32, #tpu.memory_space<hbm>>)
    return
  }
}

</mosaic_0001>

<sc_bundles>
// kernel: kernel.3.cloned.1.call-start
scs
__scs_entry_jumppad:
0x0: {  	(pc) =	sbr.rel $0x88, $3  }
0x1: {  	(tag) =	ssettag $0x0;
	lr =	simm.s32 $0x1  }
0x2: {  	[smem:$0x3F9B] =	sst lr;
	_ =	strace $0xD0000000  }
0x3: {  	_ = 	snop  }
0x4: {  	_ = 	snop  }
0x5: {  	_ = 	snop  }
0x6: {  	_ = 	snop  }
0x7: {  	_ = 	snop  }
__scs_overlays_trampoline_lowered:
0x8: {  	[smem:$0x3FAA] =	sst s0  }
0x9: {  	[smem:$0x3FAB] =	sst s1  }
0xa: {  	[smem:$0x3FAC] =	sst s2  }
0xb: {  	[smem:$0x3FAD] =	sst s3  }
0xc: {  	[smem:$0x3FAE] =	sst s4  }
0xd: {  	[smem:$0x3FAF] =	sst s5  }
0xe: {  	[smem:$0x3FB0] =	sst s6  }
0xf: {  	[smem:$0x3FB1] =	sst s7  }
0x10: {  	[smem:$0x3FB2] =	sst s8  }
0x11: {  	[smem:$0x3FB3] =	sst s9;
	s0 =	simm.s32 @!p0 $0x0  }
0x12: {  	s1 =	sld [smem:$0x3F99];
	s0 =	simm.s32 @p0 $0x1  }
0x13: {  	[smem:$0x3FB4] =	sst s0;
	s0 =	simm.s32 @!p1 $0x0  }
0x14: {  	s2 =	sld [smem:$0x3F98];
	s0 =	simm.s32 @p1 $0x1  }
0x15: {  	[smem:$0x3FB5] =	sst s0;
	s0 =	simm.s32 @!p2 $0x0  }
0x16: {  	s3 =	sld [smem:$0x3FDB];
	s0 =	simm.s32 @p2 $0x1  }
0x17: {  	s4 =	simm.s32 $0x1BF5;
	[smem:$0x3FB7] =	sst s0  }
0x18: {  	s0 =	sld [smem:$0x3F9A];
	_ =	swait.ge [sflag:s4], $0x0  }
0x19: {  	s7 =	sld [smem:$0x3F9B]  }
0x1a: {  	s8 =	sadd.s32 $0xFFFFE003, lr  }
0x1b: {  	s9 =	sadd.s32 $0xFFFFFEF7, lr;
	s5 =	simm.s32 $0xFFFFFFFF;
	p2 =	slt.u32 s8, $0xFFFFF086  }
0x1c: {  	p1 =	slt.u32 s9, $0xF7A;
	s5 =	simm.s32 @!p2 $0x0  }
0x1d: {  	s5 =	simm.s32 @p1 $0x1;
	p0 =	seq.s32 s7, s2  }
0x1e: {  	s7 =	smul.u32 @!p0 $0xF7A, s2;
	p2 =	seq.s32 @!p0 s5, $0x0  }
0x1f: {  	s9 =	smul.u32 $0xF7A, s1;
	s8 =	simm.s32 @!p0 $0x1BF5;
	p2 =	por !p2, p0  }
0x20: {  	[sflag:s8] =	ssyncset.s32 @!p0 $0xFFFFF086;
	s6 =	sadd.s32 @!p0 s3, s7;
	s7 =	simm.s32 @!p0 $0x108  }
0x21: {  	s3 =	sadd.s32 s3, s9;
	s6 =	sadd.s32 @!p0 $0x88, s6;
	s7 =	simm.s32 @p2 $0x1082  }
0x22: {  	[simem:s7], [sflag:s8] =	dma.local @!p0 [hbm:s6], $0xF7A  }
0x23: {  	s9 =	sor.u32 $0xD0000000, s2;
	s6 =	simm.s32 $0x108;
	_ =	swait.ge @!p0 [sflag:s8], $0x0  }
0x24: {  	s3 =	sadd.s32 $0x88, s3;
	s6 =	simm.s32 @!p1 $0x1082;
	[sflag:s4] =	ssyncset.s32 $0xFFFFF086  }
0x25: {  	[simem:s6], [sflag:s4] =	dma.local [hbm:s3], $0xF7A  }
0x26: {  	[smem:$0x3F9B] =	sst s1;
	(tag) =	ssettag s2;
	_ =	strace s9  }
0x27: {  	s1 =	sld [smem:$0x3FAB]  }
0x28: {  	s2 =	sld [smem:$0x3FAC]  }
0x29: {  	s4 =	sld [smem:$0x3FAE]  }
0x2a: {  	p0 =	seq.s32 s5, $0x0;
	s5 =	sld [smem:$0x3FAF]  }
0x2b: {  	s6 =	sld [smem:$0x3FB0]  }
0x2c: {  	s7 =	sld [smem:$0x3FB1]  }
0x2d: {  	s3 =	simm.s32 $0x108;
	s8 =	sld [smem:$0x3FB2]  }
0x2e: {  	s3 =	simm.s32 @!p0 $0x1082;
	s9 =	sld [smem:$0x3FB3]  }
0x2f: {  	lr =	sadd.s32 s0, s3;
	s0 =	sld [smem:$0x3FAA]  }
0x30: {  	s3 =	sld [smem:$0x3FAD]  }
0x31: {  	[smem:$0x3FB6] =	sst s10  }
0x32: {  	s10 =	sld [smem:$0x3FB4];
	_ =	sdelay $0x3  }
0x33: {  	p0 =	seq.s32 s10, $0x1;
	s10 =	sld [smem:$0x3FB6];
	_ =	sdelay $0x3  }
0x34: {  	[smem:$0x3FB6] =	sst s10  }
0x35: {  	s10 =	sld [smem:$0x3FB5];
	_ =	sdelay $0x3  }
0x36: {  	p1 =	seq.s32 s10, $0x1;
	s10 =	sld [smem:$0x3FB6];
	_ =	sdelay $0x3  }
0x37: {  	[smem:$0x3FB6] =	sst s10  }
0x38: {  	s10 =	sld [smem:$0x3FB7]  }
0x39: {  	_ = 	snop;
	(pc) =	sbr.ind lr, $3  }
0x3a: {  	_ = 	snop  }
0x3b: {  	_ = 	snop  }
0x3c: {  	p2 =	seq.s32 s10, $0x1;
	s10 =	sld [smem:$0x3FB6]  }
0x3d: {  	_ =	shalt  }
0x3e: {  	_ =	shalt  }
0x3f: {  	_ =	shalt  }
0x40: {  	_ =	shalt  }
0x41: {  	_ =	shalt  }
0x42: {  	_ =	shalt  }
0x43: {  	_ =	shalt  }
0x44: {  	_ =	shalt  }
0x45: {  	_ =	shalt  }
0x46: {  	_ =	shalt  }
0x47: {  	_ =	shalt  }
0x48: {  	_ =	shalt  }
0x49: {  	_ =	shalt  }
0x4a: {  	_ =	shalt  }
0x4b: {  	_ =	shalt  }
0x4c: {  	_ =	shalt  }
0x4d: {  	_ =	shalt  }
0x4e: {  	_ =	shalt  }
0x4f: {  	_ =	shalt  }
0x50: {  	_ =	shalt  }
0x51: {  	_ =	shalt  }
0x52: {  	_ =	shalt  }
0x53: {  	_ =	shalt  }
0x54: {  	_ =	shalt  }
0x55: {  	_ =	shalt  }
0x56: {  	_ =	shalt  }
0x57: {  	_ =	shalt  }
0x58: {  	_ =	shalt  }
0x59: {  	_ =	shalt  }
0x5a: {  	_ =	shalt  }
0x5b: {  	_ =	shalt  }
0x5c: {  	_ =	shalt  }
0x5d: {  	_ =	shalt  }
0x5e: {  	_ =	shalt  }
0x5f: {  	_ =	shalt  }
0x60: {  	_ =	shalt  }
0x61: {  	_ =	shalt  }
0x62: {  	_ =	shalt  }
0x63: {  	_ =	shalt  }
0x64: {  	_ =	shalt  }
0x65: {  	_ =	shalt  }
0x66: {  	_ =	shalt  }
0x67: {  	_ =	shalt  }
0x68: {  	_ =	shalt  }
0x69: {  	_ =	shalt  }
0x6a: {  	_ =	shalt  }
0x6b: {  	_ =	shalt  }
0x6c: {  	_ =	shalt  }
0x6d: {  	_ =	shalt  }
0x6e: {  	_ =	shalt  }
0x6f: {  	_ =	shalt  }
0x70: {  	_ =	shalt  }
0x71: {  	_ =	shalt  }
0x72: {  	_ =	shalt  }
0x73: {  	_ =	shalt  }
0x74: {  	_ =	shalt  }
0x75: {  	_ =	shalt  }
0x76: {  	_ =	shalt  }
0x77: {  	_ =	shalt  }
0x78: {  	_ =	shalt  }
0x79: {  	_ =	shalt  }
0x7a: {  	_ =	shalt  }
0x7b: {  	_ =	shalt  }
0x7c: {  	_ =	shalt  }
0x7d: {  	_ =	shalt  }
0x7e: {  	_ =	shalt  }
0x7f: {  	_ =	shalt  }
0x80: {  	_ =	shalt  }
0x81: {  	_ =	shalt  }
0x82: {  	_ =	shalt  }
0x83: {  	_ =	shalt  }
0x84: {  	_ =	shalt  }
0x85: {  	_ =	shalt  }
0x86: {  	_ =	shalt  }
0x87: {  	_ =	shalt  }
.Lfunc_end0:
.L_simem_size_0:
called_computation.1_lowered:
.L_overlay_start_0:
0x88: {  	s2 =	sld [smem:$0x3FD9]  }
0x89: {  	s3 =	sld [smem:$0x3FFE];
	_ =	sdelay $0x1  }
0x8a: {  	s1 =	srdreg.scid  }
0x8b: {  	s0 =	sand.u32 $0x1, s1  }
0x8c: {  	s17 =	sshll.u32 s0, $0xA;
	s2 =	sadd.s32 s3, s2  }
0x8d: {  	s2 =	sadd.s32 s2, s17  }
0x8e: {  	[smem:$0x3FC2] =	sst s2  }
0x8f: {  	_ = 	snop  }
0x90: {  	s2 =	sld [smem:$0x3FD0];
	(tm) =	ssettm $0x1  }
0x91: {  	s18 =	sld [smem:$0x3FFB];
	_ =	sdelay $0x3  }
0x92: {  	_ =	strace s18  }
0x93: {  	s3 =	sld [smem:$0x3FFC];
	_ =	sdelay $0x3  }
0x94: {  	_ =	strace s3  }
0x95: {  	s3 =	sld [smem:$0x3FFD];
	_ =	sdelay $0x3  }
0x96: {  	_ =	strace s3  }
0x97: {  	_ =	strace $0x8FFFFFFF  }
0x98: {  	s19 =	sld [smem:$0x3FDB];
	_ =	sdelay $0x1  }
0x99: {  	s4 =	simm.s32 $_scs_section_size  }
0x9a: {  	s5 =	simm.s32 $_size__tile_overlayer_lowered;
	s6 =	simm.s32 $_tile_overlayer_lowered  }
0x9b: {  	s22 =	simm.s32 $0x1BFF;
	s21 =	sshll.u32 s6, $0x1;
	s3 =	sadd.s32 s4, s19  }
0x9c: {  	s7 =	simm.s32 $0x0;
	s20 =	sshll.u32 s5, $0x1;
	s5 =	sadd.s32 s21, s3  }
0x9d: {  	[timem:s7], [sflag:s22] =	dma.local [hbm:s5], s20  }
0x9e: {  	_ =	swait.ge [sflag:s22], s20  }
0x9f: {  	s4 =	ssub.s32 $0x0, s20;
	[sflag:s22] =	ssyncset.done $0x0  }
0xa0: {  	[sflag:s22] =	ssyncadd.s32 s4;
	_ =	sdelay $0x1  }
0xa1: {  	s23 =	simm.s32 $0x1B8B  }
0xa2: {  	_ =	swait.ge [sflag:s23], $0x1  }
0xa3: {  	[sflag:s23] =	ssyncset.done $0x0  }
0xa4: {  	s25 =	simm.s32 $0x1B8E;
	s24 =	sld [smem:$0x3FFE];
	[sflag:s23] =	ssyncadd.s32 $0xFFFFFFFF  }
0xa5: {  	s26 =	simm.s32 $execute0_lowered;
	[smem:$0x3FD2] =	sst s25  }
0xa6: {  	s5 =	sshll.u32 s26, $0x1;
	_ =	strace $0x80000046;
	[dreg:$0x1] =	wrdreg $0xFFFFFFFF  }
0xa7: {  	s28 =	simm.s32 $_size_execute0_lowered;
	s3 =	sadd.s32 s3, s5;
	[dreg:$0x0] =	wrdreg $0x0  }
0xa8: {  	s5 =	sshll.u32 s28, $0x1;
	[dreg:$0x2] =	wrdreg s3  }
0xa9: {  	[dreg:$0x3] =	wrdreg s5  }
0xaa: {  	[dreg:$0x4] =	wrdreg $0xC0  }
0xab: {  	_ =	task [dreg:s7], $0x5FFFF  }
0xac: {  	[dreg:$0x1] =	wrdreg $0xFFFFFFFF  }
0xad: {  	[dreg:$0x0] =	wrdreg $0x60  }
0xae: {  	[dreg:$0x2] =	wrdreg s24  }
0xaf: {  	[dreg:$0x3] =	wrdreg s2  }
0xb0: {  	[dreg:$0x4] =	wrdreg $0x9  }
0xb1: {  	_ =	task.clear_ibuf [dreg:s7], $0x5FFFF;
	_ =	strace $0x90000046  }
0xb2: {  	s29 =	simm.s32 $0x9;
	_ =	strace $0x80000048  }
0xb3: {  	_ =	swait.ge [sflag:s29], $0x1  }
0xb4: {  	[sflag:s29] =	ssyncadd.s32 $0xFFFFFFFF  }
0xb5: {  	_ =	strace $0x90000048  }
0xb6: {  	_ =	sfence  }
0xb7: {  	s30 =	sld [smem:$0x0];
	_ =	sdelay $0x2  }
0xb8: {  	s31 =	sshll.u32 s1, $0xD;
	s1 =	sshrl.u32 s1, $0x2  }
0xb9: {  	s3 =	sand.u32 $0x4000, s31;
	s1 =	sadd.s32 s1, s30  }
0xba: {  	s0 =	sor.u32 s3, s0;
	s1 =	sshll.u32 s1, $0x11  }
0xbb: {  	s0 =	sor.u32 s1, s0  }
0xbc: {  	s0 =	sadd.s32 $0x8F2B, s0  }
0xbd: {  	[sflag:s0] =	ssyncadd.remote.s32 $0x1  }
0xbe: {  	_ =	sfence.sel $0xFFFF  }
0xbf: {  	[dreg:$0x0] =	wrdreg $0xFFFFFFFF;
	(pc) =	sbr.abs _section_cstart, $3  }
0xc0: {  	[dreg:$0x1] =	wrdreg $0xFFFFFFFF  }
0xc1: {  	_ =	task.clear_ibuf [dreg:s7], $0x2FFFF;
	_ =	strace $0x9FFFFFFF  }
0xc2: {  	(tm) =	ssettm $0x7FFFFFFF  }
0xc3: {  	_ =	shalt  }
tec
execute0_lowered:
.L_overlay_start_1:
0x0: {  	(tag) =	ssettag $0x1  }
0x1: {  	s1 =	rddreg [dreg:$0x0];
	s3 =	srdreg.scid  }
0x2: {  	s0 =	stileid.u32;
	s2 =	rddreg [dreg:$0x1]  }
0x3: {  	s11 =	simm.s32 $0x5;
	s12 =	simm.s32 $0x6400;
	s13 =	simm.s32 $0xC800  }
0x4: {  	s14 =	simm.s32 $0xE120;
	s15 =	simm.s32 $0x80;
	s16 =	simm.s32 $0xE160  }
0x5: {  	s17 =	simm.s32 $0xF160;
	s18 =	simm.s32 $0x1;
	s19 =	simm.s32 $0x10160  }
0x6: {  	s20 =	simm.s32 $0x2;
	s21 =	simm.s32 $0x11160;
	s22 =	simm.s32 $0x3  }
0x7: {  	s23 =	simm.s32 $0x4;
	s24 =	simm.s32 $0x0;
	s4 =	sand.u32 $0x1, s3  }
0x8: {  	vm0 =	vmmov $0x1;
	s5 =	sshll.u32 s0, $0x1;
	s3 =	simm.s32 $0x0;
	s6 =	sadd.s32 $0x33600, s1  }
.Ltmp0:
0x9: {  	vm1 =	vcmask $0x320;
	vm2 =	vcmask $0x720;
	vm3 =	vcmask $0xB20;
	s9 =	sor.u32 s4, s5;
	[smem:$0x7FF] =	sst s3;
	(pc) =	sbr.rel .LBB2_1-.Ltmp0, $4  }
0xa: {  	vm4 =	vcmask $0xF20;
	vm5 =	vcmask $0x1320;
	vm6 =	vcmask $0x1720;
	s7 =	ssub.s32 $0x2, s4;
	s4 =	sadd.s32 $0xF43600, s1;
	s5 =	smul.u32 $0xC80, s9  }
0xb: {  	vm7 =	vcmask $0x1B20;
	vm8 =	vcmask $0x2320;
	vm9 =	vmmov $0x1ff;
	_ =	strace $0x80000047;
	s10 =	sshrl.u32 s7, $0x1;
	s9 =	smul.u32 $0xC8000, s9  }
0xc: {  	vm10 =	vmmov $0x3ff;
	vm11 =	vmmov $0x7ff;
	vm12 =	vmmov $0xfff;
	s31 =	ssub.s32 s7, s10;
	s8 =	sadd.s32 s5, s1;
	s5 =	sadd.s32 $0x33200, s1  }
0xd: {  	vm13 =	vmmov $0x1fff;
	vm14 =	vmmov $0x3fff;
	vm15 =	vmmov $0x7fff;
	s10 =	smax.u32 s31, $0x1;
	s7 =	sadd.s32 $0x1A200, s8;
	s8 =	sadd.s32 $0x1200, s8  }
.LBB2_8:
0xe: {  	s24 =	sadd.s32 $0x1, s24  }
0xf: {  	_ =	swait.ge [sflag:s22], $0x1000;
	p0 =	sne.s32 s24, s10  }
.Ltmp1:
0x10: {  	[sflag:s22] =	ssyncset.done $0x0;
	(pc) =	sbr.rel @!p0 .LBB2_9-.Ltmp1, $4  }
0x11: {  	[sflag:s22] =	ssyncadd.s32 $0xFFFFF000  }
0x12: {  	_ =	swait.ge [sflag:s23], $0x1000  }
0x13: {  	[sflag:s23] =	ssyncset.done $0x0  }
0x14: {  	[sflag:s23] =	ssyncadd.s32 $0xFFFFF000  }
.LBB2_1:
0x15: {  	[tilespmem:s3], [sflag:$0x5] =	stream.linear.gather [hbm4b:s7+s3], $0x6400, $0x38;
	[tilespmem:$0x12160] =	vst v63  }
0x16: {  	_ =	swait.ge [sflag:s11], $0x6400  }
0x17: {  	[sflag:s11] =	ssyncset.done $0x0  }
0x18: {  	[sflag:s11] =	ssyncadd.s32 $0xFFFF9C00  }
0x19: {  	[tilespmem:s12], [sflag:$0x5] =	stream.linear.gather [hbm4b:s8+s3], $0x6400, $0x38;
	[tilespmem:$0x12160] =	vst v63  }
0x1a: {  	_ =	swait.ge [sflag:s11], $0x6400  }
0x1b: {  	[sflag:s11] =	ssyncset.done $0x0  }
0x1c: {  	[sflag:s11] =	ssyncadd.s32 $0xFFFF9C00  }
0x1d: {  	[tilespmem:s13], [sflag:$0x5] =	stream.linear.gather [hbm4b:s5+s3], $0x1920, $0x38;
	[tilespmem:$0x12160] =	vst v63  }
0x1e: {  	_ =	swait.ge [sflag:s11], $0x1920  }
0x1f: {  	[sflag:s11] =	ssyncset.done $0x0  }
0x20: {  	[sflag:s11] =	ssyncadd.s32 $0xFFFFE6E0  }
0x21: {  	[tilespmem:s14], [sflag:$0x5] =	stream.linear.gather [hbm4b:s6+s3], $0x40, $0x38;
	[tilespmem:$0x12160] =	vst v63  }
0x22: {  	_ =	swait.ge [sflag:s11], $0x40  }
0x23: {  	[sflag:s11] =	ssyncset.done $0x0  }
0x24: {  	[sflag:s11] =	ssyncadd.s32 $0xFFFFFFC0  }
0x25: {  	v62 =	vld [tilespmem:$0xE120]  }
0x26: {  	v1 =	vld [tilespmem:$0xE130]  }
0x27: {  	v3 =	vld [tilespmem:$0xE140]  }
0x28: {  	v2 =	vld [tilespmem:$0xE150];
	[tilespmem:s16], [sflag:$0x1] =	stream.indirect.gather [hbm4b:s4+s15], $0x20, s3, s15, $0xb8  }
0x29: {  	s25 =	simm.s32 $0x0  }
0x2a: {  	[tilespmem:s17], [sflag:$0x2] =	stream.indirect.gather [hbm4b:s4+s15], $0x20, s15, s15, $0xb8;
	[tilespmem:$0x12160] =	vst v63  }
.LBB2_2:
0x2b: {  	_ =	swait.ge [sflag:s18], $0x1000  }
0x2c: {  	p0 =	seq.s32 s25, $0x0;
	s29 =	sshll.u32 s25, $0xA;
	[sflag:s18] =	ssyncset.done $0x0  }
0x2d: {  	s1 =	simm.s32 @!p0 $0x3;
	s26 =	sshrl.u32 s29, $0x2;
	[sflag:s18] =	ssyncadd.s32 $0xFFFFF000  }
0x2e: {  	s30 =	sadd.s32 $0x6400, s26;
	_ =	swait.ge @!p0 [sflag:s1], $0x1000  }
0x2f: {  	s28 =	sshll.u32 s25, $0x1;
	v0 =	vmov s30;
	[sflag:s1] =	ssyncset.done @!p0 $0x0  }
0x30: {  	p1 =	por $0x1, $0x1;
	[tilespmem:$0x1FFF0] =	vst v0;
	[sflag:s1] =	ssyncadd.s32 @!p0 $0xFFFFF000;
	s1 =	simm.s32 $0x0  }
.LBB2_3:
0x31: {  	v43 =	vld [tilespmem:$0x1FFF0];
	_ =	sdelay $0x5  }
0x32: {  	s31 =	sshll.u32 s1, $0x4  }
0x33: {  	s30 =	sand.u32 $0x3FFFFFF0, s31  }
0x34: {  	v4 =	vld.idx.msk [tilespmem:v43+s30+$0x0 ss:$0x1], $0xffff;
	_ =	sdelay $0x4  }
0x35: {  	v4 =	vshll.u32 v4, $0x7  }
0x36: {  	v5 =	vshra.s32 v4, $0x2  }
0x37: {  	(v2sf) =	vpush v5, $0x0;
	_ =	sdelay $0x1  }
0x38: {  	(v2sf) =	vpush v5, $0x1;
	_ =	sdelay $0x1  }
0x39: {  	(v2sf) =	vpush v5, $0x2;
	_ =	sdelay $0x3  }
0x3a: {  	s30 =	sshll.u32 s1, $0x9  }
0x3b: {  	v7 =	vld [tilespmem:s30+$0xE170]  }
0x3c: {  	v9 =	vld [tilespmem:s30+$0xE180]  }
0x3d: {  	v11 =	vld [tilespmem:s30+$0xE190];
	(v2sf) =	vpush v5, $0x3  }
0x3e: {  	v13 =	vld [tilespmem:s30+$0xE1A0]  }
0x3f: {  	v18 =	vld [tilespmem:s30+$0xE1B0]  }
0x40: {  	v20 =	vld [tilespmem:s30+$0xE1C0]  }
0x41: {  	v22 =	vld [tilespmem:s30+$0xE1D0];
	s0 =	spop (v2sf);
	(v2sf) =	vpush v5, $0x4  }
0x42: {  	v6 =	vld [tilespmem:s0+$0xC800]  }
0x43: {  	v8 =	vld [tilespmem:s0+$0xC810];
	s0 =	spop (v2sf);
	(v2sf) =	vpush v5, $0x5  }
0x44: {  	v10 =	vld [tilespmem:s0+$0xC800]  }
0x45: {  	v12 =	vld [tilespmem:s0+$0xC810];
	s0 =	spop (v2sf);
	(v2sf) =	vpush v5, $0x6  }
0x46: {  	v24 =	vld [tilespmem:s30+$0xE1E0]  }
0x47: {  	v26 =	vld [tilespmem:s30+$0xE1F0]  }
0x48: {  	v42 =	vld [tilespmem:s30+$0xE200];
	(v2sf) =	vpush v5, $0x7  }
0x49: {  	v4 =	vld [tilespmem:s30+$0xE160]  }
0x4a: {  	v29 =	vld [tilespmem:s30+$0xE210]  }
0x4b: {  	v15 =	vld [tilespmem:s0+$0xC800]  }
0x4c: {  	v19 =	vld [tilespmem:s0+$0xC810];
	s0 =	spop (v2sf)  }
0x4d: {  	v21 =	vld [tilespmem:s0+$0xC800]  }
0x4e: {  	v23 =	vld [tilespmem:s0+$0xC810];
	v16 =	vadd.f32 v6, v4  }
0x4f: {  	v49 =	vld [tilespmem:s30+$0xE220];
	v17 =	vadd.f32 v8, v7  }
0x50: {  	v53 =	vld [tilespmem:s30+$0xE230];
	v14 =	vadd.f32 v10, v9;
	v9 =	vadd.f32 v12, v11;
	v44 =	vmul.f32 v16, v16;
	s0 =	spop (v2sf)  }
0x51: {  	v46 =	vadd.f32 v17, v16;
	v27 =	vmul.f32 v17, v17;
	v10 =	vadd.f32 v15, v13;
	v25 =	vld [tilespmem:s0+$0xC800]  }
0x52: {  	v11 =	vadd.f32 v19, v18;
	v28 =	vmul.f32 v14, v14;
	v48 =	vadd.f32 v9, v14;
	v4 =	vld [tilespmem:s0+$0xC810];
	s0 =	spop (v2sf)  }
0x53: {  	v30 =	vmul.f32 v9, v9;
	v20 =	vadd.f32 v21, v20;
	v15 =	vadd.f32 v23, v22;
	v45 =	vld [tilespmem:s0+$0xC800]  }
0x54: {  	v7 =	vadd.f32 v27, v44;
	v31 =	vmul.f32 v10, v10;
	v32 =	vmul.f32 v11, v11;
	v47 =	vld [tilespmem:s0+$0xC810];
	s0 =	spop (v2sf)  }
0x55: {  	v51 =	vadd.f32 v11, v10;
	(xrf2) =	vadd.scan.msk.f32 $0xffff, v46;
	v56 =	vmul.f32 v20, v20;
	v59 =	vmul.f32 v15, v15;
	v52 =	vld [tilespmem:s0+$0xC800]  }
0x56: {  	v50 =	vadd.f32 v30, v28;
	v58 =	vadd.f32 v15, v20;
	(xrf2) =	vadd.scan.msk.f32 $0xffff, v7;
	v54 =	vld [tilespmem:s0+$0xC810]  }
0x57: {  	v57 =	vld [tilespmem:s30+$0xE240];
	v55 =	vadd.f32 v32, v31;
	(xrf2) =	vadd.scan.msk.f32 $0xffff, v48;
	v34 =	vadd.f32 v59, v56;
	s0 =	spop (v2sf)  }
0x58: {  	(xrf2) =	vadd.scan.msk.f32 $0xffff, v50;
	v61 =	vld [tilespmem:s0+$0xC800];
	v12 =	vadd.f32 v25, v24;
	v18 =	vadd.f32 v4, v26  }
0x59: {  	v33 =	vld [tilespmem:s30+$0xE250];
	(xrf2) =	vadd.scan.msk.f32 $0xffff, v51;
	v19 =	vadd.f32 v45, v42;
	v4 =	vadd.f32 v47, v29  }
0x5a: {  	(xrf2) =	vadd.scan.msk.f32 $0xffff, v55;
	v36 =	vld [tilespmem:s0+$0xC810];
	v60 =	vmul.f32 v12, v12;
	v63 =	vmul.f32 v18, v18;
	v35 =	vadd.f32 v18, v12  }
0x5b: {  	(xrf2) =	vadd.scan.msk.f32 $0xffff, v58;
	v8 =	vadd.f32 v52, v49;
	v6 =	vadd.f32 v54, v53  }
0x5c: {  	(xrf2) =	vadd.scan.msk.f32 $0xffff, v34;
	v38 =	vmul.f32 v19, v19;
	v39 =	vmul.f32 v4, v4;
	v37 =	vadd.f32 v63, v60  }
0x5d: {  	v40 =	vadd.f32 v4, v19;
	v13 =	vadd.f32 v61, v57;
	(xrf2) =	vadd.scan.msk.f32 $0xffff, v35  }
0x5e: {  	v44 =	vmul.f32 v8, v8;
	v45 =	vmul.f32 v6, v6;
	v41 =	vadd.f32 v39, v38;
	(xrf2) =	vadd.scan.msk.f32 $0xffff, v37  }
0x5f: {  	v46, _, _ =	vpop (xrf2);
	v7 =	vadd.f32 v36, v33;
	v42 =	vadd.f32 v6, v8;
	(xrf2) =	vadd.scan.msk.f32 $0xffff, v40  }
0x60: {  	v47, _, _ =	vpop (xrf2);
	v48 =	vadd.f32 v45, v44;
	(xrf2) =	vadd.scan.msk.f32 $0xffff, v41  }
0x61: {  	v49, _, _ =	vpop (xrf2);
	v50 =	vadd.f32 v7, v13;
	v51 =	vmul.f32 v13, v13;
	v52 =	vmul.f32 v7, v7;
	(xrf2) =	vadd.scan.msk.f32 $0xffff, v42  }
0x62: {  	v53, _, _ =	vpop (xrf2);
	(xrf2) =	vadd.scan.msk.f32 $0xffff, v48  }
0x63: {  	v54, _, _ =	vpop (xrf2);
	v55 =	vadd.f32 v52, v51;
	(xrf2) =	vadd.scan.msk.f32 $0xffff, v50  }
0x64: {  	v56, _, _ =	vpop (xrf2)  }
0x65: {  	v57, _, _ =	vpop (xrf2);
	(xrf2) =	vadd.scan.msk.f32 $0xffff, v55  }
0x66: {  	v58 =	vbroadcast v46, $0xF;
	v22 =	vbroadcast v47, $0xF;
	v59, _, _ =	vpop (xrf2)  }
0x67: {  	v24 =	vbroadcast v49, $0xF;
	v60, _, _ =	vpop (xrf2)  }
0x68: {  	v23 =	vnsel vm0, $0x0, v58;
	v22 =	vnsel vm0, $0x0, v22;
	v28 =	vbroadcast v53, $0xF;
	v61, _, _ =	vpop (xrf2)  }
0x69: {  	v23 =	vsel vm1, v23, v24;
	v21 =	vbroadcast v54, $0xF;
	v63 =	vbroadcast v56, $0xF;
	v32, _, _ =	vpop (xrf2)  }
0x6a: {  	v22 =	vsel vm1, v22, v28;
	v26 =	vbroadcast v57, $0xF;
	v27 =	vbroadcast v59, $0xF;
	v33, _, _ =	vpop (xrf2)  }
0x6b: {  	v21 =	vsel vm2, v23, v21;
	v22 =	vsel vm2, v22, v63;
	v34 =	vbroadcast v60, $0xF;
	v35, _, _ =	vpop (xrf2)  }
0x6c: {  	v21 =	vsel vm3, v21, v26;
	v22 =	vsel vm3, v22, v27;
	v25 =	vbroadcast v32, $0xF;
	v36, _, _ =	vpop (xrf2)  }
0x6d: {  	v37 =	vbroadcast v61, $0xF;
	v21 =	vsel vm4, v21, v34;
	v38 =	vbroadcast v35, $0xF;
	v39, _, _ =	vpop (xrf2)  }
0x6e: {  	v28 =	vbroadcast v33, $0xF;
	v21 =	vsel vm5, v21, v25;
	v24 =	vbroadcast v39, $0xF  }
0x6f: {  	v22 =	vsel vm4, v22, v37;
	v40 =	vbroadcast v36, $0xF;
	v21 =	vsel vm6, v21, v38;
	v41, _, _ =	vpop (xrf2)  }
0x70: {  	v22 =	vsel vm5, v22, v28;
	v23 =	vbroadcast v41, $0xF;
	v21 =	vsel vm7, v21, v24  }
0x71: {  	v22 =	vsel vm6, v22, v40;
	v21 =	vmul.f32 $3.125000000e-02, v21  }
0x72: {  	v22 =	vsel vm7, v22, v23  }
0x73: {  	v22 =	vmul.f32 $3.125000000e-02, v22;
	v42 =	vmul.f32 v21, v21;
	_ =	sdelay $0x1  }
0x74: {  	v22 =	vsub.f32 v22, v42;
	_ =	sdelay $0x1  }
0x75: {  	v22 =	vadd.f32 $9.999999740e-06, v22;
	_ =	sdelay $0x1  }
0x76: {  	v44 =	vshra.s32 v22, $0x1;
	v22 =	vmul.f32 $5.000000000e-01, v22  }
0x77: {  	v23 =	vsub.s32 $0x5F3759DF, v44  }
0x78: {  	v45 =	vmul.f32 v23, v22;
	_ =	sdelay $0x1  }
0x79: {  	v24 =	vmul.f32 v23, v45;
	_ =	sdelay $0x1  }
0x7a: {  	v24 =	vsub.f32 $1.500000000e+00, v24;
	_ =	sdelay $0x1  }
0x7b: {  	v23 =	vmul.f32 v23, v24;
	_ =	sdelay $0x1  }
0x7c: {  	v24 =	vmul.f32 v23, v22;
	_ =	sdelay $0x1  }
0x7d: {  	v24 =	vmul.f32 v24, v23;
	_ =	sdelay $0x1  }
0x7e: {  	v24 =	vsub.f32 $1.500000000e+00, v24;
	_ =	sdelay $0x1  }
0x7f: {  	v23 =	vmul.f32 v24, v23  }
0x80: {  	(v2sf) =	vpush v5, $0x8  }
0x81: {  	(v2sf) =	vpush v5, $0x9;
	v46 =	vbroadcast v21, $0x0;
	v22 =	vmul.f32 v23, v22  }
0x82: {  	(v2sf) =	vpush v5, $0xA;
	v48 =	vbroadcast v21, $0x1;
	v50 =	vbroadcast v21, $0x2  }
0x83: {  	(v2sf) =	vpush v5, $0xB;
	v51 =	vbroadcast v21, $0x3;
	v22 =	vmul.f32 v22, v23  }
0x84: {  	v54 =	vbroadcast v21, $0x4;
	v16 =	vsub.f32 v16, v46;
	v17 =	vsub.f32 v17, v46  }
0x85: {  	v56 =	vbroadcast v21, $0x5;
	v14 =	vsub.f32 v14, v48;
	v22 =	vsub.f32 $1.500000000e+00, v22  }
0x86: {  	v63 =	vbroadcast v21, $0x6;
	v9 =	vsub.f32 v9, v48;
	v10 =	vsub.f32 v10, v50  }
0x87: {  	v11 =	vsub.f32 v11, v50;
	v20 =	vsub.f32 v20, v51;
	v22 =	vmul.f32 v22, v23  }
0x88: {  	v27 =	vbroadcast v21, $0x7;
	v15 =	vsub.f32 v15, v51;
	v12 =	vsub.f32 v12, v54  }
0x89: {  	v18 =	vsub.f32 v18, v54;
	v47 =	vbroadcast v22, $0x0;
	v49 =	vbroadcast v22, $0x1  }
0x8a: {  	v19 =	vsub.f32 v19, v56;
	v52 =	vbroadcast v22, $0x2;
	v53 =	vbroadcast v22, $0x3  }
0x8b: {  	v4 =	vsub.f32 v4, v56;
	v55 =	vbroadcast v22, $0x4;
	v57 =	vbroadcast v22, $0x5  }
0x8c: {  	v8 =	vsub.f32 v8, v63;
	v26 =	vbroadcast v22, $0x6;
	v16 =	vmul.f32 v47, v16  }
0x8d: {  	v6 =	vsub.f32 v6, v63;
	v28 =	vbroadcast v22, $0x7;
	v17 =	vmul.f32 v47, v17  }
0x8e: {  	v13 =	vsub.f32 v13, v27;
	v14 =	vmul.f32 v49, v14;
	v16 =	vmul.f32 v16, v62  }
0x8f: {  	v7 =	vsub.f32 v7, v27;
	v9 =	vmul.f32 v49, v9;
	v17 =	vmul.f32 v17, v1  }
0x90: {  	v10 =	vmul.f32 v52, v10;
	v14 =	vmul.f32 v14, v62;
	v16 =	vadd.f32 v16, v3  }
0x91: {  	v11 =	vmul.f32 v52, v11;
	v9 =	vmul.f32 v9, v1;
	v17 =	vadd.f32 v17, v2  }
0x92: {  	v20 =	vmul.f32 v53, v20;
	v10 =	vmul.f32 v10, v62;
	v14 =	vadd.f32 v14, v3;
	[tilespmem:s30+$0x10160] =	vst v16  }
0x93: {  	v15 =	vmul.f32 v53, v15;
	v11 =	vmul.f32 v11, v1;
	v9 =	vadd.f32 v9, v2;
	[tilespmem:s30+$0x10170] =	vst v17  }
0x94: {  	v12 =	vmul.f32 v55, v12;
	v20 =	vmul.f32 v20, v62;
	v10 =	vadd.f32 v10, v3;
	[tilespmem:s30+$0x10180] =	vst v14  }
0x95: {  	v18 =	vmul.f32 v55, v18;
	v15 =	vmul.f32 v15, v1;
	v11 =	vadd.f32 v11, v2;
	[tilespmem:s30+$0x10190] =	vst v9  }
0x96: {  	v4 =	vmul.f32 v57, v4;
	v12 =	vmul.f32 v12, v62;
	v59 =	vadd.f32 v20, v3;
	[tilespmem:s30+$0x101A0] =	vst v10  }
0x97: {  	v8 =	vmul.f32 v26, v8;
	v58 =	vmul.f32 v18, v1;
	v15 =	vadd.f32 v15, v2;
	[tilespmem:s30+$0x101B0] =	vst v11  }
0x98: {  	v29 =	vmul.f32 v28, v13;
	v4 =	vmul.f32 v4, v1;
	v12 =	vadd.f32 v12, v3;
	[tilespmem:s30+$0x101C0] =	vst v59  }
0x99: {  	v34 =	vld [tilespmem:s30+$0xE270];
	v6 =	vmul.f32 v26, v6;
	v8 =	vmul.f32 v8, v62;
	v61 =	vadd.f32 v58, v2;
	[tilespmem:s30+$0x101D0] =	vst v15  }
0x9a: {  	v37 =	vld [tilespmem:s30+$0xE290];
	v60 =	vmul.f32 v57, v19;
	v30 =	vmul.f32 v29, v62;
	v4 =	vadd.f32 v4, v2;
	[tilespmem:s30+$0x101E0] =	vst v12  }
0x9b: {  	v35 =	vld [tilespmem:s30+$0xE280];
	v7 =	vmul.f32 v28, v7;
	v6 =	vmul.f32 v6, v1;
	v8 =	vadd.f32 v8, v3;
	[tilespmem:s30+$0x101F0] =	vst v61  }
0x9c: {  	v38 =	vld [tilespmem:s30+$0xE2A0];
	v25 =	vmul.f32 v60, v62;
	v32 =	vadd.f32 v30, v3;
	[tilespmem:s30+$0x10210] =	vst v4  }
0x9d: {  	v39 =	vld [tilespmem:s30+$0xE2B0];
	v31 =	vmul.f32 v7, v1;
	v4 =	vadd.f32 v6, v2;
	[tilespmem:s30+$0x10220] =	vst v8  }
0x9e: {  	(v2sf) =	vpush v5, $0xC;
	v41 =	vld [tilespmem:s30+$0xE2C0];
	v9 =	vadd.f32 v25, v3;
	[tilespmem:s30+$0x10240] =	vst v32  }
0x9f: {  	v46 =	vld [tilespmem:s30+$0xE2F0];
	[tilespmem:s30+$0x10230] =	vst v4;
	v4 =	vadd.f32 v31, v2  }
0xa0: {  	s0 =	spop (v2sf);
	(v2sf) =	vpush v5, $0xD;
	v50 =	vld [tilespmem:s30+$0xE300];
	[tilespmem:s30+$0x10200] =	vst v9  }
0xa1: {  	[tilespmem:s30+$0x10250] =	vst v4;
	v4 =	vld [tilespmem:s30+$0xE260]  }
0xa2: {  	v33 =	vld [tilespmem:s0+$0xC800]  }
0xa3: {  	v8 =	vld [tilespmem:s0+$0xC810];
	s0 =	spop (v2sf)  }
0xa4: {  	(v2sf) =	vpush v5, $0xE;
	v36 =	vld [tilespmem:s0+$0xC800]  }
0xa5: {  	v12 =	vld [tilespmem:s0+$0xC810];
	s0 =	spop (v2sf)  }
0xa6: {  	v14 =	vld [tilespmem:s0+$0xC800]  }
0xa7: {  	v40 =	vld [tilespmem:s0+$0xC810];
	s0 =	spop (v2sf);
	(v2sf) =	vpush v5, $0xF  }
0xa8: {  	v54 =	vld [tilespmem:s30+$0xE310]  }
0xa9: {  	v45 =	vld [tilespmem:s30+$0xE2E0]  }
0xaa: {  	v5 =	vld [tilespmem:s30+$0xE2D0]  }
0xab: {  	v42 =	vld [tilespmem:s0+$0xC800]  }
0xac: {  	v44 =	vld [tilespmem:s0+$0xC810];
	v21 =	vadd.f32 v33, v4;
	v18 =	vadd.f32 v8, v34  }
0xad: {  	v58 =	vld [tilespmem:s30+$0xE320];
	s0 =	spop (v2sf);
	v19 =	vadd.f32 v36, v35  }
0xae: {  	v4 =	vld [tilespmem:s0+$0xC800];
	v17 =	vadd.f32 v12, v37;
	v47 =	vmul.f32 v21, v21;
	v51 =	vadd.f32 v18, v21  }
0xaf: {  	v48 =	vld [tilespmem:s0+$0xC810];
	s0 =	spop (v2sf);
	v49 =	vmul.f32 v18, v18;
	v20 =	vadd.f32 v14, v38;
	v14 =	vadd.f32 v40, v39  }
0xb0: {  	v52 =	vld [tilespmem:s0+$0xC800];
	v53 =	vadd.f32 v17, v19;
	v55 =	vmul.f32 v19, v19;
	v11 =	vadd.f32 v42, v41  }
0xb1: {  	v57 =	vld [tilespmem:s0+$0xC810];
	v56 =	vmul.f32 v17, v17;
	v15 =	vadd.f32 v44, v5;
	v7 =	vadd.f32 v49, v47  }
0xb2: {  	v33 =	vld [tilespmem:s30+$0xE330];
	(xrf2) =	vadd.scan.msk.f32 $0xffff, v51;
	v60 =	vmul.f32 v20, v20;
	v61 =	vadd.f32 v14, v20;
	v63 =	vmul.f32 v14, v14  }
0xb3: {  	v38 =	vld [tilespmem:s30+$0xE340];
	v59 =	vadd.f32 v56, v55;
	v32 =	vmul.f32 v11, v11;
	v16 =	vadd.f32 v4, v45;
	(xrf2) =	vadd.scan.msk.f32 $0xffff, v7;
	s0 =	spop (v2sf)  }
0xb4: {  	v34 =	vmul.f32 v15, v15;
	v4 =	vadd.f32 v48, v46;
	v37 =	vadd.f32 v15, v11;
	(xrf2) =	vadd.scan.msk.f32 $0xffff, v53;
	v5 =	vld [tilespmem:s0+$0xC800]  }
0xb5: {  	v36 =	vadd.f32 v63, v60;
	v12 =	vadd.f32 v52, v50;
	(xrf2) =	vadd.scan.msk.f32 $0xffff, v59;
	v35 =	vld [tilespmem:s0+$0xC810]  }
0xb6: {  	v44 =	vld [tilespmem:s30+$0xE350];
	v6 =	vadd.f32 v57, v54;
	v39 =	vadd.f32 v34, v32;
	(xrf2) =	vadd.scan.msk.f32 $0xffff, v61;
	s0 =	spop (v2sf)  }
0xb7: {  	v40 =	vmul.f32 v16, v16;
	v41 =	vmul.f32 v4, v4;
	v45 =	vadd.f32 v4, v16;
	(xrf2) =	vadd.scan.msk.f32 $0xffff, v36;
	v42 =	vld [tilespmem:s0+$0xC800]  }
0xb8: {  	v27 =	vadd.f32 v6, v12;
	v47 =	vmul.f32 v12, v12;
	v48 =	vmul.f32 v6, v6;
	(xrf2) =	vadd.scan.msk.f32 $0xffff, v37;
	v46 =	vld [tilespmem:s0+$0xC810]  }
0xb9: {  	v24 =	vadd.f32 v41, v40;
	(xrf2) =	vadd.scan.msk.f32 $0xffff, v39;
	v10 =	vadd.f32 v5, v58  }
0xba: {  	(xrf2) =	vadd.scan.msk.f32 $0xffff, v45;
	v7 =	vadd.f32 v35, v33;
	v5 =	vadd.f32 v48, v47  }
0xbb: {  	(xrf2) =	vadd.scan.msk.f32 $0xffff, v24  }
0xbc: {  	v49, _, _ =	vpop (xrf2);
	(xrf2) =	vadd.scan.msk.f32 $0xffff, v27;
	v50 =	vadd.f32 v7, v10;
	v51 =	vmul.f32 v10, v10;
	v52 =	vmul.f32 v7, v7  }
0xbd: {  	v53, _, _ =	vpop (xrf2);
	(xrf2) =	vadd.scan.msk.f32 $0xffff, v5;
	v9 =	vadd.f32 v42, v38;
	v8 =	vadd.f32 v46, v44  }
0xbe: {  	v5, _, _ =	vpop (xrf2);
	(xrf2) =	vadd.scan.msk.f32 $0xffff, v50;
	v54 =	vadd.f32 v52, v51  }
0xbf: {  	v56 =	vadd.f32 v8, v9;
	v57 =	vmul.f32 v9, v9;
	v58 =	vmul.f32 v8, v8;
	v55, _, _ =	vpop (xrf2)  }
0xc0: {  	v59, _, _ =	vpop (xrf2);
	(xrf2) =	vadd.scan.msk.f32 $0xffff, v54  }
0xc1: {  	v61 =	vadd.f32 v58, v57;
	v60, _, _ =	vpop (xrf2);
	(xrf2) =	vadd.scan.msk.f32 $0xffff, v56  }
0xc2: {  	v22 =	vbroadcast v49, $0xF;
	v63, _, _ =	vpop (xrf2)  }
0xc3: {  	v32 =	vbroadcast v53, $0xF;
	v33, _, _ =	vpop (xrf2);
	(xrf2) =	vadd.scan.msk.f32 $0xffff, v61  }
0xc4: {  	v22 =	vnsel vm8, $0x0, v22;
	v5 =	vbroadcast v5, $0xF;
	v23 =	vbroadcast v55, $0xF;
	v34, _, _ =	vpop (xrf2)  }
0xc5: {  	v26 =	vnsel vm8, $0x0, v32;
	v27 =	vbroadcast v59, $0xF;
	v13 =	vbroadcast v60, $0xF;
	v35, _, _ =	vpop (xrf2)  }
0xc6: {  	v5 =	vsel vm9, v22, v5;
	v36 =	vsel vm9, v26, v23;
	v37 =	vbroadcast v63, $0xF;
	v38, _, _ =	vpop (xrf2)  }
0xc7: {  	v5 =	vsel vm10, v5, v27;
	v13 =	vsel vm10, v36, v13;
	v39 =	vbroadcast v34, $0xF;
	v40, _, _ =	vpop (xrf2)  }
0xc8: {  	v41 =	vbroadcast v33, $0xF;
	v5 =	vsel vm11, v5, v37;
	v42 =	vbroadcast v38, $0xF;
	v44, _, _ =	vpop (xrf2)  }
0xc9: {  	v45 =	vbroadcast v35, $0xF;
	v5 =	vsel vm12, v5, v39;
	v46 =	vbroadcast v44, $0xF  }
0xca: {  	v13 =	vsel vm11, v13, v41;
	v24 =	vbroadcast v40, $0xF;
	v5 =	vsel vm13, v5, v42;
	v47, _, _ =	vpop (xrf2)  }
0xcb: {  	v13 =	vsel vm12, v13, v45;
	v23 =	vbroadcast v47, $0xF;
	v5 =	vsel vm14, v5, v46;
	v48, _, _ =	vpop (xrf2)  }
0xcc: {  	v13 =	vsel vm13, v13, v24;
	v5 =	vsel vm15, v5, v48  }
0xcd: {  	v49 =	vsel vm14, v13, v23;
	v50, _, _ =	vpop (xrf2);
	v13 =	vmul.f32 $3.125000000e-02, v5  }
0xce: {  	v5 =	vsel vm15, v49, v50  }
0xcf: {  	v5 =	vmul.f32 $3.125000000e-02, v5;
	v51 =	vmul.f32 v13, v13;
	_ =	sdelay $0x1  }
0xd0: {  	v5 =	vsub.f32 v5, v51;
	_ =	sdelay $0x1  }
0xd1: {  	v5 =	vadd.f32 $9.999999740e-06, v5;
	_ =	sdelay $0x1  }
0xd2: {  	v52 =	vshra.s32 v5, $0x1;
	v53 =	vmul.f32 $5.000000000e-01, v5  }
0xd3: {  	v5 =	vsub.s32 $0x5F3759DF, v52  }
0xd4: {  	v22 =	vmul.f32 v5, v53;
	_ =	sdelay $0x1  }
0xd5: {  	v22 =	vmul.f32 v5, v22;
	_ =	sdelay $0x1  }
0xd6: {  	s0 =	sor.u32 $0x10, s31;
	v22 =	vsub.f32 $1.500000000e+00, v22  }
0xd7: {  	v54 =	vld.idx.msk [tilespmem:v43+s0+$0x0 ss:$0x1], $0xffff  }
0xd8: {  	v22 =	vmul.f32 v5, v22;
	_ =	sdelay $0x1  }
0xd9: {  	v55 =	vmul.f32 v22, v53;
	_ =	sdelay $0x1  }
0xda: {  	v5 =	vshll.u32 v54, $0x7;
	v56 =	vmul.f32 v55, v22  }
0xdb: {  	v5 =	vshra.s32 v5, $0x2  }
0xdc: {  	(v2sf) =	vpush v5, $0x0;
	v24 =	vsub.f32 $1.500000000e+00, v56;
	_ =	sdelay $0x1  }
0xdd: {  	(v2sf) =	vpush v5, $0x1;
	v22 =	vmul.f32 v24, v22;
	_ =	sdelay $0x1  }
0xde: {  	(v2sf) =	vpush v5, $0x2;
	v23 =	vmul.f32 v22, v53;
	_ =	sdelay $0x1  }
0xdf: {  	(v2sf) =	vpush v5, $0x3;
	v23 =	vmul.f32 v23, v22  }
0xe0: {  	v57 =	vbroadcast v13, $0x8  }
0xe1: {  	v58 =	vbroadcast v13, $0x9;
	v61 =	vbroadcast v13, $0xA;
	v23 =	vsub.f32 $1.500000000e+00, v23  }
0xe2: {  	s1 =	sshll.u32 s0, $0x5;
	v34 =	vbroadcast v13, $0xB;
	v36 =	vbroadcast v13, $0xC  }
0xe3: {  	v28 =	vld [tilespmem:s1+$0xE170];
	v21 =	vsub.f32 v21, v57;
	v18 =	vsub.f32 v18, v57;
	v27 =	vmul.f32 v23, v22  }
0xe4: {  	v63 =	vld [tilespmem:s30+$0xE380];
	v48 =	vbroadcast v13, $0xD;
	v19 =	vsub.f32 v19, v58;
	v17 =	vsub.f32 v17, v58  }
0xe5: {  	v33 =	vld [tilespmem:s30+$0xE3A0];
	v20 =	vsub.f32 v20, v61;
	(v2sf) =	vpush v5, $0x4;
	v23 =	vbroadcast v27, $0x8  }
0xe6: {  	v37 =	vld [tilespmem:s30+$0xE3B0];
	v11 =	vsub.f32 v11, v34;
	v60 =	vbroadcast v27, $0x9;
	v53 =	vbroadcast v27, $0xA  }
0xe7: {  	v39 =	vld [tilespmem:s30+$0xE3C0];
	v15 =	vsub.f32 v15, v34;
	v56 =	vbroadcast v27, $0xB;
	v34 =	vbroadcast v27, $0xC  }
0xe8: {  	v42 =	vld [tilespmem:s30+$0xE3E0];
	v14 =	vsub.f32 v14, v61;
	s0 =	spop (v2sf);
	v21 =	vmul.f32 v23, v21;
	v18 =	vmul.f32 v23, v18  }
0xe9: {  	(v2sf) =	vpush v5, $0x5;
	v25 =	vld [tilespmem:s0+$0xC800];
	v19 =	vmul.f32 v60, v19;
	v17 =	vmul.f32 v60, v17  }
0xea: {  	v16 =	vsub.f32 v16, v36;
	v59 =	vld [tilespmem:s0+$0xC810];
	s0 =	spop (v2sf);
	v20 =	vmul.f32 v53, v20;
	v14 =	vmul.f32 v53, v14  }
0xeb: {  	v36 =	vsub.f32 v4, v36;
	v52 =	vld [tilespmem:s0+$0xC800];
	v11 =	vmul.f32 v56, v11;
	v15 =	vmul.f32 v56, v15  }
0xec: {  	v6 =	vsub.f32 v6, v48;
	v55 =	vld [tilespmem:s0+$0xC810];
	s0 =	spop (v2sf);
	v16 =	vmul.f32 v34, v16;
	v21 =	vmul.f32 v21, v62  }
0xed: {  	(v2sf) =	vpush v5, $0x6;
	v35 =	vld [tilespmem:s0+$0xC800];
	v18 =	vmul.f32 v18, v1;
	v19 =	vmul.f32 v19, v62  }
0xee: {  	v38 =	vld [tilespmem:s0+$0xC810];
	s0 =	spop (v2sf);
	(v2sf) =	vpush v5, $0x7;
	v17 =	vmul.f32 v17, v1;
	v20 =	vmul.f32 v20, v62  }
0xef: {  	v24 =	vld [tilespmem:s1+$0xE160];
	v14 =	vmul.f32 v14, v1;
	v11 =	vmul.f32 v11, v62;
	v21 =	vadd.f32 v21, v3  }
0xf0: {  	v47 =	vld [tilespmem:s30+$0xE3F0];
	v15 =	vmul.f32 v15, v1;
	v18 =	vadd.f32 v18, v2;
	v19 =	vadd.f32 v19, v3  }
0xf1: {  	v54 =	vld [tilespmem:s30+$0xE390];
	v16 =	vmul.f32 v16, v62;
	v40 =	vadd.f32 v17, v2;
	v20 =	vadd.f32 v20, v3  }
0xf2: {  	v58 =	vld [tilespmem:s30+$0xE3D0];
	v14 =	vadd.f32 v14, v2;
	v45 =	vadd.f32 v11, v3  }
0xf3: {  	v57 =	vld [tilespmem:s0+$0xC800];
	v46 =	vadd.f32 v15, v2;
	v0 =	vadd.f32 v16, v3  }
0xf4: {  	v41 =	vld [tilespmem:s0+$0xC810];
	s0 =	spop (v2sf);
	v15 =	vadd.f32 v25, v24;
	v16 =	vadd.f32 v59, v28  }
0xf5: {  	v44 =	vld [tilespmem:s0+$0xC800];
	v11 =	vadd.f32 v52, v63;
	v28 =	vsub.f32 v12, v48  }
0xf6: {  	v4 =	vld [tilespmem:s0+$0xC810];
	v12 =	vadd.f32 v55, v54;
	v17 =	vadd.f32 v35, v33;
	[tilespmem:s30+$0x10260] =	vst v21  }
0xf7: {  	v49 =	vld [tilespmem:s30+$0xE410];
	v59 =	vmul.f32 v15, v15;
	v60 =	vadd.f32 v16, v15;
	v61 =	vmul.f32 v16, v16;
	[tilespmem:s30+$0x10270] =	vst v18  }
0xf8: {  	v22 =	vld [tilespmem:s30+$0xE400];
	v63 =	vmul.f32 v11, v11;
	v18 =	vadd.f32 v38, v37;
	[tilespmem:s30+$0x10280] =	vst v19;
	v52 =	vadd.f32 v12, v11;
	s0 =	spop (v2sf)  }
0xf9: {  	v32 =	vmul.f32 v12, v12;
	v26 =	vadd.f32 v57, v39;
	[tilespmem:s30+$0x102A0] =	vst v20;
	v51 =	vadd.f32 v61, v59;
	v24 =	vld [tilespmem:s0+$0xC800]  }
0xfa: {  	v20 =	vadd.f32 v41, v58;
	v56 =	vmul.f32 v17, v17;
	v19 =	vadd.f32 v44, v42;
	(xrf2) =	vadd.scan.msk.f32 $0xffff, v60;
	v50 =	vld [tilespmem:s0+$0xC810]  }
0xfb: {  	v35 =	vld [tilespmem:s30+$0xE420];
	v23 =	vadd.f32 v4, v47;
	v53 =	vadd.f32 v32, v63;
	v37 =	vmul.f32 v18, v18;
	(xrf2) =	vadd.scan.msk.f32 $0xffff, v51  }
0xfc: {  	v57 =	vld [tilespmem:s30+$0xE430];
	v54 =	vadd.f32 v18, v17;
	v59 =	vmul.f32 v26, v26;
	v60 =	vadd.f32 v20, v26;
	(xrf2) =	vadd.scan.msk.f32 $0xffff, v52  }
0xfd: {  	v39 =	vld [tilespmem:s30+$0xE440];
	v41 =	vmul.f32 v20, v20;
	v42 =	vmul.f32 v19, v19;
	v21 =	vadd.f32 v37, v56;
	(xrf2) =	vadd.scan.msk.f32 $0xffff, v53;
	s0 =	spop (v2sf)  }
0xfe: {  	v63 =	vmul.f32 v23, v23;
	v51 =	vadd.f32 v23, v19;
	(xrf2) =	vadd.scan.msk.f32 $0xffff, v54;
	v58 =	vld [tilespmem:s0+$0xC810];
	v25 =	vadd.f32 v24, v22  }
0xff: {  	v55 =	vld [tilespmem:s0+$0xC800];
	(xrf2) =	vadd.scan.msk.f32 $0xffff, v21;
	v4 =	vadd.f32 v50, v49;
	v50 =	vadd.f32 v41, v59  }
0x100: {  	v47 =	vld [tilespmem:s30+$0xE450];
	v29 =	vadd.f32 v63, v42;
	v42 =	vbroadcast v27, $0xE;
	s0 =	spop (v2sf);
	(xrf2) =	vadd.scan.msk.f32 $0xffff, v60;
	v60 =	vbroadcast v27, $0xD  }
0x101: {  	[tilespmem:s30+$0x102B0] =	vst v14;
	v61 =	vld [tilespmem:s0+$0xC800];
	v53 =	vmul.f32 v25, v25;
	v54 =	vmul.f32 v4, v4;
	(xrf2) =	vadd.scan.msk.f32 $0xffff, v50  }
0x102: {  	v27 =	vbroadcast v27, $0xF;
	v52 =	vld [tilespmem:s0+$0xC810];
	v28 =	vmul.f32 v60, v28;
	v56 =	vadd.f32 v4, v25;
	(xrf2) =	vadd.scan.msk.f32 $0xffff, v51  }
0x103: {  	v6 =	vmul.f32 v60, v6;
	v14 =	vadd.f32 v58, v57;
	v57 =	vadd.f32 v54, v53;
	(xrf2) =	vadd.scan.msk.f32 $0xffff, v29  }
0x104: {  	v49 =	vmul.f32 v34, v36;
	v36, _, _ =	vpop (xrf2);
	v21 =	vadd.f32 v55, v35;
	v28 =	vmul.f32 v28, v62;
	(xrf2) =	vadd.scan.msk.f32 $0xffff, v56  }
0x105: {  	v6 =	vmul.f32 v6, v1;
	v36 =	vbroadcast v36, $0xF;
	v37, _, _ =	vpop (xrf2);
	(xrf2) =	vadd.scan.msk.f32 $0xffff, v57  }
0x106: {  	[tilespmem:s30+$0x10290] =	vst v40;
	v55 =	vmul.f32 v49, v1;
	v32 =	vmul.f32 v21, v21;
	v40, _, _ =	vpop (xrf2)  }
0x107: {  	v59 =	vmul.f32 v14, v14;
	v24 =	vadd.f32 v61, v39;
	v22 =	vadd.f32 v52, v47;
	v44, _, _ =	vpop (xrf2)  }
0x108: {  	v58 =	vadd.f32 v14, v21;
	v61 =	vbroadcast v13, $0xE;
	v30 =	vadd.f32 v55, v2;
	v47, _, _ =	vpop (xrf2)  }
0x109: {  	v13 =	vbroadcast v13, $0xF;
	v63 =	vadd.f32 v59, v32;
	v41 =	vadd.f32 v22, v24;
	v48, _, _ =	vpop (xrf2)  }
0x10a: {  	v37 =	vbroadcast v37, $0xF;
	v10 =	vsub.f32 v10, v61;
	v7 =	vsub.f32 v7, v61;
	v49, _, _ =	vpop (xrf2)  }
0x10b: {  	v9 =	vsub.f32 v9, v13;
	v57 =	vmul.f32 v24, v24;
	(xrf2) =	vadd.scan.msk.f32 $0xffff, v58;
	v58 =	vmul.f32 v22, v22;
	v50, _, _ =	vpop (xrf2)  }
0x10c: {  	v8 =	vsub.f32 v8, v13;
	v32 =	vbroadcast v40, $0xF;
	v39 =	vbroadcast v44, $0xF;
	(xrf2) =	vadd.scan.msk.f32 $0xffff, v63;
	v51, _, _ =	vpop (xrf2)  }
0x10d: {  	[tilespmem:s30+$0x102F0] =	vst v30;
	v31 =	vbroadcast v47, $0xF;
	(xrf2) =	vadd.scan.msk.f32 $0xffff, v41;
	v30 =	vadd.f32 v58, v57;
	v52, _, _ =	vpop (xrf2)  }
0x10e: {  	v10 =	vmul.f32 v42, v10;
	v7 =	vmul.f32 v42, v7;
	v55, _, _ =	vpop (xrf2)  }
0x10f: {  	v28 =	vadd.f32 v28, v3;
	v9 =	vmul.f32 v27, v9;
	v8 =	vmul.f32 v27, v8;
	v56, _, _ =	vpop (xrf2);
	(xrf2) =	vadd.scan.msk.f32 $0xffff, v30  }
0x110: {  	v6 =	vadd.f32 v6, v2;
	v29 =	vbroadcast v48, $0xF;
	v13 =	vbroadcast v49, $0xF  }
0x111: {  	v34 =	vnsel vm0, $0x0, v37;
	v10 =	vmul.f32 v10, v62;
	v7 =	vmul.f32 v7, v1  }
0x112: {  	v40 =	vsel vm1, v34, v39;
	v9 =	vmul.f32 v9, v62;
	v54 =	vmul.f32 v8, v1  }
0x113: {  	v29 =	vsel vm2, v40, v29;
	v10 =	vadd.f32 v10, v3;
	v30 =	vnsel vm0, $0x0, v36  }
0x114: {  	v53 =	vadd.f32 v7, v2;
	v33 =	vbroadcast v50, $0xF;
	v30 =	vsel vm1, v30, v32  }
0x115: {  	v9 =	vadd.f32 v9, v3;
	v27 =	vbroadcast v51, $0xF;
	v60, _, _ =	vpop (xrf2);
	v30 =	vsel vm2, v30, v31  }
0x116: {  	[tilespmem:s30+$0x10300] =	vst v28;
	v29 =	vsel vm3, v29, v33;
	v8 =	vbroadcast v55, $0xF;
	v61, _, _ =	vpop (xrf2);
	v13 =	vsel vm3, v30, v13  }
0x117: {  	[tilespmem:s30+$0x10310] =	vst v6;
	v28 =	vbroadcast v52, $0xF;
	v7 =	vbroadcast v60, $0xF;
	v63, _, _ =	vpop (xrf2);
	v13 =	vsel vm4, v13, v27  }
0x118: {  	[tilespmem:s30+$0x10320] =	vst v10;
	v10 =	vbroadcast v56, $0xF;
	v6 =	vbroadcast v63, $0xF;
	v8 =	vsel vm5, v13, v8  }
0x119: {  	[tilespmem:s30+$0x10340] =	vst v9;
	v41 =	vsel vm4, v29, v28;
	v9 =	vbroadcast v61, $0xF;
	v7 =	vsel vm6, v8, v7;
	v42, _, _ =	vpop (xrf2)  }
0x11a: {  	v10 =	vsel vm5, v41, v10;
	v6 =	vsel vm7, v7, v6;
	v8 =	vbroadcast v42, $0xF  }
0x11b: {  	v44 =	vsel vm6, v10, v9;
	v6 =	vmul.f32 $3.125000000e-02, v6  }
0x11c: {  	v7 =	vsel vm7, v44, v8  }
0x11d: {  	[tilespmem:s30+$0x102C0] =	vst v45;
	v45 =	vmul.f32 v6, v6;
	v7 =	vmul.f32 $3.125000000e-02, v7;
	_ =	sdelay $0x1  }
0x11e: {  	v7 =	vsub.f32 v7, v45;
	_ =	sdelay $0x1  }
0x11f: {  	v7 =	vadd.f32 $9.999999740e-06, v7;
	_ =	sdelay $0x1  }
0x120: {  	[tilespmem:s30+$0x102D0] =	vst v46;
	v46 =	vshra.s32 v7, $0x1;
	v7 =	vmul.f32 $5.000000000e-01, v7  }
0x121: {  	v8 =	vsub.s32 $0x5F3759DF, v46  }
0x122: {  	v47 =	vmul.f32 v8, v7;
	_ =	sdelay $0x1  }
0x123: {  	v9 =	vmul.f32 v8, v47;
	_ =	sdelay $0x1  }
0x124: {  	v9 =	vsub.f32 $1.500000000e+00, v9;
	_ =	sdelay $0x1  }
0x125: {  	v8 =	vmul.f32 v8, v9;
	_ =	sdelay $0x1  }
0x126: {  	v9 =	vmul.f32 v8, v7;
	_ =	sdelay $0x1  }
0x127: {  	v9 =	vmul.f32 v9, v8;
	_ =	sdelay $0x1  }
0x128: {  	v9 =	vsub.f32 $1.500000000e+00, v9;
	_ =	sdelay $0x1  }
0x129: {  	(v2sf) =	vpush v5, $0x8;
	v8 =	vmul.f32 v9, v8  }
0x12a: {  	(v2sf) =	vpush v5, $0x9  }
0x12b: {  	(v2sf) =	vpush v5, $0xA;
	v48 =	vbroadcast v6, $0x0;
	v7 =	vmul.f32 v8, v7  }
0x12c: {  	(v2sf) =	vpush v5, $0xB;
	v59 =	vadd.f32 v54, v2;
	v51 =	vbroadcast v6, $0x1  }
0x12d: {  	v56 =	vbroadcast v6, $0x2;
	v50 =	vsub.f32 v15, v48;
	v7 =	vmul.f32 v7, v8  }
0x12e: {  	v57 =	vbroadcast v6, $0x3;
	v11 =	vsub.f32 v11, v51;
	v55 =	vsub.f32 v12, v51  }
0x12f: {  	[tilespmem:s30+$0x10350] =	vst v59;
	v28 =	vbroadcast v6, $0x5;
	v59 =	vsub.f32 v17, v56;
	v7 =	vsub.f32 $1.500000000e+00, v7  }
0x130: {  	v35 =	vbroadcast v6, $0x6;
	v12 =	vsub.f32 v18, v56;
	v61 =	vsub.f32 v26, v57  }
0x131: {  	v26 =	vbroadcast v6, $0x4;
	v13 =	vsub.f32 v20, v57;
	v7 =	vmul.f32 v7, v8  }
0x132: {  	v30 =	vsub.f32 v25, v28;
	v4 =	vsub.f32 v4, v28;
	v6 =	vbroadcast v6, $0x7  }
0x133: {  	v38 =	vsub.f32 v21, v35;
	v49 =	vbroadcast v7, $0x0;
	v52 =	vbroadcast v7, $0x1  }
0x134: {  	v39 =	vsub.f32 v14, v35;
	v58 =	vbroadcast v7, $0x2;
	v60 =	vbroadcast v7, $0x3  }
0x135: {  	v8 =	vsub.f32 v16, v48;
	v27 =	vbroadcast v7, $0x4;
	v29 =	vbroadcast v7, $0x5  }
0x136: {  	v19 =	vsub.f32 v19, v26;
	v37 =	vbroadcast v7, $0x6;
	v10 =	vmul.f32 v49, v50  }
0x137: {  	v18 =	vsub.f32 v23, v26;
	v7 =	vbroadcast v7, $0x7;
	v8 =	vmul.f32 v49, v8  }
0x138: {  	[tilespmem:s30+$0x10330] =	vst v53;
	v41 =	vsub.f32 v24, v6;
	v12 =	vmul.f32 v58, v12;
	v53 =	vmul.f32 v10, v62  }
0x139: {  	v6 =	vsub.f32 v22, v6;
	v63 =	vmul.f32 v60, v61;
	v8 =	vmul.f32 v8, v1  }
0x13a: {  	v13 =	vmul.f32 v60, v13;
	v12 =	vmul.f32 v12, v1;
	v9 =	vadd.f32 v53, v3  }
0x13b: {  	v18 =	vmul.f32 v27, v18;
	v15 =	vmul.f32 v63, v62;
	v8 =	vadd.f32 v8, v2  }
0x13c: {  	v4 =	vmul.f32 v29, v4;
	v13 =	vmul.f32 v13, v1;
	v12 =	vadd.f32 v12, v2;
	[tilespmem:s1+$0x10160] =	vst v9  }
0x13d: {  	v42 =	vmul.f32 v7, v41;
	v18 =	vmul.f32 v18, v1;
	v32 =	vadd.f32 v15, v3;
	[tilespmem:s1+$0x10170] =	vst v8  }
0x13e: {  	v54 =	vmul.f32 v52, v11;
	v4 =	vmul.f32 v4, v1;
	v13 =	vadd.f32 v13, v2;
	[tilespmem:s30+$0x103B0] =	vst v12  }
0x13f: {  	v11 =	vmul.f32 v52, v55;
	v46 =	vmul.f32 v42, v62;
	v34 =	vadd.f32 v18, v2;
	[tilespmem:s30+$0x103C0] =	vst v32  }
0x140: {  	v16 =	vmul.f32 v58, v59;
	v10 =	vmul.f32 v54, v62;
	v4 =	vadd.f32 v4, v2;
	[tilespmem:s30+$0x103D0] =	vst v13  }
0x141: {  	v19 =	vmul.f32 v27, v19;
	v11 =	vmul.f32 v11, v1;
	v47 =	vadd.f32 v46, v3;
	[tilespmem:s30+$0x103F0] =	vst v34  }
0x142: {  	v33 =	vmul.f32 v29, v30;
	v16 =	vmul.f32 v16, v62;
	v10 =	vadd.f32 v10, v3;
	[tilespmem:s30+$0x10410] =	vst v4  }
0x143: {  	v31 =	vmul.f32 v19, v62;
	v11 =	vadd.f32 v11, v2;
	v12 =	vmul.f32 v37, v39;
	[tilespmem:s30+$0x10440] =	vst v47  }
0x144: {  	v40 =	vmul.f32 v37, v38;
	v36 =	vmul.f32 v33, v62;
	v16 =	vadd.f32 v16, v3;
	[tilespmem:s30+$0x10380] =	vst v10  }
0x145: {  	v6 =	vmul.f32 v7, v6;
	v9 =	vadd.f32 v31, v3;
	[tilespmem:s30+$0x10390] =	vst v11;
	v49 =	vld [tilespmem:s30+$0xE470];
	v44 =	vmul.f32 v12, v1  }
0x146: {  	v8 =	vmul.f32 v40, v62;
	[tilespmem:s30+$0x103A0] =	vst v16;
	v11 =	vadd.f32 v36, v3;
	v51 =	vld [tilespmem:s30+$0xE480]  }
0x147: {  	(v2sf) =	vpush v5, $0xC;
	v6 =	vmul.f32 v6, v1;
	v53 =	vld [tilespmem:s30+$0xE490];
	[tilespmem:s30+$0x103E0] =	vst v9;
	v4 =	vadd.f32 v44, v2  }
0x148: {  	v54 =	vld [tilespmem:s30+$0xE4B0];
	v45 =	vadd.f32 v8, v3;
	[tilespmem:s30+$0x10400] =	vst v11  }
0x149: {  	v57 =	vld [tilespmem:s30+$0xE4C0];
	[tilespmem:s30+$0x10430] =	vst v4;
	v4 =	vadd.f32 v6, v2  }
0x14a: {  	v60 =	vld [tilespmem:s30+$0xE4E0];
	[tilespmem:s30+$0x10420] =	vst v45  }
0x14b: {  	s1 =	spop (v2sf);
	v45 =	vld [tilespmem:s30+$0xE4A0];
	[tilespmem:s30+$0x10450] =	vst v4  }
0x14c: {  	v48 =	vld [tilespmem:s1+$0xC800]  }
0x14d: {  	v50 =	vld [tilespmem:s1+$0xC810];
	s1 =	spop (v2sf)  }
0x14e: {  	v52 =	vld [tilespmem:s1+$0xC800]  }
0x14f: {  	v44 =	vld [tilespmem:s1+$0xC810];
	s1 =	sor.u32 $0x20, s31  }
0x150: {  	(v2sf) =	vpush v5, $0xD;
	v55 =	vld.idx.msk [tilespmem:v43+s1+$0x0 ss:$0x1], $0xffff  }
0x151: {  	v4 =	vld [tilespmem:s30+$0xE460];
	s0 =	spop (v2sf)  }
0x152: {  	v46 =	vld [tilespmem:s0+$0xC800]  }
0x153: {  	(v2sf) =	vpush v5, $0xE;
	v56 =	vld [tilespmem:s0+$0xC810]  }
0x154: {  	s0 =	spop (v2sf);
	(v2sf) =	vpush v5, $0xF;
	v5 =	vld [tilespmem:s30+$0xE4D0]  }
0x155: {  	v58 =	vld [tilespmem:s0+$0xC800];
	v16 =	vshll.u32 v55, $0x7  }
0x156: {  	[tilespmem:s30+$0x102E0] =	vst v0;
	v59 =	vld [tilespmem:s0+$0xC810];
	s0 =	spop (v2sf);
	v21 =	vshra.s32 v16, $0x2  }
0x157: {  	v61 =	vld [tilespmem:s0+$0xC800];
	(v2sf) =	vpush v21, $0x0  }
0x158: {  	v25 =	vld [tilespmem:s30+$0xE4F0]  }
0x159: {  	v63 =	vld [tilespmem:s0+$0xC810]  }
0x15a: {  	v27 =	vld [tilespmem:s30+$0xE500]  }
0x15b: {  	v29 =	vld [tilespmem:s30+$0xE510]  }
0x15c: {  	v31 =	vld [tilespmem:s30+$0xE520]  }
0x15d: {  	v33 =	vld [tilespmem:s30+$0xE530]  }
0x15e: {  	v35 =	vld [tilespmem:s30+$0xE540]  }
0x15f: {  	s1 =	sshll.u32 s1, $0x5;
	v40 =	vadd.f32 v48, v4;
	s0 =	spop (v2sf);
	(v2sf) =	vpush v21, $0x1;
	v4 =	vld [tilespmem:s30+$0xE550]  }
0x160: {  	v8 =	vld [tilespmem:s1+$0xE160]  }
0x161: {  	v28 =	vld [tilespmem:s0+$0xC800]  }
0x162: {  	v30 =	vld [tilespmem:s0+$0xC810];
	s0 =	spop (v2sf);
	(v2sf) =	vpush v21, $0x2  }
0x163: {  	v12 =	vld [tilespmem:s1+$0xE170]  }
0x164: {  	v32 =	vld [tilespmem:s0+$0xC800]  }
0x165: {  	v34 =	vld [tilespmem:s0+$0xC810];
	s0 =	spop (v2sf);
	(v2sf) =	vpush v21, $0x3  }
0x166: {  	v13 =	vld [tilespmem:s30+$0xE580]  }
0x167: {  	v41 =	vadd.f32 v50, v49;
	v17 =	vld [tilespmem:s30+$0xE590]  }
0x168: {  	v0 =	vadd.f32 v52, v51;
	v49 =	vadd.f32 v44, v53;
	v47 =	vmul.f32 v40, v40;
	v16 =	vld [tilespmem:s30+$0xE5A0]  }
0x169: {  	v48 =	vmul.f32 v41, v41;
	v50 =	vadd.f32 v41, v40;
	v42 =	vadd.f32 v46, v45;
	v22 =	vld [tilespmem:s30+$0xE5B0]  }
0x16a: {  	v51 =	vadd.f32 v49, v0;
	v52 =	vmul.f32 v0, v0;
	v55 =	vadd.f32 v58, v57;
	v26 =	vld [tilespmem:s30+$0xE5D0]  }
0x16b: {  	v53 =	vmul.f32 v49, v49;
	v58 =	vadd.f32 v59, v5;
	v7 =	vadd.f32 v48, v47;
	v36 =	vld [tilespmem:s0+$0xC800]  }
0x16c: {  	[tilespmem:$0x1FED0] =	vst v0;
	v47 =	vadd.f32 v56, v54;
	v57 =	vmul.f32 v42, v42;
	v6 =	vld [tilespmem:s0+$0xC810];
	s0 =	spop (v2sf);
	(v2sf) =	vpush v21, $0x4  }
0x16d: {  	[tilespmem:$0x1FEE0] =	vst v49;
	v60 =	vadd.f32 v61, v60;
	v54 =	vadd.f32 v53, v52;
	v59 =	vmul.f32 v55, v55;
	v10 =	vld [tilespmem:s0+$0xC800]  }
0x16e: {  	[tilespmem:$0x1FEF0] =	vst v55;
	v61 =	vmul.f32 v58, v58;
	v5 =	vmul.f32 v47, v47;
	v37 =	vld [tilespmem:s0+$0xC810];
	s0 =	spop (v2sf);
	(v2sf) =	vpush v21, $0x5  }
0x16f: {  	[tilespmem:$0x1FF00] =	vst v58;
	(xrf2) =	vadd.scan.msk.f32 $0xffff, v50;
	v24 =	vld [tilespmem:s30+$0xE620];
	v56 =	vadd.f32 v47, v42;
	v0 =	vadd.f32 v63, v25  }
0x170: {  	(xrf2) =	vadd.scan.msk.f32 $0xffff, v7;
	v46 =	vmul.f32 v60, v60;
	v44 =	vadd.f32 v61, v59;
	v5 =	vadd.f32 v5, v57;
	v14 =	vld [tilespmem:s0+$0xC800]  }
0x171: {  	(xrf2) =	vadd.scan.msk.f32 $0xffff, v51;
	v49 =	vadd.f32 v28, v27;
	v48 =	vmul.f32 v0, v0;
	v23 =	vld [tilespmem:s0+$0xC810];
	s0 =	spop (v2sf);
	(v2sf) =	vpush v21, $0x6  }
0x172: {  	(xrf2) =	vadd.scan.msk.f32 $0xffff, v54;
	v27 =	vld [tilespmem:s30+$0xE5C0];
	[tilespmem:$0x1FF20] =	vst v0;
	v45 =	vadd.f32 v0, v60;
	v0 =	vadd.f32 v30, v29  }
0x173: {  	(xrf2) =	vadd.scan.msk.f32 $0xffff, v56;
	v63 =	vadd.f32 v58, v55;
	v50 =	vmul.f32 v49, v49;
	v9 =	vadd.f32 v48, v46;
	v25 =	vld [tilespmem:s0+$0xC800]  }
0x174: {  	(xrf2) =	vadd.scan.msk.f32 $0xffff, v5;
	v5 =	vadd.f32 v0, v49;
	v52 =	vmul.f32 v0, v0;
	v38 =	vld [tilespmem:s0+$0xC810];
	s0 =	spop (v2sf);
	(v2sf) =	vpush v21, $0x7  }
0x175: {  	[tilespmem:$0x1FF10] =	vst v60;
	(xrf2) =	vadd.scan.msk.f32 $0xffff, v63;
	v29 =	vld [tilespmem:s30+$0xE5F0];
	v32 =	vadd.f32 v32, v31;
	v51 =	vadd.f32 v34, v33  }
0x176: {  	(xrf2) =	vadd.scan.msk.f32 $0xffff, v44;
	[tilespmem:$0x1FF40] =	vst v0;
	v31 =	vld [tilespmem:s30+$0xE5E0];
	v56 =	vadd.f32 v52, v50;
	v55 =	vadd.f32 v36, v35  }
0x177: {  	(xrf2) =	vadd.scan.msk.f32 $0xffff, v45;
	v33 =	vld [tilespmem:s30+$0xE610];
	v53 =	vmul.f32 v32, v32;
	v54 =	vmul.f32 v51, v51;
	v0 =	vadd.f32 v6, v4  }
0x178: {  	(xrf2) =	vadd.scan.msk.f32 $0xffff, v9;
	v57 =	vadd.f32 v51, v32;
	v59 =	vmul.f32 v55, v55;
	v6 =	vadd.f32 v37, v12;
	v12 =	vld [tilespmem:s30+$0xE600]  }
0x179: {  	(xrf2) =	vadd.scan.msk.f32 $0xffff, v5;
	v60 =	vmul.f32 v0, v0;
	v4 =	vadd.f32 v10, v8;
	v7 =	vadd.f32 v23, v17;
	v23 =	vld [tilespmem:s30+$0xE640]  }
0x17a: {  	[tilespmem:$0x1FF30] =	vst v49;
	v52, _, _ =	vpop (xrf2);
	(xrf2) =	vadd.scan.msk.f32 $0xffff, v56;
	v11 =	vadd.f32 v54, v53;
	v5 =	vadd.f32 v14, v13;
	v15 =	vld [tilespmem:s0+$0xC800]  }
0x17b: {  	[tilespmem:$0x1FF80] =	vst v0;
	v58 =	vadd.f32 v0, v55;
	v0, _, _ =	vpop (xrf2);
	v61 =	vadd.f32 v60, v59;
	v63 =	vmul.f32 v4, v4;
	v30 =	vld [tilespmem:s0+$0xC810];
	s0 =	spop (v2sf)  }
0x17c: {  	(xrf2) =	vadd.scan.msk.f32 $0xffff, v57;
	v53, _, _ =	vpop (xrf2);
	v44 =	vadd.f32 v6, v4;
	v45 =	vmul.f32 v6, v6;
	v46 =	vmul.f32 v5, v5;
	v28 =	vld [tilespmem:s0+$0xC800]  }
0x17d: {  	(xrf2) =	vadd.scan.msk.f32 $0xffff, v11;
	v39, _, _ =	vpop (xrf2);
	v54 =	vmul.f32 v7, v7;
	v8 =	vadd.f32 v25, v16;
	v9 =	vadd.f32 v38, v22;
	v10 =	vld [tilespmem:s0+$0xC810];
	s0 =	spop (v2sf)  }
0x17e: {  	[tilespmem:$0x1FF70] =	vst v55;
	(xrf2) =	vadd.scan.msk.f32 $0xffff, v58;
	v55 =	vadd.f32 v7, v5;
	v14 =	vadd.f32 v45, v63;
	v38, _, _ =	vpop (xrf2);
	v17 =	vld [tilespmem:s0+$0xC800]  }
0x17f: {  	v56 =	vadd.f32 v54, v46;
	(xrf2) =	vadd.scan.msk.f32 $0xffff, v61;
	v48, _, _ =	vpop (xrf2);
	v59 =	vmul.f32 v8, v8;
	v36 =	vmul.f32 v9, v9;
	v16 =	vld [tilespmem:s0+$0xC810]  }
0x180: {  	[tilespmem:$0x1FF50] =	vst v32;
	(xrf2) =	vadd.scan.msk.f32 $0xffff, v44;
	v57 =	vadd.f32 v9, v8;
	v58, _, _ =	vpop (xrf2);
	v22 =	vadd.f32 v15, v27;
	v27 =	vld [tilespmem:s30+$0xE630];
	s0 =	spop (v2sf)  }
0x181: {  	[tilespmem:$0x1FF60] =	vst v51;
	(xrf2) =	vadd.scan.msk.f32 $0xffff, v14;
	v13 =	vadd.f32 v30, v26;
	v61, _, _ =	vpop (xrf2);
	v44 =	vadd.f32 v36, v59;
	v34 =	vld [tilespmem:s0+$0xC800]  }
0x182: {  	(xrf2) =	vadd.scan.msk.f32 $0xffff, v55;
	v63, _, _ =	vpop (xrf2);
	v45 =	vmul.f32 v22, v22;
	v11 =	vadd.f32 v28, v31;
	v14 =	vadd.f32 v10, v29;
	v37 =	vld [tilespmem:s0+$0xC810]  }
0x183: {  	v49 =	vadd.f32 v13, v22;
	v50 =	vmul.f32 v13, v13;
	v46, _, _ =	vpop (xrf2);
	(xrf2) =	vadd.scan.msk.f32 $0xffff, v56;
	v56 =	vld [tilespmem:s30+$0xE650];
	v17 =	vadd.f32 v17, v12;
	s0 =	spop (v2sf)  }
0x184: {  	v54, _, _ =	vpop (xrf2);
	(xrf2) =	vadd.scan.msk.f32 $0xffff, v57;
	v10 =	vadd.f32 v16, v33;
	v51 =	vmul.f32 v11, v11;
	v55 =	vmul.f32 v14, v14;
	v30 =	vld [tilespmem:s0+$0xC800]  }
0x185: {  	[tilespmem:$0x1FE60] =	vst v58;
	v58 =	vadd.f32 v50, v45;
	v57, _, _ =	vpop (xrf2);
	(xrf2) =	vadd.scan.msk.f32 $0xffff, v44;
	v59 =	vadd.f32 v14, v11;
	v60 =	vld [tilespmem:s0+$0xC810]  }
0x186: {  	v32, _, _ =	vpop (xrf2);
	(xrf2) =	vadd.scan.msk.f32 $0xffff, v49;
	v35 =	vmul.f32 v17, v17;
	v36 =	vmul.f32 v10, v10;
	v33 =	vadd.f32 v55, v51  }
0x187: {  	v44, _, _ =	vpop (xrf2);
	(xrf2) =	vadd.scan.msk.f32 $0xffff, v58;
	v15 =	vadd.f32 v34, v24;
	v12 =	vadd.f32 v37, v27  }
0x188: {  	[tilespmem:$0x1FE70] =	vst v46;
	v45 =	vadd.f32 v10, v17;
	v46 =	vadd.f32 v36, v35;
	v37, _, _ =	vpop (xrf2);
	(xrf2) =	vadd.scan.msk.f32 $0xffff, v59  }
0x189: {  	v49, _, _ =	vpop (xrf2);
	(xrf2) =	vadd.scan.msk.f32 $0xffff, v33;
	v50 =	vadd.f32 v12, v15;
	v51 =	vmul.f32 v15, v15;
	v27 =	vmul.f32 v12, v12  }
0x18a: {  	[tilespmem:$0x1FE80] =	vst v54;
	v54, _, _ =	vpop (xrf2);
	(xrf2) =	vadd.scan.msk.f32 $0xffff, v45;
	v18 =	vadd.f32 v30, v23;
	v16 =	vadd.f32 v60, v56  }
0x18b: {  	[tilespmem:$0x1FE90] =	vst v57;
	v55, _, _ =	vpop (xrf2);
	(xrf2) =	vadd.scan.msk.f32 $0xffff, v46;
	v56 =	vadd.f32 v27, v51  }
0x18c: {  	v57, _, _ =	vpop (xrf2);
	(xrf2) =	vadd.scan.msk.f32 $0xffff, v50;
	v58 =	vadd.f32 v16, v18;
	v59 =	vmul.f32 v18, v18;
	v28 =	vmul.f32 v16, v16  }
0x18d: {  	v60, _, _ =	vpop (xrf2);
	(xrf2) =	vadd.scan.msk.f32 $0xffff, v56  }
0x18e: {  	v19, _, _ =	vpop (xrf2);
	v36 =	vadd.f32 v28, v59;
	(xrf2) =	vadd.scan.msk.f32 $0xffff, v58  }
0x18f: {  	[tilespmem:$0x1FEB0] =	vst v37;
	v37, _, _ =	vpop (xrf2)  }
0x190: {  	v45, _, _ =	vpop (xrf2);
	(xrf2) =	vadd.scan.msk.f32 $0xffff, v36  }
0x191: {  	[tilespmem:$0x1FEC0] =	vst v49;
	v46 =	vbroadcast v54, $0xF;
	v23 =	vbroadcast v55, $0xF;
	v49, _, _ =	vpop (xrf2)  }
0x192: {  	v26 =	vbroadcast v57, $0xF;
	v50, _, _ =	vpop (xrf2)  }
0x193: {  	v25 =	vnsel vm0, $0x0, v46;
	v23 =	vnsel vm0, $0x0, v23;
	v30 =	vbroadcast v60, $0xF;
	v51, _, _ =	vpop (xrf2)  }
0x194: {  	v25 =	vsel vm1, v25, v26;
	v24 =	vbroadcast v19, $0xF;
	v54 =	vbroadcast v37, $0xF;
	v55, _, _ =	vpop (xrf2)  }
0x195: {  	v23 =	vsel vm1, v23, v30;
	v28 =	vbroadcast v45, $0xF;
	v29 =	vbroadcast v49, $0xF;
	v56, _, _ =	vpop (xrf2)  }
0x196: {  	v24 =	vsel vm2, v25, v24;
	v23 =	vsel vm2, v23, v54;
	v57 =	vbroadcast v50, $0xF;
	v58, _, _ =	vpop (xrf2)  }
0x197: {  	v24 =	vsel vm3, v24, v28;
	v23 =	vsel vm3, v23, v29;
	v27 =	vbroadcast v55, $0xF;
	v59, _, _ =	vpop (xrf2)  }
0x198: {  	v60 =	vbroadcast v51, $0xF;
	v24 =	vsel vm4, v24, v57;
	v19 =	vbroadcast v58, $0xF;
	v20, _, _ =	vpop (xrf2)  }
0x199: {  	v30 =	vbroadcast v56, $0xF;
	v24 =	vsel vm5, v24, v27;
	v26 =	vbroadcast v20, $0xF  }
0x19a: {  	[tilespmem:$0x1FEA0] =	vst v32;
	v23 =	vsel vm4, v23, v60;
	v32 =	vbroadcast v59, $0xF;
	v24 =	vsel vm6, v24, v19;
	v33, _, _ =	vpop (xrf2)  }
0x19b: {  	v23 =	vsel vm5, v23, v30;
	v25 =	vbroadcast v33, $0xF;
	v24 =	vsel vm7, v24, v26  }
0x19c: {  	v23 =	vsel vm6, v23, v32;
	v24 =	vmul.f32 $3.125000000e-02, v24  }
0x19d: {  	v23 =	vsel vm7, v23, v25  }
0x19e: {  	v23 =	vmul.f32 $3.125000000e-02, v23;
	v34 =	vmul.f32 v24, v24;
	_ =	sdelay $0x1  }
0x19f: {  	v23 =	vsub.f32 v23, v34;
	_ =	sdelay $0x1  }
0x1a0: {  	v23 =	vadd.f32 $9.999999740e-06, v23;
	_ =	sdelay $0x1  }
0x1a1: {  	v35 =	vshra.s32 v23, $0x1;
	v23 =	vmul.f32 $5.000000000e-01, v23  }
0x1a2: {  	v25 =	vsub.s32 $0x5F3759DF, v35  }
0x1a3: {  	v36 =	vmul.f32 v25, v23;
	_ =	sdelay $0x1  }
0x1a4: {  	v26 =	vmul.f32 v25, v36;
	_ =	sdelay $0x1  }
0x1a5: {  	v26 =	vsub.f32 $1.500000000e+00, v26;
	_ =	sdelay $0x1  }
0x1a6: {  	v25 =	vmul.f32 v25, v26;
	_ =	sdelay $0x1  }
0x1a7: {  	v26 =	vmul.f32 v25, v23;
	_ =	sdelay $0x1  }
0x1a8: {  	v26 =	vmul.f32 v26, v25;
	_ =	sdelay $0x1  }
0x1a9: {  	v26 =	vsub.f32 $1.500000000e+00, v26;
	_ =	sdelay $0x1  }
0x1aa: {  	v25 =	vmul.f32 v26, v25;
	_ =	sdelay $0x1  }
0x1ab: {  	v23 =	vmul.f32 v25, v23;
	_ =	sdelay $0x1  }
0x1ac: {  	(v2sf) =	vpush v21, $0x8;
	v23 =	vmul.f32 v23, v25  }
0x1ad: {  	(v2sf) =	vpush v21, $0x9;
	v37 =	vbroadcast v24, $0x0;
	v46 =	vbroadcast v24, $0x1  }
0x1ae: {  	v50 =	vbroadcast v24, $0x2;
	v51 =	vbroadcast v24, $0x3;
	v23 =	vsub.f32 $1.500000000e+00, v23  }
0x1af: {  	(v2sf) =	vpush v21, $0xA;
	v56 =	vbroadcast v24, $0x4;
	v58 =	vbroadcast v24, $0x5  }
0x1b0: {  	v4 =	vsub.f32 v4, v37;
	v6 =	vsub.f32 v6, v37;
	v23 =	vmul.f32 v23, v25  }
0x1b1: {  	v30 =	vbroadcast v24, $0x7;
	v5 =	vsub.f32 v5, v46;
	v7 =	vsub.f32 v7, v46  }
0x1b2: {  	v8 =	vsub.f32 v8, v50;
	v9 =	vsub.f32 v9, v50;
	v45 =	vbroadcast v23, $0x0  }
0x1b3: {  	v22 =	vsub.f32 v22, v51;
	v49 =	vbroadcast v23, $0x1;
	v54 =	vbroadcast v23, $0x2  }
0x1b4: {  	v13 =	vsub.f32 v13, v51;
	v55 =	vbroadcast v23, $0x3;
	v57 =	vbroadcast v23, $0x4  }
0x1b5: {  	v11 =	vsub.f32 v11, v56;
	v59 =	vbroadcast v23, $0x5;
	v28 =	vbroadcast v23, $0x6  }
0x1b6: {  	v14 =	vsub.f32 v14, v56;
	v34 =	vbroadcast v23, $0x7;
	v4 =	vmul.f32 v45, v4  }
0x1b7: {  	v17 =	vsub.f32 v17, v58;
	v6 =	vmul.f32 v45, v6;
	v5 =	vmul.f32 v49, v5  }
0x1b8: {  	v10 =	vsub.f32 v10, v58;
	v7 =	vmul.f32 v49, v7;
	v8 =	vmul.f32 v54, v8  }
0x1b9: {  	v35 =	vsub.f32 v18, v30;
	v9 =	vmul.f32 v54, v9;
	v4 =	vmul.f32 v4, v62  }
0x1ba: {  	v36 =	vsub.f32 v16, v30;
	v22 =	vmul.f32 v55, v22;
	v6 =	vmul.f32 v6, v1  }
0x1bb: {  	v13 =	vmul.f32 v55, v13;
	v9 =	vmul.f32 v9, v1;
	v4 =	vadd.f32 v4, v3  }
0x1bc: {  	v11 =	vmul.f32 v57, v11;
	v22 =	vmul.f32 v22, v62;
	v6 =	vadd.f32 v6, v2  }
0x1bd: {  	v14 =	vmul.f32 v57, v14;
	v13 =	vmul.f32 v13, v1;
	v9 =	vadd.f32 v9, v2;
	[tilespmem:s1+$0x10160] =	vst v4  }
0x1be: {  	v20 =	vmul.f32 v59, v17;
	v5 =	vmul.f32 v5, v62;
	v19 =	vadd.f32 v22, v3;
	[tilespmem:s1+$0x10170] =	vst v6  }
0x1bf: {  	v7 =	vmul.f32 v7, v1;
	v13 =	vadd.f32 v13, v2;
	v22 =	vbroadcast v24, $0x6;
	[tilespmem:s30+$0x105B0] =	vst v9  }
0x1c0: {  	v31 =	vmul.f32 v59, v10;
	v8 =	vmul.f32 v8, v62;
	v5 =	vadd.f32 v5, v3;
	[tilespmem:s30+$0x105C0] =	vst v19  }
0x1c1: {  	v7 =	vadd.f32 v7, v2;
	v4 =	vmul.f32 v11, v62;
	v29 =	vsub.f32 v15, v22;
	[tilespmem:s30+$0x105D0] =	vst v13  }
0x1c2: {  	v60 =	vmul.f32 v14, v1;
	v8 =	vadd.f32 v8, v3;
	v32 =	vsub.f32 v12, v22;
	[tilespmem:s30+$0x10580] =	vst v5  }
0x1c3: {  	v27 =	vmul.f32 v20, v62;
	[tilespmem:s30+$0x10590] =	vst v7;
	v4 =	vadd.f32 v4, v3;
	v33 =	vmul.f32 v28, v29  }
0x1c4: {  	v9 =	vmul.f32 v31, v1;
	v5 =	vadd.f32 v60, v2;
	[tilespmem:s30+$0x105A0] =	vst v8;
	v10 =	vmul.f32 v28, v32  }
0x1c5: {  	v37 =	vmul.f32 v34, v35;
	v7 =	vadd.f32 v27, v3;
	v24 =	vld [tilespmem:s30+$0xE690];
	[tilespmem:s30+$0x105E0] =	vst v4;
	v4 =	vmul.f32 v33, v62  }
0x1c6: {  	v8 =	vmul.f32 v34, v36;
	v26 =	vld [tilespmem:s30+$0xE6A0];
	[tilespmem:s30+$0x105F0] =	vst v5;
	v5 =	vadd.f32 v9, v2;
	v45 =	vmul.f32 v10, v1  }
0x1c7: {  	(v2sf) =	vpush v21, $0xB;
	v6 =	vmul.f32 v37, v62;
	v14 =	vld [tilespmem:s30+$0xE6B0];
	[tilespmem:s30+$0x10600] =	vst v7;
	v4 =	vadd.f32 v4, v3  }
0x1c8: {  	v17 =	vld [tilespmem:s30+$0xE6C0];
	v46 =	vmul.f32 v8, v1;
	[tilespmem:s30+$0x10610] =	vst v5;
	v5 =	vadd.f32 v45, v2  }
0x1c9: {  	v31 =	vld [tilespmem:s30+$0xE6E0];
	[tilespmem:s30+$0x10620] =	vst v4;
	v4 =	vadd.f32 v6, v3  }
0x1ca: {  	v34 =	vld [tilespmem:s30+$0xE700];
	[tilespmem:s30+$0x10630] =	vst v5;
	v5 =	vadd.f32 v46, v2  }
0x1cb: {  	v36 =	vld [tilespmem:s30+$0xE710];
	[tilespmem:s30+$0x10640] =	vst v4  }
0x1cc: {  	s1 =	spop (v2sf);
	(v2sf) =	vpush v21, $0xC;
	v55 =	vld [tilespmem:s30+$0xE720];
	[tilespmem:s30+$0x10650] =	vst v5  }
0x1cd: {  	v5 =	vld [tilespmem:s1+$0xC800]  }
0x1ce: {  	v49 =	vld [tilespmem:s1+$0xC810];
	s1 =	spop (v2sf);
	(v2sf) =	vpush v21, $0xD  }
0x1cf: {  	v57 =	vld [tilespmem:s30+$0xE730]  }
0x1d0: {  	v59 =	vld [tilespmem:s30+$0xE740]  }
0x1d1: {  	v8 =	vld [tilespmem:s30+$0xE680]  }
0x1d2: {  	v9 =	vld [tilespmem:s1+$0xC800]  }
0x1d3: {  	v25 =	vld [tilespmem:s1+$0xC810];
	s1 =	sor.u32 $0x30, s31  }
0x1d4: {  	s0 =	spop (v2sf);
	(v2sf) =	vpush v21, $0xE;
	v50 =	vld.idx.msk [tilespmem:v43+s1+$0x0 ss:$0x1], $0xffff  }
0x1d5: {  	v45 =	vld [tilespmem:s30+$0xE6F0]  }
0x1d6: {  	v6 =	vld [tilespmem:s30+$0xE670];
	s31 =	spop (v2sf);
	(v2sf) =	vpush v21, $0xF  }
0x1d7: {  	v4 =	vld [tilespmem:s30+$0xE660]  }
0x1d8: {  	v16 =	vld [tilespmem:s0+$0xC810]  }
0x1d9: {  	v21 =	vld [tilespmem:s30+$0xE6D0];
	v15 =	vshll.u32 v50, $0x7  }
0x1da: {  	v51 =	vld [tilespmem:s31+$0xC800];
	v37 =	vshra.s32 v15, $0x2  }
0x1db: {  	v23 =	vld [tilespmem:s31+$0xC810];
	s31 =	spop (v2sf);
	(v2sf) =	vpush v37, $0x0  }
0x1dc: {  	v60 =	vld [tilespmem:s31+$0xC800]  }
0x1dd: {  	v46 =	vld [tilespmem:s31+$0xC810];
	s31 =	spop (v2sf);
	(v2sf) =	vpush v37, $0x1  }
0x1de: {  	v13 =	vld [tilespmem:s0+$0xC800]  }
0x1df: {  	v29 =	vadd.f32 v5, v4;
	v5 =	vld [tilespmem:s30+$0xE750]  }
0x1e0: {  	v43 =	vadd.f32 v25, v24;
	v24 =	vadd.f32 v16, v14;
	v14 =	vld [tilespmem:s30+$0xE790]  }
0x1e1: {  	v30 =	vadd.f32 v49, v6;
	v22 =	vadd.f32 v23, v21;
	v23 =	vld [tilespmem:s30+$0xE7A0]  }
0x1e2: {  	v35 =	vld [tilespmem:s31+$0xC800]  }
0x1e3: {  	v49 =	vmul.f32 v29, v29;
	v50 =	vmul.f32 v30, v30;
	v54 =	vld [tilespmem:s31+$0xC810];
	s31 =	spop (v2sf);
	(v2sf) =	vpush v37, $0x2  }
0x1e4: {  	v25 =	vadd.f32 v60, v31;
	v31 =	vadd.f32 v30, v29;
	v19 =	vld [tilespmem:s31+$0xC800]  }
0x1e5: {  	v6 =	vadd.f32 v50, v49;
	v58 =	vld [tilespmem:s31+$0xC810];
	s31 =	spop (v2sf);
	(v2sf) =	vpush v37, $0x3  }
0x1e6: {  	v28 =	vadd.f32 v9, v8;
	v60 =	vld [tilespmem:s30+$0xE780];
	(xrf2) =	vadd.scan.msk.f32 $0xffff, v31  }
0x1e7: {  	v27 =	vadd.f32 v13, v26;
	(xrf2) =	vadd.scan.msk.f32 $0xffff, v6;
	v6 =	vld [tilespmem:s30+$0xE810]  }
0x1e8: {  	v10 =	vmul.f32 v28, v28;
	v26 =	vadd.f32 v51, v17;
	v4 =	vld [tilespmem:s31+$0xC800]  }
0x1e9: {  	v51 =	vmul.f32 v43, v43;
	[tilespmem:$0x1FF90] =	vst v43;
	v43 =	vadd.f32 v43, v28;
	v56 =	vmul.f32 v27, v27;
	v7 =	vld [tilespmem:s31+$0xC810];
	s31 =	sshll.u32 s1, $0x5  }
0x1ea: {  	v33 =	vmul.f32 v24, v24;
	v20 =	vadd.f32 v46, v45;
	v9 =	vld [tilespmem:s31+$0xE160];
	s1 =	spop (v2sf);
	(v2sf) =	vpush v37, $0x4  }
0x1eb: {  	v45 =	vmul.f32 v26, v26;
	v46 =	vmul.f32 v22, v22;
	v10 =	vadd.f32 v51, v10;
	v11 =	vld [tilespmem:s1+$0xC800]  }
0x1ec: {  	[tilespmem:$0x1FFA0] =	vst v24;
	v51 =	vadd.f32 v33, v56;
	v16 =	vld [tilespmem:s1+$0xC810];
	s1 =	spop (v2sf);
	(v2sf) =	vpush v37, $0x5  }
0x1ed: {  	[tilespmem:$0x1FFB0] =	vst v26;
	v8 =	vadd.f32 v46, v45;
	v13 =	vld [tilespmem:s31+$0xE170];
	v33 =	vadd.f32 v35, v34  }
0x1ee: {  	v52 =	vbroadcast v52, $0xF;
	[tilespmem:$0x1FFC0] =	vst v22;
	v34 =	vadd.f32 v54, v36;
	v35 =	vadd.f32 v19, v55;
	v55 =	vld [tilespmem:s30+$0xE7B0]  }
0x1ef: {  	v49 =	vmul.f32 v25, v25;
	[tilespmem:$0x1FFD0] =	vst v25;
	v36 =	vadd.f32 v58, v57;
	v19 =	vld [tilespmem:s30+$0xE7C0];
	v32 =	vadd.f32 v7, v5  }
0x1f0: {  	v50 =	vmul.f32 v20, v20;
	(xrf2) =	vadd.scan.msk.f32 $0xffff, v43;
	v58 =	vld [tilespmem:s30+$0xE7D0];
	v5 =	vadd.f32 v24, v27;
	(v2sf) =	vpush v37, $0x6  }
0x1f1: {  	(xrf2) =	vadd.scan.msk.f32 $0xffff, v10;
	v31 =	vadd.f32 v4, v59;
	v45 =	vmul.f32 v33, v33;
	v46 =	vmul.f32 v34, v34;
	v21 =	vld [tilespmem:s1+$0xC800]  }
0x1f2: {  	v15 =	vadd.f32 v50, v49;
	v49 =	vmul.f32 v35, v35;
	(xrf2) =	vadd.scan.msk.f32 $0xffff, v5;
	v5 =	vadd.f32 v22, v26;
	v17 =	vld [tilespmem:s1+$0xC810];
	s1 =	spop (v2sf)  }
0x1f3: {  	v57 =	vmul.f32 v36, v36;
	v7 =	vadd.f32 v46, v45;
	v50 =	vmul.f32 v31, v31;
	(xrf2) =	vadd.scan.msk.f32 $0xffff, v51;
	v54 =	vld [tilespmem:s1+$0xC800]  }
0x1f4: {  	v22 =	vmul.f32 v32, v32;
	v26 =	vadd.f32 v20, v25;
	(xrf2) =	vadd.scan.msk.f32 $0xffff, v5;
	v4 =	vld [tilespmem:s1+$0xC810];
	s1 =	spop (v2sf);
	(v2sf) =	vpush v37, $0x7  }
0x1f5: {  	[tilespmem:$0x1FFE0] =	vst v20;
	v46 =	vadd.f32 v34, v33;
	v5 =	vadd.f32 v57, v49;
	v57 =	vld [tilespmem:s30+$0xE7E0];
	(xrf2) =	vadd.scan.msk.f32 $0xffff, v8  }
0x1f6: {  	v43 =	vbroadcast v53, $0xF;
	v8 =	vadd.f32 v22, v50;
	(xrf2) =	vadd.scan.msk.f32 $0xffff, v26;
	v20 =	vadd.f32 v16, v13;
	v13 =	vld [tilespmem:s30+$0xE7F0]  }
0x1f7: {  	v45 =	vnsel vm8, $0x0, v52;
	v22 =	vadd.f32 v11, v9;
	(xrf2) =	vadd.scan.msk.f32 $0xffff, v15;
	v24 =	vld [tilespmem:s1+$0xC800];
	v18 =	vadd.f32 v21, v60  }
0x1f8: {  	v10 =	vbroadcast v0, $0xF;
	v49 =	vadd.f32 v36, v35;
	v16 =	vsel vm9, v45, v43;
	(xrf2) =	vadd.scan.msk.f32 $0xffff, v46;
	v59 =	vld [tilespmem:s1+$0xC810]  }
0x1f9: {  	v56, _, _ =	vpop (xrf2);
	(xrf2) =	vadd.scan.msk.f32 $0xffff, v7;
	v46 =	vadd.f32 v20, v22;
	v21 =	vadd.f32 v17, v14;
	v60 =	vld [tilespmem:s30+$0xE800];
	v25 =	vmul.f32 v18, v18;
	s1 =	spop (v2sf)  }
0x1fa: {  	v50 =	vmul.f32 v20, v20;
	(xrf2) =	vadd.scan.msk.f32 $0xffff, v49;
	v14 =	vadd.f32 v32, v31;
	v17 =	vadd.f32 v54, v23;
	v23, _, _ =	vpop (xrf2);
	v12 =	vld [tilespmem:s1+$0xC800]  }
0x1fb: {  	v15 =	vadd.f32 v4, v55;
	v4 =	vmul.f32 v22, v22;
	(xrf2) =	vadd.scan.msk.f32 $0xffff, v5;
	v26, _, _ =	vpop (xrf2);
	v43 =	vmul.f32 v21, v21;
	v9 =	vld [tilespmem:s1+$0xC810];
	s1 =	spop (v2sf)  }
0x1fc: {  	v39 =	vbroadcast v39, $0xF;
	(xrf2) =	vadd.scan.msk.f32 $0xffff, v14;
	v14 =	vadd.f32 v24, v19;
	v19 =	vadd.f32 v21, v18;
	v52, _, _ =	vpop (xrf2);
	v55 =	vld [tilespmem:s1+$0xC800]  }
0x1fd: {  	v10 =	vnsel vm8, $0x0, v10;
	v4 =	vadd.f32 v50, v4;
	v49 =	vadd.f32 v43, v25;
	v25, _, _ =	vpop (xrf2);
	(xrf2) =	vadd.scan.msk.f32 $0xffff, v8;
	v0 =	vld [tilespmem:s1+$0xC810]  }
0x1fe: {  	v39 =	vsel vm9, v10, v39;
	v10 =	vadd.f32 v59, v58;
	v5 =	vmul.f32 v17, v17;
	v53, _, _ =	vpop (xrf2);
	(xrf2) =	vadd.scan.msk.f32 $0xffff, v46  }
0x1ff: {  	v59 =	vld [tilespmem:s30+$0xE830];
	v45 =	vmul.f32 v15, v15;
	v43 =	vmul.f32 v14, v14;
	v54, _, _ =	vpop (xrf2);
	(xrf2) =	vadd.scan.msk.f32 $0xffff, v4;
	v8 =	vadd.f32 v12, v57;
	s1 =	spop (v2sf)  }
0x200: {  	v58 =	vmul.f32 v10, v10;
	v9 =	vadd.f32 v9, v13;
	v24, _, _ =	vpop (xrf2);
	(xrf2) =	vadd.scan.msk.f32 $0xffff, v19;
	v13 =	vadd.f32 v15, v17;
	v12 =	vld [tilespmem:s1+$0xC810]  }
0x201: {  	v11 =	vld [tilespmem:s30+$0xE820];
	v5 =	vadd.f32 v45, v5;
	v4 =	vbroadcast v38, $0xF;
	v19, _, _ =	vpop (xrf2);
	(xrf2) =	vadd.scan.msk.f32 $0xffff, v49;
	v7 =	vadd.f32 v55, v60  }
0x202: {  	v57 =	vld [tilespmem:s30+$0xE840];
	v55, _, _ =	vpop (xrf2);
	(xrf2) =	vadd.scan.msk.f32 $0xffff, v13;
	v6 =	vadd.f32 v0, v6;
	v0 =	vadd.f32 v10, v14  }
0x203: {  	v4 =	vsel vm10, v16, v4;
	v49 =	vbroadcast v48, $0xF;
	v50 =	vld [tilespmem:s1+$0xC800];
	s1 =	spop (v2sf);
	v16, _, _ =	vpop (xrf2);
	(xrf2) =	vadd.scan.msk.f32 $0xffff, v5;
	v5 =	vadd.f32 v58, v43  }
0x204: {  	v45 =	vmul.f32 v8, v8;
	v46 =	vmul.f32 v9, v9;
	v51 =	vld [tilespmem:s1+$0xC800];
	v48, _, _ =	vpop (xrf2);
	(xrf2) =	vadd.scan.msk.f32 $0xffff, v0  }
0x205: {  	v58, _, _ =	vpop (xrf2);
	(xrf2) =	vadd.scan.msk.f32 $0xffff, v5;
	v5 =	vadd.f32 v12, v59;
	v59 =	vld [tilespmem:$0x1FE60]  }
0x206: {  	v38 =	vadd.f32 v46, v45;
	v13 =	vld [tilespmem:s30+$0xE850]  }
0x207: {  	v60 =	vld [tilespmem:s1+$0xC810];
	v0 =	vadd.f32 v9, v8;
	v46 =	vmul.f32 v7, v7;
	v43 =	vmul.f32 v6, v6  }
0x208: {  	v11 =	vadd.f32 v50, v11  }
0x209: {  	v39 =	vsel vm10, v39, v49;
	v49 =	vadd.f32 v51, v57;
	v50, _, _ =	vpop (xrf2);
	(xrf2) =	vadd.scan.msk.f32 $0xffff, v0;
	v0 =	vadd.f32 v43, v46  }
0x20a: {  	v43 =	vadd.f32 v6, v7;
	v57 =	vmul.f32 v5, v5;
	v12 =	vbroadcast v59, $0xF  }
0x20b: {  	v59, _, _ =	vpop (xrf2);
	(xrf2) =	vadd.scan.msk.f32 $0xffff, v38;
	v38 =	vmul.f32 v11, v11  }
0x20c: {  	v46, _, _ =	vpop (xrf2);
	(xrf2) =	vadd.scan.msk.f32 $0xffff, v43;
	v43 =	vadd.f32 v5, v11;
	v4 =	vsel vm11, v4, v12;
	v12 =	vadd.f32 v60, v13  }
0x20d: {  	v13, _, _ =	vpop (xrf2);
	(xrf2) =	vadd.scan.msk.f32 $0xffff, v0;
	v0 =	vadd.f32 v57, v38  }
0x20e: {  	v38 =	vbroadcast v61, $0xF;
	v57, _, _ =	vpop (xrf2);
	(xrf2) =	vadd.scan.msk.f32 $0xffff, v43;
	v60 =	vadd.f32 v12, v49  }
0x20f: {  	v45, _, _ =	vpop (xrf2);
	(xrf2) =	vadd.scan.msk.f32 $0xffff, v0  }
0x210: {  	v38 =	vsel vm11, v39, v38;
	v39, _, _ =	vpop (xrf2);
	(xrf2) =	vadd.scan.msk.f32 $0xffff, v60;
	v60 =	vld [tilespmem:$0x1FE80]  }
0x211: {  	v0 =	vld [tilespmem:$0x1FE70];
	_ =	sdelay $0x1  }
0x212: {  	v51 =	vbroadcast v63, $0xF;
	v61 =	vld [tilespmem:$0x1FEA0];
	_ =	sdelay $0x1  }
0x213: {  	v43 =	vmul.f32 v49, v49;
	v4 =	vsel vm12, v4, v51;
	v51 =	vbroadcast v60, $0xF;
	v60 =	vld [tilespmem:$0x1FE90]  }
0x214: {  	v63 =	vmul.f32 v12, v12;
	v0 =	vbroadcast v0, $0xF;
	_ =	sdelay $0x1  }
0x215: {  	v43 =	vadd.f32 v63, v43;
	v0 =	vsel vm12, v38, v0;
	v38 =	vbroadcast v61, $0xF  }
0x216: {  	v44 =	vbroadcast v44, $0xF;
	v13 =	vbroadcast v13, $0xF;
	v4 =	vsel vm13, v4, v51;
	v51 =	vld [tilespmem:$0x1FEB0]  }
0x217: {  	v63, _, _ =	vpop (xrf2);
	v4 =	vsel vm14, v4, v38;
	v38 =	vbroadcast v45, $0xF;
	v60 =	vbroadcast v60, $0xF  }
0x218: {  	v13 =	vnsel vm0, $0x0, v13;
	v61, _, _ =	vpop (xrf2)  }
0x219: {  	(xrf2) =	vadd.scan.msk.f32 $0xffff, v43;
	v43, _, _ =	vpop (xrf2);
	v13 =	vsel vm1, v13, v38;
	v0 =	vsel vm13, v0, v60;
	v60 =	vbroadcast v57, $0xF  }
0x21a: {  	v38 =	vbroadcast v39, $0xF;
	v39 =	vbroadcast v63, $0xF;
	v0 =	vsel vm14, v0, v44;
	v44, _, _ =	vpop (xrf2)  }
0x21b: {  	v4 =	vsel vm15, v4, v51;
	v51, _, _ =	vpop (xrf2);
	v45 =	vnsel vm0, $0x0, v60;
	v60 =	vbroadcast v61, $0xF  }
0x21c: {  	v43 =	vbroadcast v43, $0xF;
	v57, _, _ =	vpop (xrf2)  }
0x21d: {  	v13 =	vsel vm2, v13, v39;
	v63 =	vbroadcast v44, $0xF;
	v38 =	vsel vm1, v45, v38;
	v61, _, _ =	vpop (xrf2)  }
0x21e: {  	v13 =	vsel vm3, v13, v43;
	v43 =	vbroadcast v51, $0xF;
	v38 =	vsel vm2, v38, v60;
	v44, _, _ =	vpop (xrf2)  }
0x21f: {  	v38 =	vsel vm3, v38, v63;
	v63 =	vbroadcast v61, $0xF;
	v60, _, _ =	vpop (xrf2)  }
0x220: {  	v39 =	vbroadcast v57, $0xF;
	v13 =	vsel vm4, v13, v43;
	v57, _, _ =	vpop (xrf2);
	v60 =	vbroadcast v60, $0xF  }
0x221: {  	v13 =	vsel vm5, v13, v63;
	v61, _, _ =	vpop (xrf2)  }
0x222: {  	v43 =	vbroadcast v44, $0xF;
	v63 =	vbroadcast v61, $0xF;
	v13 =	vsel vm6, v13, v60;
	v60 =	vld [tilespmem:$0x1FEC0]  }
0x223: {  	v38 =	vsel vm4, v38, v39;
	v39 =	vmul.f32 $3.125000000e-02, v4;
	v51 =	vbroadcast v57, $0xF;
	v57, _, _ =	vpop (xrf2)  }
0x224: {  	v38 =	vsel vm5, v38, v43;
	v4 =	vbroadcast v57, $0xF;
	v13 =	vsel vm7, v13, v63  }
0x225: {  	v38 =	vsel vm6, v38, v51;
	v13 =	vmul.f32 $3.125000000e-02, v13  }
0x226: {  	v4 =	vsel vm7, v38, v4  }
0x227: {  	v4 =	vmul.f32 $3.125000000e-02, v4;
	v0 =	vsel vm15, v0, v60;
	v63 =	vmul.f32 v13, v13  }
0x228: {  	v61 =	vmul.f32 v39, v39;
	v0 =	vmul.f32 $3.125000000e-02, v0  }
0x229: {  	v4 =	vsub.f32 v4, v63  }
0x22a: {  	v0 =	vsub.f32 v0, v61  }
0x22b: {  	v4 =	vadd.f32 $9.999999740e-06, v4  }
0x22c: {  	v0 =	vadd.f32 $9.999999740e-06, v0  }
0x22d: {  	v51 =	vshra.s32 v4, $0x1;
	v4 =	vmul.f32 $5.000000000e-01, v4  }
0x22e: {  	v45 =	vshra.s32 v0, $0x1;
	v0 =	vmul.f32 $5.000000000e-01, v0;
	v43 =	vsub.s32 $0x5F3759DF, v51  }
0x22f: {  	v38 =	vsub.s32 $0x5F3759DF, v45;
	v60 =	vmul.f32 v43, v4  }
0x230: {  	v57 =	vmul.f32 v38, v0  }
0x231: {  	v45 =	vmul.f32 v43, v60  }
0x232: {  	v44 =	vmul.f32 v38, v57  }
0x233: {  	v45 =	vsub.f32 $1.500000000e+00, v45  }
0x234: {  	v44 =	vsub.f32 $1.500000000e+00, v44  }
0x235: {  	v43 =	vmul.f32 v43, v45  }
0x236: {  	v38 =	vmul.f32 v38, v44  }
0x237: {  	v45 =	vmul.f32 v43, v4  }
0x238: {  	v44 =	vmul.f32 v38, v0  }
0x239: {  	v45 =	vmul.f32 v45, v43  }
0x23a: {  	v44 =	vmul.f32 v44, v38  }
0x23b: {  	v45 =	vsub.f32 $1.500000000e+00, v45  }
0x23c: {  	v44 =	vsub.f32 $1.500000000e+00, v44  }
0x23d: {  	v60 =	vbroadcast v13, $0x2;
	v43 =	vmul.f32 v45, v43  }
0x23e: {  	v23 =	vbroadcast v23, $0xF;
	v38 =	vmul.f32 v44, v38  }
0x23f: {  	v26 =	vbroadcast v26, $0xF;
	v17 =	vsub.f32 v17, v60;
	v4 =	vmul.f32 v43, v4  }
0x240: {  	v15 =	vsub.f32 v15, v60;
	v60 =	vbroadcast v13, $0x4;
	v0 =	vmul.f32 v38, v0  }
0x241: {  	v53 =	vbroadcast v53, $0xF;
	(v2sf) =	vpush v37, $0x8;
	v4 =	vmul.f32 v4, v43  }
0x242: {  	v63 =	vbroadcast v13, $0x0;
	v8 =	vsub.f32 v8, v60;
	v0 =	vmul.f32 v0, v38  }
0x243: {  	v57 =	vbroadcast v13, $0x1;
	v9 =	vsub.f32 v9, v60;
	v4 =	vsub.f32 $1.500000000e+00, v4  }
0x244: {  	v60 =	vbroadcast v56, $0xF;
	v56 =	vbroadcast v54, $0xF;
	v0 =	vsub.f32 $1.500000000e+00, v0  }
0x245: {  	v22 =	vsub.f32 v22, v63;
	v54 =	vbroadcast v39, $0xB;
	v4 =	vmul.f32 v4, v43  }
0x246: {  	v20 =	vsub.f32 v20, v63;
	v45 =	vbroadcast v52, $0xF;
	v38 =	vmul.f32 v0, v38  }
0x247: {  	v18 =	vsub.f32 v18, v57;
	v0 =	vbroadcast v39, $0x8;
	v51 =	vbroadcast v4, $0x0  }
0x248: {  	v21 =	vsub.f32 v21, v57;
	v63 =	vbroadcast v4, $0x2;
	v57 =	vbroadcast v4, $0x3  }
0x249: {  	v61 =	vbroadcast v38, $0x8;
	v22 =	vmul.f32 v51, v22  }
0x24a: {  	v40 =	vsub.f32 v40, v0;
	v20 =	vmul.f32 v51, v20;
	v51 =	vbroadcast v13, $0x3  }
0x24b: {  	v41 =	vsub.f32 v41, v0;
	v17 =	vmul.f32 v63, v17;
	v15 =	vmul.f32 v63, v15  }
0x24c: {  	v63 =	vbroadcast v4, $0x4;
	v0 =	vmul.f32 v61, v40  }
0x24d: {  	v43 =	vmul.f32 v61, v41;
	v61 =	vbroadcast v4, $0x1  }
0x24e: {  	v40 =	vnsel vm8, $0x0, v60;
	v60 =	vbroadcast v19, $0xF;
	v14 =	vsub.f32 v14, v51  }
0x24f: {  	v10 =	vsub.f32 v10, v51;
	v8 =	vmul.f32 v63, v8;
	v51 =	vbroadcast v4, $0x5  }
0x250: {  	v9 =	vmul.f32 v63, v9;
	v22 =	vmul.f32 v22, v62  }
0x251: {  	(v2sf) =	vpush v37, $0x9;
	v20 =	vmul.f32 v20, v1;
	v17 =	vmul.f32 v17, v62  }
0x252: {  	(v2sf) =	vpush v37, $0xA;
	v15 =	vmul.f32 v15, v1;
	v63 =	vbroadcast v4, $0x6  }
0x253: {  	(v2sf) =	vpush v37, $0xB;
	v4 =	vbroadcast v4, $0x7;
	v18 =	vmul.f32 v61, v18  }
0x254: {  	s1 =	spop (v2sf);
	(v2sf) =	vpush v37, $0xC;
	v21 =	vmul.f32 v61, v21;
	v61 =	vbroadcast v13, $0x5  }
0x255: {  	v52 =	vsel vm9, v40, v26;
	v0 =	vmul.f32 v0, v62;
	v43 =	vmul.f32 v43, v1  }
0x256: {  	v14 =	vmul.f32 v57, v14;
	v10 =	vmul.f32 v57, v10;
	v22 =	vadd.f32 v22, v3  }
0x257: {  	v57 =	vbroadcast v13, $0x6;
	v20 =	vadd.f32 v20, v2;
	v17 =	vadd.f32 v17, v3  }
0x258: {  	v15 =	vadd.f32 v15, v2;
	v8 =	vmul.f32 v8, v62;
	v9 =	vmul.f32 v9, v1  }
0x259: {  	v13 =	vbroadcast v13, $0x7;
	v7 =	vsub.f32 v7, v61;
	v6 =	vsub.f32 v6, v61  }
0x25a: {  	v18 =	vmul.f32 v18, v62;
	v21 =	vmul.f32 v21, v1;
	v0 =	vadd.f32 v0, v3;
	[tilespmem:s31+$0x10160] =	vst v22  }
0x25b: {  	v61 =	vnsel vm8, $0x0, v23;
	v43 =	vadd.f32 v43, v2;
	v11 =	vsub.f32 v11, v57;
	[tilespmem:s31+$0x10170] =	vst v20  }
0x25c: {  	v5 =	vsub.f32 v5, v57;
	v14 =	vmul.f32 v14, v62;
	v8 =	vadd.f32 v8, v3;
	[tilespmem:s30+$0x107B0] =	vst v15  }
0x25d: {  	v10 =	vmul.f32 v10, v1;
	v9 =	vadd.f32 v9, v2;
	v20 =	vsub.f32 v49, v13;
	[tilespmem:s30+$0x107A0] =	vst v17  }
0x25e: {  	v49 =	vbroadcast v25, $0xF;
	v7 =	vmul.f32 v51, v7;
	v18 =	vadd.f32 v18, v3;
	[tilespmem:s30+$0x107E0] =	vst v8  }
0x25f: {  	v6 =	vmul.f32 v51, v6;
	v21 =	vadd.f32 v21, v2;
	v14 =	vadd.f32 v14, v3;
	[tilespmem:s30+$0x107F0] =	vst v9  }
0x260: {  	v10 =	vadd.f32 v10, v2;
	v11 =	vmul.f32 v63, v11;
	[tilespmem:s30+$0x10780] =	vst v18;
	v7 =	vmul.f32 v7, v62  }
0x261: {  	v19 =	vld [tilespmem:s30+$0xE8A0];
	v5 =	vmul.f32 v63, v5;
	[tilespmem:s30+$0x10790] =	vst v21;
	v6 =	vmul.f32 v6, v1;
	v21 =	vsub.f32 v12, v13  }
0x262: {  	v17 =	vld [tilespmem:s30+$0xE8B0];
	v23 =	vmul.f32 v4, v20;
	[tilespmem:s30+$0x107C0] =	vst v14;
	v22 =	vmul.f32 v11, v62;
	v7 =	vadd.f32 v7, v3  }
0x263: {  	v25 =	vld [tilespmem:s30+$0xE8D0];
	[tilespmem:s30+$0x107D0] =	vst v10;
	v5 =	vmul.f32 v5, v1;
	v6 =	vadd.f32 v6, v2;
	v4 =	vmul.f32 v4, v21  }
0x264: {  	v15 =	vbroadcast v39, $0x9;
	v9 =	vld [tilespmem:s30+$0xE880];
	v44 =	vmul.f32 v23, v62;
	v41 =	vadd.f32 v22, v3;
	[tilespmem:s30+$0x10800] =	vst v7  }
0x265: {  	v57 =	vbroadcast v24, $0xF;
	v12 =	vld [tilespmem:s30+$0xE870];
	v5 =	vadd.f32 v5, v2;
	[tilespmem:s30+$0x10810] =	vst v6;
	v4 =	vmul.f32 v4, v1  }
0x266: {  	s31 =	spop (v2sf);
	(v2sf) =	vpush v37, $0xD;
	v10 =	vld [tilespmem:s30+$0xE860];
	v51 =	vadd.f32 v44, v3;
	v44 =	vbroadcast v58, $0xF;
	[tilespmem:s30+$0x10820] =	vst v41  }
0x267: {  	v58 =	vld [tilespmem:$0x1FF10];
	[tilespmem:s30+$0x10830] =	vst v5;
	v5 =	vsel vm9, v61, v45;
	v61 =	vbroadcast v16, $0xF;
	v4 =	vadd.f32 v4, v2  }
0x268: {  	v6 =	vsel vm10, v52, v49;
	[tilespmem:s30+$0x10840] =	vst v51;
	v41 =	vbroadcast v55, $0xF;
	v45 =	vbroadcast v48, $0xF;
	v51 =	vld [tilespmem:$0x1FEE0]  }
0x269: {  	v48 =	vbroadcast v50, $0xF;
	v50 =	vbroadcast v39, $0xA;
	[tilespmem:s30+$0x10850] =	vst v4;
	v4 =	vsel vm11, v6, v56;
	v56 =	vld [tilespmem:$0x1FF00]  }
0x26a: {  	v5 =	vsel vm10, v5, v53;
	v53 =	vbroadcast v38, $0xA;
	v63 =	vld [tilespmem:s1+$0xC800];
	v4 =	vsel vm12, v4, v60  }
0x26b: {  	v5 =	vsel vm11, v5, v57;
	v14 =	vsub.f32 v47, v50;
	v6 =	vld [tilespmem:s1+$0xC810];
	v4 =	vsel vm13, v4, v61  }
0x26c: {  	v49 =	vbroadcast v38, $0x9;
	v5 =	vsel vm12, v5, v41;
	v7 =	vld [tilespmem:s31+$0xC800];
	v4 =	vsel vm14, v4, v44  }
0x26d: {  	v5 =	vsel vm13, v5, v45;
	v16 =	vld [tilespmem:s31+$0xC810];
	v47 =	vmul.f32 v53, v14;
	v4 =	vsel vm15, v4, v59  }
0x26e: {  	v55 =	vbroadcast v39, $0xC;
	s1 =	spop (v2sf);
	v5 =	vsel vm14, v5, v48;
	v44 =	vmul.f32 $3.125000000e-02, v4;
	v4 =	vld [tilespmem:$0x1FED0]  }
0x26f: {  	(v2sf) =	vpush v37, $0xE;
	v20 =	vld [tilespmem:s1+$0xC800];
	v5 =	vsel vm15, v5, v46;
	v47 =	vmul.f32 v47, v1  }
0x270: {  	v26 =	vsub.f32 v58, v55;
	v14 =	vld [tilespmem:s30+$0xE8C0];
	s31 =	spop (v2sf);
	(v2sf) =	vpush v37, $0xF;
	v5 =	vmul.f32 $3.125000000e-02, v5  }
0x271: {  	v24 =	vld [tilespmem:s31+$0xC800];
	v59 =	vbroadcast v39, $0xD;
	v13 =	vsub.f32 v56, v54;
	v47 =	vadd.f32 v47, v2  }
0x272: {  	v46 =	vld [tilespmem:s31+$0xC810];
	v37 =	vadd.f32 v63, v10;
	v63 =	vbroadcast v38, $0xB;
	v40 =	vadd.f32 v6, v12  }
0x273: {  	v60 =	vld [tilespmem:$0x1FF20];
	v18 =	vadd.f32 v7, v9;
	v52 =	vmul.f32 v44, v44;
	v4 =	vsub.f32 v4, v15  }
0x274: {  	v11 =	vld [tilespmem:s30+$0xE890];
	v41 =	vadd.f32 v20, v19;
	v19 =	vbroadcast v38, $0xC;
	v9 =	vadd.f32 v40, v37  }
0x275: {  	v21 =	vld [tilespmem:s1+$0xC810];
	v5 =	vsub.f32 v5, v52;
	v23 =	vmul.f32 v49, v4;
	v4 =	vsub.f32 v42, v50  }
0x276: {  	v58 =	vld [tilespmem:$0x1FF40];
	v6 =	vmul.f32 v63, v13;
	v12 =	vadd.f32 v24, v14;
	v15 =	vsub.f32 v51, v15  }
0x277: {  	v8 =	vld [tilespmem:s30+$0xE8E0];
	s1 =	spop (v2sf);
	v13 =	vadd.f32 v46, v25;
	v48 =	vmul.f32 v53, v4;
	v4 =	vadd.f32 $9.999999740e-06, v5  }
0x278: {  	v7 =	vld [tilespmem:s1+$0xC810];
	v6 =	vmul.f32 v6, v1;
	v22 =	vmul.f32 v49, v15;
	v49 =	vsub.f32 v60, v55  }
0x279: {  	v60 =	vmul.f32 v37, v37;
	v15 =	vadd.f32 v16, v11;
	v5 =	vld [tilespmem:$0x1FEF0];
	v57 =	vshra.s32 v4, $0x1  }
0x27a: {  	v42 =	vadd.f32 v21, v17;
	v21 =	vmul.f32 v41, v41;
	v45 =	vsub.s32 $0x5F3759DF, v57;
	v57 =	vld [tilespmem:$0x1FF30]  }
0x27b: {  	v52 =	vsub.f32 v58, v59;
	v53 =	vld [tilespmem:s30+$0xE8F0];
	v23 =	vmul.f32 v23, v62;
	v4 =	vmul.f32 $5.000000000e-01, v4  }
0x27c: {  	s31 =	spop (v2sf);
	v20 =	vld [tilespmem:s30+$0xE910];
	v6 =	vadd.f32 v6, v2;
	v16 =	vadd.f32 v15, v18;
	v22 =	vmul.f32 v22, v1  }
0x27d: {  	v14 =	vld [tilespmem:s31+$0xC810];
	v10 =	vadd.f32 v42, v41;
	v23 =	vadd.f32 v23, v3;
	v61 =	vmul.f32 v45, v4  }
0x27e: {  	v24 =	vld [tilespmem:s30+$0xE920];
	v48 =	vmul.f32 v48, v62;
	v22 =	vadd.f32 v22, v2;
	v5 =	vsub.f32 v5, v54  }
0x27f: {  	v51 =	vld [tilespmem:s1+$0xC800];
	v50 =	vsub.f32 v57, v59;
	v59 =	vmul.f32 v45, v61;
	v61 =	vmul.f32 v40, v40  }
0x280: {  	v55 =	vld [tilespmem:s31+$0xC800];
	v17 =	vadd.f32 v7, v53;
	v7 =	vmul.f32 v19, v26;
	v5 =	vmul.f32 v63, v5  }
0x281: {  	s1 =	spop (v2sf);
	v54 =	vld [tilespmem:s30+$0xE900];
	v63 =	vadd.f32 v61, v60;
	v60 =	vmul.f32 v18, v18;
	v61 =	vmul.f32 v15, v15  }
0x282: {  	(xrf2) =	vadd.scan.msk.f32 $0xffff, v9;
	v25 =	vld [tilespmem:s1+$0xC810];
	v48 =	vadd.f32 v48, v3;
	v19 =	vmul.f32 v19, v49;
	v7 =	vmul.f32 v7, v62  }
0x283: {  	s31 =	spop (v2sf);
	v53 =	vld [tilespmem:s30+$0xE940];
	v11 =	vsub.f32 $1.500000000e+00, v59;
	v9 =	vadd.f32 v61, v60;
	(xrf2) =	vadd.scan.msk.f32 $0xffff, v63;
	v63 =	vmul.f32 v42, v42  }
0x284: {  	v49 =	vld [tilespmem:s31+$0xC800];
	v60 =	vmul.f32 v12, v12;
	v61 =	vmul.f32 v13, v13;
	(xrf2) =	vadd.scan.msk.f32 $0xffff, v16;
	v16 =	vadd.f32 v51, v8  }
0x285: {  	v19 =	vmul.f32 v19, v1;
	v8 =	vld [tilespmem:s30+$0xE930];
	(xrf2) =	vadd.scan.msk.f32 $0xffff, v9;
	v56 =	vadd.f32 v63, v21;
	v63 =	vadd.f32 v13, v12  }
0x286: {  	v57 =	vld [tilespmem:s1+$0xC800];
	v59 =	vadd.f32 v61, v60;
	(xrf2) =	vadd.scan.msk.f32 $0xffff, v10;
	v10 =	vadd.f32 v55, v54;
	v54 =	vbroadcast v38, $0xD  }
0x287: {  	[tilespmem:s30+$0x10460] =	vst v0;
	v46 =	vld [tilespmem:s30+$0xE950];
	v61 =	vmul.f32 v17, v17;
	v9 =	vadd.f32 v14, v20;
	v60 =	vmul.f32 v16, v16  }
0x288: {  	v5 =	vmul.f32 v5, v62;
	v14 =	vadd.f32 v17, v16;
	(xrf2) =	vadd.scan.msk.f32 $0xffff, v56;
	v21 =	vmul.f32 v54, v52;
	v52 =	vld [tilespmem:$0x1FF50]  }
0x289: {  	v58 =	vld [tilespmem:s31+$0xC810];
	(xrf2) =	vadd.scan.msk.f32 $0xffff, v63;
	v63 =	vadd.f32 v61, v60;
	v26 =	vadd.f32 v9, v10;
	v60 =	vmul.f32 v10, v10  }
0x28a: {  	v61 =	vmul.f32 v9, v9;
	(xrf2) =	vadd.scan.msk.f32 $0xffff, v59;
	v59 =	vmul.f32 v45, v11;
	v11 =	vadd.f32 v25, v8  }
0x28b: {  	v45 =	vadd.f32 v49, v53;
	v53 =	vld [tilespmem:$0x1FF60];
	(xrf2) =	vadd.scan.msk.f32 $0xffff, v14;
	v14 =	vadd.f32 v57, v24;
	v24 =	vbroadcast v39, $0xE  }
0x28c: {  	v0 =	vadd.f32 v7, v3;
	v20 =	vmul.f32 v54, v50;
	(xrf2) =	vadd.scan.msk.f32 $0xffff, v63;
	v55 =	vmul.f32 v11, v11  }
0x28d: {  	v50, _, _ =	vpop (xrf2);
	(xrf2) =	vadd.scan.msk.f32 $0xffff, v26;
	v26 =	vadd.f32 v11, v14;
	v51 =	vsub.f32 v52, v24;
	v52 =	vmul.f32 v14, v14  }
0x28e: {  	v8 =	vadd.f32 v58, v46;
	v50 =	vbroadcast v50, $0xF;
	v63 =	vadd.f32 v61, v60  }
0x28f: {  	v57 =	vbroadcast v38, $0xE;
	v25 =	vmul.f32 v59, v4;
	v54, _, _ =	vpop (xrf2);
	v46 =	vadd.f32 v55, v52  }
0x290: {  	v58 =	vmul.f32 v45, v45;
	v56 =	vmul.f32 v8, v8;
	(xrf2) =	vadd.scan.msk.f32 $0xffff, v63;
	v60, _, _ =	vpop (xrf2);
	v24 =	vsub.f32 v53, v24  }
0x291: {  	v39 =	vbroadcast v39, $0xF;
	v25 =	vmul.f32 v25, v59;
	(xrf2) =	vadd.scan.msk.f32 $0xffff, v26;
	v55 =	vadd.f32 v8, v45;
	v26, _, _ =	vpop (xrf2)  }
0x292: {  	v20 =	vmul.f32 v20, v62;
	v61 =	vadd.f32 v56, v58;
	v53 =	vmul.f32 v57, v51;
	v49, _, _ =	vpop (xrf2);
	(xrf2) =	vadd.scan.msk.f32 $0xffff, v46  }
0x293: {  	v25 =	vsub.f32 $1.500000000e+00, v25;
	v51 =	vbroadcast v54, $0xF;
	v63 =	vbroadcast v60, $0xF;
	v46, _, _ =	vpop (xrf2)  }
0x294: {  	v50 =	vnsel vm8, $0x0, v50;
	v52 =	vmul.f32 v57, v24;
	v26 =	vbroadcast v26, $0xF;
	(xrf2) =	vadd.scan.msk.f32 $0xffff, v55;
	v24, _, _ =	vpop (xrf2)  }
0x295: {  	v25 =	vmul.f32 v25, v59;
	v51 =	vnsel vm8, $0x0, v51;
	v49 =	vbroadcast v49, $0xF;
	(xrf2) =	vadd.scan.msk.f32 $0xffff, v61;
	v55, _, _ =	vpop (xrf2)  }
0x296: {  	v50 =	vsel vm9, v50, v63;
	v26 =	vsel vm9, v51, v26;
	v46 =	vbroadcast v46, $0xF;
	v60, _, _ =	vpop (xrf2)  }
0x297: {  	v4 =	vmul.f32 v25, v4;
	v49 =	vsel vm10, v50, v49;
	v56 =	vbroadcast v55, $0xF;
	v61, _, _ =	vpop (xrf2)  }
0x298: {  	v24 =	vbroadcast v24, $0xF;
	v26 =	vsel vm10, v26, v46;
	v61 =	vbroadcast v61, $0xF  }
0x299: {  	v4 =	vmul.f32 v4, v25;
	v59 =	vbroadcast v60, $0xF;
	v63, _, _ =	vpop (xrf2);
	v26 =	vsel vm11, v26, v56  }
0x29a: {  	v55 =	vbroadcast v44, $0x9;
	v24 =	vsel vm11, v49, v24;
	v51, _, _ =	vpop (xrf2);
	v26 =	vsel vm12, v26, v61;
	v61 =	vld [tilespmem:$0x1FF70]  }
0x29b: {  	v63 =	vbroadcast v63, $0xF;
	v24 =	vsel vm12, v24, v59;
	v60, _, _ =	vpop (xrf2);
	v59 =	vbroadcast v51, $0xF  }
0x29c: {  	v19 =	vadd.f32 v19, v2;
	v51 =	vbroadcast v38, $0xF;
	v57 =	vbroadcast v60, $0xF;
	v58, _, _ =	vpop (xrf2)  }
0x29d: {  	v24 =	vsel vm13, v24, v63;
	v63 =	vsub.f32 $1.500000000e+00, v4;
	v49 =	vbroadcast v58, $0xF  }
0x29e: {  	v60, _, _ =	vpop (xrf2);
	v4 =	vsel vm13, v26, v59;
	v59 =	vbroadcast v44, $0x8;
	v24 =	vsel vm14, v24, v57  }
0x29f: {  	v58, _, _ =	vpop (xrf2);
	v24 =	vsel vm15, v24, v60;
	v57 =	vsel vm14, v4, v49;
	v38 =	vsub.f32 v61, v39  }
0x2a0: {  	v4 =	vmul.f32 $3.125000000e-02, v24;
	v60 =	vsel vm15, v57, v58;
	v57 =	vbroadcast v44, $0xA;
	v58 =	vld [tilespmem:$0x1FF90]  }
0x2a1: {  	v28 =	vsub.f32 v28, v55;
	v61 =	vld [tilespmem:$0x1FF80];
	v26 =	vmul.f32 v51, v38;
	v38 =	vmul.f32 v63, v25  }
0x2a2: {  	v29 =	vsub.f32 v29, v59;
	v25 =	vmul.f32 $3.125000000e-02, v60;
	v63 =	vmul.f32 v4, v4  }
0x2a3: {  	v52 =	vmul.f32 v52, v1;
	v24 =	vsub.f32 v30, v59;
	v27 =	vsub.f32 v27, v57  }
0x2a4: {  	v60 =	vld [tilespmem:$0x1FFA0];
	v54 =	vbroadcast v38, $0x8;
	v25 =	vsub.f32 v25, v63;
	v56 =	vbroadcast v38, $0x9  }
0x2a5: {  	v50 =	vbroadcast v38, $0xA;
	v49 =	vsub.f32 v58, v55;
	v55 =	vbroadcast v38, $0xB  }
0x2a6: {  	v39 =	vsub.f32 v61, v39;
	v58 =	vbroadcast v44, $0xC;
	v29 =	vmul.f32 v54, v29  }
0x2a7: {  	v5 =	vadd.f32 v5, v3;
	v24 =	vmul.f32 v54, v24;
	v28 =	vmul.f32 v56, v28  }
0x2a8: {  	v61 =	vld [tilespmem:$0x1FFB0];
	v25 =	vadd.f32 $9.999999740e-06, v25;
	v27 =	vmul.f32 v50, v27;
	v39 =	vmul.f32 v51, v39  }
0x2a9: {  	v30 =	vmul.f32 v56, v49;
	v49 =	vbroadcast v44, $0xB;
	v46 =	vsub.f32 v60, v57  }
0x2aa: {  	v60 =	vld [tilespmem:$0x1FFC0];
	v57 =	vbroadcast v38, $0xC;
	v59 =	vshra.s32 v25, $0x1;
	v25 =	vmul.f32 $5.000000000e-01, v25  }
0x2ab: {  	v29 =	vmul.f32 v29, v62;
	v24 =	vmul.f32 v24, v1;
	v51 =	vsub.s32 $0x5F3759DF, v59  }
0x2ac: {  	v20 =	vadd.f32 v20, v3;
	v28 =	vmul.f32 v28, v62;
	v54 =	vmul.f32 v51, v25  }
0x2ad: {  	v27 =	vmul.f32 v27, v62;
	v46 =	vmul.f32 v50, v46;
	v63 =	vsub.f32 v61, v49;
	v61 =	vld [tilespmem:$0x1FFD0]  }
0x2ae: {  	v30 =	vmul.f32 v30, v1;
	v29 =	vadd.f32 v29, v3;
	v54 =	vmul.f32 v51, v54  }
0x2af: {  	[tilespmem:s30+$0x104C0] =	vst v5;
	v5 =	vadd.f32 v24, v2;
	v56 =	vmul.f32 v46, v1;
	v49 =	vsub.f32 v60, v49;
	v60 =	vld [tilespmem:$0x1FFE0]  }
0x2b0: {  	v46 =	vbroadcast v38, $0xF;
	v50 =	vmul.f32 v55, v63;
	v54 =	vsub.f32 $1.500000000e+00, v54  }
0x2b1: {  	v24 =	vadd.f32 v28, v3;
	v49 =	vmul.f32 v55, v49;
	v55 =	vbroadcast v44, $0xD  }
0x2b2: {  	v63 =	vsub.f32 v61, v58;
	v51 =	vmul.f32 v51, v54;
	v54 =	vbroadcast v38, $0xD  }
0x2b3: {  	v33 =	vsub.f32 v33, v55;
	v34 =	vsub.f32 v34, v55;
	v55 =	vmul.f32 v39, v1  }
0x2b4: {  	v59 =	vmul.f32 v57, v63;
	v58 =	vsub.f32 v60, v58;
	v60 =	vbroadcast v44, $0xE  }
0x2b5: {  	[tilespmem:s30+$0x104E0] =	vst v0;
	v0 =	vadd.f32 v27, v3;
	v63 =	vbroadcast v38, $0xE;
	v44 =	vbroadcast v44, $0xF  }
0x2b6: {  	[tilespmem:s30+$0x104D0] =	vst v6;
	v6 =	vadd.f32 v30, v2;
	v38 =	vbroadcast v4, $0xB;
	v61 =	vmul.f32 v51, v25  }
0x2b7: {  	[tilespmem:s30+$0x104F0] =	vst v19;
	v19 =	vadd.f32 v56, v2;
	v33 =	vmul.f32 v54, v33;
	v34 =	vmul.f32 v54, v34  }
0x2b8: {  	v57 =	vmul.f32 v57, v58;
	v35 =	vsub.f32 v35, v60;
	v36 =	vsub.f32 v36, v60  }
0x2b9: {  	v31 =	vsub.f32 v31, v44;
	v58 =	vmul.f32 v50, v62;
	v60 =	vmul.f32 v49, v1  }
0x2ba: {  	[tilespmem:s30+$0x10470] =	vst v43;
	v32 =	vsub.f32 v32, v44;
	v61 =	vmul.f32 v61, v51;
	v43 =	vmul.f32 v33, v62  }
0x2bb: {  	[tilespmem:s30+$0x104A0] =	vst v48;
	v12 =	vsub.f32 v12, v38;
	v48 =	vmul.f32 v34, v1;
	v33 =	vbroadcast v4, $0xA  }
0x2bc: {  	[tilespmem:s30+$0x104B0] =	vst v47;
	v13 =	vsub.f32 v13, v38;
	v35 =	vmul.f32 v63, v35;
	v36 =	vmul.f32 v63, v36  }
0x2bd: {  	[tilespmem:s30+$0x10500] =	vst v20;
	v63 =	vmul.f32 v21, v1;
	v28 =	vadd.f32 v58, v3;
	v20 =	vadd.f32 v60, v2  }
0x2be: {  	[tilespmem:s30+$0x10480] =	vst v23;
	v31 =	vmul.f32 v46, v31;
	v58 =	vbroadcast v4, $0x9;
	v54 =	vsub.f32 $1.500000000e+00, v61  }
0x2bf: {  	[tilespmem:s30+$0x10490] =	vst v22;
	v61 =	vmul.f32 v59, v62;
	v7 =	vadd.f32 v63, v2;
	v63 =	vmul.f32 v57, v1  }
0x2c0: {  	[tilespmem:s30+$0x10660] =	vst v29;
	v49 =	vadd.f32 v43, v3;
	v50 =	vmul.f32 v35, v62;
	v31 =	vmul.f32 v31, v62  }
0x2c1: {  	[tilespmem:s30+$0x10670] =	vst v5;
	v18 =	vsub.f32 v18, v58;
	v15 =	vsub.f32 v15, v58;
	v44 =	vmul.f32 v54, v51  }
0x2c2: {  	[tilespmem:s30+$0x10680] =	vst v24;
	v51 =	vmul.f32 v53, v62;
	v53 =	vmul.f32 v26, v62;
	v54 =	vadd.f32 v52, v2  }
0x2c3: {  	[tilespmem:s30+$0x106A0] =	vst v0;
	v26 =	vadd.f32 v55, v2;
	v39 =	vadd.f32 v61, v3;
	v25 =	vmul.f32 v44, v25  }
0x2c4: {  	[tilespmem:s30+$0x10690] =	vst v6;
	v52 =	vbroadcast v4, $0x8;
	v55 =	vmul.f32 v46, v32;
	v47 =	vadd.f32 v63, v2  }
0x2c5: {  	[tilespmem:s30+$0x106B0] =	vst v19;
	v59 =	vadd.f32 v31, v3;
	v21 =	vadd.f32 v51, v3;
	v25 =	vmul.f32 v25, v44  }
0x2c6: {  	[tilespmem:s30+$0x106C0] =	vst v28;
	v46 =	vbroadcast v4, $0xD;
	v23 =	vadd.f32 v53, v3;
	v51 =	vadd.f32 v48, v2  }
0x2c7: {  	[tilespmem:s30+$0x10530] =	vst v54;
	v53 =	vadd.f32 v50, v3;
	v54 =	vmul.f32 v36, v1;
	v25 =	vsub.f32 $1.500000000e+00, v25  }
0x2c8: {  	[tilespmem:s30+$0x106D0] =	vst v20;
	v57 =	vsub.f32 v37, v52;
	v27 =	vsub.f32 v40, v52;
	v29 =	vmul.f32 v55, v1  }
0x2c9: {  	[tilespmem:s30+$0x10700] =	vst v49;
	v37 =	vsub.f32 v42, v33;
	v42 =	vbroadcast v4, $0xC;
	v25 =	vmul.f32 v25, v44  }
0x2ca: {  	v36 =	vsub.f32 v41, v33;
	[tilespmem:s30+$0x10720] =	vst v53;
	v53 =	vbroadcast v4, $0xE;
	v4 =	vbroadcast v4, $0xF  }
0x2cb: {  	[tilespmem:s30+$0x10510] =	vst v7;
	v10 =	vsub.f32 v10, v46;
	v56 =	vbroadcast v25, $0x8;
	v63 =	vbroadcast v25, $0x9  }
0x2cc: {  	[tilespmem:s30+$0x10550] =	vst v26;
	v9 =	vsub.f32 v9, v46;
	v35 =	vbroadcast v25, $0xA;
	v41 =	vbroadcast v25, $0xB  }
0x2cd: {  	[tilespmem:s30+$0x106E0] =	vst v39;
	v5 =	vadd.f32 v54, v2;
	v43 =	vbroadcast v25, $0xC;
	v50 =	vbroadcast v25, $0xD  }
0x2ce: {  	[tilespmem:s30+$0x106F0] =	vst v47;
	v34 =	vadd.f32 v29, v2;
	v55 =	vbroadcast v25, $0xE;
	v60 =	vmul.f32 v56, v57  }
0x2cf: {  	[tilespmem:s30+$0x10740] =	vst v59;
	v16 =	vsub.f32 v16, v42;
	v61 =	vmul.f32 v56, v27;
	v18 =	vmul.f32 v63, v18  }
0x2d0: {  	[tilespmem:s30+$0x10520] =	vst v21;
	v17 =	vsub.f32 v17, v42;
	v15 =	vmul.f32 v63, v15;
	v40 =	vmul.f32 v35, v36  }
0x2d1: {  	[tilespmem:s30+$0x10540] =	vst v23;
	v14 =	vsub.f32 v14, v53;
	v20 =	vmul.f32 v35, v37;
	v0 =	vmul.f32 v60, v62  }
0x2d2: {  	[tilespmem:s30+$0x10710] =	vst v51;
	v11 =	vsub.f32 v11, v53;
	v12 =	vmul.f32 v41, v12;
	v6 =	vmul.f32 v61, v1  }
0x2d3: {  	[tilespmem:s30+$0x10730] =	vst v5;
	v13 =	vmul.f32 v41, v13;
	v39 =	vmul.f32 v18, v62;
	v0 =	vadd.f32 v0, v3  }
0x2d4: {  	[tilespmem:s30+$0x10750] =	vst v34;
	v16 =	vmul.f32 v43, v16;
	v15 =	vmul.f32 v15, v1;
	v6 =	vadd.f32 v6, v2  }
0x2d5: {  	v56 =	vbroadcast v25, $0xF;
	v18 =	vmul.f32 v40, v62;
	v7 =	vadd.f32 v39, v3;
	[tilespmem:s30+$0x10860] =	vst v0  }
0x2d6: {  	v57 =	vsub.f32 v45, v4;
	v44 =	vmul.f32 v20, v1;
	v5 =	vadd.f32 v15, v2;
	[tilespmem:s30+$0x10870] =	vst v6  }
0x2d7: {  	v4 =	vsub.f32 v8, v4;
	v47 =	vmul.f32 v13, v1;
	v18 =	vadd.f32 v18, v3;
	[tilespmem:s30+$0x10880] =	vst v7  }
0x2d8: {  	v17 =	vmul.f32 v43, v17;
	v12 =	vmul.f32 v12, v62;
	v15 =	vadd.f32 v44, v2;
	[tilespmem:s30+$0x10890] =	vst v5  }
0x2d9: {  	v48 =	vmul.f32 v16, v62;
	v4 =	vmul.f32 v56, v4;
	v51 =	vadd.f32 v47, v2;
	[tilespmem:s30+$0x108A0] =	vst v18  }
0x2da: {  	v54 =	vmul.f32 v50, v10;
	v49 =	vmul.f32 v17, v1;
	v0 =	vadd.f32 v12, v3;
	[tilespmem:s30+$0x108B0] =	vst v15  }
0x2db: {  	v9 =	vmul.f32 v50, v9;
	v52 =	vadd.f32 v48, v3;
	v4 =	vmul.f32 v4, v1;
	[tilespmem:s30+$0x108D0] =	vst v51  }
0x2dc: {  	v5 =	vadd.f32 v49, v2;
	v6 =	vmul.f32 v54, v62;
	[tilespmem:s30+$0x108C0] =	vst v0;
	v0 =	vmul.f32 v55, v14  }
0x2dd: {  	v59 =	vmul.f32 v55, v11;
	v58 =	vmul.f32 v9, v1;
	[tilespmem:s30+$0x108E0] =	vst v52;
	v4 =	vadd.f32 v4, v2  }
0x2de: {  	v60 =	vmul.f32 v56, v57;
	v6 =	vadd.f32 v6, v3;
	[tilespmem:s30+$0x108F0] =	vst v5;
	v0 =	vmul.f32 v0, v62  }
0x2df: {  	p2 =	por p1, p1;
	v61 =	vmul.f32 v59, v1;
	v5 =	vadd.f32 v58, v2;
	[tilespmem:s30+$0x10950] =	vst v4  }
.Ltmp2:
0x2e0: {  	v63 =	vmul.f32 v60, v62;
	[tilespmem:s30+$0x10900] =	vst v6;
	v0 =	vadd.f32 v0, v3;
	(pc) =	sbr.rel @p2 .LBB2_3-.Ltmp2, $4  }
0x2e1: {  	[tilespmem:s30+$0x10910] =	vst v5;
	v5 =	vadd.f32 v61, v2  }
0x2e2: {  	[tilespmem:s30+$0x10920] =	vst v0;
	v0 =	vadd.f32 v63, v3  }
0x2e3: {  	[tilespmem:s30+$0x10930] =	vst v5  }
0x2e4: {  	p1 =	por $0x0, $0x0;
	s1 =	simm.s32 $0x4;
	[tilespmem:s30+$0x10940] =	vst v0  }
0x2e5: {  	s0 =	sshll.u32 s25, $0xD  }
0x2e6: {  	s0 =	sadd.s32 s9, s0  }
0x2e7: {  	s0 =	sshrl.u32 s0, $0x3  }
0x2e8: {  	p1 =	seq.s32 s25, $0x63;
	s0 =	sadd.s32 s2, s0  }
0x2e9: {  	[hbm4b:s0+s3] =	stream.linear.scatter [tilespmem:s19], [sflag:$0x3], $0x1000, $0x38;
	[tilespmem:$0x12160] =	vst v63  }
0x2ea: {  	s0 =	sshrl.u32 @!p1 s29, $0x2  }
0x2eb: {  	s1 =	simm.s32 @!p1 $0x80;
	s29 =	simm.s32 @!p1 $0xE160;
	s0 =	sadd.s32 @!p1 $0x100, s0  }
0x2ec: {  	[tilespmem:s29], [sflag:$0x1] =	stream.indirect.gather @!p1 [hbm4b:s4+s1], $0x20, s0, s1, $0xb8;
	[tilespmem:$0x12160] =	vst v63  }
0x2ed: {  	s28 =	sor.u32 $0x1, s28;
	_ =	swait.ge [sflag:s20], $0x1000  }
0x2ee: {  	s30 =	sshll.u32 s28, $0x7;
	[sflag:s20] =	ssyncset.done $0x0  }
0x2ef: {  	s0 =	simm.s32 @!p0 $0x4;
	s1 =	sand.u32 $0x3FFFFF80, s30;
	[sflag:s20] =	ssyncadd.s32 $0xFFFFF000  }
0x2f0: {  	s31 =	sadd.s32 $0x6400, s1;
	_ =	swait.ge @!p0 [sflag:s0], $0x1000  }
0x2f1: {  	v0 =	vmov s31;
	[sflag:s0] =	ssyncset.done @!p0 $0x0  }
0x2f2: {  	s1 =	simm.s32 $0x0;
	[tilespmem:$0x1FE50] =	vst v0;
	[sflag:s0] =	ssyncadd.s32 @!p0 $0xFFFFF000;
	p0 =	por $0x1, $0x1  }
.LBB2_5:
0x2f3: {  	v54 =	vld [tilespmem:$0x1FE50];
	_ =	sdelay $0x5  }
0x2f4: {  	s30 =	sshll.u32 s1, $0x4  }
0x2f5: {  	s0 =	sand.u32 $0x3FFFFFF0, s30  }
0x2f6: {  	v0 =	vld.idx.msk [tilespmem:v54+s0+$0x0 ss:$0x1], $0xffff;
	_ =	sdelay $0x4  }
0x2f7: {  	v0 =	vshll.u32 v0, $0x7  }
0x2f8: {  	v5 =	vshra.s32 v0, $0x2  }
0x2f9: {  	(v2sf) =	vpush v5, $0x0;
	_ =	sdelay $0x1  }
0x2fa: {  	(v2sf) =	vpush v5, $0x1;
	_ =	sdelay $0x1  }
0x2fb: {  	(v2sf) =	vpush v5, $0x2;
	_ =	sdelay $0x3  }
0x2fc: {  	s29 =	sshll.u32 s1, $0x9  }
0x2fd: {  	v6 =	vld [tilespmem:s29+$0xF170]  }
0x2fe: {  	v8 =	vld [tilespmem:s29+$0xF180]  }
0x2ff: {  	v10 =	vld [tilespmem:s29+$0xF190];
	(v2sf) =	vpush v5, $0x3  }
0x300: {  	v12 =	vld [tilespmem:s29+$0xF1A0]  }
0x301: {  	v15 =	vld [tilespmem:s29+$0xF1B0]  }
0x302: {  	v19 =	vld [tilespmem:s29+$0xF1C0]  }
0x303: {  	v21 =	vld [tilespmem:s29+$0xF1D0];
	s1 =	spop (v2sf);
	(v2sf) =	vpush v5, $0x4  }
0x304: {  	v23 =	vld [tilespmem:s29+$0xF1E0]  }
0x305: {  	v25 =	vld [tilespmem:s29+$0xF1F0];
	s31 =	spop (v2sf);
	(v2sf) =	vpush v5, $0x5  }
0x306: {  	v4 =	vld [tilespmem:s1+$0xC800]  }
0x307: {  	v7 =	vld [tilespmem:s1+$0xC810];
	s1 =	spop (v2sf);
	(v2sf) =	vpush v5, $0x6  }
0x308: {  	v28 =	vld [tilespmem:s29+$0xF210]  }
0x309: {  	v63 =	vld [tilespmem:s29+$0xF220]  }
0x30a: {  	v0 =	vld [tilespmem:s29+$0xF160];
	(v2sf) =	vpush v5, $0x7  }
0x30b: {  	v9 =	vld [tilespmem:s31+$0xC800]  }
0x30c: {  	v11 =	vld [tilespmem:s31+$0xC810]  }
0x30d: {  	v13 =	vld [tilespmem:s1+$0xC800]  }
0x30e: {  	v18 =	vld [tilespmem:s1+$0xC810];
	s31 =	spop (v2sf)  }
0x30f: {  	v20 =	vld [tilespmem:s31+$0xC800]  }
0x310: {  	v22 =	vld [tilespmem:s31+$0xC810];
	v16 =	vadd.f32 v4, v0  }
0x311: {  	v32 =	vld [tilespmem:s29+$0xF230];
	v17 =	vadd.f32 v7, v6  }
0x312: {  	v4 =	vld [tilespmem:s29+$0xF200];
	v14 =	vadd.f32 v9, v8;
	v9 =	vadd.f32 v11, v10;
	v57 =	vmul.f32 v16, v16;
	s1 =	spop (v2sf)  }
0x313: {  	v59 =	vadd.f32 v17, v16;
	v26 =	vmul.f32 v17, v17;
	v10 =	vadd.f32 v13, v12;
	v24 =	vld [tilespmem:s1+$0xC800]  }
0x314: {  	v11 =	vadd.f32 v18, v15;
	v27 =	vmul.f32 v14, v14;
	v61 =	vadd.f32 v9, v14;
	v0 =	vld [tilespmem:s1+$0xC810];
	s31 =	spop (v2sf)  }
0x315: {  	v29 =	vmul.f32 v9, v9;
	v20 =	vadd.f32 v20, v19;
	v15 =	vadd.f32 v22, v21;
	v58 =	vld [tilespmem:s31+$0xC800]  }
0x316: {  	v6 =	vadd.f32 v26, v57;
	v37 =	vmul.f32 v10, v10;
	v31 =	vmul.f32 v11, v11;
	v60 =	vld [tilespmem:s31+$0xC810];
	s1 =	spop (v2sf)  }
0x317: {  	v36 =	vadd.f32 v11, v10;
	(xrf2) =	vadd.scan.msk.f32 $0xffff, v59;
	v39 =	vmul.f32 v20, v20;
	v40 =	vmul.f32 v15, v15;
	v30 =	vld [tilespmem:s1+$0xC800]  }
0x318: {  	v27 =	vadd.f32 v29, v27;
	v22 =	vadd.f32 v15, v20;
	(xrf2) =	vadd.scan.msk.f32 $0xffff, v6;
	v38 =	vld [tilespmem:s1+$0xC810]  }
0x319: {  	v43 =	vld [tilespmem:s29+$0xF250];
	v8 =	vadd.f32 v31, v37;
	(xrf2) =	vadd.scan.msk.f32 $0xffff, v61;
	v44 =	vadd.f32 v40, v39;
	s31 =	spop (v2sf)  }
0x31a: {  	(xrf2) =	vadd.scan.msk.f32 $0xffff, v27;
	v46 =	vld [tilespmem:s31+$0xC810];
	v12 =	vadd.f32 v24, v23;
	v18 =	vadd.f32 v0, v25  }
0x31b: {  	(xrf2) =	vadd.scan.msk.f32 $0xffff, v36;
	v41 =	vld [tilespmem:s31+$0xC800];
	v19 =	vadd.f32 v58, v4;
	v4 =	vadd.f32 v60, v28  }
0x31c: {  	(xrf2) =	vadd.scan.msk.f32 $0xffff, v8;
	v0 =	vld [tilespmem:s29+$0xF240];
	v24 =	vmul.f32 v12, v12;
	v42 =	vmul.f32 v18, v18;
	v45 =	vadd.f32 v18, v12  }
0x31d: {  	(xrf2) =	vadd.scan.msk.f32 $0xffff, v22;
	v8 =	vadd.f32 v30, v63;
	v6 =	vadd.f32 v38, v32  }
0x31e: {  	(xrf2) =	vadd.scan.msk.f32 $0xffff, v44;
	v48 =	vmul.f32 v19, v19;
	v49 =	vmul.f32 v4, v4;
	v47 =	vadd.f32 v42, v24  }
0x31f: {  	v50 =	vadd.f32 v4, v19;
	v7 =	vadd.f32 v46, v43;
	(xrf2) =	vadd.scan.msk.f32 $0xffff, v45  }
0x320: {  	v52 =	vmul.f32 v8, v8;
	v53 =	vmul.f32 v6, v6;
	v23 =	vadd.f32 v49, v48;
	(xrf2) =	vadd.scan.msk.f32 $0xffff, v47  }
0x321: {  	v55, _, _ =	vpop (xrf2);
	v51 =	vadd.f32 v6, v8;
	v13 =	vadd.f32 v41, v0;
	(xrf2) =	vadd.scan.msk.f32 $0xffff, v50  }
0x322: {  	v0, _, _ =	vpop (xrf2);
	v56 =	vadd.f32 v53, v52;
	(xrf2) =	vadd.scan.msk.f32 $0xffff, v23  }
0x323: {  	v60 =	vmul.f32 v7, v7;
	v57, _, _ =	vpop (xrf2);
	v58 =	vadd.f32 v7, v13;
	v59 =	vmul.f32 v13, v13;
	(xrf2) =	vadd.scan.msk.f32 $0xffff, v51  }
0x324: {  	v61, _, _ =	vpop (xrf2);
	(xrf2) =	vadd.scan.msk.f32 $0xffff, v56  }
0x325: {  	v63, _, _ =	vpop (xrf2);
	v32 =	vadd.f32 v60, v59;
	(xrf2) =	vadd.scan.msk.f32 $0xffff, v58  }
0x326: {  	v33, _, _ =	vpop (xrf2)  }
0x327: {  	v34, _, _ =	vpop (xrf2);
	(xrf2) =	vadd.scan.msk.f32 $0xffff, v32  }
0x328: {  	v35 =	vbroadcast v55, $0xF;
	v0 =	vbroadcast v0, $0xF;
	v36, _, _ =	vpop (xrf2)  }
0x329: {  	v23 =	vbroadcast v57, $0xF;
	v37, _, _ =	vpop (xrf2)  }
0x32a: {  	v22 =	vnsel vm0, $0x0, v35;
	v0 =	vnsel vm0, $0x0, v0;
	v26 =	vbroadcast v61, $0xF;
	v38, _, _ =	vpop (xrf2)  }
0x32b: {  	v21 =	vbroadcast v63, $0xF;
	v22 =	vsel vm1, v22, v23;
	v39 =	vbroadcast v33, $0xF;
	v40, _, _ =	vpop (xrf2)  }
0x32c: {  	v0 =	vsel vm1, v0, v26;
	v25 =	vbroadcast v34, $0xF;
	v41 =	vbroadcast v36, $0xF;
	v42, _, _ =	vpop (xrf2)  }
0x32d: {  	v21 =	vsel vm2, v22, v21;
	v0 =	vsel vm2, v0, v39;
	v43 =	vbroadcast v37, $0xF;
	v44, _, _ =	vpop (xrf2)  }
0x32e: {  	v21 =	vsel vm3, v21, v25;
	v0 =	vsel vm3, v0, v41;
	v24 =	vbroadcast v40, $0xF;
	v45, _, _ =	vpop (xrf2)  }
0x32f: {  	v46 =	vbroadcast v38, $0xF;
	v21 =	vsel vm4, v21, v43;
	v47 =	vbroadcast v44, $0xF;
	v48, _, _ =	vpop (xrf2)  }
0x330: {  	v27 =	vbroadcast v42, $0xF;
	v21 =	vsel vm5, v21, v24;
	v23 =	vbroadcast v48, $0xF  }
0x331: {  	v0 =	vsel vm4, v0, v46;
	v49 =	vbroadcast v45, $0xF;
	v21 =	vsel vm6, v21, v47;
	v50, _, _ =	vpop (xrf2)  }
0x332: {  	v0 =	vsel vm5, v0, v27;
	v22 =	vbroadcast v50, $0xF;
	v21 =	vsel vm7, v21, v23  }
0x333: {  	v0 =	vsel vm6, v0, v49;
	v21 =	vmul.f32 $3.125000000e-02, v21  }
0x334: {  	v0 =	vsel vm7, v0, v22  }
0x335: {  	v0 =	vmul.f32 $3.125000000e-02, v0;
	v51 =	vmul.f32 v21, v21;
	_ =	sdelay $0x1  }
0x336: {  	v0 =	vsub.f32 v0, v51;
	_ =	sdelay $0x1  }
0x337: {  	v0 =	vadd.f32 $9.999999740e-06, v0;
	_ =	sdelay $0x1  }
0x338: {  	v52 =	vshra.s32 v0, $0x1;
	v0 =	vmul.f32 $5.000000000e-01, v0  }
0x339: {  	v22 =	vsub.s32 $0x5F3759DF, v52  }
0x33a: {  	v53 =	vmul.f32 v22, v0;
	_ =	sdelay $0x1  }
0x33b: {  	v23 =	vmul.f32 v22, v53;
	_ =	sdelay $0x1  }
0x33c: {  	v23 =	vsub.f32 $1.500000000e+00, v23;
	_ =	sdelay $0x1  }
0x33d: {  	v22 =	vmul.f32 v22, v23;
	_ =	sdelay $0x1  }
0x33e: {  	v23 =	vmul.f32 v22, v0;
	_ =	sdelay $0x1  }
0x33f: {  	v23 =	vmul.f32 v23, v22;
	_ =	sdelay $0x1  }
0x340: {  	v23 =	vsub.f32 $1.500000000e+00, v23;
	_ =	sdelay $0x1  }
0x341: {  	(v2sf) =	vpush v5, $0x8;
	v22 =	vmul.f32 v23, v22  }
0x342: {  	(v2sf) =	vpush v5, $0x9  }
0x343: {  	(v2sf) =	vpush v5, $0xA;
	v55 =	vbroadcast v21, $0x0;
	v0 =	vmul.f32 v22, v0  }
0x344: {  	(v2sf) =	vpush v5, $0xB;
	v57 =	vbroadcast v21, $0x1;
	v59 =	vbroadcast v21, $0x2  }
0x345: {  	(v2sf) =	vpush v5, $0xC;
	v60 =	vbroadcast v21, $0x3;
	v0 =	vmul.f32 v0, v22  }
0x346: {  	v28 =	vbroadcast v21, $0x4;
	v16 =	vsub.f32 v16, v55;
	v17 =	vsub.f32 v17, v55  }
0x347: {  	v30 =	vbroadcast v21, $0x5;
	v14 =	vsub.f32 v14, v57;
	v0 =	vsub.f32 $1.500000000e+00, v0  }
0x348: {  	v36 =	vbroadcast v21, $0x6;
	v9 =	vsub.f32 v9, v57;
	v10 =	vsub.f32 v10, v59  }
0x349: {  	v11 =	vsub.f32 v11, v59;
	v20 =	vsub.f32 v20, v60;
	v0 =	vmul.f32 v0, v22  }
0x34a: {  	v39 =	vbroadcast v21, $0x7;
	v15 =	vsub.f32 v15, v60;
	v12 =	vsub.f32 v12, v28  }
0x34b: {  	v18 =	vsub.f32 v18, v28;
	v56 =	vbroadcast v0, $0x0;
	v58 =	vbroadcast v0, $0x1  }
0x34c: {  	v19 =	vsub.f32 v19, v30;
	v61 =	vbroadcast v0, $0x2;
	v63 =	vbroadcast v0, $0x3  }
0x34d: {  	v4 =	vsub.f32 v4, v30;
	v29 =	vbroadcast v0, $0x4;
	v31 =	vbroadcast v0, $0x5  }
0x34e: {  	v8 =	vsub.f32 v8, v36;
	v38 =	vbroadcast v0, $0x6;
	v16 =	vmul.f32 v56, v16  }
0x34f: {  	v6 =	vsub.f32 v6, v36;
	v0 =	vbroadcast v0, $0x7;
	v17 =	vmul.f32 v56, v17  }
0x350: {  	v40 =	vsub.f32 v13, v39;
	v14 =	vmul.f32 v58, v14;
	v16 =	vmul.f32 v16, v62  }
0x351: {  	v7 =	vsub.f32 v7, v39;
	v9 =	vmul.f32 v58, v9;
	v17 =	vmul.f32 v17, v1  }
0x352: {  	v10 =	vmul.f32 v61, v10;
	v14 =	vmul.f32 v14, v62;
	v16 =	vadd.f32 v16, v3  }
0x353: {  	v11 =	vmul.f32 v61, v11;
	v9 =	vmul.f32 v9, v1;
	v17 =	vadd.f32 v17, v2  }
0x354: {  	v20 =	vmul.f32 v63, v20;
	v10 =	vmul.f32 v10, v62;
	v14 =	vadd.f32 v14, v3;
	[tilespmem:s29+$0x11160] =	vst v16  }
0x355: {  	v15 =	vmul.f32 v63, v15;
	v11 =	vmul.f32 v11, v1;
	v9 =	vadd.f32 v9, v2;
	[tilespmem:s29+$0x11170] =	vst v17  }
0x356: {  	v12 =	vmul.f32 v29, v12;
	v20 =	vmul.f32 v20, v62;
	v10 =	vadd.f32 v10, v3;
	[tilespmem:s29+$0x11180] =	vst v14  }
0x357: {  	v18 =	vmul.f32 v29, v18;
	v15 =	vmul.f32 v15, v1;
	v11 =	vadd.f32 v11, v2;
	[tilespmem:s29+$0x11190] =	vst v9  }
0x358: {  	v4 =	vmul.f32 v31, v4;
	v12 =	vmul.f32 v12, v62;
	v33 =	vadd.f32 v20, v3;
	[tilespmem:s29+$0x111A0] =	vst v10  }
0x359: {  	v46 =	vld [tilespmem:s29+$0xF280];
	v8 =	vmul.f32 v38, v8;
	v32 =	vmul.f32 v18, v1;
	v15 =	vadd.f32 v15, v2;
	[tilespmem:s29+$0x111B0] =	vst v11  }
0x35a: {  	v45 =	vld [tilespmem:s29+$0xF270];
	v41 =	vmul.f32 v0, v40;
	v4 =	vmul.f32 v4, v1;
	v12 =	vadd.f32 v12, v3;
	[tilespmem:s29+$0x111C0] =	vst v33  }
0x35b: {  	v47 =	vld [tilespmem:s29+$0xF290];
	v0 =	vmul.f32 v0, v7;
	v8 =	vmul.f32 v8, v62;
	v35 =	vadd.f32 v32, v2;
	[tilespmem:s29+$0x111D0] =	vst v15  }
0x35c: {  	v49 =	vld [tilespmem:s29+$0xF2A0];
	v34 =	vmul.f32 v31, v19;
	v43 =	vmul.f32 v41, v62;
	v4 =	vadd.f32 v4, v2;
	[tilespmem:s29+$0x111E0] =	vst v12  }
0x35d: {  	v51 =	vld [tilespmem:s29+$0xF2B0];
	v6 =	vmul.f32 v38, v6;
	v0 =	vmul.f32 v0, v1;
	v42 =	vadd.f32 v8, v3;
	[tilespmem:s29+$0x111F0] =	vst v35  }
0x35e: {  	v60 =	vld [tilespmem:s29+$0xF300];
	v37 =	vmul.f32 v34, v62;
	v44 =	vadd.f32 v43, v3;
	[tilespmem:s29+$0x11210] =	vst v4  }
0x35f: {  	v52 =	vld [tilespmem:s29+$0xF2C0];
	v6 =	vmul.f32 v6, v1;
	v0 =	vadd.f32 v0, v2;
	[tilespmem:s29+$0x11220] =	vst v42  }
0x360: {  	s1 =	spop (v2sf);
	(v2sf) =	vpush v5, $0xD;
	v56 =	vld [tilespmem:s29+$0xF2E0];
	v9 =	vadd.f32 v37, v3;
	[tilespmem:s29+$0x11240] =	vst v44  }
0x361: {  	v4 =	vadd.f32 v6, v2;
	[tilespmem:s29+$0x11250] =	vst v0;
	v0 =	vld [tilespmem:s29+$0xF260]  }
0x362: {  	v33 =	vld [tilespmem:s29+$0xF310];
	[tilespmem:s29+$0x11200] =	vst v9  }
0x363: {  	s31 =	spop (v2sf);
	(v2sf) =	vpush v5, $0xE;
	v37 =	vld [tilespmem:s29+$0xF320];
	[tilespmem:s29+$0x11230] =	vst v4  }
0x364: {  	v4 =	vld [tilespmem:s1+$0xC800]  }
0x365: {  	v7 =	vld [tilespmem:s1+$0xC810]  }
0x366: {  	v9 =	vld [tilespmem:s31+$0xC800];
	s1 =	spop (v2sf)  }
0x367: {  	v48 =	vld [tilespmem:s31+$0xC810];
	s31 =	spop (v2sf);
	(v2sf) =	vpush v5, $0xF  }
0x368: {  	v50 =	vld [tilespmem:s1+$0xC800]  }
0x369: {  	v15 =	vld [tilespmem:s1+$0xC810]  }
0x36a: {  	v5 =	vld [tilespmem:s29+$0xF2D0]  }
0x36b: {  	v53 =	vld [tilespmem:s31+$0xC800]  }
0x36c: {  	v55 =	vld [tilespmem:s31+$0xC810];
	s1 =	spop (v2sf);
	v21 =	vadd.f32 v4, v0;
	v18 =	vadd.f32 v7, v45  }
0x36d: {  	v58 =	vld [tilespmem:s1+$0xC810];
	v19 =	vadd.f32 v9, v46;
	v17 =	vadd.f32 v48, v47  }
0x36e: {  	v0 =	vld [tilespmem:s1+$0xC800];
	v20 =	vadd.f32 v50, v49;
	v14 =	vadd.f32 v15, v51  }
0x36f: {  	s31 =	spop (v2sf);
	v4 =	vld [tilespmem:s29+$0xF2F0];
	v57 =	vmul.f32 v21, v21;
	v59 =	vmul.f32 v18, v18;
	v61 =	vadd.f32 v18, v21  }
0x370: {  	v63 =	vld [tilespmem:s31+$0xC800];
	v32 =	vadd.f32 v17, v19;
	v34 =	vmul.f32 v19, v19;
	v11 =	vadd.f32 v53, v52  }
0x371: {  	v36 =	vld [tilespmem:s31+$0xC810];
	v35 =	vmul.f32 v17, v17;
	v15 =	vadd.f32 v55, v5;
	v6 =	vadd.f32 v59, v57  }
0x372: {  	v42 =	vld [tilespmem:s29+$0xF330];
	s1 =	spop (v2sf);
	v12 =	vmul.f32 v20, v20;
	v39 =	vadd.f32 v14, v20;
	v40 =	vmul.f32 v14, v14;
	(xrf2) =	vadd.scan.msk.f32 $0xffff, v61  }
0x373: {  	v5 =	vld [tilespmem:s1+$0xC800];
	v38 =	vadd.f32 v35, v34;
	v41 =	vmul.f32 v11, v11;
	v45 =	vadd.f32 v15, v11;
	(xrf2) =	vadd.scan.msk.f32 $0xffff, v6  }
0x374: {  	v46 =	vld [tilespmem:s29+$0xF340];
	v43 =	vmul.f32 v15, v15;
	v16 =	vadd.f32 v0, v56;
	v4 =	vadd.f32 v58, v4;
	(xrf2) =	vadd.scan.msk.f32 $0xffff, v32  }
0x375: {  	v0 =	vld [tilespmem:s1+$0xC810];
	v44 =	vadd.f32 v40, v12;
	v12 =	vadd.f32 v63, v60;
	(xrf2) =	vadd.scan.msk.f32 $0xffff, v38  }
0x376: {  	v51 =	vld [tilespmem:s29+$0xF350];
	v47 =	vadd.f32 v43, v41;
	v6 =	vadd.f32 v36, v33;
	(xrf2) =	vadd.scan.msk.f32 $0xffff, v39;
	s31 =	spop (v2sf)  }
0x377: {  	v48 =	vmul.f32 v16, v16;
	v49 =	vmul.f32 v4, v4;
	v52 =	vadd.f32 v4, v16;
	(xrf2) =	vadd.scan.msk.f32 $0xffff, v44;
	v50 =	vld [tilespmem:s31+$0xC800]  }
0x378: {  	v57 =	vmul.f32 v12, v12;
	v10 =	vadd.f32 v5, v37;
	v26 =	vmul.f32 v6, v6;
	(xrf2) =	vadd.scan.msk.f32 $0xffff, v45;
	v55 =	vld [tilespmem:s31+$0xC810]  }
0x379: {  	v56 =	vadd.f32 v6, v12;
	v53 =	vadd.f32 v49, v48;
	(xrf2) =	vadd.scan.msk.f32 $0xffff, v47  }
0x37a: {  	v7 =	vadd.f32 v0, v42;
	v0 =	vadd.f32 v26, v57;
	(xrf2) =	vadd.scan.msk.f32 $0xffff, v52  }
0x37b: {  	(xrf2) =	vadd.scan.msk.f32 $0xffff, v53  }
0x37c: {  	v58 =	vmul.f32 v10, v10;
	v22 =	vadd.f32 v7, v10;
	v59 =	vmul.f32 v7, v7;
	v5, _, _ =	vpop (xrf2);
	(xrf2) =	vadd.scan.msk.f32 $0xffff, v56  }
0x37d: {  	v60, _, _ =	vpop (xrf2);
	(xrf2) =	vadd.scan.msk.f32 $0xffff, v0;
	v9 =	vadd.f32 v50, v46;
	v8 =	vadd.f32 v55, v51  }
0x37e: {  	v61 =	vadd.f32 v59, v58;
	v0, _, _ =	vpop (xrf2);
	(xrf2) =	vadd.scan.msk.f32 $0xffff, v22  }
0x37f: {  	v63, _, _ =	vpop (xrf2);
	v23 =	vadd.f32 v8, v9;
	v30 =	vmul.f32 v9, v9;
	v31 =	vmul.f32 v8, v8  }
0x380: {  	(xrf2) =	vadd.scan.msk.f32 $0xffff, v61;
	v32, _, _ =	vpop (xrf2)  }
0x381: {  	v33, _, _ =	vpop (xrf2);
	(xrf2) =	vadd.scan.msk.f32 $0xffff, v23;
	v34 =	vadd.f32 v31, v30  }
0x382: {  	v5 =	vbroadcast v5, $0xF;
	v35, _, _ =	vpop (xrf2)  }
0x383: {  	v36 =	vbroadcast v60, $0xF;
	v37, _, _ =	vpop (xrf2);
	(xrf2) =	vadd.scan.msk.f32 $0xffff, v34  }
0x384: {  	v5 =	vnsel vm8, $0x0, v5;
	v0 =	vbroadcast v0, $0xF;
	v22 =	vbroadcast v63, $0xF;
	v38, _, _ =	vpop (xrf2)  }
0x385: {  	v25 =	vnsel vm8, $0x0, v36;
	v27 =	vbroadcast v32, $0xF;
	v13 =	vbroadcast v33, $0xF;
	v39, _, _ =	vpop (xrf2)  }
0x386: {  	v0 =	vsel vm9, v5, v0;
	v5 =	vsel vm9, v25, v22;
	v40 =	vbroadcast v35, $0xF;
	v41, _, _ =	vpop (xrf2)  }
0x387: {  	v0 =	vsel vm10, v0, v27;
	v5 =	vsel vm10, v5, v13;
	v42 =	vbroadcast v38, $0xF;
	v43, _, _ =	vpop (xrf2)  }
0x388: {  	v44 =	vbroadcast v37, $0xF;
	v0 =	vsel vm11, v0, v40;
	v45 =	vbroadcast v41, $0xF;
	v46, _, _ =	vpop (xrf2)  }
0x389: {  	v47 =	vbroadcast v39, $0xF;
	v0 =	vsel vm12, v0, v42;
	v48 =	vbroadcast v46, $0xF  }
0x38a: {  	v5 =	vsel vm11, v5, v44;
	v23 =	vbroadcast v43, $0xF;
	v0 =	vsel vm13, v0, v45;
	v49, _, _ =	vpop (xrf2)  }
0x38b: {  	v5 =	vsel vm12, v5, v47;
	v22 =	vbroadcast v49, $0xF;
	v0 =	vsel vm14, v0, v48;
	v50, _, _ =	vpop (xrf2)  }
0x38c: {  	v5 =	vsel vm13, v5, v23;
	v0 =	vsel vm15, v0, v50  }
0x38d: {  	v5 =	vsel vm14, v5, v22;
	v51, _, _ =	vpop (xrf2);
	v13 =	vmul.f32 $3.125000000e-02, v0  }
0x38e: {  	v0 =	vsel vm15, v5, v51  }
0x38f: {  	v0 =	vmul.f32 $3.125000000e-02, v0;
	v5 =	vmul.f32 v13, v13;
	_ =	sdelay $0x1  }
0x390: {  	v0 =	vsub.f32 v0, v5;
	_ =	sdelay $0x1  }
0x391: {  	v0 =	vadd.f32 $9.999999740e-06, v0;
	_ =	sdelay $0x1  }
0x392: {  	v5 =	vshra.s32 v0, $0x1;
	v0 =	vmul.f32 $5.000000000e-01, v0  }
0x393: {  	v5 =	vsub.s32 $0x5F3759DF, v5  }
0x394: {  	v52 =	vmul.f32 v5, v0;
	_ =	sdelay $0x1  }
0x395: {  	v22 =	vmul.f32 v5, v52  }
0x396: {  	s1 =	sor.u32 $0x10, s30  }
0x397: {  	v53 =	vld.idx.msk [tilespmem:v54+s1+$0x0 ss:$0x1], $0xffff;
	v22 =	vsub.f32 $1.500000000e+00, v22;
	_ =	sdelay $0x1  }
0x398: {  	v22 =	vmul.f32 v5, v22;
	_ =	sdelay $0x1  }
0x399: {  	v55 =	vmul.f32 v22, v0  }
0x39a: {  	v5 =	vshll.u32 v53, $0x7  }
0x39b: {  	v5 =	vshra.s32 v5, $0x2;
	v56 =	vmul.f32 v55, v22  }
0x39c: {  	(v2sf) =	vpush v5, $0x0  }
0x39d: {  	v23 =	vsub.f32 $1.500000000e+00, v56;
	_ =	sdelay $0x1  }
0x39e: {  	(v2sf) =	vpush v5, $0x1;
	v22 =	vmul.f32 v23, v22;
	_ =	sdelay $0x1  }
0x39f: {  	(v2sf) =	vpush v5, $0x2;
	v0 =	vmul.f32 v22, v0;
	_ =	sdelay $0x1  }
0x3a0: {  	(v2sf) =	vpush v5, $0x3;
	v0 =	vmul.f32 v0, v22  }
0x3a1: {  	s1 =	sshll.u32 s1, $0x5;
	v57 =	vbroadcast v13, $0x9  }
0x3a2: {  	v58 =	vld [tilespmem:s1+$0xF170];
	v61 =	vbroadcast v13, $0xA;
	v33 =	vbroadcast v13, $0xB;
	v0 =	vsub.f32 $1.500000000e+00, v0  }
0x3a3: {  	v63 =	vld [tilespmem:s29+$0xF380];
	v35 =	vbroadcast v13, $0xC;
	v19 =	vsub.f32 v19, v57;
	v17 =	vsub.f32 v17, v57  }
0x3a4: {  	v36 =	vld [tilespmem:s29+$0xF3B0];
	v20 =	vsub.f32 v20, v61;
	v27 =	vmul.f32 v0, v22;
	v0 =	vbroadcast v13, $0x8  }
0x3a5: {  	v38 =	vld [tilespmem:s29+$0xF3C0];
	v47 =	vbroadcast v13, $0xD;
	v11 =	vsub.f32 v11, v33;
	(v2sf) =	vpush v5, $0x4  }
0x3a6: {  	v41 =	vld [tilespmem:s29+$0xF3E0];
	v15 =	vsub.f32 v15, v33;
	v22 =	vbroadcast v27, $0x8;
	v21 =	vsub.f32 v21, v0  }
0x3a7: {  	v46 =	vld [tilespmem:s29+$0xF3F0];
	v0 =	vsub.f32 v18, v0;
	v60 =	vbroadcast v27, $0x9;
	v49 =	vbroadcast v27, $0xA  }
0x3a8: {  	v50 =	vld [tilespmem:s29+$0xF390];
	s31 =	spop (v2sf);
	(v2sf) =	vpush v5, $0x5;
	v53 =	vbroadcast v27, $0xB;
	v33 =	vbroadcast v27, $0xC  }
0x3a9: {  	v14 =	vsub.f32 v14, v61;
	v23 =	vld [tilespmem:s1+$0xF160];
	v21 =	vmul.f32 v22, v21;
	v0 =	vmul.f32 v22, v0  }
0x3aa: {  	v16 =	vsub.f32 v16, v35;
	v24 =	vld [tilespmem:s31+$0xC800];
	v19 =	vmul.f32 v60, v19;
	v17 =	vmul.f32 v60, v17  }
0x3ab: {  	v35 =	vsub.f32 v4, v35;
	v59 =	vld [tilespmem:s31+$0xC810];
	s31 =	spop (v2sf);
	v20 =	vmul.f32 v49, v20;
	v11 =	vmul.f32 v53, v11  }
0x3ac: {  	v30 =	vsub.f32 v12, v47;
	v48 =	vld [tilespmem:s31+$0xC800];
	v15 =	vmul.f32 v53, v15;
	v16 =	vmul.f32 v33, v16  }
0x3ad: {  	v6 =	vsub.f32 v6, v47;
	v51 =	vld [tilespmem:s31+$0xC810];
	s31 =	spop (v2sf);
	v21 =	vmul.f32 v21, v62;
	v0 =	vmul.f32 v0, v1  }
0x3ae: {  	(v2sf) =	vpush v5, $0x6;
	v34 =	vld [tilespmem:s31+$0xC800];
	v19 =	vmul.f32 v19, v62;
	v17 =	vmul.f32 v17, v1  }
0x3af: {  	v37 =	vld [tilespmem:s31+$0xC810];
	s31 =	spop (v2sf);
	(v2sf) =	vpush v5, $0x7;
	v20 =	vmul.f32 v20, v62;
	v11 =	vmul.f32 v11, v62  }
0x3b0: {  	v52 =	vld [tilespmem:s29+$0xF3A0];
	v15 =	vmul.f32 v15, v1;
	v21 =	vadd.f32 v21, v3;
	v0 =	vadd.f32 v0, v2  }
0x3b1: {  	v56 =	vld [tilespmem:s29+$0xF3D0];
	v16 =	vmul.f32 v16, v62;
	v19 =	vadd.f32 v19, v3;
	v39 =	vadd.f32 v17, v2  }
0x3b2: {  	v22 =	vld [tilespmem:s29+$0xF400];
	v20 =	vadd.f32 v20, v3;
	v42 =	vadd.f32 v11, v3  }
0x3b3: {  	v14 =	vmul.f32 v49, v14;
	v55 =	vld [tilespmem:s31+$0xC800];
	v44 =	vadd.f32 v15, v2;
	v45 =	vadd.f32 v16, v3  }
0x3b4: {  	v40 =	vld [tilespmem:s31+$0xC810];
	s31 =	spop (v2sf);
	v15 =	vadd.f32 v24, v23;
	v16 =	vadd.f32 v59, v58  }
0x3b5: {  	v14 =	vmul.f32 v14, v1;
	v43 =	vld [tilespmem:s31+$0xC800];
	v11 =	vadd.f32 v48, v63;
	v12 =	vadd.f32 v51, v50  }
0x3b6: {  	v4 =	vld [tilespmem:s31+$0xC810];
	v17 =	vadd.f32 v34, v52;
	v23 =	vmul.f32 v15, v15;
	[tilespmem:s29+$0x11260] =	vst v21;
	v26 =	vmul.f32 v16, v16  }
0x3b7: {  	v59 =	vld [tilespmem:s29+$0xF410];
	v18 =	vadd.f32 v37, v36;
	v57 =	vadd.f32 v16, v15;
	v58 =	vmul.f32 v11, v11;
	[tilespmem:s29+$0x11270] =	vst v0;
	s31 =	spop (v2sf)  }
0x3b8: {  	v0 =	vmul.f32 v12, v12;
	v63 =	vadd.f32 v12, v11;
	[tilespmem:s29+$0x112A0] =	vst v20;
	v61 =	vadd.f32 v26, v23;
	v24 =	vld [tilespmem:s31+$0xC800]  }
0x3b9: {  	v20 =	vadd.f32 v40, v56;
	v48 =	vadd.f32 v18, v17;
	v50 =	vmul.f32 v17, v17;
	(xrf2) =	vadd.scan.msk.f32 $0xffff, v57;
	v60 =	vld [tilespmem:s31+$0xC810]  }
0x3ba: {  	v51 =	vld [tilespmem:s29+$0xF430];
	v37 =	vmul.f32 v18, v18;
	v0 =	vadd.f32 v0, v58;
	v26 =	vadd.f32 v55, v38;
	(xrf2) =	vadd.scan.msk.f32 $0xffff, v61  }
0x3bb: {  	v34 =	vld [tilespmem:s29+$0xF420];
	[tilespmem:s29+$0x11280] =	vst v19;
	v19 =	vadd.f32 v43, v41;
	v23 =	vadd.f32 v4, v46;
	(xrf2) =	vadd.scan.msk.f32 $0xffff, v63  }
0x3bc: {  	v55 =	vld [tilespmem:s29+$0xF440];
	v40 =	vmul.f32 v20, v20;
	v21 =	vadd.f32 v37, v50;
	v53 =	vmul.f32 v26, v26;
	(xrf2) =	vadd.scan.msk.f32 $0xffff, v0  }
0x3bd: {  	v58 =	vld [tilespmem:s29+$0xF450];
	v41 =	vmul.f32 v19, v19;
	v0 =	vadd.f32 v20, v26;
	s31 =	spop (v2sf);
	(xrf2) =	vadd.scan.msk.f32 $0xffff, v48;
	v25 =	vadd.f32 v24, v22  }
0x3be: {  	v57 =	vmul.f32 v23, v23;
	v52 =	vld [tilespmem:s31+$0xC810];
	(xrf2) =	vadd.scan.msk.f32 $0xffff, v21;
	v4 =	vadd.f32 v60, v59;
	v60 =	vadd.f32 v40, v53  }
0x3bf: {  	v14 =	vadd.f32 v14, v2;
	v50 =	vbroadcast v27, $0xD;
	v61 =	vadd.f32 v23, v19;
	v49 =	vld [tilespmem:s31+$0xC800];
	s31 =	spop (v2sf);
	(xrf2) =	vadd.scan.msk.f32 $0xffff, v0  }
0x3c0: {  	v0 =	vadd.f32 v57, v41;
	v56 =	vld [tilespmem:s31+$0xC800];
	v37 =	vmul.f32 v25, v25;
	v40 =	vmul.f32 v4, v4;
	(xrf2) =	vadd.scan.msk.f32 $0xffff, v60  }
0x3c1: {  	v6 =	vmul.f32 v50, v6;
	v63 =	vld [tilespmem:s31+$0xC810];
	v46 =	vadd.f32 v4, v25;
	(xrf2) =	vadd.scan.msk.f32 $0xffff, v61  }
0x3c2: {  	[tilespmem:s29+$0x112B0] =	vst v14;
	v28 =	vadd.f32 v40, v37;
	(xrf2) =	vadd.scan.msk.f32 $0xffff, v0  }
0x3c3: {  	v30 =	vmul.f32 v50, v30;
	v6 =	vmul.f32 v6, v1;
	v14 =	vadd.f32 v52, v51;
	v51, _, _ =	vpop (xrf2);
	(xrf2) =	vadd.scan.msk.f32 $0xffff, v46  }
0x3c4: {  	v57 =	vbroadcast v27, $0xE;
	v59 =	vmul.f32 v33, v35;
	v21 =	vadd.f32 v49, v34;
	v53, _, _ =	vpop (xrf2);
	(xrf2) =	vadd.scan.msk.f32 $0xffff, v28  }
0x3c5: {  	v52 =	vbroadcast v13, $0xE;
	v13 =	vbroadcast v13, $0xF;
	v24 =	vadd.f32 v56, v55;
	v56, _, _ =	vpop (xrf2)  }
0x3c6: {  	v48 =	vmul.f32 v21, v21;
	v49 =	vmul.f32 v14, v14;
	v22 =	vadd.f32 v63, v58;
	v58, _, _ =	vpop (xrf2)  }
0x3c7: {  	[tilespmem:s29+$0x11290] =	vst v39;
	v41 =	vmul.f32 v59, v1;
	v59 =	vmul.f32 v30, v62;
	v0 =	vadd.f32 v14, v21;
	v60, _, _ =	vpop (xrf2)  }
0x3c8: {  	[tilespmem:s29+$0x112D0] =	vst v44;
	v51 =	vbroadcast v51, $0xF;
	v10 =	vsub.f32 v10, v52;
	v55 =	vadd.f32 v49, v48;
	v63, _, _ =	vpop (xrf2)  }
0x3c9: {  	v7 =	vsub.f32 v7, v52;
	v61 =	vbroadcast v27, $0xF;
	(xrf2) =	vadd.scan.msk.f32 $0xffff, v0;
	v0 =	vadd.f32 v22, v24;
	v38, _, _ =	vpop (xrf2)  }
0x3ca: {  	v29 =	vadd.f32 v41, v2;
	v46 =	vmul.f32 v24, v24;
	v47 =	vmul.f32 v22, v22;
	(xrf2) =	vadd.scan.msk.f32 $0xffff, v55;
	v39, _, _ =	vpop (xrf2)  }
0x3cb: {  	v9 =	vsub.f32 v9, v13;
	v8 =	vsub.f32 v8, v13;
	(xrf2) =	vadd.scan.msk.f32 $0xffff, v0;
	v0 =	vmul.f32 v57, v10;
	v40, _, _ =	vpop (xrf2)  }
0x3cc: {  	v52 =	vbroadcast v53, $0xF;
	v31 =	vbroadcast v56, $0xF;
	[tilespmem:s29+$0x112F0] =	vst v29;
	v29 =	vadd.f32 v47, v46;
	v41, _, _ =	vpop (xrf2)  }
0x3cd: {  	[tilespmem:s29+$0x112E0] =	vst v45;
	v6 =	vadd.f32 v6, v2;
	v9 =	vmul.f32 v61, v9;
	v0 =	vmul.f32 v0, v62;
	v44, _, _ =	vpop (xrf2)  }
0x3ce: {  	v7 =	vmul.f32 v57, v7;
	v8 =	vmul.f32 v61, v8;
	v33 =	vnsel vm0, $0x0, v52;
	v45, _, _ =	vpop (xrf2);
	(xrf2) =	vadd.scan.msk.f32 $0xffff, v29  }
0x3cf: {  	v53 =	vbroadcast v58, $0xF;
	v9 =	vmul.f32 v9, v62;
	v0 =	vadd.f32 v0, v3  }
0x3d0: {  	v28 =	vadd.f32 v59, v3;
	v30 =	vbroadcast v60, $0xF;
	v7 =	vmul.f32 v7, v1  }
0x3d1: {  	v43 =	vmul.f32 v8, v1;
	v27 =	vbroadcast v63, $0xF;
	[tilespmem:s29+$0x11320] =	vst v0;
	v0 =	vadd.f32 v9, v3  }
0x3d2: {  	v55 =	vsel vm1, v33, v53;
	v13 =	vbroadcast v38, $0xF;
	v29 =	vnsel vm0, $0x0, v51  }
0x3d3: {  	[tilespmem:s29+$0x112C0] =	vst v42;
	v42 =	vadd.f32 v7, v2;
	v32 =	vbroadcast v39, $0xF;
	v29 =	vsel vm1, v29, v31  }
0x3d4: {  	v27 =	vsel vm2, v55, v27;
	v10 =	vbroadcast v40, $0xF;
	v49, _, _ =	vpop (xrf2);
	v29 =	vsel vm2, v29, v30  }
0x3d5: {  	v27 =	vsel vm3, v27, v32;
	v8 =	vbroadcast v44, $0xF;
	[tilespmem:s29+$0x11340] =	vst v0;
	v0, _, _ =	vpop (xrf2);
	v13 =	vsel vm3, v29, v13  }
0x3d6: {  	[tilespmem:s29+$0x11300] =	vst v28;
	v28 =	vbroadcast v41, $0xF;
	v7 =	vbroadcast v49, $0xF;
	v50, _, _ =	vpop (xrf2);
	v10 =	vsel vm4, v13, v10  }
0x3d7: {  	[tilespmem:s29+$0x11310] =	vst v6;
	v9 =	vbroadcast v45, $0xF;
	v8 =	vsel vm5, v10, v8;
	v6 =	vbroadcast v50, $0xF  }
0x3d8: {  	v56 =	vsel vm4, v27, v28;
	v0 =	vbroadcast v0, $0xF;
	v7 =	vsel vm6, v8, v7;
	v57, _, _ =	vpop (xrf2)  }
0x3d9: {  	v9 =	vsel vm5, v56, v9;
	v6 =	vsel vm7, v7, v6;
	v8 =	vbroadcast v57, $0xF  }
0x3da: {  	v0 =	vsel vm6, v9, v0;
	v6 =	vmul.f32 $3.125000000e-02, v6  }
0x3db: {  	v0 =	vsel vm7, v0, v8  }
0x3dc: {  	v58 =	vmul.f32 v6, v6;
	v0 =	vmul.f32 $3.125000000e-02, v0;
	_ =	sdelay $0x1  }
0x3dd: {  	v0 =	vsub.f32 v0, v58;
	_ =	sdelay $0x1  }
0x3de: {  	v0 =	vadd.f32 $9.999999740e-06, v0;
	_ =	sdelay $0x1  }
0x3df: {  	v59 =	vshra.s32 v0, $0x1;
	v0 =	vmul.f32 $5.000000000e-01, v0  }
0x3e0: {  	v7 =	vsub.s32 $0x5F3759DF, v59  }
0x3e1: {  	v60 =	vmul.f32 v7, v0;
	_ =	sdelay $0x1  }
0x3e2: {  	v8 =	vmul.f32 v7, v60;
	_ =	sdelay $0x1  }
0x3e3: {  	v8 =	vsub.f32 $1.500000000e+00, v8;
	_ =	sdelay $0x1  }
0x3e4: {  	v7 =	vmul.f32 v7, v8;
	_ =	sdelay $0x1  }
0x3e5: {  	v8 =	vmul.f32 v7, v0;
	_ =	sdelay $0x1  }
0x3e6: {  	v8 =	vmul.f32 v8, v7;
	_ =	sdelay $0x1  }
0x3e7: {  	v8 =	vsub.f32 $1.500000000e+00, v8;
	_ =	sdelay $0x1  }
0x3e8: {  	v7 =	vmul.f32 v8, v7  }
0x3e9: {  	(v2sf) =	vpush v5, $0x8  }
0x3ea: {  	(v2sf) =	vpush v5, $0x9;
	v0 =	vmul.f32 v7, v0  }
0x3eb: {  	(v2sf) =	vpush v5, $0xA;
	v61 =	vbroadcast v6, $0x0  }
0x3ec: {  	(v2sf) =	vpush v5, $0xB;
	v27 =	vbroadcast v6, $0x1;
	v0 =	vmul.f32 v0, v7  }
0x3ed: {  	v48 =	vadd.f32 v43, v2;
	v31 =	vbroadcast v6, $0x2;
	v32 =	vbroadcast v6, $0x3  }
0x3ee: {  	v38 =	vbroadcast v6, $0x4;
	v40 =	vbroadcast v6, $0x5;
	v0 =	vsub.f32 $1.500000000e+00, v0  }
0x3ef: {  	v47 =	vbroadcast v6, $0x6;
	v15 =	vsub.f32 v15, v61;
	v11 =	vsub.f32 v11, v27  }
0x3f0: {  	v10 =	vsub.f32 v12, v27;
	v34 =	vsub.f32 v17, v31;
	v0 =	vmul.f32 v0, v7  }
0x3f1: {  	v6 =	vbroadcast v6, $0x7;
	v36 =	vsub.f32 v26, v32;
	v12 =	vsub.f32 v20, v32  }
0x3f2: {  	v19 =	vsub.f32 v19, v38;
	v63 =	vbroadcast v0, $0x0;
	v28 =	vbroadcast v0, $0x1  }
0x3f3: {  	v17 =	vsub.f32 v23, v38;
	v33 =	vbroadcast v0, $0x2;
	v35 =	vbroadcast v0, $0x3  }
0x3f4: {  	v7 =	vsub.f32 v16, v61;
	v39 =	vbroadcast v0, $0x4;
	v41 =	vbroadcast v0, $0x5  }
0x3f5: {  	[tilespmem:s29+$0x11330] =	vst v42;
	v42 =	vsub.f32 v25, v40;
	v49 =	vbroadcast v0, $0x6;
	v0 =	vbroadcast v0, $0x7  }
0x3f6: {  	v4 =	vsub.f32 v4, v40;
	v9 =	vmul.f32 v63, v15;
	v7 =	vmul.f32 v63, v7  }
0x3f7: {  	v50 =	vsub.f32 v21, v47;
	v30 =	vmul.f32 v28, v11;
	v37 =	vmul.f32 v35, v36  }
0x3f8: {  	v53 =	vsub.f32 v24, v6;
	v12 =	vmul.f32 v35, v12;
	v29 =	vmul.f32 v9, v62  }
0x3f9: {  	v6 =	vsub.f32 v22, v6;
	v17 =	vmul.f32 v39, v17;
	v7 =	vmul.f32 v7, v1  }
0x3fa: {  	v4 =	vmul.f32 v41, v4;
	v13 =	vmul.f32 v37, v62;
	v8 =	vadd.f32 v29, v3  }
0x3fb: {  	[tilespmem:s29+$0x11350] =	vst v48;
	v55 =	vmul.f32 v0, v53;
	v12 =	vmul.f32 v12, v1;
	v7 =	vadd.f32 v7, v2  }
0x3fc: {  	v0 =	vmul.f32 v0, v6;
	v17 =	vmul.f32 v17, v1;
	v44 =	vadd.f32 v13, v3;
	[tilespmem:s1+$0x11160] =	vst v8  }
0x3fd: {  	v11 =	vsub.f32 v18, v31;
	v4 =	vmul.f32 v4, v1;
	v12 =	vadd.f32 v12, v2;
	[tilespmem:s1+$0x11170] =	vst v7  }
0x3fe: {  	v51 =	vsub.f32 v14, v47;
	v0 =	vmul.f32 v0, v1;
	v46 =	vadd.f32 v17, v2;
	[tilespmem:s29+$0x113C0] =	vst v44  }
0x3ff: {  	v11 =	vmul.f32 v33, v11;
	v58 =	vmul.f32 v55, v62;
	v4 =	vadd.f32 v4, v2;
	[tilespmem:s29+$0x113D0] =	vst v12  }
0x400: {  	v10 =	vmul.f32 v28, v10;
	v9 =	vmul.f32 v30, v62;
	v0 =	vadd.f32 v0, v2;
	[tilespmem:s29+$0x113F0] =	vst v46  }
0x401: {  	v15 =	vmul.f32 v33, v34;
	v11 =	vmul.f32 v11, v1;
	v59 =	vadd.f32 v58, v3;
	[tilespmem:s29+$0x11410] =	vst v4  }
0x402: {  	v19 =	vmul.f32 v39, v19;
	v10 =	vmul.f32 v10, v1;
	v9 =	vadd.f32 v9, v3;
	[tilespmem:s29+$0x11450] =	vst v0;
	v0 =	vld [tilespmem:s29+$0xF460]  }
0x403: {  	v45 =	vmul.f32 v41, v42;
	v15 =	vmul.f32 v15, v62;
	v11 =	vadd.f32 v11, v2;
	[tilespmem:s29+$0x11440] =	vst v59;
	v60 =	vld [tilespmem:s29+$0xF470]  }
0x404: {  	v52 =	vmul.f32 v49, v50;
	v43 =	vmul.f32 v19, v62;
	v10 =	vadd.f32 v10, v2;
	[tilespmem:s29+$0x11380] =	vst v9;
	v63 =	vld [tilespmem:s29+$0xF480]  }
0x405: {  	v48 =	vmul.f32 v45, v62;
	v15 =	vadd.f32 v15, v3;
	v37 =	vld [tilespmem:s29+$0xF490];
	[tilespmem:s29+$0x113B0] =	vst v11;
	v11 =	vmul.f32 v49, v51  }
0x406: {  	(v2sf) =	vpush v5, $0xC;
	v8 =	vadd.f32 v43, v3;
	v7 =	vmul.f32 v52, v62;
	[tilespmem:s29+$0x11390] =	vst v10;
	v12 =	vld [tilespmem:s29+$0xF4A0]  }
0x407: {  	[tilespmem:s29+$0x113A0] =	vst v15;
	v10 =	vadd.f32 v48, v3;
	v45 =	vld [tilespmem:s29+$0xF4B0];
	v56 =	vmul.f32 v11, v1  }
0x408: {  	s31 =	spop (v2sf);
	(v2sf) =	vpush v5, $0xD;
	v17 =	vld [tilespmem:s29+$0xF4C0];
	[tilespmem:s29+$0x113E0] =	vst v8;
	v57 =	vadd.f32 v7, v3  }
0x409: {  	v23 =	vld [tilespmem:s29+$0xF4E0];
	[tilespmem:s29+$0x11400] =	vst v10;
	v4 =	vadd.f32 v56, v2  }
0x40a: {  	v26 =	vld [tilespmem:s29+$0xF500];
	[tilespmem:s29+$0x11420] =	vst v57  }
0x40b: {  	v56 =	vld [tilespmem:s29+$0xF4F0];
	[tilespmem:s29+$0x11430] =	vst v4  }
0x40c: {  	s1 =	spop (v2sf);
	v4 =	vld [tilespmem:s31+$0xC800]  }
0x40d: {  	v36 =	vld [tilespmem:s1+$0xC800]  }
0x40e: {  	v38 =	vld [tilespmem:s1+$0xC810];
	s1 =	sor.u32 $0x20, s30  }
0x40f: {  	(v2sf) =	vpush v5, $0xE;
	v46 =	vld.idx.msk [tilespmem:v54+s1+$0x0 ss:$0x1], $0xffff  }
0x410: {  	v61 =	vld [tilespmem:s31+$0xC810];
	s31 =	spop (v2sf)  }
0x411: {  	v44 =	vld [tilespmem:s31+$0xC800]  }
0x412: {  	v47 =	vld [tilespmem:s31+$0xC810]  }
0x413: {  	s31 =	spop (v2sf);
	(v2sf) =	vpush v5, $0xF;
	v5 =	vld [tilespmem:s29+$0xF4D0]  }
0x414: {  	v18 =	vld [tilespmem:s31+$0xC800];
	v15 =	vshll.u32 v46, $0x7  }
0x415: {  	v22 =	vld [tilespmem:s31+$0xC810];
	s31 =	spop (v2sf);
	v21 =	vshra.s32 v15, $0x2  }
0x416: {  	v55 =	vld [tilespmem:s31+$0xC800];
	(v2sf) =	vpush v21, $0x0  }
0x417: {  	v57 =	vld [tilespmem:s31+$0xC810];
	s0 =	spop (v2sf)  }
0x418: {  	v27 =	vld [tilespmem:s0+$0xC800]  }
0x419: {  	v28 =	vld [tilespmem:s29+$0xF510]  }
0x41a: {  	v29 =	vld [tilespmem:s0+$0xC810]  }
0x41b: {  	v30 =	vld [tilespmem:s29+$0xF520]  }
0x41c: {  	(v2sf) =	vpush v21, $0x1;
	v32 =	vld [tilespmem:s29+$0xF530]  }
0x41d: {  	v34 =	vld [tilespmem:s29+$0xF540]  }
0x41e: {  	s1 =	sshll.u32 s1, $0x5;
	v40 =	vadd.f32 v4, v0;
	s31 =	spop (v2sf);
	v0 =	vld [tilespmem:s29+$0xF550];
	(v2sf) =	vpush v21, $0x2  }
0x41f: {  	v7 =	vld [tilespmem:s1+$0xF160]  }
0x420: {  	v11 =	vld [tilespmem:s1+$0xF170]  }
0x421: {  	v31 =	vld [tilespmem:s31+$0xC800]  }
0x422: {  	v41 =	vadd.f32 v61, v60;
	v33 =	vld [tilespmem:s31+$0xC810];
	s31 =	spop (v2sf);
	(v2sf) =	vpush v21, $0x3  }
0x423: {  	v59 =	vadd.f32 v36, v63;
	v42 =	vadd.f32 v44, v12;
	v12 =	vld [tilespmem:s29+$0xF580]  }
0x424: {  	v51 =	vadd.f32 v38, v37;
	v47 =	vadd.f32 v47, v45;
	v16 =	vld [tilespmem:s29+$0xF590]  }
0x425: {  	v58 =	vmul.f32 v40, v40;
	v60 =	vmul.f32 v41, v41;
	v61 =	vadd.f32 v41, v40;
	v15 =	vld [tilespmem:s29+$0xF5A0]  }
0x426: {  	v63 =	vadd.f32 v51, v59;
	v19 =	vmul.f32 v59, v59;
	v45 =	vadd.f32 v18, v17;
	v18 =	vld [tilespmem:s29+$0xF5B0]  }
0x427: {  	v20 =	vmul.f32 v51, v51;
	v49 =	vadd.f32 v22, v5;
	v6 =	vadd.f32 v60, v58;
	v25 =	vld [tilespmem:s29+$0xF5D0]  }
0x428: {  	v46 =	vadd.f32 v47, v42;
	v48 =	vmul.f32 v42, v42;
	v52 =	vadd.f32 v55, v23;
	(xrf2) =	vadd.scan.msk.f32 $0xffff, v61;
	v35 =	vld [tilespmem:s31+$0xC800]  }
0x429: {  	v5 =	vmul.f32 v47, v47;
	v44 =	vadd.f32 v20, v19;
	(xrf2) =	vadd.scan.msk.f32 $0xffff, v6;
	v4 =	vld [tilespmem:s31+$0xC810];
	s31 =	spop (v2sf);
	(v2sf) =	vpush v21, $0x4  }
0x42a: {  	v55 =	vadd.f32 v57, v56;
	[tilespmem:$0x1FD20] =	vst v59;
	v50 =	vmul.f32 v45, v45;
	(xrf2) =	vadd.scan.msk.f32 $0xffff, v63;
	v9 =	vld [tilespmem:s31+$0xC800]  }
0x42b: {  	v53 =	vmul.f32 v49, v49;
	v5 =	vadd.f32 v5, v48;
	(xrf2) =	vadd.scan.msk.f32 $0xffff, v44;
	v36 =	vld [tilespmem:s31+$0xC810];
	s31 =	spop (v2sf);
	(v2sf) =	vpush v21, $0x5  }
0x42c: {  	[tilespmem:$0x1FD30] =	vst v45;
	v56 =	vadd.f32 v49, v45;
	v59 =	vmul.f32 v52, v52;
	(xrf2) =	vadd.scan.msk.f32 $0xffff, v46;
	v13 =	vld [tilespmem:s31+$0xC800]  }
0x42d: {  	v60 =	vmul.f32 v55, v55;
	v57 =	vadd.f32 v53, v50;
	(xrf2) =	vadd.scan.msk.f32 $0xffff, v5;
	v22 =	vld [tilespmem:s31+$0xC810];
	s31 =	spop (v2sf);
	(v2sf) =	vpush v21, $0x6  }
0x42e: {  	[tilespmem:$0x1FD40] =	vst v49;
	v58 =	vadd.f32 v55, v52;
	v23 =	vld [tilespmem:s29+$0xF620];
	v27 =	vadd.f32 v27, v26;
	(xrf2) =	vadd.scan.msk.f32 $0xffff, v56  }
0x42f: {  	[tilespmem:$0x1FD60] =	vst v55;
	v8 =	vadd.f32 v60, v59;
	v61 =	vadd.f32 v29, v28;
	v26 =	vld [tilespmem:s29+$0xF5C0];
	(xrf2) =	vadd.scan.msk.f32 $0xffff, v57  }
0x430: {  	v31 =	vadd.f32 v31, v30;
	v33 =	vadd.f32 v33, v32;
	v63 =	vmul.f32 v27, v27;
	(xrf2) =	vadd.scan.msk.f32 $0xffff, v58;
	v24 =	vld [tilespmem:s31+$0xC800]  }
0x431: {  	[tilespmem:$0x1FD50] =	vst v52;
	v5 =	vadd.f32 v61, v27;
	v38 =	vmul.f32 v61, v61;
	v37 =	vld [tilespmem:s31+$0xC810];
	s31 =	spop (v2sf);
	(v2sf) =	vpush v21, $0x7  }
0x432: {  	v28 =	vld [tilespmem:s29+$0xF5F0];
	v39 =	vmul.f32 v31, v31;
	(xrf2) =	vadd.scan.msk.f32 $0xffff, v8;
	v52, _, _ =	vpop (xrf2);
	v44 =	vadd.f32 v35, v34;
	v4 =	vadd.f32 v4, v0  }
0x433: {  	v43 =	vmul.f32 v33, v33;
	v45 =	vadd.f32 v33, v31;
	(xrf2) =	vadd.scan.msk.f32 $0xffff, v5;
	v50, _, _ =	vpop (xrf2);
	v0 =	vadd.f32 v38, v63;
	v14 =	vld [tilespmem:s31+$0xC800]  }
0x434: {  	v30 =	vld [tilespmem:s29+$0xF5E0];
	[tilespmem:$0x1FD70] =	vst v27;
	v53, _, _ =	vpop (xrf2);
	v46 =	vadd.f32 v4, v44;
	v56 =	vmul.f32 v44, v44;
	v57 =	vmul.f32 v4, v4  }
0x435: {  	[tilespmem:$0x1FDA0] =	vst v33;
	v33 =	vld [tilespmem:s29+$0xF610];
	v10 =	vadd.f32 v43, v39;
	v49, _, _ =	vpop (xrf2);
	(xrf2) =	vadd.scan.msk.f32 $0xffff, v0  }
0x436: {  	[tilespmem:$0x1FD80] =	vst v61;
	v39, _, _ =	vpop (xrf2);
	(xrf2) =	vadd.scan.msk.f32 $0xffff, v45;
	v58 =	vadd.f32 v57, v56;
	v5 =	vadd.f32 v13, v12;
	v12 =	vld [tilespmem:s29+$0xF600]  }
0x437: {  	[tilespmem:$0x1FDC0] =	vst v4;
	v48, _, _ =	vpop (xrf2);
	(xrf2) =	vadd.scan.msk.f32 $0xffff, v10;
	v4 =	vadd.f32 v9, v7;
	v6 =	vadd.f32 v36, v11;
	v29 =	vld [tilespmem:s31+$0xC810]  }
0x438: {  	[tilespmem:$0x1FD90] =	vst v31;
	(xrf2) =	vadd.scan.msk.f32 $0xffff, v46;
	v46, _, _ =	vpop (xrf2);
	v7 =	vadd.f32 v22, v16;
	v22 =	vadd.f32 v14, v26;
	v26 =	vld [tilespmem:s29+$0xF630];
	s31 =	spop (v2sf)  }
0x439: {  	[tilespmem:$0x1FDB0] =	vst v44;
	v0, _, _ =	vpop (xrf2);
	v59 =	vmul.f32 v4, v4;
	v60 =	vadd.f32 v6, v4;
	v61 =	vmul.f32 v6, v6;
	v27 =	vld [tilespmem:s31+$0xC800]  }
0x43a: {  	(xrf2) =	vadd.scan.msk.f32 $0xffff, v58;
	[tilespmem:$0x1FCA0] =	vst v0;
	v0, _, _ =	vpop (xrf2);
	v8 =	vadd.f32 v24, v15;
	v9 =	vadd.f32 v37, v18;
	v32 =	vld [tilespmem:s31+$0xC810];
	s31 =	spop (v2sf)  }
0x43b: {  	[tilespmem:$0x1FCB0] =	vst v0;
	v63 =	vmul.f32 v5, v5;
	v35 =	vmul.f32 v7, v7;
	v13 =	vadd.f32 v61, v59;
	v16 =	vld [tilespmem:s31+$0xC800]  }
0x43c: {  	v0, _, _ =	vpop (xrf2);
	v55 =	vadd.f32 v7, v5;
	(xrf2) =	vadd.scan.msk.f32 $0xffff, v60;
	v56 =	vmul.f32 v8, v8;
	v57 =	vmul.f32 v9, v9;
	v43 =	vld [tilespmem:s31+$0xC810];
	s31 =	spop (v2sf)  }
0x43d: {  	[tilespmem:$0x1FCC0] =	vst v0;
	v0, _, _ =	vpop (xrf2);
	v24 =	vadd.f32 v9, v8;
	(xrf2) =	vadd.scan.msk.f32 $0xffff, v13;
	v13 =	vadd.f32 v29, v25;
	v31 =	vld [tilespmem:s31+$0xC800]  }
0x43e: {  	[tilespmem:$0x1FCD0] =	vst v0;
	v10 =	vadd.f32 v35, v63;
	v59 =	vadd.f32 v57, v56;
	v58 =	vld [tilespmem:s31+$0xC810]  }
0x43f: {  	v36 =	vld [tilespmem:s29+$0xF650];
	v0, _, _ =	vpop (xrf2);
	(xrf2) =	vadd.scan.msk.f32 $0xffff, v55;
	v60 =	vmul.f32 v22, v22;
	v61 =	vmul.f32 v13, v13;
	v11 =	vadd.f32 v27, v30  }
0x440: {  	[tilespmem:$0x1FCE0] =	vst v0;
	(xrf2) =	vadd.scan.msk.f32 $0xffff, v10;
	v29 =	vadd.f32 v13, v22;
	v14 =	vadd.f32 v32, v28;
	v28 =	vld [tilespmem:s29+$0xF640];
	s31 =	spop (v2sf)  }
0x441: {  	(xrf2) =	vadd.scan.msk.f32 $0xffff, v24;
	v37 =	vadd.f32 v61, v60;
	v63 =	vmul.f32 v11, v11;
	v17 =	vadd.f32 v16, v12;
	v34 =	vld [tilespmem:s31+$0xC800]  }
0x442: {  	v0, _, _ =	vpop (xrf2);
	(xrf2) =	vadd.scan.msk.f32 $0xffff, v59;
	v35 =	vmul.f32 v14, v14;
	v10 =	vadd.f32 v43, v33;
	v38 =	vadd.f32 v14, v11;
	v55 =	vld [tilespmem:s31+$0xC810]  }
0x443: {  	[tilespmem:$0x1FCF0] =	vst v0;
	v44, _, _ =	vpop (xrf2);
	(xrf2) =	vadd.scan.msk.f32 $0xffff, v29;
	v15 =	vadd.f32 v31, v23;
	v12 =	vadd.f32 v58, v26  }
0x444: {  	v0, _, _ =	vpop (xrf2);
	(xrf2) =	vadd.scan.msk.f32 $0xffff, v37;
	v24 =	vadd.f32 v35, v63;
	v56 =	vmul.f32 v17, v17;
	v57 =	vmul.f32 v10, v10  }
0x445: {  	[tilespmem:$0x1FD00] =	vst v0;
	(xrf2) =	vadd.scan.msk.f32 $0xffff, v38;
	v58 =	vadd.f32 v10, v17;
	v60 =	vadd.f32 v12, v15  }
0x446: {  	v0, _, _ =	vpop (xrf2);
	v61 =	vmul.f32 v15, v15;
	v26 =	vmul.f32 v12, v12;
	v59 =	vadd.f32 v57, v56;
	(xrf2) =	vadd.scan.msk.f32 $0xffff, v24  }
0x447: {  	v63, _, _ =	vpop (xrf2);
	(xrf2) =	vadd.scan.msk.f32 $0xffff, v58;
	v18 =	vadd.f32 v34, v28;
	v16 =	vadd.f32 v55, v36  }
0x448: {  	v33, _, _ =	vpop (xrf2);
	(xrf2) =	vadd.scan.msk.f32 $0xffff, v59;
	v34 =	vadd.f32 v26, v61  }
0x449: {  	v35, _, _ =	vpop (xrf2);
	(xrf2) =	vadd.scan.msk.f32 $0xffff, v60;
	v36 =	vadd.f32 v16, v18;
	v37 =	vmul.f32 v18, v18;
	v38 =	vmul.f32 v16, v16  }
0x44a: {  	v43, _, _ =	vpop (xrf2);
	(xrf2) =	vadd.scan.msk.f32 $0xffff, v34  }
0x44b: {  	v45, _, _ =	vpop (xrf2);
	(xrf2) =	vadd.scan.msk.f32 $0xffff, v36;
	v55 =	vadd.f32 v38, v37  }
0x44c: {  	v56, _, _ =	vpop (xrf2)  }
0x44d: {  	v57, _, _ =	vpop (xrf2);
	(xrf2) =	vadd.scan.msk.f32 $0xffff, v55  }
0x44e: {  	v58 =	vbroadcast v63, $0xF;
	v27 =	vbroadcast v33, $0xF;
	v59, _, _ =	vpop (xrf2)  }
0x44f: {  	v25 =	vbroadcast v35, $0xF;
	v60, _, _ =	vpop (xrf2)  }
0x450: {  	v24 =	vnsel vm0, $0x0, v58;
	v27 =	vnsel vm0, $0x0, v27;
	v30 =	vbroadcast v43, $0xF;
	v61, _, _ =	vpop (xrf2)  }
0x451: {  	v24 =	vsel vm1, v24, v25;
	v23 =	vbroadcast v45, $0xF;
	v63 =	vbroadcast v56, $0xF;
	v19, _, _ =	vpop (xrf2)  }
0x452: {  	v27 =	vsel vm1, v27, v30;
	v28 =	vbroadcast v57, $0xF;
	v29 =	vbroadcast v59, $0xF;
	v33, _, _ =	vpop (xrf2)  }
0x453: {  	v23 =	vsel vm2, v24, v23;
	v34 =	vsel vm2, v27, v63;
	v35 =	vbroadcast v60, $0xF;
	v36, _, _ =	vpop (xrf2)  }
0x454: {  	v23 =	vsel vm3, v23, v28;
	v24 =	vsel vm3, v34, v29;
	v26 =	vbroadcast v19, $0xF;
	v37, _, _ =	vpop (xrf2)  }
0x455: {  	v38 =	vbroadcast v61, $0xF;
	v23 =	vsel vm4, v23, v35;
	v43 =	vbroadcast v36, $0xF;
	v45, _, _ =	vpop (xrf2)  }
0x456: {  	v30 =	vbroadcast v33, $0xF;
	v23 =	vsel vm5, v23, v26;
	v55 =	vbroadcast v45, $0xF  }
0x457: {  	v24 =	vsel vm4, v24, v38;
	v56 =	vbroadcast v37, $0xF;
	v23 =	vsel vm6, v23, v43;
	v57, _, _ =	vpop (xrf2)  }
0x458: {  	v24 =	vsel vm5, v24, v30;
	v25 =	vbroadcast v57, $0xF;
	v23 =	vsel vm7, v23, v55  }
0x459: {  	v24 =	vsel vm6, v24, v56;
	v23 =	vmul.f32 $3.125000000e-02, v23  }
0x45a: {  	v24 =	vsel vm7, v24, v25  }
0x45b: {  	v24 =	vmul.f32 $3.125000000e-02, v24;
	v58 =	vmul.f32 v23, v23;
	_ =	sdelay $0x1  }
0x45c: {  	v24 =	vsub.f32 v24, v58;
	_ =	sdelay $0x1  }
0x45d: {  	v24 =	vadd.f32 $9.999999740e-06, v24;
	_ =	sdelay $0x1  }
0x45e: {  	v59 =	vshra.s32 v24, $0x1;
	v24 =	vmul.f32 $5.000000000e-01, v24  }
0x45f: {  	v25 =	vsub.s32 $0x5F3759DF, v59  }
0x460: {  	v60 =	vmul.f32 v25, v24;
	_ =	sdelay $0x1  }
0x461: {  	v26 =	vmul.f32 v25, v60;
	_ =	sdelay $0x1  }
0x462: {  	v26 =	vsub.f32 $1.500000000e+00, v26;
	_ =	sdelay $0x1  }
0x463: {  	v25 =	vmul.f32 v25, v26;
	_ =	sdelay $0x1  }
0x464: {  	v26 =	vmul.f32 v25, v24;
	_ =	sdelay $0x1  }
0x465: {  	v26 =	vmul.f32 v26, v25;
	_ =	sdelay $0x1  }
0x466: {  	v26 =	vsub.f32 $1.500000000e+00, v26;
	_ =	sdelay $0x1  }
0x467: {  	v25 =	vmul.f32 v26, v25  }
0x468: {  	(v2sf) =	vpush v21, $0x8  }
0x469: {  	(v2sf) =	vpush v21, $0x9;
	v24 =	vmul.f32 v25, v24  }
0x46a: {  	(v2sf) =	vpush v21, $0xA;
	v61 =	vbroadcast v23, $0x0  }
0x46b: {  	(v2sf) =	vpush v21, $0xB;
	v19 =	vbroadcast v23, $0x1;
	v24 =	vmul.f32 v24, v25  }
0x46c: {  	v30 =	vbroadcast v23, $0x2;
	v31 =	vbroadcast v23, $0x3;
	v4 =	vsub.f32 v4, v61  }
0x46d: {  	v34 =	vbroadcast v23, $0x4;
	v6 =	vsub.f32 v6, v61;
	v24 =	vsub.f32 $1.500000000e+00, v24  }
0x46e: {  	v36 =	vbroadcast v23, $0x5;
	v5 =	vsub.f32 v5, v19;
	v7 =	vsub.f32 v7, v19  }
0x46f: {  	v8 =	vsub.f32 v8, v30;
	v9 =	vsub.f32 v9, v30;
	v24 =	vmul.f32 v24, v25  }
0x470: {  	v55 =	vbroadcast v23, $0x6;
	v22 =	vsub.f32 v22, v31;
	v13 =	vsub.f32 v13, v31  }
0x471: {  	v11 =	vsub.f32 v11, v34;
	v59 =	vbroadcast v23, $0x7;
	v63 =	vbroadcast v24, $0x0  }
0x472: {  	v14 =	vsub.f32 v14, v34;
	v20 =	vbroadcast v24, $0x1;
	v32 =	vbroadcast v24, $0x2  }
0x473: {  	v17 =	vsub.f32 v17, v36;
	v33 =	vbroadcast v24, $0x3;
	v35 =	vbroadcast v24, $0x4  }
0x474: {  	v10 =	vsub.f32 v10, v36;
	v37 =	vbroadcast v24, $0x5;
	v57 =	vbroadcast v24, $0x6  }
0x475: {  	v58 =	vsub.f32 v15, v55;
	v4 =	vmul.f32 v63, v4;
	v6 =	vmul.f32 v63, v6  }
0x476: {  	v61 =	vsub.f32 v12, v55;
	v5 =	vmul.f32 v20, v5;
	v7 =	vmul.f32 v20, v7  }
0x477: {  	v18 =	vsub.f32 v18, v59;
	v9 =	vmul.f32 v32, v9;
	v4 =	vmul.f32 v4, v62  }
0x478: {  	v19 =	vsub.f32 v16, v59;
	v22 =	vmul.f32 v33, v22;
	v6 =	vmul.f32 v6, v1  }
0x479: {  	v13 =	vmul.f32 v33, v13;
	v9 =	vmul.f32 v9, v1;
	v4 =	vadd.f32 v4, v3  }
0x47a: {  	v8 =	vmul.f32 v32, v8;
	v22 =	vmul.f32 v22, v62;
	v6 =	vadd.f32 v6, v2  }
0x47b: {  	v11 =	vmul.f32 v35, v11;
	v13 =	vmul.f32 v13, v1;
	v9 =	vadd.f32 v9, v2;
	[tilespmem:s1+$0x11160] =	vst v4  }
0x47c: {  	v14 =	vmul.f32 v35, v14;
	v5 =	vmul.f32 v5, v62;
	v43 =	vadd.f32 v22, v3;
	[tilespmem:s1+$0x11170] =	vst v6  }
0x47d: {  	v45 =	vmul.f32 v37, v17;
	v7 =	vmul.f32 v7, v1;
	v13 =	vadd.f32 v13, v2;
	[tilespmem:s29+$0x115B0] =	vst v9  }
0x47e: {  	v60 =	vmul.f32 v37, v10;
	v8 =	vmul.f32 v8, v62;
	v5 =	vadd.f32 v5, v3;
	[tilespmem:s29+$0x115C0] =	vst v43  }
0x47f: {  	v17 =	vbroadcast v24, $0x7;
	v38 =	vmul.f32 v14, v1;
	v7 =	vadd.f32 v7, v2;
	[tilespmem:s29+$0x115D0] =	vst v13;
	v24 =	vld [tilespmem:s29+$0xF680]  }
0x480: {  	v63 =	vmul.f32 v57, v58;
	v8 =	vadd.f32 v8, v3;
	v4 =	vmul.f32 v11, v62;
	[tilespmem:s29+$0x11580] =	vst v5;
	v26 =	vld [tilespmem:s29+$0xF690]  }
0x481: {  	v10 =	vmul.f32 v57, v61;
	v9 =	vmul.f32 v60, v1;
	v5 =	vadd.f32 v38, v2;
	[tilespmem:s29+$0x11590] =	vst v7;
	v12 =	vld [tilespmem:s29+$0xF6A0]  }
0x482: {  	v56 =	vmul.f32 v45, v62;
	v20 =	vmul.f32 v17, v18;
	[tilespmem:s29+$0x115A0] =	vst v8;
	v14 =	vld [tilespmem:s29+$0xF6B0];
	v4 =	vadd.f32 v4, v3  }
0x483: {  	v22 =	vmul.f32 v10, v1;
	v8 =	vmul.f32 v17, v19;
	v17 =	vld [tilespmem:s29+$0xF6C0];
	[tilespmem:s29+$0x115F0] =	vst v5;
	v5 =	vadd.f32 v9, v2  }
0x484: {  	s31 =	spop (v2sf);
	(v2sf) =	vpush v21, $0xC;
	v7 =	vadd.f32 v56, v3;
	v31 =	vld [tilespmem:s29+$0xF6E0];
	[tilespmem:s29+$0x115E0] =	vst v4;
	v4 =	vmul.f32 v63, v62  }
0x485: {  	v61 =	vld [tilespmem:s29+$0xF6F0];
	v23 =	vmul.f32 v8, v1;
	[tilespmem:s29+$0x11610] =	vst v5;
	v5 =	vadd.f32 v22, v2  }
0x486: {  	v6 =	vmul.f32 v20, v62;
	v34 =	vld [tilespmem:s29+$0xF700];
	[tilespmem:s29+$0x11600] =	vst v7;
	v4 =	vadd.f32 v4, v3  }
0x487: {  	v36 =	vld [tilespmem:s29+$0xF710];
	[tilespmem:s29+$0x11630] =	vst v5;
	v5 =	vadd.f32 v23, v2  }
0x488: {  	s1 =	spop (v2sf);
	(v2sf) =	vpush v21, $0xD;
	v57 =	vld [tilespmem:s29+$0xF730];
	[tilespmem:s29+$0x11620] =	vst v4;
	v4 =	vadd.f32 v6, v3  }
0x489: {  	v6 =	vld [tilespmem:s29+$0xF670];
	[tilespmem:s29+$0x11650] =	vst v5  }
0x48a: {  	[tilespmem:s29+$0x11640] =	vst v4;
	v4 =	vld [tilespmem:s29+$0xF660]  }
0x48b: {  	v5 =	vld [tilespmem:s31+$0xC800]  }
0x48c: {  	v7 =	vld [tilespmem:s31+$0xC810]  }
0x48d: {  	v25 =	vld [tilespmem:s1+$0xC800]  }
0x48e: {  	v45 =	vld [tilespmem:s1+$0xC810];
	s31 =	spop (v2sf);
	(v2sf) =	vpush v21, $0xE  }
0x48f: {  	s1 =	sor.u32 $0x30, s30;
	v13 =	vld [tilespmem:s31+$0xC800];
	s30 =	spop (v2sf);
	(v2sf) =	vpush v21, $0xF  }
0x490: {  	v59 =	vld.idx.msk [tilespmem:v54+s1+$0x0 ss:$0x1], $0xffff  }
0x491: {  	v16 =	vld [tilespmem:s31+$0xC810]  }
0x492: {  	v21 =	vld [tilespmem:s29+$0xF6D0]  }
0x493: {  	v54 =	vld [tilespmem:s29+$0xF720];
	s31 =	spop (v2sf)  }
0x494: {  	v63 =	vld [tilespmem:s31+$0xC810]  }
0x495: {  	v18 =	vld [tilespmem:s30+$0xC800];
	v15 =	vshll.u32 v59, $0x7  }
0x496: {  	v60 =	vld [tilespmem:s31+$0xC800];
	v29 =	vadd.f32 v5, v4;
	v30 =	vadd.f32 v7, v6;
	v19 =	vshra.s32 v15, $0x2  }
0x497: {  	v23 =	vld [tilespmem:s30+$0xC810];
	s30 =	spop (v2sf);
	v28 =	vadd.f32 v25, v24;
	(v2sf) =	vpush v19, $0x0  }
0x498: {  	v35 =	vld [tilespmem:s30+$0xC800];
	v25 =	vadd.f32 v45, v26;
	(v2sf) =	vpush v19, $0x1  }
0x499: {  	[tilespmem:$0x1FD10] =	vst v0;
	v43 =	vld [tilespmem:s30+$0xC810];
	v38 =	vmul.f32 v29, v29;
	v45 =	vmul.f32 v30, v30;
	v0 =	vadd.f32 v63, v61  }
0x49a: {  	v5 =	vld [tilespmem:s29+$0xF750]  }
0x49b: {  	v59 =	vld [tilespmem:s29+$0xF740];
	v22 =	vadd.f32 v60, v31;
	v6 =	vadd.f32 v45, v38;
	v45 =	vmul.f32 v0, v0  }
0x49c: {  	v16 =	vadd.f32 v16, v14;
	v14 =	vld [tilespmem:s29+$0xF790]  }
0x49d: {  	v60 =	vld [tilespmem:s29+$0xF780];
	v38 =	vmul.f32 v22, v22;
	s31 =	spop (v2sf);
	(v2sf) =	vpush v19, $0x2  }
0x49e: {  	v20 =	vmov v0;
	[tilespmem:$0x1FE20] =	vst v0;
	v0 =	vld [tilespmem:s29+$0xF7A0];
	s30 =	spop (v2sf);
	(v2sf) =	vpush v19, $0x3  }
0x49f: {  	v27 =	vadd.f32 v13, v12;
	v10 =	vmul.f32 v28, v28;
	v15 =	vadd.f32 v45, v38;
	v45 =	vmovc v2;
	v2 =	vld [tilespmem:s29+$0xF7C0]  }
0x4a0: {  	v24 =	vadd.f32 v18, v17;
	v12 =	vmul.f32 v25, v25;
	v21 =	vadd.f32 v23, v21;
	v55 =	vld [tilespmem:s31+$0xC800]  }
0x4a1: {  	v56 =	vmul.f32 v27, v27;
	v26 =	vmul.f32 v16, v16;
	v58 =	vld [tilespmem:s31+$0xC810]  }
0x4a2: {  	v33 =	vmul.f32 v24, v24;
	v37 =	vmul.f32 v21, v21;
	v10 =	vadd.f32 v12, v10;
	v4 =	vld [tilespmem:s30+$0xC800]  }
0x4a3: {  	v12 =	vadd.f32 v26, v56;
	v56 =	vadd.f32 v30, v29;
	v7 =	vld [tilespmem:s30+$0xC810];
	s30 =	sshll.u32 s1, $0x5  }
0x4a4: {  	v26 =	vadd.f32 v25, v28;
	v8 =	vadd.f32 v37, v33;
	v9 =	vld [tilespmem:s30+$0xF160]  }
0x4a5: {  	v33 =	vadd.f32 v35, v34;
	v34 =	vadd.f32 v43, v36;
	v13 =	vld [tilespmem:s30+$0xF170]  }
0x4a6: {  	v35 =	vadd.f32 v55, v54;
	v54 =	vld [tilespmem:s29+$0xF7B0];
	s31 =	spop (v2sf);
	(v2sf) =	vpush v19, $0x4  }
0x4a7: {  	(xrf2) =	vadd.scan.msk.f32 $0xffff, v56;
	v36 =	vadd.f32 v58, v57;
	v57 =	vld [tilespmem:s29+$0xF7D0];
	s1 =	spop (v2sf);
	(v2sf) =	vpush v19, $0x5  }
0x4a8: {  	v23 =	vmov v16;
	[tilespmem:$0x1FDE0] =	vst v16;
	(xrf2) =	vadd.scan.msk.f32 $0xffff, v6;
	v31 =	vadd.f32 v4, v59;
	v16 =	vld [tilespmem:s31+$0xC810]  }
0x4a9: {  	[tilespmem:$0x1FDD0] =	vst v25;
	(xrf2) =	vadd.scan.msk.f32 $0xffff, v26;
	v6 =	vadd.f32 v7, v5;
	v5 =	vadd.f32 v23, v27;
	v59 =	vld [tilespmem:s29+$0xF7E0]  }
0x4aa: {  	v38 =	vmul.f32 v33, v33;
	(xrf2) =	vadd.scan.msk.f32 $0xffff, v10;
	v23 =	vmul.f32 v34, v34;
	v61 =	vld [tilespmem:s1+$0xC800];
	(v2sf) =	vpush v19, $0x6  }
0x4ab: {  	v52 =	vbroadcast v52, $0xF;
	[tilespmem:$0x1FDF0] =	vst v24;
	(xrf2) =	vadd.scan.msk.f32 $0xffff, v5;
	v5 =	vadd.f32 v21, v24;
	v17 =	vld [tilespmem:s1+$0xC810]  }
0x4ac: {  	[tilespmem:$0x1FE00] =	vst v21;
	v25 =	vmul.f32 v35, v35;
	v11 =	vld [tilespmem:s31+$0xC800];
	v7 =	vadd.f32 v23, v38;
	v38 =	vadd.f32 v20, v22;
	s31 =	spop (v2sf)  }
0x4ad: {  	v26 =	vmul.f32 v36, v36;
	(xrf2) =	vadd.scan.msk.f32 $0xffff, v12;
	v20 =	vadd.f32 v16, v13;
	v13 =	vld [tilespmem:s29+$0xF7F0];
	s1 =	spop (v2sf);
	(v2sf) =	vpush v19, $0x7  }
0x4ae: {  	[tilespmem:$0x1FE10] =	vst v22;
	v56 =	vbroadcast v53, $0xF;
	v10 =	vbroadcast v50, $0xF;
	(xrf2) =	vadd.scan.msk.f32 $0xffff, v5;
	v63 =	vld [tilespmem:s31+$0xC800]  }
0x4af: {  	v32 =	vmul.f32 v31, v31;
	v5 =	vadd.f32 v26, v25;
	v25 =	vadd.f32 v34, v33;
	(xrf2) =	vadd.scan.msk.f32 $0xffff, v8;
	v4 =	vld [tilespmem:s31+$0xC810]  }
0x4b0: {  	v37 =	vmul.f32 v6, v6;
	(xrf2) =	vadd.scan.msk.f32 $0xffff, v38;
	v18 =	vadd.f32 v61, v60;
	v21 =	vadd.f32 v17, v14;
	v58 =	vld [tilespmem:s1+$0xC810]  }
0x4b1: {  	[tilespmem:$0x1FE40] =	vst v6;
	v24 =	vnsel vm8, $0x0, v52;
	v43 =	vadd.f32 v11, v9;
	(xrf2) =	vadd.scan.msk.f32 $0xffff, v15;
	v11 =	vld [tilespmem:s29+$0xF820]  }
0x4b2: {  	v26 =	vadd.f32 v36, v35;
	(xrf2) =	vadd.scan.msk.f32 $0xffff, v25;
	v60 =	vld [tilespmem:s29+$0xF800];
	v14 =	vmul.f32 v18, v18;
	v22 =	vmul.f32 v21, v21  }
0x4b3: {  	v23, _, _ =	vpop (xrf2);
	v8 =	vadd.f32 v37, v32;
	v16 =	vsel vm9, v24, v56;
	v61 =	vadd.f32 v6, v31;
	v6 =	vld [tilespmem:s29+$0xF810];
	(xrf2) =	vadd.scan.msk.f32 $0xffff, v7  }
0x4b4: {  	v32 =	vmul.f32 v20, v20;
	v55 =	vld [tilespmem:s1+$0xC800];
	(xrf2) =	vadd.scan.msk.f32 $0xffff, v26;
	v56 =	vadd.f32 v22, v14;
	v17 =	vadd.f32 v63, v0;
	v63, _, _ =	vpop (xrf2)  }
0x4b5: {  	v15 =	vadd.f32 v4, v54;
	v4 =	vmul.f32 v43, v43;
	(xrf2) =	vadd.scan.msk.f32 $0xffff, v5;
	v50, _, _ =	vpop (xrf2);
	v14 =	vadd.f32 v58, v57;
	v57 =	vld [tilespmem:s29+$0xF830];
	s31 =	spop (v2sf)  }
0x4b6: {  	v37 =	vmov v1;
	v26 =	vadd.f32 v20, v43;
	(xrf2) =	vadd.scan.msk.f32 $0xffff, v61;
	v52, _, _ =	vpop (xrf2);
	v12 =	vld [tilespmem:s31+$0xC800];
	s1 =	spop (v2sf)  }
0x4b7: {  	v25 =	vbroadcast v49, $0xF;
	v61 =	vadd.f32 v21, v18;
	v4 =	vadd.f32 v32, v4;
	v49, _, _ =	vpop (xrf2);
	(xrf2) =	vadd.scan.msk.f32 $0xffff, v8;
	v0 =	vld [tilespmem:s1+$0xC810]  }
0x4b8: {  	v5 =	vmul.f32 v17, v17;
	v24 =	vmul.f32 v15, v15;
	v32 =	vnsel vm8, $0x0, v10;
	v9 =	vld [tilespmem:s31+$0xC810];
	v53, _, _ =	vpop (xrf2);
	(xrf2) =	vadd.scan.msk.f32 $0xffff, v26  }
0x4b9: {  	v55 =	vadd.f32 v55, v2;
	v1 =	vsel vm9, v32, v25;
	v25 =	vadd.f32 v15, v17;
	v38 =	vld [tilespmem:s1+$0xC800];
	s31 =	spop (v2sf);
	v54, _, _ =	vpop (xrf2);
	(xrf2) =	vadd.scan.msk.f32 $0xffff, v4  }
0x4ba: {  	v22 =	vmov v62;
	v58 =	vmul.f32 v14, v14;
	v5 =	vadd.f32 v24, v5;
	v62 =	vld [tilespmem:s31+$0xC800];
	v26, _, _ =	vpop (xrf2);
	(xrf2) =	vadd.scan.msk.f32 $0xffff, v61  }
0x4bb: {  	v4 =	vbroadcast v39, $0xF;
	v39 =	vmul.f32 v55, v55;
	v61, _, _ =	vpop (xrf2);
	(xrf2) =	vadd.scan.msk.f32 $0xffff, v56;
	v10 =	vadd.f32 v12, v59;
	v12 =	vld [tilespmem:s31+$0xC810]  }
0x4bc: {  	v56, _, _ =	vpop (xrf2);
	(xrf2) =	vadd.scan.msk.f32 $0xffff, v25;
	v7 =	vadd.f32 v0, v6;
	v0 =	vld [tilespmem:s29+$0xF850];
	s1 =	spop (v2sf)  }
0x4bd: {  	v9 =	vadd.f32 v9, v13;
	v25, _, _ =	vpop (xrf2);
	(xrf2) =	vadd.scan.msk.f32 $0xffff, v5;
	v5 =	vadd.f32 v58, v39;
	v39 =	vld [tilespmem:s1+$0xC810];
	_ =	sdelay $0x1  }
0x4be: {  	v59 =	vld [tilespmem:s29+$0xF840];
	v8 =	vadd.f32 v38, v60;
	v38 =	vmul.f32 v10, v10;
	v32 =	vmul.f32 v9, v9  }
0x4bf: {  	v16 =	vsel vm10, v16, v4;
	v4 =	vadd.f32 v14, v55;
	v24 =	vadd.f32 v9, v10;
	v2 =	vld [tilespmem:s1+$0xC800]  }
0x4c0: {  	v62 =	vadd.f32 v62, v11;
	v13 =	vadd.f32 v32, v38  }
0x4c1: {  	v38 =	vbroadcast v48, $0xF;
	v48, _, _ =	vpop (xrf2);
	(xrf2) =	vadd.scan.msk.f32 $0xffff, v4;
	v6 =	vadd.f32 v12, v57;
	v12 =	vadd.f32 v39, v0;
	v0 =	vld [tilespmem:$0x1FCA0]  }
0x4c2: {  	v4 =	vmul.f32 v8, v8;
	v58, _, _ =	vpop (xrf2);
	(xrf2) =	vadd.scan.msk.f32 $0xffff, v5;
	v32 =	vmov v3;
	v3 =	vmul.f32 v7, v7  }
0x4c3: {  	v60 =	vadd.f32 v7, v8;
	v38 =	vsel vm10, v1, v38;
	v11, _, _ =	vpop (xrf2);
	(xrf2) =	vadd.scan.msk.f32 $0xffff, v24;
	v1 =	vld [tilespmem:$0x1FCC0];
	v57 =	vmul.f32 v6, v6  }
0x4c4: {  	v24, _, _ =	vpop (xrf2);
	(xrf2) =	vadd.scan.msk.f32 $0xffff, v13;
	v3 =	vadd.f32 v3, v4;
	v13 =	vadd.f32 v2, v59;
	v2 =	vmul.f32 v62, v62  }
0x4c5: {  	v4 =	vbroadcast v46, $0xF;
	v46, _, _ =	vpop (xrf2);
	(xrf2) =	vadd.scan.msk.f32 $0xffff, v60;
	v60 =	vadd.f32 v6, v62  }
0x4c6: {  	v5, _, _ =	vpop (xrf2);
	(xrf2) =	vadd.scan.msk.f32 $0xffff, v3;
	v2 =	vadd.f32 v57, v2;
	v3 =	vbroadcast v0, $0xF;
	v0 =	vld [tilespmem:$0x1FCB0]  }
0x4c7: {  	v57, _, _ =	vpop (xrf2);
	(xrf2) =	vadd.scan.msk.f32 $0xffff, v60  }
0x4c8: {  	v4 =	vsel vm11, v16, v4;
	v16, _, _ =	vpop (xrf2);
	(xrf2) =	vadd.scan.msk.f32 $0xffff, v2;
	v2 =	vbroadcast v1, $0xF;
	v1 =	vld [tilespmem:$0x1FCD0];
	_ =	sdelay $0x2  }
0x4c9: {  	v39 =	vbroadcast v0, $0xF;
	_ =	sdelay $0x1  }
0x4ca: {  	v4 =	vsel vm12, v4, v39;
	v39 =	vbroadcast v1, $0xF;
	v1 =	vld [tilespmem:$0x1FCE0];
	_ =	sdelay $0x2  }
0x4cb: {  	v59 =	vadd.f32 v12, v13;
	_ =	sdelay $0x1  }
0x4cc: {  	v60 =	vmul.f32 v13, v13;
	v3 =	vsel vm11, v38, v3;
	v38, _, _ =	vpop (xrf2);
	(xrf2) =	vadd.scan.msk.f32 $0xffff, v59;
	v59 =	vbroadcast v1, $0xF;
	v1 =	vld [tilespmem:$0x1FCF0];
	_ =	sdelay $0x1  }
0x4cd: {  	v0 =	vmul.f32 v12, v12;
	_ =	sdelay $0x1  }
0x4ce: {  	v44 =	vbroadcast v44, $0xF;
	v2 =	vsel vm12, v3, v2;
	v0 =	vadd.f32 v0, v60;
	v60, _, _ =	vpop (xrf2)  }
0x4cf: {  	v2 =	vsel vm13, v2, v59;
	v59 =	vld [tilespmem:$0x1FD00];
	v3 =	vbroadcast v1, $0xF;
	v1, _, _ =	vpop (xrf2)  }
0x4d0: {  	v4 =	vsel vm13, v4, v39;
	(xrf2) =	vadd.scan.msk.f32 $0xffff, v0;
	v0 =	vbroadcast v5, $0xF;
	v5, _, _ =	vpop (xrf2)  }
0x4d1: {  	v60 =	vbroadcast v60, $0xF;
	v3 =	vsel vm14, v4, v3;
	v4 =	vbroadcast v16, $0xF;
	v16, _, _ =	vpop (xrf2)  }
0x4d2: {  	v2 =	vsel vm14, v2, v44;
	v5 =	vbroadcast v5, $0xF;
	v44, _, _ =	vpop (xrf2)  }
0x4d3: {  	v39 =	vbroadcast v57, $0xF;
	v0 =	vnsel vm0, $0x0, v0;
	v57, _, _ =	vpop (xrf2)  }
0x4d4: {  	v3 =	vsel vm15, v3, v59;
	v0 =	vsel vm1, v0, v4;
	v4 =	vbroadcast v38, $0xF;
	v59, _, _ =	vpop (xrf2)  }
0x4d5: {  	v39 =	vnsel vm0, $0x0, v39;
	v1 =	vbroadcast v1, $0xF;
	v0 =	vsel vm2, v0, v60;
	v60, _, _ =	vpop (xrf2)  }
0x4d6: {  	v16 =	vbroadcast v16, $0xF;
	v4 =	vsel vm1, v39, v4;
	v0 =	vsel vm3, v0, v5;
	v5, _, _ =	vpop (xrf2)  }
0x4d7: {  	v1 =	vsel vm2, v4, v1;
	v4 =	vbroadcast v44, $0xF;
	v5 =	vbroadcast v5, $0xF  }
0x4d8: {  	v1 =	vsel vm3, v1, v16;
	v16 =	vbroadcast v57, $0xF;
	v57 =	vbroadcast v59, $0xF  }
0x4d9: {  	v59, _, _ =	vpop (xrf2);
	v0 =	vsel vm4, v0, v4  }
0x4da: {  	v4 =	vbroadcast v60, $0xF;
	v60, _, _ =	vpop (xrf2);
	v0 =	vsel vm5, v0, v57  }
0x4db: {  	v0 =	vsel vm6, v0, v5;
	v5, _, _ =	vpop (xrf2)  }
0x4dc: {  	v39 =	vmul.f32 $3.125000000e-02, v3;
	v3 =	vbroadcast v5, $0xF;
	v5 =	vld [tilespmem:$0x1FD10];
	_ =	sdelay $0x1  }
0x4dd: {  	v1 =	vsel vm4, v1, v16;
	v57 =	vbroadcast v60, $0xF  }
0x4de: {  	v1 =	vsel vm5, v1, v4;
	v4 =	vbroadcast v59, $0xF  }
0x4df: {  	v0 =	vsel vm7, v0, v57  }
0x4e0: {  	v1 =	vsel vm6, v1, v4;
	v0 =	vmul.f32 $3.125000000e-02, v0;
	v2 =	vsel vm15, v2, v5  }
0x4e1: {  	v1 =	vsel vm7, v1, v3;
	v3 =	vmul.f32 v39, v39;
	v2 =	vmul.f32 $3.125000000e-02, v2;
	_ =	sdelay $0x1  }
0x4e2: {  	v4 =	vmul.f32 v0, v0;
	v1 =	vmul.f32 $3.125000000e-02, v1;
	v2 =	vsub.f32 v2, v3;
	_ =	sdelay $0x1  }
0x4e3: {  	v1 =	vsub.f32 v1, v4;
	v2 =	vadd.f32 $9.999999740e-06, v2;
	_ =	sdelay $0x1  }
0x4e4: {  	v1 =	vadd.f32 $9.999999740e-06, v1;
	v3 =	vshra.s32 v2, $0x1;
	v2 =	vmul.f32 $5.000000000e-01, v2  }
0x4e5: {  	v3 =	vsub.s32 $0x5F3759DF, v3  }
0x4e6: {  	v4 =	vshra.s32 v1, $0x1;
	v1 =	vmul.f32 $5.000000000e-01, v1;
	v5 =	vmul.f32 v3, v2  }
0x4e7: {  	v4 =	vsub.s32 $0x5F3759DF, v4  }
0x4e8: {  	v59 =	vmul.f32 v4, v1;
	v5 =	vmul.f32 v3, v5;
	_ =	sdelay $0x1  }
0x4e9: {  	v16 =	vmul.f32 v4, v59;
	v5 =	vsub.f32 $1.500000000e+00, v5;
	_ =	sdelay $0x1  }
0x4ea: {  	v16 =	vsub.f32 $1.500000000e+00, v16;
	v3 =	vmul.f32 v3, v5;
	_ =	sdelay $0x1  }
0x4eb: {  	v4 =	vmul.f32 v4, v16;
	v5 =	vmul.f32 v3, v2;
	_ =	sdelay $0x1  }
0x4ec: {  	v16 =	vmul.f32 v4, v1;
	v5 =	vmul.f32 v5, v3;
	_ =	sdelay $0x1  }
0x4ed: {  	v16 =	vmul.f32 v16, v4;
	v5 =	vsub.f32 $1.500000000e+00, v5;
	_ =	sdelay $0x1  }
0x4ee: {  	v16 =	vsub.f32 $1.500000000e+00, v16;
	v3 =	vmul.f32 v5, v3;
	_ =	sdelay $0x1  }
0x4ef: {  	v4 =	vmul.f32 v16, v4;
	v2 =	vmul.f32 v3, v2;
	_ =	sdelay $0x1  }
0x4f0: {  	v1 =	vmul.f32 v4, v1;
	v2 =	vmul.f32 v2, v3;
	_ =	sdelay $0x1  }
0x4f1: {  	v1 =	vmul.f32 v1, v4;
	v2 =	vsub.f32 $1.500000000e+00, v2;
	_ =	sdelay $0x1  }
0x4f2: {  	v1 =	vsub.f32 $1.500000000e+00, v1;
	v38 =	vmul.f32 v2, v3;
	v2 =	vbroadcast v39, $0x8  }
0x4f3: {  	v44 =	vbroadcast v0, $0x3  }
0x4f4: {  	v1 =	vmul.f32 v1, v4;
	v3 =	vsub.f32 v40, v2;
	v4 =	vbroadcast v38, $0x8;
	_ =	sdelay $0x1  }
0x4f5: {  	v55 =	vsub.f32 v55, v44;
	v5 =	vbroadcast v0, $0x0;
	v3 =	vmul.f32 v4, v3  }
0x4f6: {  	v14 =	vsub.f32 v14, v44;
	v60 =	vbroadcast v1, $0x0;
	v2 =	vsub.f32 v41, v2  }
0x4f7: {  	v59 =	vbroadcast v1, $0x1;
	v44 =	vbroadcast v1, $0x5;
	[tilespmem:$0x1FE30] =	vst v3;
	v3 =	vsub.f32 v43, v5  }
0x4f8: {  	v43 =	vmul.f32 v4, v2;
	v2 =	vsub.f32 v20, v5;
	v4 =	vbroadcast v0, $0x1  }
0x4f9: {  	v41 =	vbroadcast v1, $0x4;
	v5 =	vbroadcast v0, $0x2  }
0x4fa: {  	v3 =	vmul.f32 v60, v3;
	v2 =	vmul.f32 v60, v2;
	v57 =	vsub.f32 v18, v4  }
0x4fb: {  	v4 =	vsub.f32 v21, v4;
	v17 =	vsub.f32 v17, v5;
	v60 =	vbroadcast v1, $0x2  }
0x4fc: {  	(v2sf) =	vpush v19, $0x8;
	v20 =	vbroadcast v39, $0x9;
	v16 =	vmul.f32 v59, v57  }
0x4fd: {  	v5 =	vsub.f32 v15, v5;
	v4 =	vmul.f32 v59, v4;
	v15 =	vmul.f32 v60, v17  }
0x4fe: {  	(v2sf) =	vpush v19, $0x9;
	v57 =	vbroadcast v1, $0x3;
	v59 =	vbroadcast v0, $0x4  }
0x4ff: {  	v5 =	vmul.f32 v60, v5;
	v60 =	vbroadcast v0, $0x5  }
0x500: {  	(v2sf) =	vpush v19, $0xA;
	v3 =	vmul.f32 v3, v22;
	v2 =	vmul.f32 v2, v37  }
0x501: {  	(v2sf) =	vpush v19, $0xB;
	v17 =	vmul.f32 v57, v55;
	v14 =	vmul.f32 v57, v14  }
0x502: {  	v8 =	vsub.f32 v8, v60;
	v55 =	vbroadcast v0, $0x6;
	v57 =	vbroadcast v23, $0xF  }
0x503: {  	v7 =	vsub.f32 v7, v60;
	v16 =	vmul.f32 v16, v22;
	v60 =	vbroadcast v63, $0xF  }
0x504: {  	v10 =	vsub.f32 v10, v59;
	v4 =	vmul.f32 v4, v37;
	v15 =	vmul.f32 v15, v22  }
0x505: {  	v9 =	vsub.f32 v9, v59;
	v5 =	vmul.f32 v5, v37;
	v0 =	vbroadcast v0, $0x7  }
0x506: {  	v3 =	vadd.f32 v3, v32;
	v23 =	vbroadcast v52, $0xF;
	v10 =	vmul.f32 v41, v10  }
0x507: {  	v2 =	vadd.f32 v2, v45;
	v9 =	vmul.f32 v41, v9;
	v8 =	vmul.f32 v44, v8  }
0x508: {  	v7 =	vmul.f32 v44, v7;
	v59 =	vsub.f32 v62, v55;
	v6 =	vsub.f32 v6, v55  }
0x509: {  	v18 =	vnsel vm8, $0x0, v57;
	v16 =	vadd.f32 v16, v32;
	v4 =	vadd.f32 v4, v45;
	[tilespmem:s30+$0x11160] =	vst v3  }
0x50a: {  	v3 =	vmul.f32 v17, v22;
	v14 =	vmul.f32 v14, v37;
	[tilespmem:s30+$0x11170] =	vst v2;
	v2 =	vadd.f32 v15, v32  }
0x50b: {  	v5 =	vadd.f32 v5, v45;
	v63 =	vnsel vm8, $0x0, v60;
	v21 =	vsub.f32 v13, v0  }
0x50c: {  	v0 =	vsub.f32 v12, v0;
	s30 =	spop (v2sf);
	(v2sf) =	vpush v19, $0xC;
	v55 =	vbroadcast v39, $0xA;
	[tilespmem:s29+$0x11780] =	vst v16  }
0x50d: {  	v60 =	vbroadcast v39, $0xC;
	s31 =	spop (v2sf);
	(v2sf) =	vpush v19, $0xD;
	v10 =	vmul.f32 v10, v22;
	[tilespmem:s29+$0x11790] =	vst v4  }
0x50e: {  	v3 =	vadd.f32 v3, v32;
	v9 =	vmul.f32 v9, v37;
	[tilespmem:s29+$0x117A0] =	vst v2;
	v2 =	vbroadcast v1, $0x6  }
0x50f: {  	v14 =	vadd.f32 v14, v45;
	v8 =	vmul.f32 v8, v22;
	[tilespmem:s29+$0x117B0] =	vst v5;
	v1 =	vbroadcast v1, $0x7  }
0x510: {  	v40 =	vld [tilespmem:s29+$0xF870];
	v7 =	vmul.f32 v7, v37;
	v4 =	vadd.f32 v10, v32;
	[tilespmem:s29+$0x117C0] =	vst v3;
	v3 =	vmul.f32 v2, v59  }
0x511: {  	v13 =	vld [tilespmem:s29+$0xF8B0];
	v57 =	vsub.f32 v42, v55;
	v5 =	vadd.f32 v9, v45;
	[tilespmem:s29+$0x117D0] =	vst v14;
	v0 =	vmul.f32 v1, v0  }
0x512: {  	v42 =	vld [tilespmem:$0x1FD50];
	v8 =	vadd.f32 v8, v32;
	v2 =	vmul.f32 v2, v6;
	[tilespmem:s29+$0x117E0] =	vst v4;
	v3 =	vmul.f32 v3, v22  }
0x513: {  	v10 =	vld [tilespmem:s29+$0xF880];
	v4 =	vmul.f32 v1, v21;
	[tilespmem:s29+$0x117F0] =	vst v5;
	v5 =	vadd.f32 v7, v45;
	v0 =	vmul.f32 v0, v37  }
0x514: {  	s1 =	spop (v2sf);
	(v2sf) =	vpush v19, $0xE;
	v14 =	vld [tilespmem:s29+$0xF8A0];
	v2 =	vmul.f32 v2, v37;
	[tilespmem:s29+$0x11800] =	vst v8;
	v3 =	vadd.f32 v3, v32  }
0x515: {  	v59 =	vld [tilespmem:$0x1FD30];
	v1 =	vbroadcast v50, $0xF;
	v4 =	vmul.f32 v4, v22;
	[tilespmem:s29+$0x11810] =	vst v5;
	v0 =	vadd.f32 v0, v45  }
0x516: {  	v9 =	vsub.f32 v51, v20;
	v50 =	vld [tilespmem:$0x1FD60];
	v2 =	vadd.f32 v2, v45;
	v5 =	vbroadcast v49, $0xF;
	[tilespmem:s29+$0x11820] =	vst v3  }
0x517: {  	v1 =	vsel vm9, v18, v1;
	v3 =	vadd.f32 v4, v32;
	v4 =	vbroadcast v53, $0xF;
	[tilespmem:s29+$0x11850] =	vst v0;
	v0 =	vld [tilespmem:s29+$0xF860]  }
0x518: {  	[tilespmem:s29+$0x11830] =	vst v2;
	v2 =	vsel vm9, v63, v23;
	v1 =	vsel vm10, v1, v5;
	v5 =	vbroadcast v54, $0xF;
	v54 =	vld [tilespmem:$0x1FD20]  }
0x519: {  	v49 =	vbroadcast v39, $0xD;
	[tilespmem:s29+$0x11840] =	vst v3;
	v2 =	vsel vm10, v2, v4;
	v4 =	vbroadcast v61, $0xF;
	v61 =	vld [tilespmem:$0x1FD40]  }
0x51a: {  	v53 =	vbroadcast v11, $0xF;
	v3 =	vbroadcast v26, $0xF;
	v1 =	vsel vm11, v1, v5;
	v6 =	vld [tilespmem:s30+$0xC800]  }
0x51b: {  	v5 =	vbroadcast v25, $0xF;
	v26 =	vbroadcast v56, $0xF;
	v12 =	vld [tilespmem:s31+$0xC810];
	v1 =	vsel vm12, v1, v4  }
0x51c: {  	v16 =	vld [tilespmem:s1+$0xC800];
	v4 =	vbroadcast v58, $0xF;
	v2 =	vsel vm11, v2, v3;
	v3 =	vbroadcast v48, $0xF  }
0x51d: {  	v1 =	vsel vm13, v1, v5;
	v5 =	vld [tilespmem:s30+$0xC810];
	v2 =	vsel vm12, v2, v26;
	v7 =	vsub.f32 v54, v20  }
0x51e: {  	v54 =	vld [tilespmem:$0x1FD70];
	v1 =	vsel vm14, v1, v4;
	v2 =	vsel vm13, v2, v3;
	v4 =	vbroadcast v38, $0x9  }
0x51f: {  	v11 =	vsub.f32 v47, v55;
	v58 =	vbroadcast v38, $0xA;
	s30 =	spop (v2sf);
	v3 =	vld [tilespmem:s31+$0xC800];
	v2 =	vsel vm14, v2, v53  }
0x520: {  	(v2sf) =	vpush v19, $0xF;
	v17 =	vld [tilespmem:s30+$0xC800];
	v2 =	vsel vm15, v2, v46;
	v46 =	vmul.f32 v4, v7  }
0x521: {  	v23 =	vld [tilespmem:s30+$0xC810];
	v1 =	vsel vm15, v1, v24;
	v51 =	vmul.f32 v4, v9;
	v4 =	vbroadcast v39, $0xB  }
0x522: {  	v20 =	vsub.f32 v42, v60;
	v47 =	vmul.f32 v58, v11;
	v44 =	vmul.f32 $3.125000000e-02, v1;
	v1 =	vld [tilespmem:s29+$0xF890]  }
0x523: {  	v24 =	vsub.f32 v50, v60;
	v9 =	vld [tilespmem:s1+$0xC810];
	v2 =	vmul.f32 $3.125000000e-02, v2;
	v11 =	vsub.f32 v59, v4  }
0x524: {  	s31 =	spop (v2sf);
	v7 =	vld [tilespmem:s29+$0xF8C0];
	v56 =	vmul.f32 v44, v44;
	v63 =	vsub.f32 v61, v4;
	v59 =	vadd.f32 v6, v0  }
0x525: {  	v48 =	vmul.f32 v58, v57;
	v8 =	vld [tilespmem:s31+$0xC800];
	v25 =	vsub.f32 v54, v49;
	v40 =	vadd.f32 v5, v40  }
0x526: {  	v53 =	vbroadcast v38, $0xB;
	v5 =	vld [tilespmem:$0x1FD80];
	v18 =	vadd.f32 v3, v10;
	v2 =	vsub.f32 v2, v56  }
0x527: {  	v0 =	vld [tilespmem:s29+$0xF8E0];
	v56 =	vmul.f32 v59, v59;
	v57 =	vmul.f32 v40, v40;
	v58 =	vadd.f32 v40, v59  }
0x528: {  	s1 =	spop (v2sf);
	v6 =	vmul.f32 v53, v63;
	v15 =	vadd.f32 v12, v1;
	v1 =	vld [tilespmem:s31+$0xC810];
	v2 =	vadd.f32 $9.999999740e-06, v2  }
0x529: {  	v61 =	vmul.f32 v18, v18;
	v42 =	vadd.f32 v9, v13;
	v12 =	vadd.f32 v17, v7;
	v9 =	vld [tilespmem:s1+$0xC810]  }
0x52a: {  	v60 =	vadd.f32 v57, v56;
	v41 =	vshra.s32 v2, $0x1;
	v4 =	vmul.f32 $5.000000000e-01, v2;
	v2 =	vld [tilespmem:s29+$0xF8D0]  }
0x52b: {  	v62 =	vmovc v22;
	v21 =	vsub.f32 v5, v49;
	v49 =	vld [tilespmem:s29+$0xF8F0];
	v63 =	vmul.f32 v15, v15;
	v22 =	vsub.s32 $0x5F3759DF, v41  }
0x52c: {  	(xrf2) =	vadd.scan.msk.f32 $0xffff, v58;
	v5 =	vmul.f32 v53, v11;
	v11 =	vld [tilespmem:s29+$0xF900];
	v41 =	vadd.f32 v16, v14;
	v52 =	vmul.f32 v22, v4  }
0x52d: {  	v50 =	vadd.f32 v15, v18;
	(xrf2) =	vadd.scan.msk.f32 $0xffff, v60;
	v60 =	vmul.f32 v42, v42;
	v14 =	vld [tilespmem:s29+$0xF910];
	v10 =	vadd.f32 v63, v61  }
0x52e: {  	v16 =	vadd.f32 v8, v0;
	v26 =	vmul.f32 v41, v41;
	v55 =	vmul.f32 v22, v52;
	v52 =	vld [tilespmem:s1+$0xC800]  }
0x52f: {  	s30 =	spop (v2sf);
	v19 =	vadd.f32 v42, v41;
	v13 =	vadd.f32 v23, v2  }
0x530: {  	v56 =	vld [tilespmem:s30+$0xC800];
	v61 =	vmul.f32 v12, v12;
	v17 =	vadd.f32 v1, v49;
	v26 =	vadd.f32 v60, v26  }
0x531: {  	(xrf2) =	vadd.scan.msk.f32 $0xffff, v50;
	v2 =	vld [tilespmem:s29+$0xF920];
	v60 =	vmul.f32 v16, v16;
	v3 =	vsub.f32 $1.500000000e+00, v55;
	v63 =	vmul.f32 v13, v13  }
0x532: {  	(xrf2) =	vadd.scan.msk.f32 $0xffff, v10;
	v1 =	vld [tilespmem:s29+$0xF930];
	v55 =	vbroadcast v38, $0xC;
	v9 =	vadd.f32 v9, v14;
	v57 =	vadd.f32 v13, v12  }
0x533: {  	v23 =	vld [tilespmem:s30+$0xC810];
	(xrf2) =	vadd.scan.msk.f32 $0xffff, v19;
	v58 =	vadd.f32 v63, v61;
	v61 =	vmul.f32 v17, v17;
	v10 =	vadd.f32 v52, v11  }
0x534: {  	v53 =	vld [tilespmem:s29+$0xF940];
	s31 =	spop (v2sf);
	(xrf2) =	vadd.scan.msk.f32 $0xffff, v26;
	v26 =	vadd.f32 v17, v16;
	v7 =	vmul.f32 v55, v20;
	v3 =	vmul.f32 v22, v3  }
0x535: {  	v8 =	vld [tilespmem:s31+$0xC800];
	(xrf2) =	vadd.scan.msk.f32 $0xffff, v57;
	v57 =	vadd.f32 v61, v60;
	v60 =	vmul.f32 v10, v10;
	v61 =	vmul.f32 v9, v9  }
0x536: {  	v0 =	vmul.f32 v55, v24;
	v55 =	vld [tilespmem:s31+$0xC810];
	v63 =	vbroadcast v38, $0xD;
	v14 =	vadd.f32 v56, v2;
	(xrf2) =	vadd.scan.msk.f32 $0xffff, v58  }
0x537: {  	v20 =	vmul.f32 v3, v4;
	v58 =	vadd.f32 v9, v10;
	(xrf2) =	vadd.scan.msk.f32 $0xffff, v26;
	v2 =	vadd.f32 v61, v60;
	v60 =	vld [tilespmem:$0x1FD90]  }
0x538: {  	v52 =	vld [tilespmem:s29+$0xF950];
	v11 =	vadd.f32 v23, v1;
	v1 =	vbroadcast v39, $0xE;
	(xrf2) =	vadd.scan.msk.f32 $0xffff, v57  }
0x539: {  	v50 =	vmul.f32 v63, v21;
	v21, _, _ =	vpop (xrf2);
	v20 =	vmul.f32 v20, v3;
	v61 =	vld [tilespmem:$0x1FDA0];
	(xrf2) =	vadd.scan.msk.f32 $0xffff, v58  }
0x53a: {  	v23, _, _ =	vpop (xrf2);
	v24 =	vmul.f32 v11, v11;
	(xrf2) =	vadd.scan.msk.f32 $0xffff, v2;
	v2 =	vmul.f32 v14, v14  }
0x53b: {  	v49 =	vmul.f32 v63, v25;
	v63 =	vadd.f32 v11, v14;
	v20 =	vsub.f32 $1.500000000e+00, v20  }
0x53c: {  	v2 =	vadd.f32 v24, v2;
	v22 =	vsub.f32 v60, v1  }
0x53d: {  	v54 =	vbroadcast v38, $0xE;
	v60 =	vadd.f32 v8, v53;
	v8 =	vadd.f32 v55, v52  }
0x53e: {  	v21 =	vbroadcast v21, $0xF;
	v56, _, _ =	vpop (xrf2);
	(xrf2) =	vadd.scan.msk.f32 $0xffff, v63;
	v3 =	vmul.f32 v20, v3;
	v1 =	vsub.f32 v61, v1  }
0x53f: {  	v19, _, _ =	vpop (xrf2);
	v55 =	vadd.f32 v8, v60;
	v63 =	vmul.f32 v60, v60;
	v25 =	vmul.f32 v8, v8  }
0x540: {  	v26 =	vbroadcast v23, $0xF;
	v19 =	vbroadcast v19, $0xF;
	v24, _, _ =	vpop (xrf2);
	(xrf2) =	vadd.scan.msk.f32 $0xffff, v2  }
0x541: {  	v24 =	vbroadcast v24, $0xF;
	v4 =	vmul.f32 v3, v4;
	v2, _, _ =	vpop (xrf2);
	(xrf2) =	vadd.scan.msk.f32 $0xffff, v55;
	v58 =	vadd.f32 v25, v63  }
0x542: {  	v61 =	vnsel vm8, $0x0, v21;
	v53 =	vmul.f32 v54, v22;
	v52 =	vmul.f32 v54, v1;
	v1, _, _ =	vpop (xrf2)  }
0x543: {  	v22 =	vnsel vm8, $0x0, v26;
	v4 =	vmul.f32 v4, v3;
	v63 =	vbroadcast v56, $0xF;
	v54, _, _ =	vpop (xrf2);
	(xrf2) =	vadd.scan.msk.f32 $0xffff, v58  }
0x544: {  	v19 =	vsel vm9, v22, v19;
	v2 =	vbroadcast v2, $0xF;
	v56 =	vbroadcast v39, $0xF;
	v55, _, _ =	vpop (xrf2)  }
0x545: {  	v1 =	vbroadcast v1, $0xF;
	v20 =	vsel vm9, v61, v63;
	v61 =	vbroadcast v54, $0xF;
	v57, _, _ =	vpop (xrf2)  }
0x546: {  	v2 =	vsel vm10, v19, v2;
	v20 =	vsel vm10, v20, v24;
	v58, _, _ =	vpop (xrf2);
	v54 =	vbroadcast v57, $0xF  }
0x547: {  	v25 =	vbroadcast v55, $0xF;
	v1 =	vsel vm11, v20, v1;
	v2 =	vsel vm11, v2, v61;
	v63, _, _ =	vpop (xrf2)  }
0x548: {  	v21 =	vbroadcast v58, $0xF;
	v26, _, _ =	vpop (xrf2);
	v2 =	vsel vm12, v2, v54;
	v54 =	vsub.f32 $1.500000000e+00, v4  }
0x549: {  	v39 =	vld [tilespmem:$0x1FDB0];
	v1 =	vsel vm12, v1, v25;
	v58 =	vbroadcast v63, $0xF;
	v55 =	vbroadcast v26, $0xF  }
0x54a: {  	v63 =	vbroadcast v38, $0xF;
	v1 =	vsel vm13, v1, v21;
	v57, _, _ =	vpop (xrf2);
	v38 =	vmul.f32 v54, v3;
	v3 =	vld [tilespmem:$0x1FDC0]  }
0x54b: {  	v6 =	vmul.f32 v6, v37;
	v21 =	vbroadcast v57, $0xF;
	v1 =	vsel vm14, v1, v55;
	v61, _, _ =	vpop (xrf2)  }
0x54c: {  	v5 =	vmul.f32 v5, v62;
	v2 =	vsel vm13, v2, v58;
	v1 =	vsel vm15, v1, v61  }
0x54d: {  	v7 =	vmul.f32 v7, v62;
	v2 =	vsel vm14, v2, v21;
	v55, _, _ =	vpop (xrf2);
	v4 =	vmul.f32 $3.125000000e-02, v1  }
0x54e: {  	v0 =	vmul.f32 v0, v37;
	v24 =	vsub.f32 v39, v56;
	v2 =	vsel vm15, v2, v55  }
0x54f: {  	v3 =	vsub.f32 v3, v56;
	v2 =	vmul.f32 $3.125000000e-02, v2;
	v56 =	vmul.f32 v4, v4  }
0x550: {  	v53 =	vmul.f32 v53, v62;
	v39 =	vbroadcast v44, $0xA  }
0x551: {  	v19 =	vmul.f32 v63, v24;
	v57 =	vbroadcast v38, $0x8;
	v2 =	vsub.f32 v2, v56;
	v56 =	vld [tilespmem:$0x1FDD0]  }
0x552: {  	v6 =	vadd.f32 v6, v45;
	v26 =	vbroadcast v38, $0xC;
	v1 =	vbroadcast v44, $0x8  }
0x553: {  	v27 =	vsub.f32 v27, v39;
	v19 =	vmul.f32 v19, v62;
	v61 =	vbroadcast v44, $0x9  }
0x554: {  	v55 =	vbroadcast v44, $0xB;
	v58 =	vsub.f32 v29, v1;
	v1 =	vsub.f32 v30, v1  }
0x555: {  	v30 =	vsub.f32 v28, v61;
	v3 =	vmul.f32 v63, v3;
	v2 =	vadd.f32 $9.999999740e-06, v2  }
0x556: {  	v63 =	vbroadcast v38, $0x9;
	v20 =	vmul.f32 v57, v58;
	v24 =	vsub.f32 v56, v61;
	v61 =	vld [tilespmem:$0x1FDE0]  }
0x557: {  	v1 =	vmul.f32 v57, v1;
	v54 =	vshra.s32 v2, $0x1;
	v2 =	vmul.f32 $5.000000000e-01, v2  }
0x558: {  	v57 =	vbroadcast v38, $0xA;
	v23 =	vmul.f32 v63, v30;
	v28 =	vsub.s32 $0x5F3759DF, v54  }
0x559: {  	v5 =	vadd.f32 v5, v32;
	v3 =	vmul.f32 v3, v37;
	v56 =	vld [tilespmem:$0x1FDF0];
	v58 =	vmul.f32 v28, v2  }
0x55a: {  	v7 =	vadd.f32 v7, v32;
	v27 =	vmul.f32 v57, v27;
	v20 =	vmul.f32 v20, v62  }
0x55b: {  	v1 =	vmul.f32 v1, v37;
	v29 =	vmul.f32 v28, v58;
	v21 =	vsub.f32 v61, v39  }
0x55c: {  	v0 =	vadd.f32 v0, v45;
	v23 =	vmul.f32 v23, v62;
	v22 =	vmul.f32 v63, v24;
	v58 =	vld [tilespmem:$0x1FE10]  }
0x55d: {  	v63 =	vbroadcast v38, $0xB;
	v29 =	vsub.f32 $1.500000000e+00, v29;
	v21 =	vmul.f32 v57, v21;
	v57 =	vld [tilespmem:$0x1FE00]  }
0x55e: {  	v22 =	vmul.f32 v22, v37;
	v25 =	vsub.f32 v56, v55;
	v39 =	vbroadcast v44, $0xC  }
0x55f: {  	v19 =	vadd.f32 v19, v32;
	v61 =	vbroadcast v44, $0xD;
	v28 =	vmul.f32 v28, v29  }
0x560: {  	v3 =	vadd.f32 v3, v45;
	v56 =	vbroadcast v44, $0xF;
	v25 =	vmul.f32 v63, v25  }
0x561: {  	v33 =	vsub.f32 v33, v61;
	v30 =	vsub.f32 v34, v61;
	v61 =	vmul.f32 v28, v2  }
0x562: {  	v54 =	vsub.f32 v58, v39;
	v58 =	vbroadcast v44, $0xE;
	v24 =	vsub.f32 v57, v55  }
0x563: {  	v20 =	vadd.f32 v20, v32;
	v21 =	vmul.f32 v21, v37;
	v34 =	vmul.f32 v61, v28  }
0x564: {  	v1 =	vadd.f32 v1, v45;
	v61 =	vmul.f32 v43, v37;
	v24 =	vmul.f32 v63, v24;
	v63 =	vld [tilespmem:$0x1FE20]  }
0x565: {  	v25 =	vmul.f32 v25, v62;
	v57 =	vbroadcast v38, $0xD;
	v34 =	vsub.f32 $1.500000000e+00, v34  }
0x566: {  	v55 =	vsub.f32 v36, v58;
	v36 =	vadd.f32 v61, v45;
	v61 =	vmul.f32 v49, v62  }
0x567: {  	v35 =	vsub.f32 v35, v58;
	v58 =	vld [tilespmem:$0x1FE40];
	v49 =	vbroadcast v38, $0xF;
	v28 =	vmul.f32 v34, v28  }
0x568: {  	v31 =	vsub.f32 v31, v56;
	v33 =	vmul.f32 v57, v33;
	v29 =	vmul.f32 v57, v30;
	v57 =	vld [tilespmem:$0x1FE30]  }
0x569: {  	v54 =	vmul.f32 v26, v54;
	v2 =	vmul.f32 v28, v2;
	v39 =	vsub.f32 v63, v39  }
0x56a: {  	[tilespmem:s29+$0x114C0] =	vst v5;
	v5 =	vadd.f32 v23, v32;
	v31 =	vmul.f32 v49, v31;
	v63 =	vbroadcast v38, $0xE  }
0x56b: {  	[tilespmem:s29+$0x114D0] =	vst v6;
	v6 =	vadd.f32 v22, v45;
	v2 =	vmul.f32 v2, v28;
	v26 =	vmul.f32 v26, v39  }
0x56c: {  	[tilespmem:s29+$0x114F0] =	vst v0;
	v0 =	vadd.f32 v21, v45;
	v35 =	vmul.f32 v63, v35;
	v30 =	vmul.f32 v63, v55  }
0x56d: {  	[tilespmem:s29+$0x114E0] =	vst v7;
	v39 =	vmul.f32 v57, v62;
	v55 =	vsub.f32 v58, v56;
	v63 =	vmul.f32 v46, v62  }
0x56e: {  	[tilespmem:s29+$0x11540] =	vst v19;
	v56 =	vmul.f32 v51, v37;
	v57 =	vmul.f32 v48, v62;
	v2 =	vsub.f32 $1.500000000e+00, v2  }
0x56f: {  	[tilespmem:s29+$0x11550] =	vst v3;
	v58 =	vmul.f32 v47, v37;
	v34 =	vadd.f32 v39, v32;
	v39 =	vadd.f32 v63, v32  }
0x570: {  	[tilespmem:s29+$0x11660] =	vst v20;
	v48 =	vmul.f32 v33, v62;
	v43 =	vadd.f32 v56, v45;
	v44 =	vadd.f32 v57, v32  }
0x571: {  	[tilespmem:s29+$0x11670] =	vst v1;
	v46 =	vadd.f32 v58, v45;
	v63 =	vmul.f32 v50, v37;
	v57 =	vmul.f32 v52, v37  }
0x572: {  	[tilespmem:s29+$0x11680] =	vst v5;
	v56 =	vadd.f32 v61, v32;
	v47 =	vmul.f32 v26, v37;
	v50 =	vmul.f32 v29, v37  }
0x573: {  	[tilespmem:s29+$0x11690] =	vst v6;
	v58 =	vadd.f32 v53, v32;
	v51 =	vmul.f32 v35, v62;
	v2 =	vmul.f32 v2, v28  }
0x574: {  	v53 =	vbroadcast v4, $0x8;
	v35 =	vbroadcast v4, $0xA;
	[tilespmem:s29+$0x11460] =	vst v34;
	v34 =	vadd.f32 v63, v45  }
0x575: {  	v61 =	vadd.f32 v57, v45;
	[tilespmem:s29+$0x114A0] =	vst v44;
	v63 =	vmul.f32 v27, v62;
	v27 =	vmul.f32 v24, v37  }
0x576: {  	[tilespmem:s29+$0x114B0] =	vst v46;
	v44 =	vadd.f32 v25, v32;
	v46 =	vmul.f32 v54, v62;
	v24 =	vadd.f32 v47, v45  }
0x577: {  	[tilespmem:s29+$0x11470] =	vst v36;
	v25 =	vadd.f32 v48, v32;
	v52 =	vadd.f32 v50, v45;
	v54 =	vmul.f32 v30, v37  }
0x578: {  	[tilespmem:s29+$0x11500] =	vst v56;
	v3 =	vadd.f32 v51, v32;
	v56 =	vmul.f32 v31, v62;
	v57 =	vmul.f32 v49, v55  }
0x579: {  	[tilespmem:s29+$0x11520] =	vst v58;
	v58 =	vbroadcast v2, $0x8;
	v59 =	vsub.f32 v59, v53;
	v33 =	vbroadcast v2, $0x9  }
0x57a: {  	[tilespmem:s29+$0x11480] =	vst v39;
	v36 =	vbroadcast v2, $0xA;
	v38 =	vsub.f32 v41, v35;
	v39 =	vsub.f32 v42, v35  }
0x57b: {  	[tilespmem:s29+$0x116B0] =	vst v0;
	v41 =	vbroadcast v2, $0xB;
	v42 =	vbroadcast v4, $0xC;
	v7 =	vadd.f32 v63, v32  }
0x57c: {  	[tilespmem:s29+$0x11490] =	vst v43;
	v49 =	vbroadcast v4, $0xD;
	v23 =	vadd.f32 v27, v45;
	v22 =	vadd.f32 v46, v32  }
0x57d: {  	[tilespmem:s29+$0x11530] =	vst v61;
	v1 =	vadd.f32 v54, v45;
	v27 =	vsub.f32 v40, v53;
	v61 =	vbroadcast v4, $0x9  }
0x57e: {  	[tilespmem:s29+$0x11510] =	vst v34;
	v5 =	vadd.f32 v56, v32;
	v20 =	vmul.f32 v57, v37;
	v63 =	vmul.f32 v58, v59  }
0x57f: {  	v40 =	vbroadcast v4, $0xB;
	v21 =	vmul.f32 v36, v38;
	[tilespmem:s29+$0x11720] =	vst v3;
	v3 =	vsub.f32 v16, v42  }
0x580: {  	[tilespmem:s29+$0x116C0] =	vst v44;
	v44 =	vsub.f32 v17, v42;
	v46 =	vbroadcast v2, $0xC;
	v53 =	vbroadcast v2, $0xD  }
0x581: {  	[tilespmem:s29+$0x116F0] =	vst v24;
	v10 =	vsub.f32 v10, v49;
	v54 =	vbroadcast v4, $0xE;
	v9 =	vsub.f32 v9, v49  }
0x582: {  	[tilespmem:s29+$0x11700] =	vst v25;
	v4 =	vbroadcast v4, $0xF;
	v31 =	vmul.f32 v58, v27;
	v18 =	vsub.f32 v18, v61  }
0x583: {  	[tilespmem:s29+$0x11710] =	vst v52;
	v34 =	vmul.f32 v63, v62;
	v15 =	vsub.f32 v15, v61;
	v0 =	vadd.f32 v20, v45  }
0x584: {  	[tilespmem:s29+$0x116A0] =	vst v7;
	v20 =	vmul.f32 v36, v39;
	v12 =	vsub.f32 v12, v40;
	v43 =	vmul.f32 v21, v62  }
0x585: {  	[tilespmem:s29+$0x116D0] =	vst v23;
	v13 =	vsub.f32 v13, v40;
	v3 =	vmul.f32 v46, v3;
	v48 =	vmul.f32 v46, v44  }
0x586: {  	[tilespmem:s29+$0x116E0] =	vst v22;
	v55 =	vmul.f32 v53, v10;
	v56 =	vsub.f32 v14, v54;
	v58 =	vsub.f32 v11, v54  }
0x587: {  	[tilespmem:s29+$0x11730] =	vst v1;
	v57 =	vmul.f32 v53, v9;
	v61 =	vsub.f32 v60, v4;
	v4 =	vsub.f32 v8, v4  }
0x588: {  	[tilespmem:s29+$0x11740] =	vst v5;
	v6 =	vmul.f32 v31, v37;
	v18 =	vmul.f32 v33, v18;
	v7 =	vadd.f32 v34, v32  }
0x589: {  	v15 =	vmul.f32 v33, v15;
	v47 =	vmul.f32 v20, v37;
	v5 =	vadd.f32 v43, v32;
	[tilespmem:s29+$0x11750] =	vst v0  }
0x58a: {  	v12 =	vmul.f32 v41, v12;
	v3 =	vmul.f32 v3, v62;
	v6 =	vadd.f32 v6, v45;
	[tilespmem:s29+$0x11860] =	vst v7  }
0x58b: {  	v13 =	vmul.f32 v41, v13;
	v15 =	vmul.f32 v15, v37;
	v0 =	vadd.f32 v47, v45;
	[tilespmem:s29+$0x118A0] =	vst v5  }
0x58c: {  	v18 =	vmul.f32 v18, v62;
	v3 =	vadd.f32 v3, v32;
	v5 =	vbroadcast v2, $0xE;
	[tilespmem:s29+$0x11870] =	vst v6  }
0x58d: {  	v52 =	vmul.f32 v48, v37;
	v12 =	vmul.f32 v12, v62;
	v1 =	vadd.f32 v15, v45;
	[tilespmem:s29+$0x118B0] =	vst v0  }
0x58e: {  	v2 =	vbroadcast v2, $0xF;
	v18 =	vadd.f32 v18, v32;
	v59 =	vmul.f32 v5, v56;
	[tilespmem:s29+$0x118E0] =	vst v3  }
0x58f: {  	v6 =	vmul.f32 v57, v37;
	v5 =	vmul.f32 v5, v58;
	[tilespmem:s29+$0x11890] =	vst v1;
	v1 =	vadd.f32 v52, v45  }
0x590: {  	v50 =	vadd.f32 v12, v32;
	v0 =	vmul.f32 v55, v62;
	v63 =	vmul.f32 v2, v61;
	[tilespmem:s29+$0x11880] =	vst v18  }
0x591: {  	v2 =	vmul.f32 v2, v4;
	v5 =	vmul.f32 v5, v37;
	[tilespmem:s29+$0x118F0] =	vst v1;
	v1 =	vadd.f32 v6, v45  }
0x592: {  	[tilespmem:s29+$0x118C0] =	vst v50;
	v0 =	vadd.f32 v0, v32;
	v3 =	vmul.f32 v59, v62  }
0x593: {  	v51 =	vmul.f32 v13, v37;
	v2 =	vmul.f32 v2, v37;
	[tilespmem:s29+$0x11910] =	vst v1;
	v1 =	vadd.f32 v5, v45  }
0x594: {  	p2 =	por p0, p0;
	[tilespmem:s29+$0x11900] =	vst v0;
	v0 =	vadd.f32 v3, v32;
	v3 =	vmul.f32 v63, v62  }
.Ltmp3:
0x595: {  	v12 =	vadd.f32 v51, v45;
	[tilespmem:s29+$0x11930] =	vst v1;
	v1 =	vadd.f32 v2, v45;
	(pc) =	sbr.rel @p2 .LBB2_5-.Ltmp3, $4  }
0x596: {  	[tilespmem:s29+$0x11920] =	vst v0;
	v0 =	vadd.f32 v3, v32  }
0x597: {  	[tilespmem:s29+$0x118D0] =	vst v12  }
0x598: {  	[tilespmem:s29+$0x11940] =	vst v0  }
0x599: {  	p0 =	por $0x0, $0x0;
	s1 =	simm.s32 $0x4;
	v3 =	vmov v32;
	v2 =	vmov v45;
	[tilespmem:s29+$0x11950] =	vst v1;
	v1 =	vmov v37  }
.Ltmp4:
0x59a: {  	s0 =	sshll.u32 s28, $0xC;
	(pc) =	sbr.rel @p1 .LBB2_8-.Ltmp4, $4  }
0x59b: {  	s0 =	sadd.s32 s9, s0  }
0x59c: {  	s0 =	sshrl.u32 s0, $0x3  }
0x59d: {  	s0 =	sadd.s32 s2, s0  }
0x59e: {  	[hbm4b:s0+s3] =	stream.linear.scatter [tilespmem:s21], [sflag:$0x4], $0x1000, $0x38;
	[tilespmem:$0x12160] =	vst v63  }
.Ltmp5:
0x59f: {  	(pc) =	sbr.rel .LBB2_2-.Ltmp5, $3  }
0x5a0: {  	_ =	sdelay $0x1  }
0x5a1: {  	s0 =	sadd.s32 $0x180, s26;
	s25 =	sadd.s32 $0x1, s25  }
0x5a2: {  	[tilespmem:s17], [sflag:$0x2] =	stream.indirect.gather [hbm4b:s4+s15], $0x20, s0, s15, $0xb8;
	[tilespmem:$0x12160] =	vst v63  }
.LBB2_9:
0x5a3: {  	_ =	sfence.sel $0x180000  }
0x5a4: {  	[bflag:$0x0] =	sbarrier.arrive $0xFFFF  }
0x5a5: {  	_ =	strace $0x90000047  }
0x5a6: {  	s0 =	stileid.u32;
	[bflag:$0x2] =	sbarrier.arrive $0xFFFF  }
0x5a7: {  	p0 =	sne.s32 s0, $0x0;
	s0 =	rddreg [dreg:$0x2]  }
0x5a8: {  	s0 =	sadd.s32 @!p0 $0x100000, s0  }
0x5a9: {  	[sflag:s0] =	ssyncadd.tile.s32 @!p0 $0x1;
	_ =	shalt  }
.Lfunc_end2:
_tile_overlayer_lowered:
.L_overlay_start_2:
0x5aa: {  	(tag) =	ssettag $0x2  }
0x5ab: {  	s0 =	rddreg [dreg:$0x0];
	s2 =	stileid.u32  }
0x5ac: {  	s1 =	rddreg [dreg:$0x1];
	p0 =	sne.s32 s2, $0x0  }
0x5ad: {  	s3 =	rddreg [dreg:$0x2];
	[bflag:$0x3] =	sbarrier.arrive $0xFFFF;
	s2 =	simm.s32 @!p0 $0x1C05  }
0x5ae: {  	[timem:s3], [sflag:s2] =	dma.local @!p0 [hbm:s0], s1  }
0x5af: {  	s0 =	simm.s32 @!p0 $0x5  }
0x5b0: {  	_ =	swait.ge @!p0 [sflag:s0], s1  }
0x5b1: {  	s1 =	ssub.s32 @!p0 $0x0, s1;
	[sflag:s0] =	ssyncset.done @!p0 $0x0  }
0x5b2: {  	[sflag:s0] =	ssyncadd.s32 @!p0 s1  }
0x5b3: {  	[bflag:$0x3] =	sbarrier.arrive $0xFFFF  }
0x5b4: {  	_ =	shalt  }

// kernel: sparse-core-data-format-call.cloned.1.call-start
scs
called_computation_lowered:
.L_overlay_start_0:
0x0: {  	s2 =	sld [smem:$0x3FD9]  }
0x1: {  	s3 =	sld [smem:$0x3FFE];
	_ =	sdelay $0x1  }
0x2: {  	s1 =	srdreg.scid  }
0x3: {  	s0 =	sand.u32 $0x1, s1  }
0x4: {  	s18 =	sshll.u32 s0, $0xA;
	s2 =	sadd.s32 s3, s2  }
0x5: {  	s2 =	sadd.s32 s2, s18  }
0x6: {  	[smem:$0x3FC2] =	sst s2  }
0x7: {  	_ = 	snop  }
0x8: {  	s2 =	sld [smem:$0x3FD0];
	(tm) =	ssettm $0x1  }
0x9: {  	s19 =	sld [smem:$0x3FFB];
	_ =	sdelay $0x3  }
0xa: {  	_ =	strace s19  }
0xb: {  	s3 =	sld [smem:$0x3FFC];
	_ =	sdelay $0x3  }
0xc: {  	_ =	strace s3  }
0xd: {  	s3 =	sld [smem:$0x3FFD];
	_ =	sdelay $0x3  }
0xe: {  	_ =	strace s3  }
0xf: {  	_ =	strace $0x8FFFFFFF  }
0x10: {  	s20 =	sld [smem:$0x3FDB];
	_ =	sdelay $0x1  }
0x11: {  	s4 =	simm.s32 $_scs_section_size  }
0x12: {  	s5 =	simm.s32 $_size__tile_overlayer_lowered;
	s6 =	simm.s32 $_tile_overlayer_lowered  }
0x13: {  	s23 =	simm.s32 $0x1BFF;
	s22 =	sshll.u32 s6, $0x1;
	s3 =	sadd.s32 s4, s20  }
0x14: {  	s7 =	simm.s32 $0x0;
	s21 =	sshll.u32 s5, $0x1;
	s5 =	sadd.s32 s22, s3  }
0x15: {  	[timem:s7], [sflag:s23] =	dma.local [hbm:s5], s21  }
0x16: {  	_ =	swait.ge [sflag:s23], s21  }
0x17: {  	s4 =	ssub.s32 $0x0, s21;
	[sflag:s23] =	ssyncset.done $0x0  }
0x18: {  	[sflag:s23] =	ssyncadd.s32 s4;
	_ =	sdelay $0x1  }
0x19: {  	s24 =	simm.s32 $0x1B8B  }
0x1a: {  	_ =	swait.ge [sflag:s24], $0x1  }
0x1b: {  	[sflag:s24] =	ssyncset.done $0x0  }
0x1c: {  	s26 =	simm.s32 $0x1B8E;
	s25 =	sld [smem:$0x3FFE];
	[sflag:s24] =	ssyncadd.s32 $0xFFFFFFFF  }
0x1d: {  	s27 =	simm.s32 $execute0_lowered;
	[smem:$0x3FD2] =	sst s26  }
0x1e: {  	s5 =	sshll.u32 s27, $0x1;
	_ =	strace $0x80000049;
	[dreg:$0x1] =	wrdreg $0xFFFFFFFF  }
0x1f: {  	s28 =	simm.s32 $_size_execute0_lowered;
	s3 =	sadd.s32 s3, s5;
	[dreg:$0x0] =	wrdreg $0x0  }
0x20: {  	s5 =	sshll.u32 s28, $0x1;
	[dreg:$0x2] =	wrdreg s3  }
0x21: {  	[dreg:$0x3] =	wrdreg s5  }
0x22: {  	[dreg:$0x4] =	wrdreg $0xC0  }
0x23: {  	_ =	task [dreg:s7], $0x5FFFF  }
0x24: {  	[dreg:$0x1] =	wrdreg $0xFFFFFFFF  }
0x25: {  	[dreg:$0x0] =	wrdreg $0x60  }
0x26: {  	[dreg:$0x2] =	wrdreg s25  }
0x27: {  	[dreg:$0x3] =	wrdreg s2  }
0x28: {  	[dreg:$0x4] =	wrdreg $0x9  }
0x29: {  	_ =	task.clear_ibuf [dreg:s7], $0x5FFFF;
	_ =	strace $0x90000049  }
0x2a: {  	s29 =	simm.s32 $0x9;
	_ =	strace $0x8000004B  }
0x2b: {  	_ =	swait.ge [sflag:s29], $0x1  }
0x2c: {  	[sflag:s29] =	ssyncadd.s32 $0xFFFFFFFF  }
0x2d: {  	_ =	strace $0x9000004B  }
0x2e: {  	_ =	sfence  }
0x2f: {  	s30 =	sld [smem:$0x0];
	_ =	sdelay $0x2  }
0x30: {  	s31 =	sshll.u32 s1, $0xD;
	s1 =	sshrl.u32 s1, $0x2  }
0x31: {  	s3 =	sand.u32 $0x4000, s31;
	s1 =	sadd.s32 s1, s30  }
0x32: {  	s0 =	sor.u32 s3, s0;
	s1 =	sshll.u32 s1, $0x11  }
0x33: {  	s0 =	sor.u32 s1, s0  }
0x34: {  	s0 =	sadd.s32 $0x8F2B, s0  }
0x35: {  	[sflag:s0] =	ssyncadd.remote.s32 $0x1  }
0x36: {  	_ =	sfence.sel $0xFFFF  }
0x37: {  	[dreg:$0x0] =	wrdreg $0xFFFFFFFF;
	(pc) =	sbr.abs _section_cstart, $3  }
0x38: {  	[dreg:$0x1] =	wrdreg $0xFFFFFFFF  }
0x39: {  	_ =	task.clear_ibuf [dreg:s7], $0x2FFFF;
	_ =	strace $0x9FFFFFFF  }
0x3a: {  	(tm) =	ssettm $0x7FFFFFFF  }
0x3b: {  	_ =	shalt  }
tec
execute0_lowered:
.L_overlay_start_1:
0x0: {  	(tag) =	ssettag $0x1  }
0x1: {  	s0 =	srdreg.scid  }
0x2: {  	s1 =	sshll.u32 s0, $0x4  }
0x3: {  	s0 =	stileid.u32;
	s1 =	sand.u32 $0x10, s1  }
0x4: {  	s1 =	sor.u32 s0, s1  }
0x5: {  	s6 =	rddreg [dreg:$0x0];
	s4 =	simm.s32 $0x1;
	s2 =	sshll.u32 s1, $0x7  }
0x6: {  	s7 =	simm.s32 $0x2;
	s12 =	simm.s32 $0x0;
	s1 =	ssub.s32 $0x1000, s2  }
0x7: {  	s8 =	simm.s32 $0x8000;
	s13 =	simm.s32 $0x0;
	s3 =	sand.u32 $0xF80, s1  }
0x8: {  	s9 =	simm.s32 $0x0;
	s5 =	sshrl.u32 s1, $0xC;
	p0 =	sne.s32 s3, $0x0  }
.Ltmp0:
0x9: {  	s1 =	rddreg [dreg:$0x2];
	s4 =	simm.s32 @!p0 $0x0;
	(pc) =	sbr.rel .LBB1_1-.Ltmp0, $4  }
0xa: {  	s11 =	simm.s32 $0x0;
	s3 =	rddreg [dreg:$0x1];
	s5 =	sadd.s32 s4, s5  }
0xb: {  	_ =	strace $0x8000004A;
	s4 =	simm.s32 $0x1;
	s5 =	smul.u32 $0xC8, s5  }
0xc: {  	s6 =	sadd.s32 $0x1200, s6;
	s10 =	smov.u32 s2;
	[sflag:s4] =	ssyncpa.u1 $0x0  }
0xd: {  	p0 =	por $0x0, $0x0;
	[sflag:s7] =	ssyncpa.u1 $0x0;
	s7 =	sor.u32 $0x1, s5  }
.LBB1_4:
0xe: {  	s16 =	sshll.u32 s13, $0x3;
	s17 =	sand.u32 $0x78, s13  }
0xf: {  	s30 =	sand.u32 $0x3E00, s13;
	s12 =	sshll.u32 s12, $0xE;
	s16 =	sand.u32 $0xC00, s16  }
0x10: {  	s31 =	sand.u32 $0x7, s13;
	s16 =	sor.u32 s17, s16;
	s17 =	sadd.s32 s3, s30  }
0x11: {  	s13 =	sshll.u32 s31, $0x12;
	s16 =	sshrl.u32 s16, $0x3;
	s12 =	sadd.s32 s12, s17  }
0x12: {  	[tilespmem:s15+$0x0 ss:$0x81] =	vst.msk $0xffff, v0;
	s13 =	sor.u32 $0x400, s13;
	s12 =	sadd.s32 s16, s12  }
0x13: {  	[hbm4b:s12+s13] =	stream.strided.scatter [tilespmem:s14], [sflag:$0x2], $0x1000, s8, s13, $0x20;
	[tilespmem:$0x4040] =	vst v63  }
.LBB1_5:
0x14: {  	s14 =	sadd.s32 $0x1, s9  }
0x15: {  	s12 =	sadd.s32 $0x1000, s10;
	s16 =	smov.u32 s10;
	p2 =	sgt.s32 s14, $0xC7  }
0x16: {  	s16 =	smov.u32 @p2 s12  }
0x17: {  	s14 =	simm.s32 @p2 $0x0;
	p2 =	sgt.s32 s16, $0xFFF  }
0x18: {  	s16 =	smov.u32 @p2 s2;
	p2 =	sne.s32 s11, s7  }
.Ltmp1:
0x19: {  	p1 =	slt.u32 s11, $0x2;
	(pc) =	sbr.rel @!p2 .LBB1_6-.Ltmp1, $4  }
0x1a: {  	s15 =	simm.s32 @!p1 $0x2  }
0x1b: {  	s13 =	smov.u32 s10;
	p0 =	por !p0, !p0;
	_ =	swait.ge @!p1 [sflag:s15], $0x1000  }
0x1c: {  	s12 =	smov.u32 s9;
	[sflag:s15] =	ssyncset.done @!p1 $0x0;
	s9 =	smov.u32 s14  }
0x1d: {  	s11 =	sadd.s32 $0x1, s11;
	[sflag:s15] =	ssyncadd.s32 @!p1 $0xFFFFF000;
	s10 =	smov.u32 s16  }
.LBB1_1:
0x1e: {  	p1 =	sge.u32 s11, s5  }
0x1f: {  	s14 =	sand.u32 @!p1 $0x1FFFFFF, s9  }
0x20: {  	s15 =	smulhi.u32 @!p1 $0x147AE15, s14;
	_ =	sdelay $0x1  }
0x21: {  	s15 =	smul.u32 @!p1 $0xC8, s15  }
0x22: {  	s16 =	sxor.u32 @!p1 $0xFFFFFFFF, s11;
	s17 =	smul.u32 @!p1 $0xC80, s10  }
0x23: {  	s31 =	sadd.s32 $0xFFFFFFFF, s11;
	s16 =	sshll.u32 @!p1 s16, $0xC;
	s14 =	ssub.s32 @!p1 s14, s15  }
0x24: {  	s15 =	sand.u32 @!p1 $0x1000, s16;
	s16 =	sadd.s32 @!p1 s6, s17;
	s14 =	sshll.u32 @!p1 s14, $0x4  }
0x25: {  	s17 =	simm.s32 @!p1 $0x6400;
	s14 =	sadd.s32 @!p1 s14, s16;
	s16 =	simm.s32 @!p1 $0x20  }
0x26: {  	[tilespmem:s15], [sflag:$0x1] =	stream.strided.gather @!p1 [hbm4b:s14+s16], $0x1000, s17, s16, $0x38;
	[tilespmem:$0x4040] =	vst v63  }
0x27: {  	p1 =	sge.u32 s31, s5  }
.Ltmp2:
0x28: {  	_ = 	snop;
	(pc) =	sbr.rel @p1 .LBB1_5-.Ltmp2, $1  }
0x29: {  	_ =	sdelay $0x3  }
0x2a: {  	s14 =	simm.s32 $0x1  }
0x2b: {  	_ =	swait.ge [sflag:s4], $0x1000;
	s14 =	simm.s32 @!p0 $0x0  }
0x2c: {  	[sflag:s4] =	ssyncset.done $0x0;
	s15 =	sshll.u32 s14, $0xC  }
0x2d: {  	[sflag:s4] =	ssyncadd.s32 $0xFFFFF000;
	s18 =	sor.u32 $0x10, s15  }
0x2e: {  	s14 =	smul.u32 $0x4080, s14;
	v1 =	vld [tilespmem:s18+$0x0]  }
0x2f: {  	s30 =	sand.u32 $0x1, s11;
	v0 =	vld [tilespmem:s18+$0xFFFFFFF0]  }
0x30: {  	s15 =	smul.u32 $0x4080, s30;
	s14 =	sshrl.u32 s14, $0x2  }
0x31: {  	s16 =	sor.u32 $0x2000, s14  }
0x32: {  	s31 =	sshrl.u32 s15, $0x2;
	s15 =	sadd.s32 $0x0, s16  }
0x33: {  	s17 =	simm.s32 $0x4;
	s18 =	sadd.s32 $0x20, s18;
	s14 =	sor.u32 $0x2000, s31;
	[tilespmem:s15+$0x810 ss:$0x81] =	vst.msk $0xffff, v1  }
.LBB1_3:
0x34: {  	v1 =	vld [tilespmem:s18+$0x0];
	p1 =	sne.s32 s17, $0x1FC;
	[tilespmem:s15+$0x0 ss:$0x81] =	vst.msk $0xffff, v0;
	s15 =	smov.u32 s17;
	s17 =	sadd.s32 $0x4, s17  }
.Ltmp3:
0x35: {  	v0 =	vld [tilespmem:s18+$0xFFFFFFF0];
	(pc) =	sbr.rel @p1 .LBB1_3-.Ltmp3, $4  }
0x36: {  	_ = 	snop  }
0x37: {  	s15 =	sshra.s32 s15, $0x2  }
0x38: {  	s15 =	sadd.s32 s15, s16  }
0x39: {  	s18 =	sadd.s32 $0x20, s18;
	[tilespmem:s15+$0x810 ss:$0x81] =	vst.msk $0xffff, v1  }
.Ltmp4:
0x3a: {  	_ = 	snop;
	(pc) =	sbr.rel .LBB1_4-.Ltmp4, $1  }
0x3b: {  	_ =	sdelay $0x3  }
.LBB1_6:
0x3c: {  	_ =	sfence.sel $0x180000  }
0x3d: {  	s2 =	simm.s32 $0x1;
	[bflag:$0x0] =	sbarrier.arrive $0xFFFF  }
0x3e: {  	s31 =	simm.s32 $0x2;
	[sflag:s2] =	ssyncpa.u1 $0x1  }
0x3f: {  	[sflag:s31] =	ssyncpa.u1 $0x1  }
0x40: {  	p0 =	sne.s32 s0, $0x0;
	_ =	strace $0x9000004A  }
0x41: {  	s0 =	sadd.s32 @!p0 $0x100000, s1;
	[bflag:$0x2] =	sbarrier.arrive $0xFFFF  }
0x42: {  	[sflag:s0] =	ssyncadd.tile.s32 @!p0 $0x1;
	_ =	shalt  }
.Lfunc_end1:
_tile_overlayer_lowered:
.L_overlay_start_2:
0x43: {  	(tag) =	ssettag $0x2  }
0x44: {  	s0 =	rddreg [dreg:$0x0];
	s2 =	stileid.u32  }
0x45: {  	s1 =	rddreg [dreg:$0x1];
	p0 =	sne.s32 s2, $0x0  }
0x46: {  	s3 =	rddreg [dreg:$0x2];
	[bflag:$0x3] =	sbarrier.arrive $0xFFFF;
	s2 =	simm.s32 @!p0 $0x1C01  }
0x47: {  	[timem:s3], [sflag:s2] =	dma.local @!p0 [hbm:s0], s1  }
0x48: {  	s0 =	simm.s32 @!p0 $0x1  }
0x49: {  	_ =	swait.ge @!p0 [sflag:s0], s1  }
0x4a: {  	s1 =	ssub.s32 @!p0 $0x0, s1;
	[sflag:s0] =	ssyncset.done @!p0 $0x0  }
0x4b: {  	[sflag:s0] =	ssyncadd.s32 @!p0 s1  }
0x4c: {  	[bflag:$0x3] =	sbarrier.arrive $0xFFFF  }
0x4d: {  	_ =	shalt  }

</sc_bundles>
